<compile_context>
chip_gen: v7x
topology: tpu7x:2x2x1
jax: 0.10.2.dev20260603
libtpu: 0.0.44.dev20260713+nightly
codegen_flags: <defaults>
</compile_context>

<pallas_src>
import functools

import jax
import jax.numpy as jnp
from jax import lax
from jax.experimental import pallas as pl
from jax.experimental.pallas import tpu as pltpu
from jax.experimental.pallas import tpu_sc as plsc

N_CLASSES = 51
D = 576
B = 4096
LAMBDA = 0.03
EPS = 0.09

NC, NS, L = 2, 16, 16
NW = NC * NS
C_CHUNKS = 8
B_CHUNKS = NW // C_CHUNKS
CW = D // C_CHUNKS
BW = B // B_CHUNKS
PHASES = ((0, 8), (8, 32), (40, 32))
N_GROUPS = 4
GV = BW // (N_GROUPS * L)


def _sc_body(xt_hbm, lab_hbm, cfl_hbm, out_hbm, rel_hbm,
             idx_v, xbuf, ctbuf, accv,
             sx0, sx1, sx2, sw0, sw1, sw2, slab, sct):
    wid = lax.axis_index("s") * NC + lax.axis_index("c")
    cc = wid % C_CHUNKS
    bc = wid // C_CHUNKS
    c0 = cc * CW
    b0 = bc * BW

    cp_lab = pltpu.async_copy(lab_hbm.at[pl.ds(b0, BW)], idx_v, slab)
    cp_ct = pltpu.async_copy(
        cfl_hbm.at[pl.ds(c0 * N_CLASSES, CW * N_CLASSES)], ctbuf, sct)

    sxs = (sx0, sx1, sx2)
    sws = (sw0, sw1, sw2)
    loads = [
        pltpu.async_copy(
            xt_hbm.at[pl.ds(c0 + ps, pn), pl.ds(b0, BW)],
            xbuf.at[pl.ds(ps, pn)], sxs[p])
        for p, (ps, pn) in enumerate(PHASES)
    ]
    cp_lab.wait()
    cp_ct.wait()

    acc = [jnp.zeros((L,), jnp.float32)] * 4
    wbs = []
    for p, (ps, pn) in enumerate(PHASES):
        loads[p].wait()
        wbs.append(pltpu.async_copy(
            xbuf.at[pl.ds(ps, pn)],
            rel_hbm.at[pl.ds(c0 + ps, pn), pl.ds(b0, BW)], sws[p]))
        for bg in range(N_GROUPS):
            lvs = [idx_v[pl.ds((bg * GV + j) * L, L)] for j in range(GV)]

            def c_body(c, carry, _bg=bg, _lvs=lvs):
                cvec = carry[0]
                accs = list(carry[1:])
                for j in range(GV):
                    cv = plsc.load_gather(ctbuf, [cvec + _lvs[j]])
                    xv = xbuf[c, pl.ds((_bg * GV + j) * L, L)]
                    dv = xv - cv
                    accs[j % 4] = accs[j % 4] + dv * dv
                return (cvec + N_CLASSES, *accs)

            out = lax.fori_loop(
                ps, ps + pn, c_body,
                (jnp.full((L,), ps * N_CLASSES, jnp.int32), *acc))
            acc = list(out[1:])

    accv[...] = (acc[0] + acc[1]) + (acc[2] + acc[3])
    pltpu.sync_copy(accv, out_hbm.at[wid])
    for wb in wbs:
        wb.wait()


@functools.cache
def _sc_main():
    return pl.kernel(
        _sc_body,
        out_type=(
            jax.ShapeDtypeStruct((NW, L), jnp.float32),
            jax.ShapeDtypeStruct((D, B), jnp.float32),
        ),
        mesh=plsc.VectorSubcoreMesh(core_axis_name="c", subcore_axis_name="s"),
        scratch_types=[
            pltpu.VMEM((BW,), jnp.int32),
            pltpu.VMEM((CW, BW), jnp.float32),
            pltpu.VMEM((CW * N_CLASSES,), jnp.float32),
            pltpu.VMEM((L,), jnp.float32),
            pltpu.SemaphoreType.DMA,
            pltpu.SemaphoreType.DMA,
            pltpu.SemaphoreType.DMA,
            pltpu.SemaphoreType.DMA,
            pltpu.SemaphoreType.DMA,
            pltpu.SemaphoreType.DMA,
            pltpu.SemaphoreType.DMA,
            pltpu.SemaphoreType.DMA,
        ],
        compiler_params=pltpu.CompilerParams(needs_layout_passes=False),
    )


def _tc_pair_body(c_ref, w_ref):
    c = c_ref[...]
    sq = jnp.sum(c * c, axis=1)
    g = lax.dot_general(c, c, (((1,), (1,)), ((), ())),
                        preferred_element_type=jnp.float32,
                        precision=lax.Precision.HIGHEST)
    d2 = sq[:, None] + sq[None, :] - 2.0 * g
    dist = jnp.sqrt(jnp.maximum(d2, 0.0))
    gc = jnp.sum(dist, axis=1) * (1.0 / N_CLASSES)
    mx = jnp.max(gc)
    mn = jnp.min(gc)
    w_ref[...] = (gc - mn + EPS) / (mx - mn)


_tc_pair = pl.pallas_call(
    _tc_pair_body,
    out_shape=jax.ShapeDtypeStruct((N_CLASSES,), jnp.float32),
)


def _tc_loss_body(p_ref, l_ref):
    loss = jnp.sum(p_ref[...]) * (LAMBDA / (B * D))
    l_ref[...] = jnp.reshape(loss, (1, 1))


_tc_loss = pl.pallas_call(
    _tc_loss_body,
    out_shape=jax.ShapeDtypeStruct((1, 1), jnp.float32),
)


def kernel(relation_logits_raw, rel_labels, centers):
    labels = rel_labels.astype(jnp.int32)
    xt = jnp.swapaxes(relation_logits_raw, 0, 1)
    cflat = lax.reshape(centers, (N_CLASSES * D,), dimensions=(1, 0))
    parts, rel_t = _sc_main()(xt, labels, cflat)
    weight = _tc_pair(centers)
    loss = _tc_loss(parts)
    return (weight, loss[0, 0], jnp.swapaxes(rel_t, 0, 1))

# --- scband reference (transcript-rebuilt; emitter-appended) ---
"""Pipeline reference for scband-pcpl-43095701848198 (READ-ONLY COPY).

The authoritative reference and input builder live on the scoring server;
editing this copy changes nothing except your own understanding.
"""

import jax, jax.numpy as jnp
import numpy as np

NUM_CLASSES = 51
FEAT_DIM = 576
BATCH = 4096
CENTER_LOSS_LAMBDA = 0.03


def setup_inputs(seed: int = 0) -> dict:
    key = jax.random.key(seed)
    k1, k2, k3 = jax.random.split(key, 3)
    relation_logits_raw = jax.random.normal(k1, (BATCH, FEAT_DIM), dtype=jnp.float32)
    rel_labels = jax.random.randint(k2, (BATCH,), 0, NUM_CLASSES)
    centers = jax.random.normal(k3, (NUM_CLASSES, FEAT_DIM), dtype=jnp.float32)
    return {"relation_logits_raw": relation_logits_raw, "rel_labels": rel_labels, "centers": centers}


def reference(relation_logits_raw, rel_labels, centers):
    # rel_features = relation_logits_raw.clone().detach()
    rel_features = jax.lax.stop_gradient(relation_logits_raw)
    # compute_center_loss
    feats = rel_features.reshape(rel_features.shape[0], -1)
    targets = rel_labels.astype(jnp.int32)
    target_centers = jnp.take(centers, targets, axis=0)
    loss_center = jnp.mean((feats - target_centers) ** 2) * CENTER_LOSS_LAMBDA
    # pairwise center correlation: corr_order enumerates all (i, j) pairs
    i_idx = jnp.repeat(jnp.arange(NUM_CLASSES), NUM_CLASSES)
    j_idx = jnp.tile(jnp.arange(NUM_CLASSES), NUM_CLASSES)
    corr = jnp.linalg.norm(jnp.take(centers, i_idx, axis=0) - jnp.take(centers, j_idx, axis=0), axis=1)
    # torch.split(corr, num_classes) -> chunks of length num_classes; mean over each chunk
    global_corr = jnp.sum(corr.reshape(NUM_CLASSES, NUM_CLASSES), axis=1) / NUM_CLASSES
    eps = 0.09
    max_corr = jnp.max(global_corr)
    min_corr = jnp.min(global_corr)
    corr_factor = (global_corr - min_corr + eps) / (max_corr - min_corr)
    weight = jax.lax.stop_gradient(corr_factor)
    return (weight, loss_center, rel_features)

if __name__ == "__main__":
    import jax
    _d = setup_inputs()
    print(jax.jit(kernel)(*tuple(_d.values())))

</pallas_src>

<mosaic_0001>
#map = affine_map<(d0, d1) -> (0, 0)>
#map1 = affine_map<(d0, d1) -> (0)>
module attributes {stable_mosaic.version = 14 : i64} {
  func.func @_sc_body(%arg0: i32, %arg1: i32, %arg2: memref<576x4096xf32, #tpu.memory_space<hbm>>, %arg3: memref<4096xi32, #tpu.memory_space<hbm>>, %arg4: memref<29376xf32, #tpu.memory_space<hbm>>, %arg5: memref<32x16xf32, #tpu.memory_space<hbm>>, %arg6: memref<576x4096xf32, #tpu.memory_space<hbm>>, %arg7: memref<1024xi32, #tpu.memory_space<vmem>>, %arg8: memref<72x1024xf32, #tpu.memory_space<vmem>>, %arg9: memref<3672xf32, #tpu.memory_space<vmem>>, %arg10: memref<16xf32, #tpu.memory_space<vmem>>, %arg11: memref<!tpu.dma_semaphore, #tpu.memory_space<semaphore_mem>>, %arg12: memref<!tpu.dma_semaphore, #tpu.memory_space<semaphore_mem>>, %arg13: memref<!tpu.dma_semaphore, #tpu.memory_space<semaphore_mem>>, %arg14: memref<!tpu.dma_semaphore, #tpu.memory_space<semaphore_mem>>, %arg15: memref<!tpu.dma_semaphore, #tpu.memory_space<semaphore_mem>>, %arg16: memref<!tpu.dma_semaphore, #tpu.memory_space<semaphore_mem>>, %arg17: memref<!tpu.dma_semaphore, #tpu.memory_space<semaphore_mem>>, %arg18: memref<!tpu.dma_semaphore, #tpu.memory_space<semaphore_mem>>) attributes {dimension_semantics = [#tpu.dimension_semantics<core_parallel>, #tpu.dimension_semantics<subcore_parallel>], iteration_bounds = array<i64: 2, 16>, scalar_prefetch = 0 : i64, scratch_operands = 12 : i64, tpu.core_type = #tpu.core_type<sc_vector_subcore>, window_params = [{transform_indices = #map}, {transform_indices = #map1}, {transform_indices = #map1}, {transform_indices = #map}, {transform_indices = #map}]} {
    %mul3A = arith.constant 2 : i32
    %mul3A_0 = arith.muli %arg1, %mul3A : i32
    %add3A = arith.addi %mul3A_0, %arg0 : i32
    %jit3A = arith.constant 8 : i32
    %eq3A = arith.constant 0 : i32
    %eq3A_1 = arith.cmpi eq, %jit3A, %eq3A : i32
    %jit3A_2 = arith.constant 1 : i32
    %select_n3A = arith.select %eq3A_1, %jit3A_2, %jit3A : i32
    %rem3A = arith.remsi %add3A, %select_n3A : i32
    %ne3A = arith.constant 0 : i32
    %ne3A_3 = arith.cmpi ne, %rem3A, %ne3A : i32
    %lt3A = arith.constant 0 : i32
    %lt3A_4 = arith.cmpi slt, %rem3A, %lt3A : i32
    %lt3A_5 = arith.constant 0 : i32
    %lt3A_6 = arith.cmpi slt, %select_n3A, %lt3A_5 : i32
    %ne3A_7 = arith.xori %lt3A_4, %lt3A_6 : i1
    %and3A = arith.andi %ne3A_7, %ne3A_3 : i1
    %add3A_8 = arith.addi %rem3A, %select_n3A : i32
    %select_n3A_9 = arith.select %and3A, %add3A_8, %rem3A : i32
    %jit3A_10 = arith.constant 8 : i32
    %div3A = arith.divsi %add3A, %jit3A_10 : i32
    %sign3A = arith.constant 0 : i32
    %sign3A_11 = arith.cmpi sgt, %add3A, %sign3A : i32
    %sign3A_12 = arith.extui %sign3A_11 : i1 to i32
    %sign3A_13 = arith.constant 0 : i32
    %sign3A_14 = arith.cmpi slt, %add3A, %sign3A_13 : i32
    %sign3A_15 = arith.extui %sign3A_14 : i1 to i32
    %sign3A_16 = arith.subi %sign3A_12, %sign3A_15 : i32
    %sign3A_17 = arith.constant 0 : i32
    %sign3A_18 = arith.cmpi sgt, %jit3A_10, %sign3A_17 : i32
    %sign3A_19 = arith.extui %sign3A_18 : i1 to i32
    %sign3A_20 = arith.constant 0 : i32
    %sign3A_21 = arith.cmpi slt, %jit3A_10, %sign3A_20 : i32
    %sign3A_22 = arith.extui %sign3A_21 : i1 to i32
    %sign3A_23 = arith.subi %sign3A_19, %sign3A_22 : i32
    %ne3A_24 = arith.cmpi ne, %sign3A_16, %sign3A_23 : i32
    %rem3A_25 = arith.remsi %add3A, %jit3A_10 : i32
    %ne3A_26 = arith.constant 0 : i32
    %ne3A_27 = arith.cmpi ne, %rem3A_25, %ne3A_26 : i32
    %and3A_28 = arith.andi %ne3A_24, %ne3A_27 : i1
    %sub3A = arith.constant 1 : i32
    %sub3A_29 = arith.subi %div3A, %sub3A : i32
    %select_n3A_30 = arith.select %and3A_28, %sub3A_29, %div3A : i32
    %mul3A_31 = arith.constant 72 : i32
    %mul3A_32 = arith.muli %select_n3A_9, %mul3A_31 : i32
    %mul3A_33 = arith.constant 1024 : i32
    %mul3A_34 = arith.muli %select_n3A_30, %mul3A_33 : i32
    %dma_start3A = tpu.memref_slice %arg3[%mul3A_34] : memref<4096xi32, #tpu.memory_space<hbm>> -> memref<1024xi32, #tpu.memory_space<hbm>>
    %dma_start3A_35 = tpu.memref_slice %arg3[%mul3A_34] : memref<4096xi32, #tpu.memory_space<hbm>> -> memref<1024xi32, #tpu.memory_space<hbm>>
    tpu.enqueue_dma source(%dma_start3A_35 : memref<1024xi32, #tpu.memory_space<hbm>>) target(%arg7 : memref<1024xi32, #tpu.memory_space<vmem>>) target_semaphore(%arg17 : memref<!tpu.dma_semaphore, #tpu.memory_space<semaphore_mem>>)
    %mul3A_36 = arith.constant 51 : i32
    %mul3A_37 = arith.muli %mul3A_32, %mul3A_36 : i32
    %dma_start3A_38 = tpu.memref_slice %arg4[%mul3A_37] : memref<29376xf32, #tpu.memory_space<hbm>> -> memref<3672xf32, #tpu.memory_space<hbm>>
    %dma_start3A_39 = tpu.memref_slice %arg4[%mul3A_37] : memref<29376xf32, #tpu.memory_space<hbm>> -> memref<3672xf32, #tpu.memory_space<hbm>>
    tpu.enqueue_dma source(%dma_start3A_39 : memref<3672xf32, #tpu.memory_space<hbm>>) target(%arg9 : memref<3672xf32, #tpu.memory_space<vmem>>) target_semaphore(%arg18 : memref<!tpu.dma_semaphore, #tpu.memory_space<semaphore_mem>>)
    %add3A_40 = arith.constant 0 : i32
    %add3A_41 = arith.addi %mul3A_32, %add3A_40 : i32
    %dma_start3A_42 = arith.constant 0 : i32
    %dma_start3A_43 = arith.constant 0 : i32
    %dma_start3A_44 = tpu.memref_slice %arg8[%dma_start3A_42, %dma_start3A_43] : memref<72x1024xf32, #tpu.memory_space<vmem>> -> memref<8x1024xf32, #tpu.memory_space<vmem>>
    %dma_start3A_45 = tpu.memref_slice %arg2[%add3A_41, %mul3A_34] : memref<576x4096xf32, #tpu.memory_space<hbm>> -> memref<8x1024xf32, #tpu.memory_space<hbm>>
    %dma_start3A_46 = arith.constant 0 : i32
    %dma_start3A_47 = arith.constant 0 : i32
    %dma_start3A_48 = tpu.memref_slice %arg8[%dma_start3A_46, %dma_start3A_47] : memref<72x1024xf32, #tpu.memory_space<vmem>> -> memref<8x1024xf32, #tpu.memory_space<vmem>>
    %dma_start3A_49 = tpu.memref_slice %arg2[%add3A_41, %mul3A_34] : memref<576x4096xf32, #tpu.memory_space<hbm>> -> memref<8x1024xf32, #tpu.memory_space<hbm>>
    tpu.enqueue_dma source(%dma_start3A_49 : memref<8x1024xf32, #tpu.memory_space<hbm>>) target(%dma_start3A_48 : memref<8x1024xf32, #tpu.memory_space<vmem>>) target_semaphore(%arg11 : memref<!tpu.dma_semaphore, #tpu.memory_space<semaphore_mem>>)
    %add3A_50 = arith.constant 8 : i32
    %add3A_51 = arith.addi %mul3A_32, %add3A_50 : i32
    %dma_start3A_52 = arith.constant 8 : i32
    %dma_start3A_53 = arith.constant 0 : i32
    %dma_start3A_54 = tpu.memref_slice %arg8[%dma_start3A_52, %dma_start3A_53] : memref<72x1024xf32, #tpu.memory_space<vmem>> -> memref<32x1024xf32, #tpu.memory_space<vmem>>
    %dma_start3A_55 = tpu.memref_slice %arg2[%add3A_51, %mul3A_34] : memref<576x4096xf32, #tpu.memory_space<hbm>> -> memref<32x1024xf32, #tpu.memory_space<hbm>>
    %dma_start3A_56 = arith.constant 8 : i32
    %dma_start3A_57 = arith.constant 0 : i32
    %dma_start3A_58 = tpu.memref_slice %arg8[%dma_start3A_56, %dma_start3A_57] : memref<72x1024xf32, #tpu.memory_space<vmem>> -> memref<32x1024xf32, #tpu.memory_space<vmem>>
    %dma_start3A_59 = tpu.memref_slice %arg2[%add3A_51, %mul3A_34] : memref<576x4096xf32, #tpu.memory_space<hbm>> -> memref<32x1024xf32, #tpu.memory_space<hbm>>
    tpu.enqueue_dma source(%dma_start3A_59 : memref<32x1024xf32, #tpu.memory_space<hbm>>) target(%dma_start3A_58 : memref<32x1024xf32, #tpu.memory_space<vmem>>) target_semaphore(%arg12 : memref<!tpu.dma_semaphore, #tpu.memory_space<semaphore_mem>>)
    %add3A_60 = arith.constant 40 : i32
    %add3A_61 = arith.addi %mul3A_32, %add3A_60 : i32
    %dma_start3A_62 = arith.constant 40 : i32
    %dma_start3A_63 = arith.constant 0 : i32
    %dma_start3A_64 = tpu.memref_slice %arg8[%dma_start3A_62, %dma_start3A_63] : memref<72x1024xf32, #tpu.memory_space<vmem>> -> memref<32x1024xf32, #tpu.memory_space<vmem>>
    %dma_start3A_65 = tpu.memref_slice %arg2[%add3A_61, %mul3A_34] : memref<576x4096xf32, #tpu.memory_space<hbm>> -> memref<32x1024xf32, #tpu.memory_space<hbm>>
    %dma_start3A_66 = arith.constant 40 : i32
    %dma_start3A_67 = arith.constant 0 : i32
    %dma_start3A_68 = tpu.memref_slice %arg8[%dma_start3A_66, %dma_start3A_67] : memref<72x1024xf32, #tpu.memory_space<vmem>> -> memref<32x1024xf32, #tpu.memory_space<vmem>>
    %dma_start3A_69 = tpu.memref_slice %arg2[%add3A_61, %mul3A_34] : memref<576x4096xf32, #tpu.memory_space<hbm>> -> memref<32x1024xf32, #tpu.memory_space<hbm>>
    tpu.enqueue_dma source(%dma_start3A_69 : memref<32x1024xf32, #tpu.memory_space<hbm>>) target(%dma_start3A_68 : memref<32x1024xf32, #tpu.memory_space<vmem>>) target_semaphore(%arg13 : memref<!tpu.dma_semaphore, #tpu.memory_space<semaphore_mem>>)
    %dma_wait3A = tpu.memref_slice %arg3[%mul3A_34] : memref<4096xi32, #tpu.memory_space<hbm>> -> memref<1024xi32, #tpu.memory_space<hbm>>
    %dma_wait3A_70 = tpu.memref_slice %arg3[%mul3A_34] : memref<4096xi32, #tpu.memory_space<hbm>> -> memref<1024xi32, #tpu.memory_space<hbm>>
    tpu.wait_dma2 semaphore(%arg17 : memref<!tpu.dma_semaphore, #tpu.memory_space<semaphore_mem>>) src(%dma_wait3A_70 : memref<1024xi32, #tpu.memory_space<hbm>>) dst(%arg7 : memref<1024xi32, #tpu.memory_space<vmem>>)
    %dma_wait3A_71 = tpu.memref_slice %arg4[%mul3A_37] : memref<29376xf32, #tpu.memory_space<hbm>> -> memref<3672xf32, #tpu.memory_space<hbm>>
    %dma_wait3A_72 = tpu.memref_slice %arg4[%mul3A_37] : memref<29376xf32, #tpu.memory_space<hbm>> -> memref<3672xf32, #tpu.memory_space<hbm>>
    tpu.wait_dma2 semaphore(%arg18 : memref<!tpu.dma_semaphore, #tpu.memory_space<semaphore_mem>>) src(%dma_wait3A_72 : memref<3672xf32, #tpu.memory_space<hbm>>) dst(%arg9 : memref<3672xf32, #tpu.memory_space<vmem>>)
    %broadcast_in_dim3A = arith.constant 0.000000e+00 : f32
    %broadcast_in_dim3A_73 = vector.broadcast %broadcast_in_dim3A : f32 to vector<16xf32>
    %dma_wait3A_74 = arith.constant 0 : i32
    %dma_wait3A_75 = arith.constant 0 : i32
    %dma_wait3A_76 = tpu.memref_slice %arg8[%dma_wait3A_74, %dma_wait3A_75] : memref<72x1024xf32, #tpu.memory_space<vmem>> -> memref<8x1024xf32, #tpu.memory_space<vmem>>
    %dma_wait3A_77 = tpu.memref_slice %arg2[%add3A_41, %mul3A_34] : memref<576x4096xf32, #tpu.memory_space<hbm>> -> memref<8x1024xf32, #tpu.memory_space<hbm>>
    %dma_wait3A_78 = arith.constant 0 : i32
    %dma_wait3A_79 = arith.constant 0 : i32
    %dma_wait3A_80 = tpu.memref_slice %arg8[%dma_wait3A_78, %dma_wait3A_79] : memref<72x1024xf32, #tpu.memory_space<vmem>> -> memref<8x1024xf32, #tpu.memory_space<vmem>>
    %dma_wait3A_81 = tpu.memref_slice %arg2[%add3A_41, %mul3A_34] : memref<576x4096xf32, #tpu.memory_space<hbm>> -> memref<8x1024xf32, #tpu.memory_space<hbm>>
    tpu.wait_dma2 semaphore(%arg11 : memref<!tpu.dma_semaphore, #tpu.memory_space<semaphore_mem>>) src(%dma_wait3A_81 : memref<8x1024xf32, #tpu.memory_space<hbm>>) dst(%dma_wait3A_80 : memref<8x1024xf32, #tpu.memory_space<vmem>>)
    %add3A_82 = arith.constant 0 : i32
    %add3A_83 = arith.addi %mul3A_32, %add3A_82 : i32
    %dma_start3A_84 = arith.constant 0 : i32
    %dma_start3A_85 = arith.constant 0 : i32
    %dma_start3A_86 = tpu.memref_slice %arg8[%dma_start3A_84, %dma_start3A_85] : memref<72x1024xf32, #tpu.memory_space<vmem>> -> memref<8x1024xf32, #tpu.memory_space<vmem>>
    %dma_start3A_87 = tpu.memref_slice %arg6[%add3A_83, %mul3A_34] : memref<576x4096xf32, #tpu.memory_space<hbm>> -> memref<8x1024xf32, #tpu.memory_space<hbm>>
    %dma_start3A_88 = tpu.memref_slice %arg6[%add3A_83, %mul3A_34] : memref<576x4096xf32, #tpu.memory_space<hbm>> -> memref<8x1024xf32, #tpu.memory_space<hbm>>
    %dma_start3A_89 = arith.constant 0 : i32
    %dma_start3A_90 = arith.constant 0 : i32
    %dma_start3A_91 = tpu.memref_slice %arg8[%dma_start3A_89, %dma_start3A_90] : memref<72x1024xf32, #tpu.memory_space<vmem>> -> memref<8x1024xf32, #tpu.memory_space<vmem>>
    tpu.enqueue_dma source(%dma_start3A_91 : memref<8x1024xf32, #tpu.memory_space<vmem>>) target(%dma_start3A_88 : memref<8x1024xf32, #tpu.memory_space<hbm>>) target_semaphore(%arg14 : memref<!tpu.dma_semaphore, #tpu.memory_space<semaphore_mem>>)
    %get3A = arith.constant 0 : index
    %get3A_92 = tpu.vector_load %arg7[%get3A] {strides = array<i32>} : memref<1024xi32, #tpu.memory_space<vmem>>, vector<16xi32>,
    %get3A_93 = arith.constant 16 : index
    %get3A_94 = tpu.vector_load %arg7[%get3A_93] {strides = array<i32>} : memref<1024xi32, #tpu.memory_space<vmem>>, vector<16xi32>,
    %get3A_95 = arith.constant 32 : index
    %get3A_96 = tpu.vector_load %arg7[%get3A_95] {strides = array<i32>} : memref<1024xi32, #tpu.memory_space<vmem>>, vector<16xi32>,
    %get3A_97 = arith.constant 48 : index
    %get3A_98 = tpu.vector_load %arg7[%get3A_97] {strides = array<i32>} : memref<1024xi32, #tpu.memory_space<vmem>>, vector<16xi32>,
    %get3A_99 = arith.constant 64 : index
    %get3A_100 = tpu.vector_load %arg7[%get3A_99] {strides = array<i32>} : memref<1024xi32, #tpu.memory_space<vmem>>, vector<16xi32>,
    %get3A_101 = arith.constant 80 : index
    %get3A_102 = tpu.vector_load %arg7[%get3A_101] {strides = array<i32>} : memref<1024xi32, #tpu.memory_space<vmem>>, vector<16xi32>,
    %get3A_103 = arith.constant 96 : index
    %get3A_104 = tpu.vector_load %arg7[%get3A_103] {strides = array<i32>} : memref<1024xi32, #tpu.memory_space<vmem>>, vector<16xi32>,
    %get3A_105 = arith.constant 112 : index
    %get3A_106 = tpu.vector_load %arg7[%get3A_105] {strides = array<i32>} : memref<1024xi32, #tpu.memory_space<vmem>>, vector<16xi32>,
    %get3A_107 = arith.constant 128 : index
    %get3A_108 = tpu.vector_load %arg7[%get3A_107] {strides = array<i32>} : memref<1024xi32, #tpu.memory_space<vmem>>, vector<16xi32>,
    %get3A_109 = arith.constant 144 : index
    %get3A_110 = tpu.vector_load %arg7[%get3A_109] {strides = array<i32>} : memref<1024xi32, #tpu.memory_space<vmem>>, vector<16xi32>,
    %get3A_111 = arith.constant 160 : index
    %get3A_112 = tpu.vector_load %arg7[%get3A_111] {strides = array<i32>} : memref<1024xi32, #tpu.memory_space<vmem>>, vector<16xi32>,
    %get3A_113 = arith.constant 176 : index
    %get3A_114 = tpu.vector_load %arg7[%get3A_113] {strides = array<i32>} : memref<1024xi32, #tpu.memory_space<vmem>>, vector<16xi32>,
    %get3A_115 = arith.constant 192 : index
    %get3A_116 = tpu.vector_load %arg7[%get3A_115] {strides = array<i32>} : memref<1024xi32, #tpu.memory_space<vmem>>, vector<16xi32>,
    %get3A_117 = arith.constant 208 : index
    %get3A_118 = tpu.vector_load %arg7[%get3A_117] {strides = array<i32>} : memref<1024xi32, #tpu.memory_space<vmem>>, vector<16xi32>,
    %get3A_119 = arith.constant 224 : index
    %get3A_120 = tpu.vector_load %arg7[%get3A_119] {strides = array<i32>} : memref<1024xi32, #tpu.memory_space<vmem>>, vector<16xi32>,
    %get3A_121 = arith.constant 240 : index
    %get3A_122 = tpu.vector_load %arg7[%get3A_121] {strides = array<i32>} : memref<1024xi32, #tpu.memory_space<vmem>>, vector<16xi32>,
    %broadcast_in_dim3A_123 = arith.constant 0 : i32
    %broadcast_in_dim3A_124 = vector.broadcast %broadcast_in_dim3A_123 : i32 to vector<16xi32>
    %scan3A = arith.constant 0 : i32
    %scan3A_125 = arith.constant 8 : i32
    %scan3A_126 = arith.addi %scan3A, %scan3A_125 : i32
    %scan3A_127 = arith.constant 1 : i32
    %scan3A_128:5 = scf.for %scan3A_634 = %scan3A to %scan3A_126 step %scan3A_127 iter_args(%scan3A_635 = %broadcast_in_dim3A_124, %scan3A_636 = %broadcast_in_dim3A_73, %scan3A_637 = %broadcast_in_dim3A_73, %scan3A_638 = %broadcast_in_dim3A_73, %scan3A_639 = %broadcast_in_dim3A_73) -> (vector<16xi32>, vector<16xf32>, vector<16xf32>, vector<16xf32>, vector<16xf32>)  : i32 {
      %add3A_640 = arith.addi %scan3A_635, %get3A_92 : vector<16xi32>
      %gather3A = tpu.vector_load_idx %arg9[%add3A_640] : memref<3672xf32, #tpu.memory_space<vmem>>[vector<16xi32>], vector<16xf32>,
      %get3A_641 = arith.index_cast %scan3A_634 : i32 to index
      %get3A_642 = arith.constant 0 : index
      %get3A_643 = tpu.vector_load %arg8[%get3A_641, %get3A_642] {strides = array<i32>} : memref<72x1024xf32, #tpu.memory_space<vmem>>, vector<16xf32>,
      %sub3A_644 = arith.subf %get3A_643, %gather3A : vector<16xf32>
      %mul3A_645 = arith.mulf %sub3A_644, %sub3A_644 : vector<16xf32>
      %add3A_646 = arith.addf %scan3A_636, %mul3A_645 : vector<16xf32>
      %add3A_647 = arith.addi %scan3A_635, %get3A_94 : vector<16xi32>
      %gather3A_648 = tpu.vector_load_idx %arg9[%add3A_647] : memref<3672xf32, #tpu.memory_space<vmem>>[vector<16xi32>], vector<16xf32>,
      %get3A_649 = arith.index_cast %scan3A_634 : i32 to index
      %get3A_650 = arith.constant 16 : index
      %get3A_651 = tpu.vector_load %arg8[%get3A_649, %get3A_650] {strides = array<i32>} : memref<72x1024xf32, #tpu.memory_space<vmem>>, vector<16xf32>,
      %sub3A_652 = arith.subf %get3A_651, %gather3A_648 : vector<16xf32>
      %mul3A_653 = arith.mulf %sub3A_652, %sub3A_652 : vector<16xf32>
      %add3A_654 = arith.addf %scan3A_637, %mul3A_653 : vector<16xf32>
      %add3A_655 = arith.addi %scan3A_635, %get3A_96 : vector<16xi32>
      %gather3A_656 = tpu.vector_load_idx %arg9[%add3A_655] : memref<3672xf32, #tpu.memory_space<vmem>>[vector<16xi32>], vector<16xf32>,
      %get3A_657 = arith.index_cast %scan3A_634 : i32 to index
      %get3A_658 = arith.constant 32 : index
      %get3A_659 = tpu.vector_load %arg8[%get3A_657, %get3A_658] {strides = array<i32>} : memref<72x1024xf32, #tpu.memory_space<vmem>>, vector<16xf32>,
      %sub3A_660 = arith.subf %get3A_659, %gather3A_656 : vector<16xf32>
      %mul3A_661 = arith.mulf %sub3A_660, %sub3A_660 : vector<16xf32>
      %add3A_662 = arith.addf %scan3A_638, %mul3A_661 : vector<16xf32>
      %add3A_663 = arith.addi %scan3A_635, %get3A_98 : vector<16xi32>
      %gather3A_664 = tpu.vector_load_idx %arg9[%add3A_663] : memref<3672xf32, #tpu.memory_space<vmem>>[vector<16xi32>], vector<16xf32>,
      %get3A_665 = arith.index_cast %scan3A_634 : i32 to index
      %get3A_666 = arith.constant 48 : index
      %get3A_667 = tpu.vector_load %arg8[%get3A_665, %get3A_666] {strides = array<i32>} : memref<72x1024xf32, #tpu.memory_space<vmem>>, vector<16xf32>,
      %sub3A_668 = arith.subf %get3A_667, %gather3A_664 : vector<16xf32>
      %mul3A_669 = arith.mulf %sub3A_668, %sub3A_668 : vector<16xf32>
      %add3A_670 = arith.addf %scan3A_639, %mul3A_669 : vector<16xf32>
      %add3A_671 = arith.addi %scan3A_635, %get3A_100 : vector<16xi32>
      %gather3A_672 = tpu.vector_load_idx %arg9[%add3A_671] : memref<3672xf32, #tpu.memory_space<vmem>>[vector<16xi32>], vector<16xf32>,
      %get3A_673 = arith.index_cast %scan3A_634 : i32 to index
      %get3A_674 = arith.constant 64 : index
      %get3A_675 = tpu.vector_load %arg8[%get3A_673, %get3A_674] {strides = array<i32>} : memref<72x1024xf32, #tpu.memory_space<vmem>>, vector<16xf32>,
      %sub3A_676 = arith.subf %get3A_675, %gather3A_672 : vector<16xf32>
      %mul3A_677 = arith.mulf %sub3A_676, %sub3A_676 : vector<16xf32>
      %add3A_678 = arith.addf %add3A_646, %mul3A_677 : vector<16xf32>
      %add3A_679 = arith.addi %scan3A_635, %get3A_102 : vector<16xi32>
      %gather3A_680 = tpu.vector_load_idx %arg9[%add3A_679] : memref<3672xf32, #tpu.memory_space<vmem>>[vector<16xi32>], vector<16xf32>,
      %get3A_681 = arith.index_cast %scan3A_634 : i32 to index
      %get3A_682 = arith.constant 80 : index
      %get3A_683 = tpu.vector_load %arg8[%get3A_681, %get3A_682] {strides = array<i32>} : memref<72x1024xf32, #tpu.memory_space<vmem>>, vector<16xf32>,
      %sub3A_684 = arith.subf %get3A_683, %gather3A_680 : vector<16xf32>
      %mul3A_685 = arith.mulf %sub3A_684, %sub3A_684 : vector<16xf32>
      %add3A_686 = arith.addf %add3A_654, %mul3A_685 : vector<16xf32>
      %add3A_687 = arith.addi %scan3A_635, %get3A_104 : vector<16xi32>
      %gather3A_688 = tpu.vector_load_idx %arg9[%add3A_687] : memref<3672xf32, #tpu.memory_space<vmem>>[vector<16xi32>], vector<16xf32>,
      %get3A_689 = arith.index_cast %scan3A_634 : i32 to index
      %get3A_690 = arith.constant 96 : index
      %get3A_691 = tpu.vector_load %arg8[%get3A_689, %get3A_690] {strides = array<i32>} : memref<72x1024xf32, #tpu.memory_space<vmem>>, vector<16xf32>,
      %sub3A_692 = arith.subf %get3A_691, %gather3A_688 : vector<16xf32>
      %mul3A_693 = arith.mulf %sub3A_692, %sub3A_692 : vector<16xf32>
      %add3A_694 = arith.addf %add3A_662, %mul3A_693 : vector<16xf32>
      %add3A_695 = arith.addi %scan3A_635, %get3A_106 : vector<16xi32>
      %gather3A_696 = tpu.vector_load_idx %arg9[%add3A_695] : memref<3672xf32, #tpu.memory_space<vmem>>[vector<16xi32>], vector<16xf32>,
      %get3A_697 = arith.index_cast %scan3A_634 : i32 to index
      %get3A_698 = arith.constant 112 : index
      %get3A_699 = tpu.vector_load %arg8[%get3A_697, %get3A_698] {strides = array<i32>} : memref<72x1024xf32, #tpu.memory_space<vmem>>, vector<16xf32>,
      %sub3A_700 = arith.subf %get3A_699, %gather3A_696 : vector<16xf32>
      %mul3A_701 = arith.mulf %sub3A_700, %sub3A_700 : vector<16xf32>
      %add3A_702 = arith.addf %add3A_670, %mul3A_701 : vector<16xf32>
      %add3A_703 = arith.addi %scan3A_635, %get3A_108 : vector<16xi32>
      %gather3A_704 = tpu.vector_load_idx %arg9[%add3A_703] : memref<3672xf32, #tpu.memory_space<vmem>>[vector<16xi32>], vector<16xf32>,
      %get3A_705 = arith.index_cast %scan3A_634 : i32 to index
      %get3A_706 = arith.constant 128 : index
      %get3A_707 = tpu.vector_load %arg8[%get3A_705, %get3A_706] {strides = array<i32>} : memref<72x1024xf32, #tpu.memory_space<vmem>>, vector<16xf32>,
      %sub3A_708 = arith.subf %get3A_707, %gather3A_704 : vector<16xf32>
      %mul3A_709 = arith.mulf %sub3A_708, %sub3A_708 : vector<16xf32>
      %add3A_710 = arith.addf %add3A_678, %mul3A_709 : vector<16xf32>
      %add3A_711 = arith.addi %scan3A_635, %get3A_110 : vector<16xi32>
      %gather3A_712 = tpu.vector_load_idx %arg9[%add3A_711] : memref<3672xf32, #tpu.memory_space<vmem>>[vector<16xi32>], vector<16xf32>,
      %get3A_713 = arith.index_cast %scan3A_634 : i32 to index
      %get3A_714 = arith.constant 144 : index
      %get3A_715 = tpu.vector_load %arg8[%get3A_713, %get3A_714] {strides = array<i32>} : memref<72x1024xf32, #tpu.memory_space<vmem>>, vector<16xf32>,
      %sub3A_716 = arith.subf %get3A_715, %gather3A_712 : vector<16xf32>
      %mul3A_717 = arith.mulf %sub3A_716, %sub3A_716 : vector<16xf32>
      %add3A_718 = arith.addf %add3A_686, %mul3A_717 : vector<16xf32>
      %add3A_719 = arith.addi %scan3A_635, %get3A_112 : vector<16xi32>
      %gather3A_720 = tpu.vector_load_idx %arg9[%add3A_719] : memref<3672xf32, #tpu.memory_space<vmem>>[vector<16xi32>], vector<16xf32>,
      %get3A_721 = arith.index_cast %scan3A_634 : i32 to index
      %get3A_722 = arith.constant 160 : index
      %get3A_723 = tpu.vector_load %arg8[%get3A_721, %get3A_722] {strides = array<i32>} : memref<72x1024xf32, #tpu.memory_space<vmem>>, vector<16xf32>,
      %sub3A_724 = arith.subf %get3A_723, %gather3A_720 : vector<16xf32>
      %mul3A_725 = arith.mulf %sub3A_724, %sub3A_724 : vector<16xf32>
      %add3A_726 = arith.addf %add3A_694, %mul3A_725 : vector<16xf32>
      %add3A_727 = arith.addi %scan3A_635, %get3A_114 : vector<16xi32>
      %gather3A_728 = tpu.vector_load_idx %arg9[%add3A_727] : memref<3672xf32, #tpu.memory_space<vmem>>[vector<16xi32>], vector<16xf32>,
      %get3A_729 = arith.index_cast %scan3A_634 : i32 to index
      %get3A_730 = arith.constant 176 : index
      %get3A_731 = tpu.vector_load %arg8[%get3A_729, %get3A_730] {strides = array<i32>} : memref<72x1024xf32, #tpu.memory_space<vmem>>, vector<16xf32>,
      %sub3A_732 = arith.subf %get3A_731, %gather3A_728 : vector<16xf32>
      %mul3A_733 = arith.mulf %sub3A_732, %sub3A_732 : vector<16xf32>
      %add3A_734 = arith.addf %add3A_702, %mul3A_733 : vector<16xf32>
      %add3A_735 = arith.addi %scan3A_635, %get3A_116 : vector<16xi32>
      %gather3A_736 = tpu.vector_load_idx %arg9[%add3A_735] : memref<3672xf32, #tpu.memory_space<vmem>>[vector<16xi32>], vector<16xf32>,
      %get3A_737 = arith.index_cast %scan3A_634 : i32 to index
      %get3A_738 = arith.constant 192 : index
      %get3A_739 = tpu.vector_load %arg8[%get3A_737, %get3A_738] {strides = array<i32>} : memref<72x1024xf32, #tpu.memory_space<vmem>>, vector<16xf32>,
      %sub3A_740 = arith.subf %get3A_739, %gather3A_736 : vector<16xf32>
      %mul3A_741 = arith.mulf %sub3A_740, %sub3A_740 : vector<16xf32>
      %add3A_742 = arith.addf %add3A_710, %mul3A_741 : vector<16xf32>
      %add3A_743 = arith.addi %scan3A_635, %get3A_118 : vector<16xi32>
      %gather3A_744 = tpu.vector_load_idx %arg9[%add3A_743] : memref<3672xf32, #tpu.memory_space<vmem>>[vector<16xi32>], vector<16xf32>,
      %get3A_745 = arith.index_cast %scan3A_634 : i32 to index
      %get3A_746 = arith.constant 208 : index
      %get3A_747 = tpu.vector_load %arg8[%get3A_745, %get3A_746] {strides = array<i32>} : memref<72x1024xf32, #tpu.memory_space<vmem>>, vector<16xf32>,
      %sub3A_748 = arith.subf %get3A_747, %gather3A_744 : vector<16xf32>
      %mul3A_749 = arith.mulf %sub3A_748, %sub3A_748 : vector<16xf32>
      %add3A_750 = arith.addf %add3A_718, %mul3A_749 : vector<16xf32>
      %add3A_751 = arith.addi %scan3A_635, %get3A_120 : vector<16xi32>
      %gather3A_752 = tpu.vector_load_idx %arg9[%add3A_751] : memref<3672xf32, #tpu.memory_space<vmem>>[vector<16xi32>], vector<16xf32>,
      %get3A_753 = arith.index_cast %scan3A_634 : i32 to index
      %get3A_754 = arith.constant 224 : index
      %get3A_755 = tpu.vector_load %arg8[%get3A_753, %get3A_754] {strides = array<i32>} : memref<72x1024xf32, #tpu.memory_space<vmem>>, vector<16xf32>,
      %sub3A_756 = arith.subf %get3A_755, %gather3A_752 : vector<16xf32>
      %mul3A_757 = arith.mulf %sub3A_756, %sub3A_756 : vector<16xf32>
      %add3A_758 = arith.addf %add3A_726, %mul3A_757 : vector<16xf32>
      %add3A_759 = arith.addi %scan3A_635, %get3A_122 : vector<16xi32>
      %gather3A_760 = tpu.vector_load_idx %arg9[%add3A_759] : memref<3672xf32, #tpu.memory_space<vmem>>[vector<16xi32>], vector<16xf32>,
      %get3A_761 = arith.index_cast %scan3A_634 : i32 to index
      %get3A_762 = arith.constant 240 : index
      %get3A_763 = tpu.vector_load %arg8[%get3A_761, %get3A_762] {strides = array<i32>} : memref<72x1024xf32, #tpu.memory_space<vmem>>, vector<16xf32>,
      %sub3A_764 = arith.subf %get3A_763, %gather3A_760 : vector<16xf32>
      %mul3A_765 = arith.mulf %sub3A_764, %sub3A_764 : vector<16xf32>
      %add3A_766 = arith.addf %add3A_734, %mul3A_765 : vector<16xf32>
      %add3A_767 = arith.constant 51 : i32
      %add3A_768 = vector.broadcast %add3A_767 : i32 to vector<16xi32>
      %add3A_769 = arith.addi %scan3A_635, %add3A_768 : vector<16xi32>
      scf.yield %add3A_769, %add3A_742, %add3A_750, %add3A_758, %add3A_766 : vector<16xi32>, vector<16xf32>, vector<16xf32>, vector<16xf32>, vector<16xf32>
    }
    %scan3A_129 = arith.constant 8 : i32
    %get3A_130 = arith.constant 256 : index
    %get3A_131 = tpu.vector_load %arg7[%get3A_130] {strides = array<i32>} : memref<1024xi32, #tpu.memory_space<vmem>>, vector<16xi32>,
    %get3A_132 = arith.constant 272 : index
    %get3A_133 = tpu.vector_load %arg7[%get3A_132] {strides = array<i32>} : memref<1024xi32, #tpu.memory_space<vmem>>, vector<16xi32>,
    %get3A_134 = arith.constant 288 : index
    %get3A_135 = tpu.vector_load %arg7[%get3A_134] {strides = array<i32>} : memref<1024xi32, #tpu.memory_space<vmem>>, vector<16xi32>,
    %get3A_136 = arith.constant 304 : index
    %get3A_137 = tpu.vector_load %arg7[%get3A_136] {strides = array<i32>} : memref<1024xi32, #tpu.memory_space<vmem>>, vector<16xi32>,
    %get3A_138 = arith.constant 320 : index
    %get3A_139 = tpu.vector_load %arg7[%get3A_138] {strides = array<i32>} : memref<1024xi32, #tpu.memory_space<vmem>>, vector<16xi32>,
    %get3A_140 = arith.constant 336 : index
    %get3A_141 = tpu.vector_load %arg7[%get3A_140] {strides = array<i32>} : memref<1024xi32, #tpu.memory_space<vmem>>, vector<16xi32>,
    %get3A_142 = arith.constant 352 : index
    %get3A_143 = tpu.vector_load %arg7[%get3A_142] {strides = array<i32>} : memref<1024xi32, #tpu.memory_space<vmem>>, vector<16xi32>,
    %get3A_144 = arith.constant 368 : index
    %get3A_145 = tpu.vector_load %arg7[%get3A_144] {strides = array<i32>} : memref<1024xi32, #tpu.memory_space<vmem>>, vector<16xi32>,
    %get3A_146 = arith.constant 384 : index
    %get3A_147 = tpu.vector_load %arg7[%get3A_146] {strides = array<i32>} : memref<1024xi32, #tpu.memory_space<vmem>>, vector<16xi32>,
    %get3A_148 = arith.constant 400 : index
    %get3A_149 = tpu.vector_load %arg7[%get3A_148] {strides = array<i32>} : memref<1024xi32, #tpu.memory_space<vmem>>, vector<16xi32>,
    %get3A_150 = arith.constant 416 : index
    %get3A_151 = tpu.vector_load %arg7[%get3A_150] {strides = array<i32>} : memref<1024xi32, #tpu.memory_space<vmem>>, vector<16xi32>,
    %get3A_152 = arith.constant 432 : index
    %get3A_153 = tpu.vector_load %arg7[%get3A_152] {strides = array<i32>} : memref<1024xi32, #tpu.memory_space<vmem>>, vector<16xi32>,
    %get3A_154 = arith.constant 448 : index
    %get3A_155 = tpu.vector_load %arg7[%get3A_154] {strides = array<i32>} : memref<1024xi32, #tpu.memory_space<vmem>>, vector<16xi32>,
    %get3A_156 = arith.constant 464 : index
    %get3A_157 = tpu.vector_load %arg7[%get3A_156] {strides = array<i32>} : memref<1024xi32, #tpu.memory_space<vmem>>, vector<16xi32>,
    %get3A_158 = arith.constant 480 : index
    %get3A_159 = tpu.vector_load %arg7[%get3A_158] {strides = array<i32>} : memref<1024xi32, #tpu.memory_space<vmem>>, vector<16xi32>,
    %get3A_160 = arith.constant 496 : index
    %get3A_161 = tpu.vector_load %arg7[%get3A_160] {strides = array<i32>} : memref<1024xi32, #tpu.memory_space<vmem>>, vector<16xi32>,
    %broadcast_in_dim3A_162 = arith.constant 0 : i32
    %broadcast_in_dim3A_163 = vector.broadcast %broadcast_in_dim3A_162 : i32 to vector<16xi32>
    %scan3A_164 = arith.constant 0 : i32
    %scan3A_165 = arith.constant 8 : i32
    %scan3A_166 = arith.addi %scan3A_164, %scan3A_165 : i32
    %scan3A_167 = arith.constant 1 : i32
    %scan3A_168:5 = scf.for %scan3A_634 = %scan3A_164 to %scan3A_166 step %scan3A_167 iter_args(%scan3A_635 = %broadcast_in_dim3A_163, %scan3A_636 = %scan3A_128#1, %scan3A_637 = %scan3A_128#2, %scan3A_638 = %scan3A_128#3, %scan3A_639 = %scan3A_128#4) -> (vector<16xi32>, vector<16xf32>, vector<16xf32>, vector<16xf32>, vector<16xf32>)  : i32 {
      %add3A_640 = arith.addi %scan3A_635, %get3A_131 : vector<16xi32>
      %gather3A = tpu.vector_load_idx %arg9[%add3A_640] : memref<3672xf32, #tpu.memory_space<vmem>>[vector<16xi32>], vector<16xf32>,
      %get3A_641 = arith.index_cast %scan3A_634 : i32 to index
      %get3A_642 = arith.constant 256 : index
      %get3A_643 = tpu.vector_load %arg8[%get3A_641, %get3A_642] {strides = array<i32>} : memref<72x1024xf32, #tpu.memory_space<vmem>>, vector<16xf32>,
      %sub3A_644 = arith.subf %get3A_643, %gather3A : vector<16xf32>
      %mul3A_645 = arith.mulf %sub3A_644, %sub3A_644 : vector<16xf32>
      %add3A_646 = arith.addf %scan3A_636, %mul3A_645 : vector<16xf32>
      %add3A_647 = arith.addi %scan3A_635, %get3A_133 : vector<16xi32>
      %gather3A_648 = tpu.vector_load_idx %arg9[%add3A_647] : memref<3672xf32, #tpu.memory_space<vmem>>[vector<16xi32>], vector<16xf32>,
      %get3A_649 = arith.index_cast %scan3A_634 : i32 to index
      %get3A_650 = arith.constant 272 : index
      %get3A_651 = tpu.vector_load %arg8[%get3A_649, %get3A_650] {strides = array<i32>} : memref<72x1024xf32, #tpu.memory_space<vmem>>, vector<16xf32>,
      %sub3A_652 = arith.subf %get3A_651, %gather3A_648 : vector<16xf32>
      %mul3A_653 = arith.mulf %sub3A_652, %sub3A_652 : vector<16xf32>
      %add3A_654 = arith.addf %scan3A_637, %mul3A_653 : vector<16xf32>
      %add3A_655 = arith.addi %scan3A_635, %get3A_135 : vector<16xi32>
      %gather3A_656 = tpu.vector_load_idx %arg9[%add3A_655] : memref<3672xf32, #tpu.memory_space<vmem>>[vector<16xi32>], vector<16xf32>,
      %get3A_657 = arith.index_cast %scan3A_634 : i32 to index
      %get3A_658 = arith.constant 288 : index
      %get3A_659 = tpu.vector_load %arg8[%get3A_657, %get3A_658] {strides = array<i32>} : memref<72x1024xf32, #tpu.memory_space<vmem>>, vector<16xf32>,
      %sub3A_660 = arith.subf %get3A_659, %gather3A_656 : vector<16xf32>
      %mul3A_661 = arith.mulf %sub3A_660, %sub3A_660 : vector<16xf32>
      %add3A_662 = arith.addf %scan3A_638, %mul3A_661 : vector<16xf32>
      %add3A_663 = arith.addi %scan3A_635, %get3A_137 : vector<16xi32>
      %gather3A_664 = tpu.vector_load_idx %arg9[%add3A_663] : memref<3672xf32, #tpu.memory_space<vmem>>[vector<16xi32>], vector<16xf32>,
      %get3A_665 = arith.index_cast %scan3A_634 : i32 to index
      %get3A_666 = arith.constant 304 : index
      %get3A_667 = tpu.vector_load %arg8[%get3A_665, %get3A_666] {strides = array<i32>} : memref<72x1024xf32, #tpu.memory_space<vmem>>, vector<16xf32>,
      %sub3A_668 = arith.subf %get3A_667, %gather3A_664 : vector<16xf32>
      %mul3A_669 = arith.mulf %sub3A_668, %sub3A_668 : vector<16xf32>
      %add3A_670 = arith.addf %scan3A_639, %mul3A_669 : vector<16xf32>
      %add3A_671 = arith.addi %scan3A_635, %get3A_139 : vector<16xi32>
      %gather3A_672 = tpu.vector_load_idx %arg9[%add3A_671] : memref<3672xf32, #tpu.memory_space<vmem>>[vector<16xi32>], vector<16xf32>,
      %get3A_673 = arith.index_cast %scan3A_634 : i32 to index
      %get3A_674 = arith.constant 320 : index
      %get3A_675 = tpu.vector_load %arg8[%get3A_673, %get3A_674] {strides = array<i32>} : memref<72x1024xf32, #tpu.memory_space<vmem>>, vector<16xf32>,
      %sub3A_676 = arith.subf %get3A_675, %gather3A_672 : vector<16xf32>
      %mul3A_677 = arith.mulf %sub3A_676, %sub3A_676 : vector<16xf32>
      %add3A_678 = arith.addf %add3A_646, %mul3A_677 : vector<16xf32>
      %add3A_679 = arith.addi %scan3A_635, %get3A_141 : vector<16xi32>
      %gather3A_680 = tpu.vector_load_idx %arg9[%add3A_679] : memref<3672xf32, #tpu.memory_space<vmem>>[vector<16xi32>], vector<16xf32>,
      %get3A_681 = arith.index_cast %scan3A_634 : i32 to index
      %get3A_682 = arith.constant 336 : index
      %get3A_683 = tpu.vector_load %arg8[%get3A_681, %get3A_682] {strides = array<i32>} : memref<72x1024xf32, #tpu.memory_space<vmem>>, vector<16xf32>,
      %sub3A_684 = arith.subf %get3A_683, %gather3A_680 : vector<16xf32>
      %mul3A_685 = arith.mulf %sub3A_684, %sub3A_684 : vector<16xf32>
      %add3A_686 = arith.addf %add3A_654, %mul3A_685 : vector<16xf32>
      %add3A_687 = arith.addi %scan3A_635, %get3A_143 : vector<16xi32>
      %gather3A_688 = tpu.vector_load_idx %arg9[%add3A_687] : memref<3672xf32, #tpu.memory_space<vmem>>[vector<16xi32>], vector<16xf32>,
      %get3A_689 = arith.index_cast %scan3A_634 : i32 to index
      %get3A_690 = arith.constant 352 : index
      %get3A_691 = tpu.vector_load %arg8[%get3A_689, %get3A_690] {strides = array<i32>} : memref<72x1024xf32, #tpu.memory_space<vmem>>, vector<16xf32>,
      %sub3A_692 = arith.subf %get3A_691, %gather3A_688 : vector<16xf32>
      %mul3A_693 = arith.mulf %sub3A_692, %sub3A_692 : vector<16xf32>
      %add3A_694 = arith.addf %add3A_662, %mul3A_693 : vector<16xf32>
      %add3A_695 = arith.addi %scan3A_635, %get3A_145 : vector<16xi32>
      %gather3A_696 = tpu.vector_load_idx %arg9[%add3A_695] : memref<3672xf32, #tpu.memory_space<vmem>>[vector<16xi32>], vector<16xf32>,
      %get3A_697 = arith.index_cast %scan3A_634 : i32 to index
      %get3A_698 = arith.constant 368 : index
      %get3A_699 = tpu.vector_load %arg8[%get3A_697, %get3A_698] {strides = array<i32>} : memref<72x1024xf32, #tpu.memory_space<vmem>>, vector<16xf32>,
      %sub3A_700 = arith.subf %get3A_699, %gather3A_696 : vector<16xf32>
      %mul3A_701 = arith.mulf %sub3A_700, %sub3A_700 : vector<16xf32>
      %add3A_702 = arith.addf %add3A_670, %mul3A_701 : vector<16xf32>
      %add3A_703 = arith.addi %scan3A_635, %get3A_147 : vector<16xi32>
      %gather3A_704 = tpu.vector_load_idx %arg9[%add3A_703] : memref<3672xf32, #tpu.memory_space<vmem>>[vector<16xi32>], vector<16xf32>,
      %get3A_705 = arith.index_cast %scan3A_634 : i32 to index
      %get3A_706 = arith.constant 384 : index
      %get3A_707 = tpu.vector_load %arg8[%get3A_705, %get3A_706] {strides = array<i32>} : memref<72x1024xf32, #tpu.memory_space<vmem>>, vector<16xf32>,
      %sub3A_708 = arith.subf %get3A_707, %gather3A_704 : vector<16xf32>
      %mul3A_709 = arith.mulf %sub3A_708, %sub3A_708 : vector<16xf32>
      %add3A_710 = arith.addf %add3A_678, %mul3A_709 : vector<16xf32>
      %add3A_711 = arith.addi %scan3A_635, %get3A_149 : vector<16xi32>
      %gather3A_712 = tpu.vector_load_idx %arg9[%add3A_711] : memref<3672xf32, #tpu.memory_space<vmem>>[vector<16xi32>], vector<16xf32>,
      %get3A_713 = arith.index_cast %scan3A_634 : i32 to index
      %get3A_714 = arith.constant 400 : index
      %get3A_715 = tpu.vector_load %arg8[%get3A_713, %get3A_714] {strides = array<i32>} : memref<72x1024xf32, #tpu.memory_space<vmem>>, vector<16xf32>,
      %sub3A_716 = arith.subf %get3A_715, %gather3A_712 : vector<16xf32>
      %mul3A_717 = arith.mulf %sub3A_716, %sub3A_716 : vector<16xf32>
      %add3A_718 = arith.addf %add3A_686, %mul3A_717 : vector<16xf32>
      %add3A_719 = arith.addi %scan3A_635, %get3A_151 : vector<16xi32>
      %gather3A_720 = tpu.vector_load_idx %arg9[%add3A_719] : memref<3672xf32, #tpu.memory_space<vmem>>[vector<16xi32>], vector<16xf32>,
      %get3A_721 = arith.index_cast %scan3A_634 : i32 to index
      %get3A_722 = arith.constant 416 : index
      %get3A_723 = tpu.vector_load %arg8[%get3A_721, %get3A_722] {strides = array<i32>} : memref<72x1024xf32, #tpu.memory_space<vmem>>, vector<16xf32>,
      %sub3A_724 = arith.subf %get3A_723, %gather3A_720 : vector<16xf32>
      %mul3A_725 = arith.mulf %sub3A_724, %sub3A_724 : vector<16xf32>
      %add3A_726 = arith.addf %add3A_694, %mul3A_725 : vector<16xf32>
      %add3A_727 = arith.addi %scan3A_635, %get3A_153 : vector<16xi32>
      %gather3A_728 = tpu.vector_load_idx %arg9[%add3A_727] : memref<3672xf32, #tpu.memory_space<vmem>>[vector<16xi32>], vector<16xf32>,
      %get3A_729 = arith.index_cast %scan3A_634 : i32 to index
      %get3A_730 = arith.constant 432 : index
      %get3A_731 = tpu.vector_load %arg8[%get3A_729, %get3A_730] {strides = array<i32>} : memref<72x1024xf32, #tpu.memory_space<vmem>>, vector<16xf32>,
      %sub3A_732 = arith.subf %get3A_731, %gather3A_728 : vector<16xf32>
      %mul3A_733 = arith.mulf %sub3A_732, %sub3A_732 : vector<16xf32>
      %add3A_734 = arith.addf %add3A_702, %mul3A_733 : vector<16xf32>
      %add3A_735 = arith.addi %scan3A_635, %get3A_155 : vector<16xi32>
      %gather3A_736 = tpu.vector_load_idx %arg9[%add3A_735] : memref<3672xf32, #tpu.memory_space<vmem>>[vector<16xi32>], vector<16xf32>,
      %get3A_737 = arith.index_cast %scan3A_634 : i32 to index
      %get3A_738 = arith.constant 448 : index
      %get3A_739 = tpu.vector_load %arg8[%get3A_737, %get3A_738] {strides = array<i32>} : memref<72x1024xf32, #tpu.memory_space<vmem>>, vector<16xf32>,
      %sub3A_740 = arith.subf %get3A_739, %gather3A_736 : vector<16xf32>
      %mul3A_741 = arith.mulf %sub3A_740, %sub3A_740 : vector<16xf32>
      %add3A_742 = arith.addf %add3A_710, %mul3A_741 : vector<16xf32>
      %add3A_743 = arith.addi %scan3A_635, %get3A_157 : vector<16xi32>
      %gather3A_744 = tpu.vector_load_idx %arg9[%add3A_743] : memref<3672xf32, #tpu.memory_space<vmem>>[vector<16xi32>], vector<16xf32>,
      %get3A_745 = arith.index_cast %scan3A_634 : i32 to index
      %get3A_746 = arith.constant 464 : index
      %get3A_747 = tpu.vector_load %arg8[%get3A_745, %get3A_746] {strides = array<i32>} : memref<72x1024xf32, #tpu.memory_space<vmem>>, vector<16xf32>,
      %sub3A_748 = arith.subf %get3A_747, %gather3A_744 : vector<16xf32>
      %mul3A_749 = arith.mulf %sub3A_748, %sub3A_748 : vector<16xf32>
      %add3A_750 = arith.addf %add3A_718, %mul3A_749 : vector<16xf32>
      %add3A_751 = arith.addi %scan3A_635, %get3A_159 : vector<16xi32>
      %gather3A_752 = tpu.vector_load_idx %arg9[%add3A_751] : memref<3672xf32, #tpu.memory_space<vmem>>[vector<16xi32>], vector<16xf32>,
      %get3A_753 = arith.index_cast %scan3A_634 : i32 to index
      %get3A_754 = arith.constant 480 : index
      %get3A_755 = tpu.vector_load %arg8[%get3A_753, %get3A_754] {strides = array<i32>} : memref<72x1024xf32, #tpu.memory_space<vmem>>, vector<16xf32>,
      %sub3A_756 = arith.subf %get3A_755, %gather3A_752 : vector<16xf32>
      %mul3A_757 = arith.mulf %sub3A_756, %sub3A_756 : vector<16xf32>
      %add3A_758 = arith.addf %add3A_726, %mul3A_757 : vector<16xf32>
      %add3A_759 = arith.addi %scan3A_635, %get3A_161 : vector<16xi32>
      %gather3A_760 = tpu.vector_load_idx %arg9[%add3A_759] : memref<3672xf32, #tpu.memory_space<vmem>>[vector<16xi32>], vector<16xf32>,
      %get3A_761 = arith.index_cast %scan3A_634 : i32 to index
      %get3A_762 = arith.constant 496 : index
      %get3A_763 = tpu.vector_load %arg8[%get3A_761, %get3A_762] {strides = array<i32>} : memref<72x1024xf32, #tpu.memory_space<vmem>>, vector<16xf32>,
      %sub3A_764 = arith.subf %get3A_763, %gather3A_760 : vector<16xf32>
      %mul3A_765 = arith.mulf %sub3A_764, %sub3A_764 : vector<16xf32>
      %add3A_766 = arith.addf %add3A_734, %mul3A_765 : vector<16xf32>
      %add3A_767 = arith.constant 51 : i32
      %add3A_768 = vector.broadcast %add3A_767 : i32 to vector<16xi32>
      %add3A_769 = arith.addi %scan3A_635, %add3A_768 : vector<16xi32>
      scf.yield %add3A_769, %add3A_742, %add3A_750, %add3A_758, %add3A_766 : vector<16xi32>, vector<16xf32>, vector<16xf32>, vector<16xf32>, vector<16xf32>
    }
    %scan3A_169 = arith.constant 8 : i32
    %get3A_170 = arith.constant 512 : index
    %get3A_171 = tpu.vector_load %arg7[%get3A_170] {strides = array<i32>} : memref<1024xi32, #tpu.memory_space<vmem>>, vector<16xi32>,
    %get3A_172 = arith.constant 528 : index
    %get3A_173 = tpu.vector_load %arg7[%get3A_172] {strides = array<i32>} : memref<1024xi32, #tpu.memory_space<vmem>>, vector<16xi32>,
    %get3A_174 = arith.constant 544 : index
    %get3A_175 = tpu.vector_load %arg7[%get3A_174] {strides = array<i32>} : memref<1024xi32, #tpu.memory_space<vmem>>, vector<16xi32>,
    %get3A_176 = arith.constant 560 : index
    %get3A_177 = tpu.vector_load %arg7[%get3A_176] {strides = array<i32>} : memref<1024xi32, #tpu.memory_space<vmem>>, vector<16xi32>,
    %get3A_178 = arith.constant 576 : index
    %get3A_179 = tpu.vector_load %arg7[%get3A_178] {strides = array<i32>} : memref<1024xi32, #tpu.memory_space<vmem>>, vector<16xi32>,
    %get3A_180 = arith.constant 592 : index
    %get3A_181 = tpu.vector_load %arg7[%get3A_180] {strides = array<i32>} : memref<1024xi32, #tpu.memory_space<vmem>>, vector<16xi32>,
    %get3A_182 = arith.constant 608 : index
    %get3A_183 = tpu.vector_load %arg7[%get3A_182] {strides = array<i32>} : memref<1024xi32, #tpu.memory_space<vmem>>, vector<16xi32>,
    %get3A_184 = arith.constant 624 : index
    %get3A_185 = tpu.vector_load %arg7[%get3A_184] {strides = array<i32>} : memref<1024xi32, #tpu.memory_space<vmem>>, vector<16xi32>,
    %get3A_186 = arith.constant 640 : index
    %get3A_187 = tpu.vector_load %arg7[%get3A_186] {strides = array<i32>} : memref<1024xi32, #tpu.memory_space<vmem>>, vector<16xi32>,
    %get3A_188 = arith.constant 656 : index
    %get3A_189 = tpu.vector_load %arg7[%get3A_188] {strides = array<i32>} : memref<1024xi32, #tpu.memory_space<vmem>>, vector<16xi32>,
    %get3A_190 = arith.constant 672 : index
    %get3A_191 = tpu.vector_load %arg7[%get3A_190] {strides = array<i32>} : memref<1024xi32, #tpu.memory_space<vmem>>, vector<16xi32>,
    %get3A_192 = arith.constant 688 : index
    %get3A_193 = tpu.vector_load %arg7[%get3A_192] {strides = array<i32>} : memref<1024xi32, #tpu.memory_space<vmem>>, vector<16xi32>,
    %get3A_194 = arith.constant 704 : index
    %get3A_195 = tpu.vector_load %arg7[%get3A_194] {strides = array<i32>} : memref<1024xi32, #tpu.memory_space<vmem>>, vector<16xi32>,
    %get3A_196 = arith.constant 720 : index
    %get3A_197 = tpu.vector_load %arg7[%get3A_196] {strides = array<i32>} : memref<1024xi32, #tpu.memory_space<vmem>>, vector<16xi32>,
    %get3A_198 = arith.constant 736 : index
    %get3A_199 = tpu.vector_load %arg7[%get3A_198] {strides = array<i32>} : memref<1024xi32, #tpu.memory_space<vmem>>, vector<16xi32>,
    %get3A_200 = arith.constant 752 : index
    %get3A_201 = tpu.vector_load %arg7[%get3A_200] {strides = array<i32>} : memref<1024xi32, #tpu.memory_space<vmem>>, vector<16xi32>,
    %broadcast_in_dim3A_202 = arith.constant 0 : i32
    %broadcast_in_dim3A_203 = vector.broadcast %broadcast_in_dim3A_202 : i32 to vector<16xi32>
    %scan3A_204 = arith.constant 0 : i32
    %scan3A_205 = arith.constant 8 : i32
    %scan3A_206 = arith.addi %scan3A_204, %scan3A_205 : i32
    %scan3A_207 = arith.constant 1 : i32
    %scan3A_208:5 = scf.for %scan3A_634 = %scan3A_204 to %scan3A_206 step %scan3A_207 iter_args(%scan3A_635 = %broadcast_in_dim3A_203, %scan3A_636 = %scan3A_168#1, %scan3A_637 = %scan3A_168#2, %scan3A_638 = %scan3A_168#3, %scan3A_639 = %scan3A_168#4) -> (vector<16xi32>, vector<16xf32>, vector<16xf32>, vector<16xf32>, vector<16xf32>)  : i32 {
      %add3A_640 = arith.addi %scan3A_635, %get3A_171 : vector<16xi32>
      %gather3A = tpu.vector_load_idx %arg9[%add3A_640] : memref<3672xf32, #tpu.memory_space<vmem>>[vector<16xi32>], vector<16xf32>,
      %get3A_641 = arith.index_cast %scan3A_634 : i32 to index
      %get3A_642 = arith.constant 512 : index
      %get3A_643 = tpu.vector_load %arg8[%get3A_641, %get3A_642] {strides = array<i32>} : memref<72x1024xf32, #tpu.memory_space<vmem>>, vector<16xf32>,
      %sub3A_644 = arith.subf %get3A_643, %gather3A : vector<16xf32>
      %mul3A_645 = arith.mulf %sub3A_644, %sub3A_644 : vector<16xf32>
      %add3A_646 = arith.addf %scan3A_636, %mul3A_645 : vector<16xf32>
      %add3A_647 = arith.addi %scan3A_635, %get3A_173 : vector<16xi32>
      %gather3A_648 = tpu.vector_load_idx %arg9[%add3A_647] : memref<3672xf32, #tpu.memory_space<vmem>>[vector<16xi32>], vector<16xf32>,
      %get3A_649 = arith.index_cast %scan3A_634 : i32 to index
      %get3A_650 = arith.constant 528 : index
      %get3A_651 = tpu.vector_load %arg8[%get3A_649, %get3A_650] {strides = array<i32>} : memref<72x1024xf32, #tpu.memory_space<vmem>>, vector<16xf32>,
      %sub3A_652 = arith.subf %get3A_651, %gather3A_648 : vector<16xf32>
      %mul3A_653 = arith.mulf %sub3A_652, %sub3A_652 : vector<16xf32>
      %add3A_654 = arith.addf %scan3A_637, %mul3A_653 : vector<16xf32>
      %add3A_655 = arith.addi %scan3A_635, %get3A_175 : vector<16xi32>
      %gather3A_656 = tpu.vector_load_idx %arg9[%add3A_655] : memref<3672xf32, #tpu.memory_space<vmem>>[vector<16xi32>], vector<16xf32>,
      %get3A_657 = arith.index_cast %scan3A_634 : i32 to index
      %get3A_658 = arith.constant 544 : index
      %get3A_659 = tpu.vector_load %arg8[%get3A_657, %get3A_658] {strides = array<i32>} : memref<72x1024xf32, #tpu.memory_space<vmem>>, vector<16xf32>,
      %sub3A_660 = arith.subf %get3A_659, %gather3A_656 : vector<16xf32>
      %mul3A_661 = arith.mulf %sub3A_660, %sub3A_660 : vector<16xf32>
      %add3A_662 = arith.addf %scan3A_638, %mul3A_661 : vector<16xf32>
      %add3A_663 = arith.addi %scan3A_635, %get3A_177 : vector<16xi32>
      %gather3A_664 = tpu.vector_load_idx %arg9[%add3A_663] : memref<3672xf32, #tpu.memory_space<vmem>>[vector<16xi32>], vector<16xf32>,
      %get3A_665 = arith.index_cast %scan3A_634 : i32 to index
      %get3A_666 = arith.constant 560 : index
      %get3A_667 = tpu.vector_load %arg8[%get3A_665, %get3A_666] {strides = array<i32>} : memref<72x1024xf32, #tpu.memory_space<vmem>>, vector<16xf32>,
      %sub3A_668 = arith.subf %get3A_667, %gather3A_664 : vector<16xf32>
      %mul3A_669 = arith.mulf %sub3A_668, %sub3A_668 : vector<16xf32>
      %add3A_670 = arith.addf %scan3A_639, %mul3A_669 : vector<16xf32>
      %add3A_671 = arith.addi %scan3A_635, %get3A_179 : vector<16xi32>
      %gather3A_672 = tpu.vector_load_idx %arg9[%add3A_671] : memref<3672xf32, #tpu.memory_space<vmem>>[vector<16xi32>], vector<16xf32>,
      %get3A_673 = arith.index_cast %scan3A_634 : i32 to index
      %get3A_674 = arith.constant 576 : index
      %get3A_675 = tpu.vector_load %arg8[%get3A_673, %get3A_674] {strides = array<i32>} : memref<72x1024xf32, #tpu.memory_space<vmem>>, vector<16xf32>,
      %sub3A_676 = arith.subf %get3A_675, %gather3A_672 : vector<16xf32>
      %mul3A_677 = arith.mulf %sub3A_676, %sub3A_676 : vector<16xf32>
      %add3A_678 = arith.addf %add3A_646, %mul3A_677 : vector<16xf32>
      %add3A_679 = arith.addi %scan3A_635, %get3A_181 : vector<16xi32>
      %gather3A_680 = tpu.vector_load_idx %arg9[%add3A_679] : memref<3672xf32, #tpu.memory_space<vmem>>[vector<16xi32>], vector<16xf32>,
      %get3A_681 = arith.index_cast %scan3A_634 : i32 to index
      %get3A_682 = arith.constant 592 : index
      %get3A_683 = tpu.vector_load %arg8[%get3A_681, %get3A_682] {strides = array<i32>} : memref<72x1024xf32, #tpu.memory_space<vmem>>, vector<16xf32>,
      %sub3A_684 = arith.subf %get3A_683, %gather3A_680 : vector<16xf32>
      %mul3A_685 = arith.mulf %sub3A_684, %sub3A_684 : vector<16xf32>
      %add3A_686 = arith.addf %add3A_654, %mul3A_685 : vector<16xf32>
      %add3A_687 = arith.addi %scan3A_635, %get3A_183 : vector<16xi32>
      %gather3A_688 = tpu.vector_load_idx %arg9[%add3A_687] : memref<3672xf32, #tpu.memory_space<vmem>>[vector<16xi32>], vector<16xf32>,
      %get3A_689 = arith.index_cast %scan3A_634 : i32 to index
      %get3A_690 = arith.constant 608 : index
      %get3A_691 = tpu.vector_load %arg8[%get3A_689, %get3A_690] {strides = array<i32>} : memref<72x1024xf32, #tpu.memory_space<vmem>>, vector<16xf32>,
      %sub3A_692 = arith.subf %get3A_691, %gather3A_688 : vector<16xf32>
      %mul3A_693 = arith.mulf %sub3A_692, %sub3A_692 : vector<16xf32>
      %add3A_694 = arith.addf %add3A_662, %mul3A_693 : vector<16xf32>
      %add3A_695 = arith.addi %scan3A_635, %get3A_185 : vector<16xi32>
      %gather3A_696 = tpu.vector_load_idx %arg9[%add3A_695] : memref<3672xf32, #tpu.memory_space<vmem>>[vector<16xi32>], vector<16xf32>,
      %get3A_697 = arith.index_cast %scan3A_634 : i32 to index
      %get3A_698 = arith.constant 624 : index
      %get3A_699 = tpu.vector_load %arg8[%get3A_697, %get3A_698] {strides = array<i32>} : memref<72x1024xf32, #tpu.memory_space<vmem>>, vector<16xf32>,
      %sub3A_700 = arith.subf %get3A_699, %gather3A_696 : vector<16xf32>
      %mul3A_701 = arith.mulf %sub3A_700, %sub3A_700 : vector<16xf32>
      %add3A_702 = arith.addf %add3A_670, %mul3A_701 : vector<16xf32>
      %add3A_703 = arith.addi %scan3A_635, %get3A_187 : vector<16xi32>
      %gather3A_704 = tpu.vector_load_idx %arg9[%add3A_703] : memref<3672xf32, #tpu.memory_space<vmem>>[vector<16xi32>], vector<16xf32>,
      %get3A_705 = arith.index_cast %scan3A_634 : i32 to index
      %get3A_706 = arith.constant 640 : index
      %get3A_707 = tpu.vector_load %arg8[%get3A_705, %get3A_706] {strides = array<i32>} : memref<72x1024xf32, #tpu.memory_space<vmem>>, vector<16xf32>,
      %sub3A_708 = arith.subf %get3A_707, %gather3A_704 : vector<16xf32>
      %mul3A_709 = arith.mulf %sub3A_708, %sub3A_708 : vector<16xf32>
      %add3A_710 = arith.addf %add3A_678, %mul3A_709 : vector<16xf32>
      %add3A_711 = arith.addi %scan3A_635, %get3A_189 : vector<16xi32>
      %gather3A_712 = tpu.vector_load_idx %arg9[%add3A_711] : memref<3672xf32, #tpu.memory_space<vmem>>[vector<16xi32>], vector<16xf32>,
      %get3A_713 = arith.index_cast %scan3A_634 : i32 to index
      %get3A_714 = arith.constant 656 : index
      %get3A_715 = tpu.vector_load %arg8[%get3A_713, %get3A_714] {strides = array<i32>} : memref<72x1024xf32, #tpu.memory_space<vmem>>, vector<16xf32>,
      %sub3A_716 = arith.subf %get3A_715, %gather3A_712 : vector<16xf32>
      %mul3A_717 = arith.mulf %sub3A_716, %sub3A_716 : vector<16xf32>
      %add3A_718 = arith.addf %add3A_686, %mul3A_717 : vector<16xf32>
      %add3A_719 = arith.addi %scan3A_635, %get3A_191 : vector<16xi32>
      %gather3A_720 = tpu.vector_load_idx %arg9[%add3A_719] : memref<3672xf32, #tpu.memory_space<vmem>>[vector<16xi32>], vector<16xf32>,
      %get3A_721 = arith.index_cast %scan3A_634 : i32 to index
      %get3A_722 = arith.constant 672 : index
      %get3A_723 = tpu.vector_load %arg8[%get3A_721, %get3A_722] {strides = array<i32>} : memref<72x1024xf32, #tpu.memory_space<vmem>>, vector<16xf32>,
      %sub3A_724 = arith.subf %get3A_723, %gather3A_720 : vector<16xf32>
      %mul3A_725 = arith.mulf %sub3A_724, %sub3A_724 : vector<16xf32>
      %add3A_726 = arith.addf %add3A_694, %mul3A_725 : vector<16xf32>
      %add3A_727 = arith.addi %scan3A_635, %get3A_193 : vector<16xi32>
      %gather3A_728 = tpu.vector_load_idx %arg9[%add3A_727] : memref<3672xf32, #tpu.memory_space<vmem>>[vector<16xi32>], vector<16xf32>,
      %get3A_729 = arith.index_cast %scan3A_634 : i32 to index
      %get3A_730 = arith.constant 688 : index
      %get3A_731 = tpu.vector_load %arg8[%get3A_729, %get3A_730] {strides = array<i32>} : memref<72x1024xf32, #tpu.memory_space<vmem>>, vector<16xf32>,
      %sub3A_732 = arith.subf %get3A_731, %gather3A_728 : vector<16xf32>
      %mul3A_733 = arith.mulf %sub3A_732, %sub3A_732 : vector<16xf32>
      %add3A_734 = arith.addf %add3A_702, %mul3A_733 : vector<16xf32>
      %add3A_735 = arith.addi %scan3A_635, %get3A_195 : vector<16xi32>
      %gather3A_736 = tpu.vector_load_idx %arg9[%add3A_735] : memref<3672xf32, #tpu.memory_space<vmem>>[vector<16xi32>], vector<16xf32>,
      %get3A_737 = arith.index_cast %scan3A_634 : i32 to index
      %get3A_738 = arith.constant 704 : index
      %get3A_739 = tpu.vector_load %arg8[%get3A_737, %get3A_738] {strides = array<i32>} : memref<72x1024xf32, #tpu.memory_space<vmem>>, vector<16xf32>,
      %sub3A_740 = arith.subf %get3A_739, %gather3A_736 : vector<16xf32>
      %mul3A_741 = arith.mulf %sub3A_740, %sub3A_740 : vector<16xf32>
      %add3A_742 = arith.addf %add3A_710, %mul3A_741 : vector<16xf32>
      %add3A_743 = arith.addi %scan3A_635, %get3A_197 : vector<16xi32>
      %gather3A_744 = tpu.vector_load_idx %arg9[%add3A_743] : memref<3672xf32, #tpu.memory_space<vmem>>[vector<16xi32>], vector<16xf32>,
      %get3A_745 = arith.index_cast %scan3A_634 : i32 to index
      %get3A_746 = arith.constant 720 : index
      %get3A_747 = tpu.vector_load %arg8[%get3A_745, %get3A_746] {strides = array<i32>} : memref<72x1024xf32, #tpu.memory_space<vmem>>, vector<16xf32>,
      %sub3A_748 = arith.subf %get3A_747, %gather3A_744 : vector<16xf32>
      %mul3A_749 = arith.mulf %sub3A_748, %sub3A_748 : vector<16xf32>
      %add3A_750 = arith.addf %add3A_718, %mul3A_749 : vector<16xf32>
      %add3A_751 = arith.addi %scan3A_635, %get3A_199 : vector<16xi32>
      %gather3A_752 = tpu.vector_load_idx %arg9[%add3A_751] : memref<3672xf32, #tpu.memory_space<vmem>>[vector<16xi32>], vector<16xf32>,
      %get3A_753 = arith.index_cast %scan3A_634 : i32 to index
      %get3A_754 = arith.constant 736 : index
      %get3A_755 = tpu.vector_load %arg8[%get3A_753, %get3A_754] {strides = array<i32>} : memref<72x1024xf32, #tpu.memory_space<vmem>>, vector<16xf32>,
      %sub3A_756 = arith.subf %get3A_755, %gather3A_752 : vector<16xf32>
      %mul3A_757 = arith.mulf %sub3A_756, %sub3A_756 : vector<16xf32>
      %add3A_758 = arith.addf %add3A_726, %mul3A_757 : vector<16xf32>
      %add3A_759 = arith.addi %scan3A_635, %get3A_201 : vector<16xi32>
      %gather3A_760 = tpu.vector_load_idx %arg9[%add3A_759] : memref<3672xf32, #tpu.memory_space<vmem>>[vector<16xi32>], vector<16xf32>,
      %get3A_761 = arith.index_cast %scan3A_634 : i32 to index
      %get3A_762 = arith.constant 752 : index
      %get3A_763 = tpu.vector_load %arg8[%get3A_761, %get3A_762] {strides = array<i32>} : memref<72x1024xf32, #tpu.memory_space<vmem>>, vector<16xf32>,
      %sub3A_764 = arith.subf %get3A_763, %gather3A_760 : vector<16xf32>
      %mul3A_765 = arith.mulf %sub3A_764, %sub3A_764 : vector<16xf32>
      %add3A_766 = arith.addf %add3A_734, %mul3A_765 : vector<16xf32>
      %add3A_767 = arith.constant 51 : i32
      %add3A_768 = vector.broadcast %add3A_767 : i32 to vector<16xi32>
      %add3A_769 = arith.addi %scan3A_635, %add3A_768 : vector<16xi32>
      scf.yield %add3A_769, %add3A_742, %add3A_750, %add3A_758, %add3A_766 : vector<16xi32>, vector<16xf32>, vector<16xf32>, vector<16xf32>, vector<16xf32>
    }
    %scan3A_209 = arith.constant 8 : i32
    %get3A_210 = arith.constant 768 : index
    %get3A_211 = tpu.vector_load %arg7[%get3A_210] {strides = array<i32>} : memref<1024xi32, #tpu.memory_space<vmem>>, vector<16xi32>,
    %get3A_212 = arith.constant 784 : index
    %get3A_213 = tpu.vector_load %arg7[%get3A_212] {strides = array<i32>} : memref<1024xi32, #tpu.memory_space<vmem>>, vector<16xi32>,
    %get3A_214 = arith.constant 800 : index
    %get3A_215 = tpu.vector_load %arg7[%get3A_214] {strides = array<i32>} : memref<1024xi32, #tpu.memory_space<vmem>>, vector<16xi32>,
    %get3A_216 = arith.constant 816 : index
    %get3A_217 = tpu.vector_load %arg7[%get3A_216] {strides = array<i32>} : memref<1024xi32, #tpu.memory_space<vmem>>, vector<16xi32>,
    %get3A_218 = arith.constant 832 : index
    %get3A_219 = tpu.vector_load %arg7[%get3A_218] {strides = array<i32>} : memref<1024xi32, #tpu.memory_space<vmem>>, vector<16xi32>,
    %get3A_220 = arith.constant 848 : index
    %get3A_221 = tpu.vector_load %arg7[%get3A_220] {strides = array<i32>} : memref<1024xi32, #tpu.memory_space<vmem>>, vector<16xi32>,
    %get3A_222 = arith.constant 864 : index
    %get3A_223 = tpu.vector_load %arg7[%get3A_222] {strides = array<i32>} : memref<1024xi32, #tpu.memory_space<vmem>>, vector<16xi32>,
    %get3A_224 = arith.constant 880 : index
    %get3A_225 = tpu.vector_load %arg7[%get3A_224] {strides = array<i32>} : memref<1024xi32, #tpu.memory_space<vmem>>, vector<16xi32>,
    %get3A_226 = arith.constant 896 : index
    %get3A_227 = tpu.vector_load %arg7[%get3A_226] {strides = array<i32>} : memref<1024xi32, #tpu.memory_space<vmem>>, vector<16xi32>,
    %get3A_228 = arith.constant 912 : index
    %get3A_229 = tpu.vector_load %arg7[%get3A_228] {strides = array<i32>} : memref<1024xi32, #tpu.memory_space<vmem>>, vector<16xi32>,
    %get3A_230 = arith.constant 928 : index
    %get3A_231 = tpu.vector_load %arg7[%get3A_230] {strides = array<i32>} : memref<1024xi32, #tpu.memory_space<vmem>>, vector<16xi32>,
    %get3A_232 = arith.constant 944 : index
    %get3A_233 = tpu.vector_load %arg7[%get3A_232] {strides = array<i32>} : memref<1024xi32, #tpu.memory_space<vmem>>, vector<16xi32>,
    %get3A_234 = arith.constant 960 : index
    %get3A_235 = tpu.vector_load %arg7[%get3A_234] {strides = array<i32>} : memref<1024xi32, #tpu.memory_space<vmem>>, vector<16xi32>,
    %get3A_236 = arith.constant 976 : index
    %get3A_237 = tpu.vector_load %arg7[%get3A_236] {strides = array<i32>} : memref<1024xi32, #tpu.memory_space<vmem>>, vector<16xi32>,
    %get3A_238 = arith.constant 992 : index
    %get3A_239 = tpu.vector_load %arg7[%get3A_238] {strides = array<i32>} : memref<1024xi32, #tpu.memory_space<vmem>>, vector<16xi32>,
    %get3A_240 = arith.constant 1008 : index
    %get3A_241 = tpu.vector_load %arg7[%get3A_240] {strides = array<i32>} : memref<1024xi32, #tpu.memory_space<vmem>>, vector<16xi32>,
    %broadcast_in_dim3A_242 = arith.constant 0 : i32
    %broadcast_in_dim3A_243 = vector.broadcast %broadcast_in_dim3A_242 : i32 to vector<16xi32>
    %scan3A_244 = arith.constant 0 : i32
    %scan3A_245 = arith.constant 8 : i32
    %scan3A_246 = arith.addi %scan3A_244, %scan3A_245 : i32
    %scan3A_247 = arith.constant 1 : i32
    %scan3A_248:5 = scf.for %scan3A_634 = %scan3A_244 to %scan3A_246 step %scan3A_247 iter_args(%scan3A_635 = %broadcast_in_dim3A_243, %scan3A_636 = %scan3A_208#1, %scan3A_637 = %scan3A_208#2, %scan3A_638 = %scan3A_208#3, %scan3A_639 = %scan3A_208#4) -> (vector<16xi32>, vector<16xf32>, vector<16xf32>, vector<16xf32>, vector<16xf32>)  : i32 {
      %add3A_640 = arith.addi %scan3A_635, %get3A_211 : vector<16xi32>
      %gather3A = tpu.vector_load_idx %arg9[%add3A_640] : memref<3672xf32, #tpu.memory_space<vmem>>[vector<16xi32>], vector<16xf32>,
      %get3A_641 = arith.index_cast %scan3A_634 : i32 to index
      %get3A_642 = arith.constant 768 : index
      %get3A_643 = tpu.vector_load %arg8[%get3A_641, %get3A_642] {strides = array<i32>} : memref<72x1024xf32, #tpu.memory_space<vmem>>, vector<16xf32>,
      %sub3A_644 = arith.subf %get3A_643, %gather3A : vector<16xf32>
      %mul3A_645 = arith.mulf %sub3A_644, %sub3A_644 : vector<16xf32>
      %add3A_646 = arith.addf %scan3A_636, %mul3A_645 : vector<16xf32>
      %add3A_647 = arith.addi %scan3A_635, %get3A_213 : vector<16xi32>
      %gather3A_648 = tpu.vector_load_idx %arg9[%add3A_647] : memref<3672xf32, #tpu.memory_space<vmem>>[vector<16xi32>], vector<16xf32>,
      %get3A_649 = arith.index_cast %scan3A_634 : i32 to index
      %get3A_650 = arith.constant 784 : index
      %get3A_651 = tpu.vector_load %arg8[%get3A_649, %get3A_650] {strides = array<i32>} : memref<72x1024xf32, #tpu.memory_space<vmem>>, vector<16xf32>,
      %sub3A_652 = arith.subf %get3A_651, %gather3A_648 : vector<16xf32>
      %mul3A_653 = arith.mulf %sub3A_652, %sub3A_652 : vector<16xf32>
      %add3A_654 = arith.addf %scan3A_637, %mul3A_653 : vector<16xf32>
      %add3A_655 = arith.addi %scan3A_635, %get3A_215 : vector<16xi32>
      %gather3A_656 = tpu.vector_load_idx %arg9[%add3A_655] : memref<3672xf32, #tpu.memory_space<vmem>>[vector<16xi32>], vector<16xf32>,
      %get3A_657 = arith.index_cast %scan3A_634 : i32 to index
      %get3A_658 = arith.constant 800 : index
      %get3A_659 = tpu.vector_load %arg8[%get3A_657, %get3A_658] {strides = array<i32>} : memref<72x1024xf32, #tpu.memory_space<vmem>>, vector<16xf32>,
      %sub3A_660 = arith.subf %get3A_659, %gather3A_656 : vector<16xf32>
      %mul3A_661 = arith.mulf %sub3A_660, %sub3A_660 : vector<16xf32>
      %add3A_662 = arith.addf %scan3A_638, %mul3A_661 : vector<16xf32>
      %add3A_663 = arith.addi %scan3A_635, %get3A_217 : vector<16xi32>
      %gather3A_664 = tpu.vector_load_idx %arg9[%add3A_663] : memref<3672xf32, #tpu.memory_space<vmem>>[vector<16xi32>], vector<16xf32>,
      %get3A_665 = arith.index_cast %scan3A_634 : i32 to index
      %get3A_666 = arith.constant 816 : index
      %get3A_667 = tpu.vector_load %arg8[%get3A_665, %get3A_666] {strides = array<i32>} : memref<72x1024xf32, #tpu.memory_space<vmem>>, vector<16xf32>,
      %sub3A_668 = arith.subf %get3A_667, %gather3A_664 : vector<16xf32>
      %mul3A_669 = arith.mulf %sub3A_668, %sub3A_668 : vector<16xf32>
      %add3A_670 = arith.addf %scan3A_639, %mul3A_669 : vector<16xf32>
      %add3A_671 = arith.addi %scan3A_635, %get3A_219 : vector<16xi32>
      %gather3A_672 = tpu.vector_load_idx %arg9[%add3A_671] : memref<3672xf32, #tpu.memory_space<vmem>>[vector<16xi32>], vector<16xf32>,
      %get3A_673 = arith.index_cast %scan3A_634 : i32 to index
      %get3A_674 = arith.constant 832 : index
      %get3A_675 = tpu.vector_load %arg8[%get3A_673, %get3A_674] {strides = array<i32>} : memref<72x1024xf32, #tpu.memory_space<vmem>>, vector<16xf32>,
      %sub3A_676 = arith.subf %get3A_675, %gather3A_672 : vector<16xf32>
      %mul3A_677 = arith.mulf %sub3A_676, %sub3A_676 : vector<16xf32>
      %add3A_678 = arith.addf %add3A_646, %mul3A_677 : vector<16xf32>
      %add3A_679 = arith.addi %scan3A_635, %get3A_221 : vector<16xi32>
      %gather3A_680 = tpu.vector_load_idx %arg9[%add3A_679] : memref<3672xf32, #tpu.memory_space<vmem>>[vector<16xi32>], vector<16xf32>,
      %get3A_681 = arith.index_cast %scan3A_634 : i32 to index
      %get3A_682 = arith.constant 848 : index
      %get3A_683 = tpu.vector_load %arg8[%get3A_681, %get3A_682] {strides = array<i32>} : memref<72x1024xf32, #tpu.memory_space<vmem>>, vector<16xf32>,
      %sub3A_684 = arith.subf %get3A_683, %gather3A_680 : vector<16xf32>
      %mul3A_685 = arith.mulf %sub3A_684, %sub3A_684 : vector<16xf32>
      %add3A_686 = arith.addf %add3A_654, %mul3A_685 : vector<16xf32>
      %add3A_687 = arith.addi %scan3A_635, %get3A_223 : vector<16xi32>
      %gather3A_688 = tpu.vector_load_idx %arg9[%add3A_687] : memref<3672xf32, #tpu.memory_space<vmem>>[vector<16xi32>], vector<16xf32>,
      %get3A_689 = arith.index_cast %scan3A_634 : i32 to index
      %get3A_690 = arith.constant 864 : index
      %get3A_691 = tpu.vector_load %arg8[%get3A_689, %get3A_690] {strides = array<i32>} : memref<72x1024xf32, #tpu.memory_space<vmem>>, vector<16xf32>,
      %sub3A_692 = arith.subf %get3A_691, %gather3A_688 : vector<16xf32>
      %mul3A_693 = arith.mulf %sub3A_692, %sub3A_692 : vector<16xf32>
      %add3A_694 = arith.addf %add3A_662, %mul3A_693 : vector<16xf32>
      %add3A_695 = arith.addi %scan3A_635, %get3A_225 : vector<16xi32>
      %gather3A_696 = tpu.vector_load_idx %arg9[%add3A_695] : memref<3672xf32, #tpu.memory_space<vmem>>[vector<16xi32>], vector<16xf32>,
      %get3A_697 = arith.index_cast %scan3A_634 : i32 to index
      %get3A_698 = arith.constant 880 : index
      %get3A_699 = tpu.vector_load %arg8[%get3A_697, %get3A_698] {strides = array<i32>} : memref<72x1024xf32, #tpu.memory_space<vmem>>, vector<16xf32>,
      %sub3A_700 = arith.subf %get3A_699, %gather3A_696 : vector<16xf32>
      %mul3A_701 = arith.mulf %sub3A_700, %sub3A_700 : vector<16xf32>
      %add3A_702 = arith.addf %add3A_670, %mul3A_701 : vector<16xf32>
      %add3A_703 = arith.addi %scan3A_635, %get3A_227 : vector<16xi32>
      %gather3A_704 = tpu.vector_load_idx %arg9[%add3A_703] : memref<3672xf32, #tpu.memory_space<vmem>>[vector<16xi32>], vector<16xf32>,
      %get3A_705 = arith.index_cast %scan3A_634 : i32 to index
      %get3A_706 = arith.constant 896 : index
      %get3A_707 = tpu.vector_load %arg8[%get3A_705, %get3A_706] {strides = array<i32>} : memref<72x1024xf32, #tpu.memory_space<vmem>>, vector<16xf32>,
      %sub3A_708 = arith.subf %get3A_707, %gather3A_704 : vector<16xf32>
      %mul3A_709 = arith.mulf %sub3A_708, %sub3A_708 : vector<16xf32>
      %add3A_710 = arith.addf %add3A_678, %mul3A_709 : vector<16xf32>
      %add3A_711 = arith.addi %scan3A_635, %get3A_229 : vector<16xi32>
      %gather3A_712 = tpu.vector_load_idx %arg9[%add3A_711] : memref<3672xf32, #tpu.memory_space<vmem>>[vector<16xi32>], vector<16xf32>,
      %get3A_713 = arith.index_cast %scan3A_634 : i32 to index
      %get3A_714 = arith.constant 912 : index
      %get3A_715 = tpu.vector_load %arg8[%get3A_713, %get3A_714] {strides = array<i32>} : memref<72x1024xf32, #tpu.memory_space<vmem>>, vector<16xf32>,
      %sub3A_716 = arith.subf %get3A_715, %gather3A_712 : vector<16xf32>
      %mul3A_717 = arith.mulf %sub3A_716, %sub3A_716 : vector<16xf32>
      %add3A_718 = arith.addf %add3A_686, %mul3A_717 : vector<16xf32>
      %add3A_719 = arith.addi %scan3A_635, %get3A_231 : vector<16xi32>
      %gather3A_720 = tpu.vector_load_idx %arg9[%add3A_719] : memref<3672xf32, #tpu.memory_space<vmem>>[vector<16xi32>], vector<16xf32>,
      %get3A_721 = arith.index_cast %scan3A_634 : i32 to index
      %get3A_722 = arith.constant 928 : index
      %get3A_723 = tpu.vector_load %arg8[%get3A_721, %get3A_722] {strides = array<i32>} : memref<72x1024xf32, #tpu.memory_space<vmem>>, vector<16xf32>,
      %sub3A_724 = arith.subf %get3A_723, %gather3A_720 : vector<16xf32>
      %mul3A_725 = arith.mulf %sub3A_724, %sub3A_724 : vector<16xf32>
      %add3A_726 = arith.addf %add3A_694, %mul3A_725 : vector<16xf32>
      %add3A_727 = arith.addi %scan3A_635, %get3A_233 : vector<16xi32>
      %gather3A_728 = tpu.vector_load_idx %arg9[%add3A_727] : memref<3672xf32, #tpu.memory_space<vmem>>[vector<16xi32>], vector<16xf32>,
      %get3A_729 = arith.index_cast %scan3A_634 : i32 to index
      %get3A_730 = arith.constant 944 : index
      %get3A_731 = tpu.vector_load %arg8[%get3A_729, %get3A_730] {strides = array<i32>} : memref<72x1024xf32, #tpu.memory_space<vmem>>, vector<16xf32>,
      %sub3A_732 = arith.subf %get3A_731, %gather3A_728 : vector<16xf32>
      %mul3A_733 = arith.mulf %sub3A_732, %sub3A_732 : vector<16xf32>
      %add3A_734 = arith.addf %add3A_702, %mul3A_733 : vector<16xf32>
      %add3A_735 = arith.addi %scan3A_635, %get3A_235 : vector<16xi32>
      %gather3A_736 = tpu.vector_load_idx %arg9[%add3A_735] : memref<3672xf32, #tpu.memory_space<vmem>>[vector<16xi32>], vector<16xf32>,
      %get3A_737 = arith.index_cast %scan3A_634 : i32 to index
      %get3A_738 = arith.constant 960 : index
      %get3A_739 = tpu.vector_load %arg8[%get3A_737, %get3A_738] {strides = array<i32>} : memref<72x1024xf32, #tpu.memory_space<vmem>>, vector<16xf32>,
      %sub3A_740 = arith.subf %get3A_739, %gather3A_736 : vector<16xf32>
      %mul3A_741 = arith.mulf %sub3A_740, %sub3A_740 : vector<16xf32>
      %add3A_742 = arith.addf %add3A_710, %mul3A_741 : vector<16xf32>
      %add3A_743 = arith.addi %scan3A_635, %get3A_237 : vector<16xi32>
      %gather3A_744 = tpu.vector_load_idx %arg9[%add3A_743] : memref<3672xf32, #tpu.memory_space<vmem>>[vector<16xi32>], vector<16xf32>,
      %get3A_745 = arith.index_cast %scan3A_634 : i32 to index
      %get3A_746 = arith.constant 976 : index
      %get3A_747 = tpu.vector_load %arg8[%get3A_745, %get3A_746] {strides = array<i32>} : memref<72x1024xf32, #tpu.memory_space<vmem>>, vector<16xf32>,
      %sub3A_748 = arith.subf %get3A_747, %gather3A_744 : vector<16xf32>
      %mul3A_749 = arith.mulf %sub3A_748, %sub3A_748 : vector<16xf32>
      %add3A_750 = arith.addf %add3A_718, %mul3A_749 : vector<16xf32>
      %add3A_751 = arith.addi %scan3A_635, %get3A_239 : vector<16xi32>
      %gather3A_752 = tpu.vector_load_idx %arg9[%add3A_751] : memref<3672xf32, #tpu.memory_space<vmem>>[vector<16xi32>], vector<16xf32>,
      %get3A_753 = arith.index_cast %scan3A_634 : i32 to index
      %get3A_754 = arith.constant 992 : index
      %get3A_755 = tpu.vector_load %arg8[%get3A_753, %get3A_754] {strides = array<i32>} : memref<72x1024xf32, #tpu.memory_space<vmem>>, vector<16xf32>,
      %sub3A_756 = arith.subf %get3A_755, %gather3A_752 : vector<16xf32>
      %mul3A_757 = arith.mulf %sub3A_756, %sub3A_756 : vector<16xf32>
      %add3A_758 = arith.addf %add3A_726, %mul3A_757 : vector<16xf32>
      %add3A_759 = arith.addi %scan3A_635, %get3A_241 : vector<16xi32>
      %gather3A_760 = tpu.vector_load_idx %arg9[%add3A_759] : memref<3672xf32, #tpu.memory_space<vmem>>[vector<16xi32>], vector<16xf32>,
      %get3A_761 = arith.index_cast %scan3A_634 : i32 to index
      %get3A_762 = arith.constant 1008 : index
      %get3A_763 = tpu.vector_load %arg8[%get3A_761, %get3A_762] {strides = array<i32>} : memref<72x1024xf32, #tpu.memory_space<vmem>>, vector<16xf32>,
      %sub3A_764 = arith.subf %get3A_763, %gather3A_760 : vector<16xf32>
      %mul3A_765 = arith.mulf %sub3A_764, %sub3A_764 : vector<16xf32>
      %add3A_766 = arith.addf %add3A_734, %mul3A_765 : vector<16xf32>
      %add3A_767 = arith.constant 51 : i32
      %add3A_768 = vector.broadcast %add3A_767 : i32 to vector<16xi32>
      %add3A_769 = arith.addi %scan3A_635, %add3A_768 : vector<16xi32>
      scf.yield %add3A_769, %add3A_742, %add3A_750, %add3A_758, %add3A_766 : vector<16xi32>, vector<16xf32>, vector<16xf32>, vector<16xf32>, vector<16xf32>
    }
    %scan3A_249 = arith.constant 8 : i32
    %dma_wait3A_250 = arith.constant 8 : i32
    %dma_wait3A_251 = arith.constant 0 : i32
    %dma_wait3A_252 = tpu.memref_slice %arg8[%dma_wait3A_250, %dma_wait3A_251] : memref<72x1024xf32, #tpu.memory_space<vmem>> -> memref<32x1024xf32, #tpu.memory_space<vmem>>
    %dma_wait3A_253 = tpu.memref_slice %arg2[%add3A_51, %mul3A_34] : memref<576x4096xf32, #tpu.memory_space<hbm>> -> memref<32x1024xf32, #tpu.memory_space<hbm>>
    %dma_wait3A_254 = arith.constant 8 : i32
    %dma_wait3A_255 = arith.constant 0 : i32
    %dma_wait3A_256 = tpu.memref_slice %arg8[%dma_wait3A_254, %dma_wait3A_255] : memref<72x1024xf32, #tpu.memory_space<vmem>> -> memref<32x1024xf32, #tpu.memory_space<vmem>>
    %dma_wait3A_257 = tpu.memref_slice %arg2[%add3A_51, %mul3A_34] : memref<576x4096xf32, #tpu.memory_space<hbm>> -> memref<32x1024xf32, #tpu.memory_space<hbm>>
    tpu.wait_dma2 semaphore(%arg12 : memref<!tpu.dma_semaphore, #tpu.memory_space<semaphore_mem>>) src(%dma_wait3A_257 : memref<32x1024xf32, #tpu.memory_space<hbm>>) dst(%dma_wait3A_256 : memref<32x1024xf32, #tpu.memory_space<vmem>>)
    %add3A_258 = arith.constant 8 : i32
    %add3A_259 = arith.addi %mul3A_32, %add3A_258 : i32
    %dma_start3A_260 = arith.constant 8 : i32
    %dma_start3A_261 = arith.constant 0 : i32
    %dma_start3A_262 = tpu.memref_slice %arg8[%dma_start3A_260, %dma_start3A_261] : memref<72x1024xf32, #tpu.memory_space<vmem>> -> memref<32x1024xf32, #tpu.memory_space<vmem>>
    %dma_start3A_263 = tpu.memref_slice %arg6[%add3A_259, %mul3A_34] : memref<576x4096xf32, #tpu.memory_space<hbm>> -> memref<32x1024xf32, #tpu.memory_space<hbm>>
    %dma_start3A_264 = tpu.memref_slice %arg6[%add3A_259, %mul3A_34] : memref<576x4096xf32, #tpu.memory_space<hbm>> -> memref<32x1024xf32, #tpu.memory_space<hbm>>
    %dma_start3A_265 = arith.constant 8 : i32
    %dma_start3A_266 = arith.constant 0 : i32
    %dma_start3A_267 = tpu.memref_slice %arg8[%dma_start3A_265, %dma_start3A_266] : memref<72x1024xf32, #tpu.memory_space<vmem>> -> memref<32x1024xf32, #tpu.memory_space<vmem>>
    tpu.enqueue_dma source(%dma_start3A_267 : memref<32x1024xf32, #tpu.memory_space<vmem>>) target(%dma_start3A_264 : memref<32x1024xf32, #tpu.memory_space<hbm>>) target_semaphore(%arg15 : memref<!tpu.dma_semaphore, #tpu.memory_space<semaphore_mem>>)
    %get3A_268 = arith.constant 0 : index
    %get3A_269 = tpu.vector_load %arg7[%get3A_268] {strides = array<i32>} : memref<1024xi32, #tpu.memory_space<vmem>>, vector<16xi32>,
    %get3A_270 = arith.constant 16 : index
    %get3A_271 = tpu.vector_load %arg7[%get3A_270] {strides = array<i32>} : memref<1024xi32, #tpu.memory_space<vmem>>, vector<16xi32>,
    %get3A_272 = arith.constant 32 : index
    %get3A_273 = tpu.vector_load %arg7[%get3A_272] {strides = array<i32>} : memref<1024xi32, #tpu.memory_space<vmem>>, vector<16xi32>,
    %get3A_274 = arith.constant 48 : index
    %get3A_275 = tpu.vector_load %arg7[%get3A_274] {strides = array<i32>} : memref<1024xi32, #tpu.memory_space<vmem>>, vector<16xi32>,
    %get3A_276 = arith.constant 64 : index
    %get3A_277 = tpu.vector_load %arg7[%get3A_276] {strides = array<i32>} : memref<1024xi32, #tpu.memory_space<vmem>>, vector<16xi32>,
    %get3A_278 = arith.constant 80 : index
    %get3A_279 = tpu.vector_load %arg7[%get3A_278] {strides = array<i32>} : memref<1024xi32, #tpu.memory_space<vmem>>, vector<16xi32>,
    %get3A_280 = arith.constant 96 : index
    %get3A_281 = tpu.vector_load %arg7[%get3A_280] {strides = array<i32>} : memref<1024xi32, #tpu.memory_space<vmem>>, vector<16xi32>,
    %get3A_282 = arith.constant 112 : index
    %get3A_283 = tpu.vector_load %arg7[%get3A_282] {strides = array<i32>} : memref<1024xi32, #tpu.memory_space<vmem>>, vector<16xi32>,
    %get3A_284 = arith.constant 128 : index
    %get3A_285 = tpu.vector_load %arg7[%get3A_284] {strides = array<i32>} : memref<1024xi32, #tpu.memory_space<vmem>>, vector<16xi32>,
    %get3A_286 = arith.constant 144 : index
    %get3A_287 = tpu.vector_load %arg7[%get3A_286] {strides = array<i32>} : memref<1024xi32, #tpu.memory_space<vmem>>, vector<16xi32>,
    %get3A_288 = arith.constant 160 : index
    %get3A_289 = tpu.vector_load %arg7[%get3A_288] {strides = array<i32>} : memref<1024xi32, #tpu.memory_space<vmem>>, vector<16xi32>,
    %get3A_290 = arith.constant 176 : index
    %get3A_291 = tpu.vector_load %arg7[%get3A_290] {strides = array<i32>} : memref<1024xi32, #tpu.memory_space<vmem>>, vector<16xi32>,
    %get3A_292 = arith.constant 192 : index
    %get3A_293 = tpu.vector_load %arg7[%get3A_292] {strides = array<i32>} : memref<1024xi32, #tpu.memory_space<vmem>>, vector<16xi32>,
    %get3A_294 = arith.constant 208 : index
    %get3A_295 = tpu.vector_load %arg7[%get3A_294] {strides = array<i32>} : memref<1024xi32, #tpu.memory_space<vmem>>, vector<16xi32>,
    %get3A_296 = arith.constant 224 : index
    %get3A_297 = tpu.vector_load %arg7[%get3A_296] {strides = array<i32>} : memref<1024xi32, #tpu.memory_space<vmem>>, vector<16xi32>,
    %get3A_298 = arith.constant 240 : index
    %get3A_299 = tpu.vector_load %arg7[%get3A_298] {strides = array<i32>} : memref<1024xi32, #tpu.memory_space<vmem>>, vector<16xi32>,
    %broadcast_in_dim3A_300 = arith.constant 408 : i32
    %broadcast_in_dim3A_301 = vector.broadcast %broadcast_in_dim3A_300 : i32 to vector<16xi32>
    %scan3A_302 = arith.constant 8 : i32
    %scan3A_303 = arith.constant 32 : i32
    %scan3A_304 = arith.addi %scan3A_302, %scan3A_303 : i32
    %scan3A_305 = arith.constant 1 : i32
    %scan3A_306:5 = scf.for %scan3A_634 = %scan3A_302 to %scan3A_304 step %scan3A_305 iter_args(%scan3A_635 = %broadcast_in_dim3A_301, %scan3A_636 = %scan3A_248#1, %scan3A_637 = %scan3A_248#2, %scan3A_638 = %scan3A_248#3, %scan3A_639 = %scan3A_248#4) -> (vector<16xi32>, vector<16xf32>, vector<16xf32>, vector<16xf32>, vector<16xf32>)  : i32 {
      %add3A_640 = arith.addi %scan3A_635, %get3A_269 : vector<16xi32>
      %gather3A = tpu.vector_load_idx %arg9[%add3A_640] : memref<3672xf32, #tpu.memory_space<vmem>>[vector<16xi32>], vector<16xf32>,
      %get3A_641 = arith.index_cast %scan3A_634 : i32 to index
      %get3A_642 = arith.constant 0 : index
      %get3A_643 = tpu.vector_load %arg8[%get3A_641, %get3A_642] {strides = array<i32>} : memref<72x1024xf32, #tpu.memory_space<vmem>>, vector<16xf32>,
      %sub3A_644 = arith.subf %get3A_643, %gather3A : vector<16xf32>
      %mul3A_645 = arith.mulf %sub3A_644, %sub3A_644 : vector<16xf32>
      %add3A_646 = arith.addf %scan3A_636, %mul3A_645 : vector<16xf32>
      %add3A_647 = arith.addi %scan3A_635, %get3A_271 : vector<16xi32>
      %gather3A_648 = tpu.vector_load_idx %arg9[%add3A_647] : memref<3672xf32, #tpu.memory_space<vmem>>[vector<16xi32>], vector<16xf32>,
      %get3A_649 = arith.index_cast %scan3A_634 : i32 to index
      %get3A_650 = arith.constant 16 : index
      %get3A_651 = tpu.vector_load %arg8[%get3A_649, %get3A_650] {strides = array<i32>} : memref<72x1024xf32, #tpu.memory_space<vmem>>, vector<16xf32>,
      %sub3A_652 = arith.subf %get3A_651, %gather3A_648 : vector<16xf32>
      %mul3A_653 = arith.mulf %sub3A_652, %sub3A_652 : vector<16xf32>
      %add3A_654 = arith.addf %scan3A_637, %mul3A_653 : vector<16xf32>
      %add3A_655 = arith.addi %scan3A_635, %get3A_273 : vector<16xi32>
      %gather3A_656 = tpu.vector_load_idx %arg9[%add3A_655] : memref<3672xf32, #tpu.memory_space<vmem>>[vector<16xi32>], vector<16xf32>,
      %get3A_657 = arith.index_cast %scan3A_634 : i32 to index
      %get3A_658 = arith.constant 32 : index
      %get3A_659 = tpu.vector_load %arg8[%get3A_657, %get3A_658] {strides = array<i32>} : memref<72x1024xf32, #tpu.memory_space<vmem>>, vector<16xf32>,
      %sub3A_660 = arith.subf %get3A_659, %gather3A_656 : vector<16xf32>
      %mul3A_661 = arith.mulf %sub3A_660, %sub3A_660 : vector<16xf32>
      %add3A_662 = arith.addf %scan3A_638, %mul3A_661 : vector<16xf32>
      %add3A_663 = arith.addi %scan3A_635, %get3A_275 : vector<16xi32>
      %gather3A_664 = tpu.vector_load_idx %arg9[%add3A_663] : memref<3672xf32, #tpu.memory_space<vmem>>[vector<16xi32>], vector<16xf32>,
      %get3A_665 = arith.index_cast %scan3A_634 : i32 to index
      %get3A_666 = arith.constant 48 : index
      %get3A_667 = tpu.vector_load %arg8[%get3A_665, %get3A_666] {strides = array<i32>} : memref<72x1024xf32, #tpu.memory_space<vmem>>, vector<16xf32>,
      %sub3A_668 = arith.subf %get3A_667, %gather3A_664 : vector<16xf32>
      %mul3A_669 = arith.mulf %sub3A_668, %sub3A_668 : vector<16xf32>
      %add3A_670 = arith.addf %scan3A_639, %mul3A_669 : vector<16xf32>
      %add3A_671 = arith.addi %scan3A_635, %get3A_277 : vector<16xi32>
      %gather3A_672 = tpu.vector_load_idx %arg9[%add3A_671] : memref<3672xf32, #tpu.memory_space<vmem>>[vector<16xi32>], vector<16xf32>,
      %get3A_673 = arith.index_cast %scan3A_634 : i32 to index
      %get3A_674 = arith.constant 64 : index
      %get3A_675 = tpu.vector_load %arg8[%get3A_673, %get3A_674] {strides = array<i32>} : memref<72x1024xf32, #tpu.memory_space<vmem>>, vector<16xf32>,
      %sub3A_676 = arith.subf %get3A_675, %gather3A_672 : vector<16xf32>
      %mul3A_677 = arith.mulf %sub3A_676, %sub3A_676 : vector<16xf32>
      %add3A_678 = arith.addf %add3A_646, %mul3A_677 : vector<16xf32>
      %add3A_679 = arith.addi %scan3A_635, %get3A_279 : vector<16xi32>
      %gather3A_680 = tpu.vector_load_idx %arg9[%add3A_679] : memref<3672xf32, #tpu.memory_space<vmem>>[vector<16xi32>], vector<16xf32>,
      %get3A_681 = arith.index_cast %scan3A_634 : i32 to index
      %get3A_682 = arith.constant 80 : index
      %get3A_683 = tpu.vector_load %arg8[%get3A_681, %get3A_682] {strides = array<i32>} : memref<72x1024xf32, #tpu.memory_space<vmem>>, vector<16xf32>,
      %sub3A_684 = arith.subf %get3A_683, %gather3A_680 : vector<16xf32>
      %mul3A_685 = arith.mulf %sub3A_684, %sub3A_684 : vector<16xf32>
      %add3A_686 = arith.addf %add3A_654, %mul3A_685 : vector<16xf32>
      %add3A_687 = arith.addi %scan3A_635, %get3A_281 : vector<16xi32>
      %gather3A_688 = tpu.vector_load_idx %arg9[%add3A_687] : memref<3672xf32, #tpu.memory_space<vmem>>[vector<16xi32>], vector<16xf32>,
      %get3A_689 = arith.index_cast %scan3A_634 : i32 to index
      %get3A_690 = arith.constant 96 : index
      %get3A_691 = tpu.vector_load %arg8[%get3A_689, %get3A_690] {strides = array<i32>} : memref<72x1024xf32, #tpu.memory_space<vmem>>, vector<16xf32>,
      %sub3A_692 = arith.subf %get3A_691, %gather3A_688 : vector<16xf32>
      %mul3A_693 = arith.mulf %sub3A_692, %sub3A_692 : vector<16xf32>
      %add3A_694 = arith.addf %add3A_662, %mul3A_693 : vector<16xf32>
      %add3A_695 = arith.addi %scan3A_635, %get3A_283 : vector<16xi32>
      %gather3A_696 = tpu.vector_load_idx %arg9[%add3A_695] : memref<3672xf32, #tpu.memory_space<vmem>>[vector<16xi32>], vector<16xf32>,
      %get3A_697 = arith.index_cast %scan3A_634 : i32 to index
      %get3A_698 = arith.constant 112 : index
      %get3A_699 = tpu.vector_load %arg8[%get3A_697, %get3A_698] {strides = array<i32>} : memref<72x1024xf32, #tpu.memory_space<vmem>>, vector<16xf32>,
      %sub3A_700 = arith.subf %get3A_699, %gather3A_696 : vector<16xf32>
      %mul3A_701 = arith.mulf %sub3A_700, %sub3A_700 : vector<16xf32>
      %add3A_702 = arith.addf %add3A_670, %mul3A_701 : vector<16xf32>
      %add3A_703 = arith.addi %scan3A_635, %get3A_285 : vector<16xi32>
      %gather3A_704 = tpu.vector_load_idx %arg9[%add3A_703] : memref<3672xf32, #tpu.memory_space<vmem>>[vector<16xi32>], vector<16xf32>,
      %get3A_705 = arith.index_cast %scan3A_634 : i32 to index
      %get3A_706 = arith.constant 128 : index
      %get3A_707 = tpu.vector_load %arg8[%get3A_705, %get3A_706] {strides = array<i32>} : memref<72x1024xf32, #tpu.memory_space<vmem>>, vector<16xf32>,
      %sub3A_708 = arith.subf %get3A_707, %gather3A_704 : vector<16xf32>
      %mul3A_709 = arith.mulf %sub3A_708, %sub3A_708 : vector<16xf32>
      %add3A_710 = arith.addf %add3A_678, %mul3A_709 : vector<16xf32>
      %add3A_711 = arith.addi %scan3A_635, %get3A_287 : vector<16xi32>
      %gather3A_712 = tpu.vector_load_idx %arg9[%add3A_711] : memref<3672xf32, #tpu.memory_space<vmem>>[vector<16xi32>], vector<16xf32>,
      %get3A_713 = arith.index_cast %scan3A_634 : i32 to index
      %get3A_714 = arith.constant 144 : index
      %get3A_715 = tpu.vector_load %arg8[%get3A_713, %get3A_714] {strides = array<i32>} : memref<72x1024xf32, #tpu.memory_space<vmem>>, vector<16xf32>,
      %sub3A_716 = arith.subf %get3A_715, %gather3A_712 : vector<16xf32>
      %mul3A_717 = arith.mulf %sub3A_716, %sub3A_716 : vector<16xf32>
      %add3A_718 = arith.addf %add3A_686, %mul3A_717 : vector<16xf32>
      %add3A_719 = arith.addi %scan3A_635, %get3A_289 : vector<16xi32>
      %gather3A_720 = tpu.vector_load_idx %arg9[%add3A_719] : memref<3672xf32, #tpu.memory_space<vmem>>[vector<16xi32>], vector<16xf32>,
      %get3A_721 = arith.index_cast %scan3A_634 : i32 to index
      %get3A_722 = arith.constant 160 : index
      %get3A_723 = tpu.vector_load %arg8[%get3A_721, %get3A_722] {strides = array<i32>} : memref<72x1024xf32, #tpu.memory_space<vmem>>, vector<16xf32>,
      %sub3A_724 = arith.subf %get3A_723, %gather3A_720 : vector<16xf32>
      %mul3A_725 = arith.mulf %sub3A_724, %sub3A_724 : vector<16xf32>
      %add3A_726 = arith.addf %add3A_694, %mul3A_725 : vector<16xf32>
      %add3A_727 = arith.addi %scan3A_635, %get3A_291 : vector<16xi32>
      %gather3A_728 = tpu.vector_load_idx %arg9[%add3A_727] : memref<3672xf32, #tpu.memory_space<vmem>>[vector<16xi32>], vector<16xf32>,
      %get3A_729 = arith.index_cast %scan3A_634 : i32 to index
      %get3A_730 = arith.constant 176 : index
      %get3A_731 = tpu.vector_load %arg8[%get3A_729, %get3A_730] {strides = array<i32>} : memref<72x1024xf32, #tpu.memory_space<vmem>>, vector<16xf32>,
      %sub3A_732 = arith.subf %get3A_731, %gather3A_728 : vector<16xf32>
      %mul3A_733 = arith.mulf %sub3A_732, %sub3A_732 : vector<16xf32>
      %add3A_734 = arith.addf %add3A_702, %mul3A_733 : vector<16xf32>
      %add3A_735 = arith.addi %scan3A_635, %get3A_293 : vector<16xi32>
      %gather3A_736 = tpu.vector_load_idx %arg9[%add3A_735] : memref<3672xf32, #tpu.memory_space<vmem>>[vector<16xi32>], vector<16xf32>,
      %get3A_737 = arith.index_cast %scan3A_634 : i32 to index
      %get3A_738 = arith.constant 192 : index
      %get3A_739 = tpu.vector_load %arg8[%get3A_737, %get3A_738] {strides = array<i32>} : memref<72x1024xf32, #tpu.memory_space<vmem>>, vector<16xf32>,
      %sub3A_740 = arith.subf %get3A_739, %gather3A_736 : vector<16xf32>
      %mul3A_741 = arith.mulf %sub3A_740, %sub3A_740 : vector<16xf32>
      %add3A_742 = arith.addf %add3A_710, %mul3A_741 : vector<16xf32>
      %add3A_743 = arith.addi %scan3A_635, %get3A_295 : vector<16xi32>
      %gather3A_744 = tpu.vector_load_idx %arg9[%add3A_743] : memref<3672xf32, #tpu.memory_space<vmem>>[vector<16xi32>], vector<16xf32>,
      %get3A_745 = arith.index_cast %scan3A_634 : i32 to index
      %get3A_746 = arith.constant 208 : index
      %get3A_747 = tpu.vector_load %arg8[%get3A_745, %get3A_746] {strides = array<i32>} : memref<72x1024xf32, #tpu.memory_space<vmem>>, vector<16xf32>,
      %sub3A_748 = arith.subf %get3A_747, %gather3A_744 : vector<16xf32>
      %mul3A_749 = arith.mulf %sub3A_748, %sub3A_748 : vector<16xf32>
      %add3A_750 = arith.addf %add3A_718, %mul3A_749 : vector<16xf32>
      %add3A_751 = arith.addi %scan3A_635, %get3A_297 : vector<16xi32>
      %gather3A_752 = tpu.vector_load_idx %arg9[%add3A_751] : memref<3672xf32, #tpu.memory_space<vmem>>[vector<16xi32>], vector<16xf32>,
      %get3A_753 = arith.index_cast %scan3A_634 : i32 to index
      %get3A_754 = arith.constant 224 : index
      %get3A_755 = tpu.vector_load %arg8[%get3A_753, %get3A_754] {strides = array<i32>} : memref<72x1024xf32, #tpu.memory_space<vmem>>, vector<16xf32>,
      %sub3A_756 = arith.subf %get3A_755, %gather3A_752 : vector<16xf32>
      %mul3A_757 = arith.mulf %sub3A_756, %sub3A_756 : vector<16xf32>
      %add3A_758 = arith.addf %add3A_726, %mul3A_757 : vector<16xf32>
      %add3A_759 = arith.addi %scan3A_635, %get3A_299 : vector<16xi32>
      %gather3A_760 = tpu.vector_load_idx %arg9[%add3A_759] : memref<3672xf32, #tpu.memory_space<vmem>>[vector<16xi32>], vector<16xf32>,
      %get3A_761 = arith.index_cast %scan3A_634 : i32 to index
      %get3A_762 = arith.constant 240 : index
      %get3A_763 = tpu.vector_load %arg8[%get3A_761, %get3A_762] {strides = array<i32>} : memref<72x1024xf32, #tpu.memory_space<vmem>>, vector<16xf32>,
      %sub3A_764 = arith.subf %get3A_763, %gather3A_760 : vector<16xf32>
      %mul3A_765 = arith.mulf %sub3A_764, %sub3A_764 : vector<16xf32>
      %add3A_766 = arith.addf %add3A_734, %mul3A_765 : vector<16xf32>
      %add3A_767 = arith.constant 51 : i32
      %add3A_768 = vector.broadcast %add3A_767 : i32 to vector<16xi32>
      %add3A_769 = arith.addi %scan3A_635, %add3A_768 : vector<16xi32>
      scf.yield %add3A_769, %add3A_742, %add3A_750, %add3A_758, %add3A_766 : vector<16xi32>, vector<16xf32>, vector<16xf32>, vector<16xf32>, vector<16xf32>
    }
    %scan3A_307 = arith.constant 32 : i32
    %get3A_308 = arith.constant 256 : index
    %get3A_309 = tpu.vector_load %arg7[%get3A_308] {strides = array<i32>} : memref<1024xi32, #tpu.memory_space<vmem>>, vector<16xi32>,
    %get3A_310 = arith.constant 272 : index
    %get3A_311 = tpu.vector_load %arg7[%get3A_310] {strides = array<i32>} : memref<1024xi32, #tpu.memory_space<vmem>>, vector<16xi32>,
    %get3A_312 = arith.constant 288 : index
    %get3A_313 = tpu.vector_load %arg7[%get3A_312] {strides = array<i32>} : memref<1024xi32, #tpu.memory_space<vmem>>, vector<16xi32>,
    %get3A_314 = arith.constant 304 : index
    %get3A_315 = tpu.vector_load %arg7[%get3A_314] {strides = array<i32>} : memref<1024xi32, #tpu.memory_space<vmem>>, vector<16xi32>,
    %get3A_316 = arith.constant 320 : index
    %get3A_317 = tpu.vector_load %arg7[%get3A_316] {strides = array<i32>} : memref<1024xi32, #tpu.memory_space<vmem>>, vector<16xi32>,
    %get3A_318 = arith.constant 336 : index
    %get3A_319 = tpu.vector_load %arg7[%get3A_318] {strides = array<i32>} : memref<1024xi32, #tpu.memory_space<vmem>>, vector<16xi32>,
    %get3A_320 = arith.constant 352 : index
    %get3A_321 = tpu.vector_load %arg7[%get3A_320] {strides = array<i32>} : memref<1024xi32, #tpu.memory_space<vmem>>, vector<16xi32>,
    %get3A_322 = arith.constant 368 : index
    %get3A_323 = tpu.vector_load %arg7[%get3A_322] {strides = array<i32>} : memref<1024xi32, #tpu.memory_space<vmem>>, vector<16xi32>,
    %get3A_324 = arith.constant 384 : index
    %get3A_325 = tpu.vector_load %arg7[%get3A_324] {strides = array<i32>} : memref<1024xi32, #tpu.memory_space<vmem>>, vector<16xi32>,
    %get3A_326 = arith.constant 400 : index
    %get3A_327 = tpu.vector_load %arg7[%get3A_326] {strides = array<i32>} : memref<1024xi32, #tpu.memory_space<vmem>>, vector<16xi32>,
    %get3A_328 = arith.constant 416 : index
    %get3A_329 = tpu.vector_load %arg7[%get3A_328] {strides = array<i32>} : memref<1024xi32, #tpu.memory_space<vmem>>, vector<16xi32>,
    %get3A_330 = arith.constant 432 : index
    %get3A_331 = tpu.vector_load %arg7[%get3A_330] {strides = array<i32>} : memref<1024xi32, #tpu.memory_space<vmem>>, vector<16xi32>,
    %get3A_332 = arith.constant 448 : index
    %get3A_333 = tpu.vector_load %arg7[%get3A_332] {strides = array<i32>} : memref<1024xi32, #tpu.memory_space<vmem>>, vector<16xi32>,
    %get3A_334 = arith.constant 464 : index
    %get3A_335 = tpu.vector_load %arg7[%get3A_334] {strides = array<i32>} : memref<1024xi32, #tpu.memory_space<vmem>>, vector<16xi32>,
    %get3A_336 = arith.constant 480 : index
    %get3A_337 = tpu.vector_load %arg7[%get3A_336] {strides = array<i32>} : memref<1024xi32, #tpu.memory_space<vmem>>, vector<16xi32>,
    %get3A_338 = arith.constant 496 : index
    %get3A_339 = tpu.vector_load %arg7[%get3A_338] {strides = array<i32>} : memref<1024xi32, #tpu.memory_space<vmem>>, vector<16xi32>,
    %broadcast_in_dim3A_340 = arith.constant 408 : i32
    %broadcast_in_dim3A_341 = vector.broadcast %broadcast_in_dim3A_340 : i32 to vector<16xi32>
    %scan3A_342 = arith.constant 8 : i32
    %scan3A_343 = arith.constant 32 : i32
    %scan3A_344 = arith.addi %scan3A_342, %scan3A_343 : i32
    %scan3A_345 = arith.constant 1 : i32
    %scan3A_346:5 = scf.for %scan3A_634 = %scan3A_342 to %scan3A_344 step %scan3A_345 iter_args(%scan3A_635 = %broadcast_in_dim3A_341, %scan3A_636 = %scan3A_306#1, %scan3A_637 = %scan3A_306#2, %scan3A_638 = %scan3A_306#3, %scan3A_639 = %scan3A_306#4) -> (vector<16xi32>, vector<16xf32>, vector<16xf32>, vector<16xf32>, vector<16xf32>)  : i32 {
      %add3A_640 = arith.addi %scan3A_635, %get3A_309 : vector<16xi32>
      %gather3A = tpu.vector_load_idx %arg9[%add3A_640] : memref<3672xf32, #tpu.memory_space<vmem>>[vector<16xi32>], vector<16xf32>,
      %get3A_641 = arith.index_cast %scan3A_634 : i32 to index
      %get3A_642 = arith.constant 256 : index
      %get3A_643 = tpu.vector_load %arg8[%get3A_641, %get3A_642] {strides = array<i32>} : memref<72x1024xf32, #tpu.memory_space<vmem>>, vector<16xf32>,
      %sub3A_644 = arith.subf %get3A_643, %gather3A : vector<16xf32>
      %mul3A_645 = arith.mulf %sub3A_644, %sub3A_644 : vector<16xf32>
      %add3A_646 = arith.addf %scan3A_636, %mul3A_645 : vector<16xf32>
      %add3A_647 = arith.addi %scan3A_635, %get3A_311 : vector<16xi32>
      %gather3A_648 = tpu.vector_load_idx %arg9[%add3A_647] : memref<3672xf32, #tpu.memory_space<vmem>>[vector<16xi32>], vector<16xf32>,
      %get3A_649 = arith.index_cast %scan3A_634 : i32 to index
      %get3A_650 = arith.constant 272 : index
      %get3A_651 = tpu.vector_load %arg8[%get3A_649, %get3A_650] {strides = array<i32>} : memref<72x1024xf32, #tpu.memory_space<vmem>>, vector<16xf32>,
      %sub3A_652 = arith.subf %get3A_651, %gather3A_648 : vector<16xf32>
      %mul3A_653 = arith.mulf %sub3A_652, %sub3A_652 : vector<16xf32>
      %add3A_654 = arith.addf %scan3A_637, %mul3A_653 : vector<16xf32>
      %add3A_655 = arith.addi %scan3A_635, %get3A_313 : vector<16xi32>
      %gather3A_656 = tpu.vector_load_idx %arg9[%add3A_655] : memref<3672xf32, #tpu.memory_space<vmem>>[vector<16xi32>], vector<16xf32>,
      %get3A_657 = arith.index_cast %scan3A_634 : i32 to index
      %get3A_658 = arith.constant 288 : index
      %get3A_659 = tpu.vector_load %arg8[%get3A_657, %get3A_658] {strides = array<i32>} : memref<72x1024xf32, #tpu.memory_space<vmem>>, vector<16xf32>,
      %sub3A_660 = arith.subf %get3A_659, %gather3A_656 : vector<16xf32>
      %mul3A_661 = arith.mulf %sub3A_660, %sub3A_660 : vector<16xf32>
      %add3A_662 = arith.addf %scan3A_638, %mul3A_661 : vector<16xf32>
      %add3A_663 = arith.addi %scan3A_635, %get3A_315 : vector<16xi32>
      %gather3A_664 = tpu.vector_load_idx %arg9[%add3A_663] : memref<3672xf32, #tpu.memory_space<vmem>>[vector<16xi32>], vector<16xf32>,
      %get3A_665 = arith.index_cast %scan3A_634 : i32 to index
      %get3A_666 = arith.constant 304 : index
      %get3A_667 = tpu.vector_load %arg8[%get3A_665, %get3A_666] {strides = array<i32>} : memref<72x1024xf32, #tpu.memory_space<vmem>>, vector<16xf32>,
      %sub3A_668 = arith.subf %get3A_667, %gather3A_664 : vector<16xf32>
      %mul3A_669 = arith.mulf %sub3A_668, %sub3A_668 : vector<16xf32>
      %add3A_670 = arith.addf %scan3A_639, %mul3A_669 : vector<16xf32>
      %add3A_671 = arith.addi %scan3A_635, %get3A_317 : vector<16xi32>
      %gather3A_672 = tpu.vector_load_idx %arg9[%add3A_671] : memref<3672xf32, #tpu.memory_space<vmem>>[vector<16xi32>], vector<16xf32>,
      %get3A_673 = arith.index_cast %scan3A_634 : i32 to index
      %get3A_674 = arith.constant 320 : index
      %get3A_675 = tpu.vector_load %arg8[%get3A_673, %get3A_674] {strides = array<i32>} : memref<72x1024xf32, #tpu.memory_space<vmem>>, vector<16xf32>,
      %sub3A_676 = arith.subf %get3A_675, %gather3A_672 : vector<16xf32>
      %mul3A_677 = arith.mulf %sub3A_676, %sub3A_676 : vector<16xf32>
      %add3A_678 = arith.addf %add3A_646, %mul3A_677 : vector<16xf32>
      %add3A_679 = arith.addi %scan3A_635, %get3A_319 : vector<16xi32>
      %gather3A_680 = tpu.vector_load_idx %arg9[%add3A_679] : memref<3672xf32, #tpu.memory_space<vmem>>[vector<16xi32>], vector<16xf32>,
      %get3A_681 = arith.index_cast %scan3A_634 : i32 to index
      %get3A_682 = arith.constant 336 : index
      %get3A_683 = tpu.vector_load %arg8[%get3A_681, %get3A_682] {strides = array<i32>} : memref<72x1024xf32, #tpu.memory_space<vmem>>, vector<16xf32>,
      %sub3A_684 = arith.subf %get3A_683, %gather3A_680 : vector<16xf32>
      %mul3A_685 = arith.mulf %sub3A_684, %sub3A_684 : vector<16xf32>
      %add3A_686 = arith.addf %add3A_654, %mul3A_685 : vector<16xf32>
      %add3A_687 = arith.addi %scan3A_635, %get3A_321 : vector<16xi32>
      %gather3A_688 = tpu.vector_load_idx %arg9[%add3A_687] : memref<3672xf32, #tpu.memory_space<vmem>>[vector<16xi32>], vector<16xf32>,
      %get3A_689 = arith.index_cast %scan3A_634 : i32 to index
      %get3A_690 = arith.constant 352 : index
      %get3A_691 = tpu.vector_load %arg8[%get3A_689, %get3A_690] {strides = array<i32>} : memref<72x1024xf32, #tpu.memory_space<vmem>>, vector<16xf32>,
      %sub3A_692 = arith.subf %get3A_691, %gather3A_688 : vector<16xf32>
      %mul3A_693 = arith.mulf %sub3A_692, %sub3A_692 : vector<16xf32>
      %add3A_694 = arith.addf %add3A_662, %mul3A_693 : vector<16xf32>
      %add3A_695 = arith.addi %scan3A_635, %get3A_323 : vector<16xi32>
      %gather3A_696 = tpu.vector_load_idx %arg9[%add3A_695] : memref<3672xf32, #tpu.memory_space<vmem>>[vector<16xi32>], vector<16xf32>,
      %get3A_697 = arith.index_cast %scan3A_634 : i32 to index
      %get3A_698 = arith.constant 368 : index
      %get3A_699 = tpu.vector_load %arg8[%get3A_697, %get3A_698] {strides = array<i32>} : memref<72x1024xf32, #tpu.memory_space<vmem>>, vector<16xf32>,
      %sub3A_700 = arith.subf %get3A_699, %gather3A_696 : vector<16xf32>
      %mul3A_701 = arith.mulf %sub3A_700, %sub3A_700 : vector<16xf32>
      %add3A_702 = arith.addf %add3A_670, %mul3A_701 : vector<16xf32>
      %add3A_703 = arith.addi %scan3A_635, %get3A_325 : vector<16xi32>
      %gather3A_704 = tpu.vector_load_idx %arg9[%add3A_703] : memref<3672xf32, #tpu.memory_space<vmem>>[vector<16xi32>], vector<16xf32>,
      %get3A_705 = arith.index_cast %scan3A_634 : i32 to index
      %get3A_706 = arith.constant 384 : index
      %get3A_707 = tpu.vector_load %arg8[%get3A_705, %get3A_706] {strides = array<i32>} : memref<72x1024xf32, #tpu.memory_space<vmem>>, vector<16xf32>,
      %sub3A_708 = arith.subf %get3A_707, %gather3A_704 : vector<16xf32>
      %mul3A_709 = arith.mulf %sub3A_708, %sub3A_708 : vector<16xf32>
      %add3A_710 = arith.addf %add3A_678, %mul3A_709 : vector<16xf32>
      %add3A_711 = arith.addi %scan3A_635, %get3A_327 : vector<16xi32>
      %gather3A_712 = tpu.vector_load_idx %arg9[%add3A_711] : memref<3672xf32, #tpu.memory_space<vmem>>[vector<16xi32>], vector<16xf32>,
      %get3A_713 = arith.index_cast %scan3A_634 : i32 to index
      %get3A_714 = arith.constant 400 : index
      %get3A_715 = tpu.vector_load %arg8[%get3A_713, %get3A_714] {strides = array<i32>} : memref<72x1024xf32, #tpu.memory_space<vmem>>, vector<16xf32>,
      %sub3A_716 = arith.subf %get3A_715, %gather3A_712 : vector<16xf32>
      %mul3A_717 = arith.mulf %sub3A_716, %sub3A_716 : vector<16xf32>
      %add3A_718 = arith.addf %add3A_686, %mul3A_717 : vector<16xf32>
      %add3A_719 = arith.addi %scan3A_635, %get3A_329 : vector<16xi32>
      %gather3A_720 = tpu.vector_load_idx %arg9[%add3A_719] : memref<3672xf32, #tpu.memory_space<vmem>>[vector<16xi32>], vector<16xf32>,
      %get3A_721 = arith.index_cast %scan3A_634 : i32 to index
      %get3A_722 = arith.constant 416 : index
      %get3A_723 = tpu.vector_load %arg8[%get3A_721, %get3A_722] {strides = array<i32>} : memref<72x1024xf32, #tpu.memory_space<vmem>>, vector<16xf32>,
      %sub3A_724 = arith.subf %get3A_723, %gather3A_720 : vector<16xf32>
      %mul3A_725 = arith.mulf %sub3A_724, %sub3A_724 : vector<16xf32>
      %add3A_726 = arith.addf %add3A_694, %mul3A_725 : vector<16xf32>
      %add3A_727 = arith.addi %scan3A_635, %get3A_331 : vector<16xi32>
      %gather3A_728 = tpu.vector_load_idx %arg9[%add3A_727] : memref<3672xf32, #tpu.memory_space<vmem>>[vector<16xi32>], vector<16xf32>,
      %get3A_729 = arith.index_cast %scan3A_634 : i32 to index
      %get3A_730 = arith.constant 432 : index
      %get3A_731 = tpu.vector_load %arg8[%get3A_729, %get3A_730] {strides = array<i32>} : memref<72x1024xf32, #tpu.memory_space<vmem>>, vector<16xf32>,
      %sub3A_732 = arith.subf %get3A_731, %gather3A_728 : vector<16xf32>
      %mul3A_733 = arith.mulf %sub3A_732, %sub3A_732 : vector<16xf32>
      %add3A_734 = arith.addf %add3A_702, %mul3A_733 : vector<16xf32>
      %add3A_735 = arith.addi %scan3A_635, %get3A_333 : vector<16xi32>
      %gather3A_736 = tpu.vector_load_idx %arg9[%add3A_735] : memref<3672xf32, #tpu.memory_space<vmem>>[vector<16xi32>], vector<16xf32>,
      %get3A_737 = arith.index_cast %scan3A_634 : i32 to index
      %get3A_738 = arith.constant 448 : index
      %get3A_739 = tpu.vector_load %arg8[%get3A_737, %get3A_738] {strides = array<i32>} : memref<72x1024xf32, #tpu.memory_space<vmem>>, vector<16xf32>,
      %sub3A_740 = arith.subf %get3A_739, %gather3A_736 : vector<16xf32>
      %mul3A_741 = arith.mulf %sub3A_740, %sub3A_740 : vector<16xf32>
      %add3A_742 = arith.addf %add3A_710, %mul3A_741 : vector<16xf32>
      %add3A_743 = arith.addi %scan3A_635, %get3A_335 : vector<16xi32>
      %gather3A_744 = tpu.vector_load_idx %arg9[%add3A_743] : memref<3672xf32, #tpu.memory_space<vmem>>[vector<16xi32>], vector<16xf32>,
      %get3A_745 = arith.index_cast %scan3A_634 : i32 to index
      %get3A_746 = arith.constant 464 : index
      %get3A_747 = tpu.vector_load %arg8[%get3A_745, %get3A_746] {strides = array<i32>} : memref<72x1024xf32, #tpu.memory_space<vmem>>, vector<16xf32>,
      %sub3A_748 = arith.subf %get3A_747, %gather3A_744 : vector<16xf32>
      %mul3A_749 = arith.mulf %sub3A_748, %sub3A_748 : vector<16xf32>
      %add3A_750 = arith.addf %add3A_718, %mul3A_749 : vector<16xf32>
      %add3A_751 = arith.addi %scan3A_635, %get3A_337 : vector<16xi32>
      %gather3A_752 = tpu.vector_load_idx %arg9[%add3A_751] : memref<3672xf32, #tpu.memory_space<vmem>>[vector<16xi32>], vector<16xf32>,
      %get3A_753 = arith.index_cast %scan3A_634 : i32 to index
      %get3A_754 = arith.constant 480 : index
      %get3A_755 = tpu.vector_load %arg8[%get3A_753, %get3A_754] {strides = array<i32>} : memref<72x1024xf32, #tpu.memory_space<vmem>>, vector<16xf32>,
      %sub3A_756 = arith.subf %get3A_755, %gather3A_752 : vector<16xf32>
      %mul3A_757 = arith.mulf %sub3A_756, %sub3A_756 : vector<16xf32>
      %add3A_758 = arith.addf %add3A_726, %mul3A_757 : vector<16xf32>
      %add3A_759 = arith.addi %scan3A_635, %get3A_339 : vector<16xi32>
      %gather3A_760 = tpu.vector_load_idx %arg9[%add3A_759] : memref<3672xf32, #tpu.memory_space<vmem>>[vector<16xi32>], vector<16xf32>,
      %get3A_761 = arith.index_cast %scan3A_634 : i32 to index
      %get3A_762 = arith.constant 496 : index
      %get3A_763 = tpu.vector_load %arg8[%get3A_761, %get3A_762] {strides = array<i32>} : memref<72x1024xf32, #tpu.memory_space<vmem>>, vector<16xf32>,
      %sub3A_764 = arith.subf %get3A_763, %gather3A_760 : vector<16xf32>
      %mul3A_765 = arith.mulf %sub3A_764, %sub3A_764 : vector<16xf32>
      %add3A_766 = arith.addf %add3A_734, %mul3A_765 : vector<16xf32>
      %add3A_767 = arith.constant 51 : i32
      %add3A_768 = vector.broadcast %add3A_767 : i32 to vector<16xi32>
      %add3A_769 = arith.addi %scan3A_635, %add3A_768 : vector<16xi32>
      scf.yield %add3A_769, %add3A_742, %add3A_750, %add3A_758, %add3A_766 : vector<16xi32>, vector<16xf32>, vector<16xf32>, vector<16xf32>, vector<16xf32>
    }
    %scan3A_347 = arith.constant 32 : i32
    %get3A_348 = arith.constant 512 : index
    %get3A_349 = tpu.vector_load %arg7[%get3A_348] {strides = array<i32>} : memref<1024xi32, #tpu.memory_space<vmem>>, vector<16xi32>,
    %get3A_350 = arith.constant 528 : index
    %get3A_351 = tpu.vector_load %arg7[%get3A_350] {strides = array<i32>} : memref<1024xi32, #tpu.memory_space<vmem>>, vector<16xi32>,
    %get3A_352 = arith.constant 544 : index
    %get3A_353 = tpu.vector_load %arg7[%get3A_352] {strides = array<i32>} : memref<1024xi32, #tpu.memory_space<vmem>>, vector<16xi32>,
    %get3A_354 = arith.constant 560 : index
    %get3A_355 = tpu.vector_load %arg7[%get3A_354] {strides = array<i32>} : memref<1024xi32, #tpu.memory_space<vmem>>, vector<16xi32>,
    %get3A_356 = arith.constant 576 : index
    %get3A_357 = tpu.vector_load %arg7[%get3A_356] {strides = array<i32>} : memref<1024xi32, #tpu.memory_space<vmem>>, vector<16xi32>,
    %get3A_358 = arith.constant 592 : index
    %get3A_359 = tpu.vector_load %arg7[%get3A_358] {strides = array<i32>} : memref<1024xi32, #tpu.memory_space<vmem>>, vector<16xi32>,
    %get3A_360 = arith.constant 608 : index
    %get3A_361 = tpu.vector_load %arg7[%get3A_360] {strides = array<i32>} : memref<1024xi32, #tpu.memory_space<vmem>>, vector<16xi32>,
    %get3A_362 = arith.constant 624 : index
    %get3A_363 = tpu.vector_load %arg7[%get3A_362] {strides = array<i32>} : memref<1024xi32, #tpu.memory_space<vmem>>, vector<16xi32>,
    %get3A_364 = arith.constant 640 : index
    %get3A_365 = tpu.vector_load %arg7[%get3A_364] {strides = array<i32>} : memref<1024xi32, #tpu.memory_space<vmem>>, vector<16xi32>,
    %get3A_366 = arith.constant 656 : index
    %get3A_367 = tpu.vector_load %arg7[%get3A_366] {strides = array<i32>} : memref<1024xi32, #tpu.memory_space<vmem>>, vector<16xi32>,
    %get3A_368 = arith.constant 672 : index
    %get3A_369 = tpu.vector_load %arg7[%get3A_368] {strides = array<i32>} : memref<1024xi32, #tpu.memory_space<vmem>>, vector<16xi32>,
    %get3A_370 = arith.constant 688 : index
    %get3A_371 = tpu.vector_load %arg7[%get3A_370] {strides = array<i32>} : memref<1024xi32, #tpu.memory_space<vmem>>, vector<16xi32>,
    %get3A_372 = arith.constant 704 : index
    %get3A_373 = tpu.vector_load %arg7[%get3A_372] {strides = array<i32>} : memref<1024xi32, #tpu.memory_space<vmem>>, vector<16xi32>,
    %get3A_374 = arith.constant 720 : index
    %get3A_375 = tpu.vector_load %arg7[%get3A_374] {strides = array<i32>} : memref<1024xi32, #tpu.memory_space<vmem>>, vector<16xi32>,
    %get3A_376 = arith.constant 736 : index
    %get3A_377 = tpu.vector_load %arg7[%get3A_376] {strides = array<i32>} : memref<1024xi32, #tpu.memory_space<vmem>>, vector<16xi32>,
    %get3A_378 = arith.constant 752 : index
    %get3A_379 = tpu.vector_load %arg7[%get3A_378] {strides = array<i32>} : memref<1024xi32, #tpu.memory_space<vmem>>, vector<16xi32>,
    %broadcast_in_dim3A_380 = arith.constant 408 : i32
    %broadcast_in_dim3A_381 = vector.broadcast %broadcast_in_dim3A_380 : i32 to vector<16xi32>
    %scan3A_382 = arith.constant 8 : i32
    %scan3A_383 = arith.constant 32 : i32
    %scan3A_384 = arith.addi %scan3A_382, %scan3A_383 : i32
    %scan3A_385 = arith.constant 1 : i32
    %scan3A_386:5 = scf.for %scan3A_634 = %scan3A_382 to %scan3A_384 step %scan3A_385 iter_args(%scan3A_635 = %broadcast_in_dim3A_381, %scan3A_636 = %scan3A_346#1, %scan3A_637 = %scan3A_346#2, %scan3A_638 = %scan3A_346#3, %scan3A_639 = %scan3A_346#4) -> (vector<16xi32>, vector<16xf32>, vector<16xf32>, vector<16xf32>, vector<16xf32>)  : i32 {
      %add3A_640 = arith.addi %scan3A_635, %get3A_349 : vector<16xi32>
      %gather3A = tpu.vector_load_idx %arg9[%add3A_640] : memref<3672xf32, #tpu.memory_space<vmem>>[vector<16xi32>], vector<16xf32>,
      %get3A_641 = arith.index_cast %scan3A_634 : i32 to index
      %get3A_642 = arith.constant 512 : index
      %get3A_643 = tpu.vector_load %arg8[%get3A_641, %get3A_642] {strides = array<i32>} : memref<72x1024xf32, #tpu.memory_space<vmem>>, vector<16xf32>,
      %sub3A_644 = arith.subf %get3A_643, %gather3A : vector<16xf32>
      %mul3A_645 = arith.mulf %sub3A_644, %sub3A_644 : vector<16xf32>
      %add3A_646 = arith.addf %scan3A_636, %mul3A_645 : vector<16xf32>
      %add3A_647 = arith.addi %scan3A_635, %get3A_351 : vector<16xi32>
      %gather3A_648 = tpu.vector_load_idx %arg9[%add3A_647] : memref<3672xf32, #tpu.memory_space<vmem>>[vector<16xi32>], vector<16xf32>,
      %get3A_649 = arith.index_cast %scan3A_634 : i32 to index
      %get3A_650 = arith.constant 528 : index
      %get3A_651 = tpu.vector_load %arg8[%get3A_649, %get3A_650] {strides = array<i32>} : memref<72x1024xf32, #tpu.memory_space<vmem>>, vector<16xf32>,
      %sub3A_652 = arith.subf %get3A_651, %gather3A_648 : vector<16xf32>
      %mul3A_653 = arith.mulf %sub3A_652, %sub3A_652 : vector<16xf32>
      %add3A_654 = arith.addf %scan3A_637, %mul3A_653 : vector<16xf32>
      %add3A_655 = arith.addi %scan3A_635, %get3A_353 : vector<16xi32>
      %gather3A_656 = tpu.vector_load_idx %arg9[%add3A_655] : memref<3672xf32, #tpu.memory_space<vmem>>[vector<16xi32>], vector<16xf32>,
      %get3A_657 = arith.index_cast %scan3A_634 : i32 to index
      %get3A_658 = arith.constant 544 : index
      %get3A_659 = tpu.vector_load %arg8[%get3A_657, %get3A_658] {strides = array<i32>} : memref<72x1024xf32, #tpu.memory_space<vmem>>, vector<16xf32>,
      %sub3A_660 = arith.subf %get3A_659, %gather3A_656 : vector<16xf32>
      %mul3A_661 = arith.mulf %sub3A_660, %sub3A_660 : vector<16xf32>
      %add3A_662 = arith.addf %scan3A_638, %mul3A_661 : vector<16xf32>
      %add3A_663 = arith.addi %scan3A_635, %get3A_355 : vector<16xi32>
      %gather3A_664 = tpu.vector_load_idx %arg9[%add3A_663] : memref<3672xf32, #tpu.memory_space<vmem>>[vector<16xi32>], vector<16xf32>,
      %get3A_665 = arith.index_cast %scan3A_634 : i32 to index
      %get3A_666 = arith.constant 560 : index
      %get3A_667 = tpu.vector_load %arg8[%get3A_665, %get3A_666] {strides = array<i32>} : memref<72x1024xf32, #tpu.memory_space<vmem>>, vector<16xf32>,
      %sub3A_668 = arith.subf %get3A_667, %gather3A_664 : vector<16xf32>
      %mul3A_669 = arith.mulf %sub3A_668, %sub3A_668 : vector<16xf32>
      %add3A_670 = arith.addf %scan3A_639, %mul3A_669 : vector<16xf32>
      %add3A_671 = arith.addi %scan3A_635, %get3A_357 : vector<16xi32>
      %gather3A_672 = tpu.vector_load_idx %arg9[%add3A_671] : memref<3672xf32, #tpu.memory_space<vmem>>[vector<16xi32>], vector<16xf32>,
      %get3A_673 = arith.index_cast %scan3A_634 : i32 to index
      %get3A_674 = arith.constant 576 : index
      %get3A_675 = tpu.vector_load %arg8[%get3A_673, %get3A_674] {strides = array<i32>} : memref<72x1024xf32, #tpu.memory_space<vmem>>, vector<16xf32>,
      %sub3A_676 = arith.subf %get3A_675, %gather3A_672 : vector<16xf32>
      %mul3A_677 = arith.mulf %sub3A_676, %sub3A_676 : vector<16xf32>
      %add3A_678 = arith.addf %add3A_646, %mul3A_677 : vector<16xf32>
      %add3A_679 = arith.addi %scan3A_635, %get3A_359 : vector<16xi32>
      %gather3A_680 = tpu.vector_load_idx %arg9[%add3A_679] : memref<3672xf32, #tpu.memory_space<vmem>>[vector<16xi32>], vector<16xf32>,
      %get3A_681 = arith.index_cast %scan3A_634 : i32 to index
      %get3A_682 = arith.constant 592 : index
      %get3A_683 = tpu.vector_load %arg8[%get3A_681, %get3A_682] {strides = array<i32>} : memref<72x1024xf32, #tpu.memory_space<vmem>>, vector<16xf32>,
      %sub3A_684 = arith.subf %get3A_683, %gather3A_680 : vector<16xf32>
      %mul3A_685 = arith.mulf %sub3A_684, %sub3A_684 : vector<16xf32>
      %add3A_686 = arith.addf %add3A_654, %mul3A_685 : vector<16xf32>
      %add3A_687 = arith.addi %scan3A_635, %get3A_361 : vector<16xi32>
      %gather3A_688 = tpu.vector_load_idx %arg9[%add3A_687] : memref<3672xf32, #tpu.memory_space<vmem>>[vector<16xi32>], vector<16xf32>,
      %get3A_689 = arith.index_cast %scan3A_634 : i32 to index
      %get3A_690 = arith.constant 608 : index
      %get3A_691 = tpu.vector_load %arg8[%get3A_689, %get3A_690] {strides = array<i32>} : memref<72x1024xf32, #tpu.memory_space<vmem>>, vector<16xf32>,
      %sub3A_692 = arith.subf %get3A_691, %gather3A_688 : vector<16xf32>
      %mul3A_693 = arith.mulf %sub3A_692, %sub3A_692 : vector<16xf32>
      %add3A_694 = arith.addf %add3A_662, %mul3A_693 : vector<16xf32>
      %add3A_695 = arith.addi %scan3A_635, %get3A_363 : vector<16xi32>
      %gather3A_696 = tpu.vector_load_idx %arg9[%add3A_695] : memref<3672xf32, #tpu.memory_space<vmem>>[vector<16xi32>], vector<16xf32>,
      %get3A_697 = arith.index_cast %scan3A_634 : i32 to index
      %get3A_698 = arith.constant 624 : index
      %get3A_699 = tpu.vector_load %arg8[%get3A_697, %get3A_698] {strides = array<i32>} : memref<72x1024xf32, #tpu.memory_space<vmem>>, vector<16xf32>,
      %sub3A_700 = arith.subf %get3A_699, %gather3A_696 : vector<16xf32>
      %mul3A_701 = arith.mulf %sub3A_700, %sub3A_700 : vector<16xf32>
      %add3A_702 = arith.addf %add3A_670, %mul3A_701 : vector<16xf32>
      %add3A_703 = arith.addi %scan3A_635, %get3A_365 : vector<16xi32>
      %gather3A_704 = tpu.vector_load_idx %arg9[%add3A_703] : memref<3672xf32, #tpu.memory_space<vmem>>[vector<16xi32>], vector<16xf32>,
      %get3A_705 = arith.index_cast %scan3A_634 : i32 to index
      %get3A_706 = arith.constant 640 : index
      %get3A_707 = tpu.vector_load %arg8[%get3A_705, %get3A_706] {strides = array<i32>} : memref<72x1024xf32, #tpu.memory_space<vmem>>, vector<16xf32>,
      %sub3A_708 = arith.subf %get3A_707, %gather3A_704 : vector<16xf32>
      %mul3A_709 = arith.mulf %sub3A_708, %sub3A_708 : vector<16xf32>
      %add3A_710 = arith.addf %add3A_678, %mul3A_709 : vector<16xf32>
      %add3A_711 = arith.addi %scan3A_635, %get3A_367 : vector<16xi32>
      %gather3A_712 = tpu.vector_load_idx %arg9[%add3A_711] : memref<3672xf32, #tpu.memory_space<vmem>>[vector<16xi32>], vector<16xf32>,
      %get3A_713 = arith.index_cast %scan3A_634 : i32 to index
      %get3A_714 = arith.constant 656 : index
      %get3A_715 = tpu.vector_load %arg8[%get3A_713, %get3A_714] {strides = array<i32>} : memref<72x1024xf32, #tpu.memory_space<vmem>>, vector<16xf32>,
      %sub3A_716 = arith.subf %get3A_715, %gather3A_712 : vector<16xf32>
      %mul3A_717 = arith.mulf %sub3A_716, %sub3A_716 : vector<16xf32>
      %add3A_718 = arith.addf %add3A_686, %mul3A_717 : vector<16xf32>
      %add3A_719 = arith.addi %scan3A_635, %get3A_369 : vector<16xi32>
      %gather3A_720 = tpu.vector_load_idx %arg9[%add3A_719] : memref<3672xf32, #tpu.memory_space<vmem>>[vector<16xi32>], vector<16xf32>,
      %get3A_721 = arith.index_cast %scan3A_634 : i32 to index
      %get3A_722 = arith.constant 672 : index
      %get3A_723 = tpu.vector_load %arg8[%get3A_721, %get3A_722] {strides = array<i32>} : memref<72x1024xf32, #tpu.memory_space<vmem>>, vector<16xf32>,
      %sub3A_724 = arith.subf %get3A_723, %gather3A_720 : vector<16xf32>
      %mul3A_725 = arith.mulf %sub3A_724, %sub3A_724 : vector<16xf32>
      %add3A_726 = arith.addf %add3A_694, %mul3A_725 : vector<16xf32>
      %add3A_727 = arith.addi %scan3A_635, %get3A_371 : vector<16xi32>
      %gather3A_728 = tpu.vector_load_idx %arg9[%add3A_727] : memref<3672xf32, #tpu.memory_space<vmem>>[vector<16xi32>], vector<16xf32>,
      %get3A_729 = arith.index_cast %scan3A_634 : i32 to index
      %get3A_730 = arith.constant 688 : index
      %get3A_731 = tpu.vector_load %arg8[%get3A_729, %get3A_730] {strides = array<i32>} : memref<72x1024xf32, #tpu.memory_space<vmem>>, vector<16xf32>,
      %sub3A_732 = arith.subf %get3A_731, %gather3A_728 : vector<16xf32>
      %mul3A_733 = arith.mulf %sub3A_732, %sub3A_732 : vector<16xf32>
      %add3A_734 = arith.addf %add3A_702, %mul3A_733 : vector<16xf32>
      %add3A_735 = arith.addi %scan3A_635, %get3A_373 : vector<16xi32>
      %gather3A_736 = tpu.vector_load_idx %arg9[%add3A_735] : memref<3672xf32, #tpu.memory_space<vmem>>[vector<16xi32>], vector<16xf32>,
      %get3A_737 = arith.index_cast %scan3A_634 : i32 to index
      %get3A_738 = arith.constant 704 : index
      %get3A_739 = tpu.vector_load %arg8[%get3A_737, %get3A_738] {strides = array<i32>} : memref<72x1024xf32, #tpu.memory_space<vmem>>, vector<16xf32>,
      %sub3A_740 = arith.subf %get3A_739, %gather3A_736 : vector<16xf32>
      %mul3A_741 = arith.mulf %sub3A_740, %sub3A_740 : vector<16xf32>
      %add3A_742 = arith.addf %add3A_710, %mul3A_741 : vector<16xf32>
      %add3A_743 = arith.addi %scan3A_635, %get3A_375 : vector<16xi32>
      %gather3A_744 = tpu.vector_load_idx %arg9[%add3A_743] : memref<3672xf32, #tpu.memory_space<vmem>>[vector<16xi32>], vector<16xf32>,
      %get3A_745 = arith.index_cast %scan3A_634 : i32 to index
      %get3A_746 = arith.constant 720 : index
      %get3A_747 = tpu.vector_load %arg8[%get3A_745, %get3A_746] {strides = array<i32>} : memref<72x1024xf32, #tpu.memory_space<vmem>>, vector<16xf32>,
      %sub3A_748 = arith.subf %get3A_747, %gather3A_744 : vector<16xf32>
      %mul3A_749 = arith.mulf %sub3A_748, %sub3A_748 : vector<16xf32>
      %add3A_750 = arith.addf %add3A_718, %mul3A_749 : vector<16xf32>
      %add3A_751 = arith.addi %scan3A_635, %get3A_377 : vector<16xi32>
      %gather3A_752 = tpu.vector_load_idx %arg9[%add3A_751] : memref<3672xf32, #tpu.memory_space<vmem>>[vector<16xi32>], vector<16xf32>,
      %get3A_753 = arith.index_cast %scan3A_634 : i32 to index
      %get3A_754 = arith.constant 736 : index
      %get3A_755 = tpu.vector_load %arg8[%get3A_753, %get3A_754] {strides = array<i32>} : memref<72x1024xf32, #tpu.memory_space<vmem>>, vector<16xf32>,
      %sub3A_756 = arith.subf %get3A_755, %gather3A_752 : vector<16xf32>
      %mul3A_757 = arith.mulf %sub3A_756, %sub3A_756 : vector<16xf32>
      %add3A_758 = arith.addf %add3A_726, %mul3A_757 : vector<16xf32>
      %add3A_759 = arith.addi %scan3A_635, %get3A_379 : vector<16xi32>
      %gather3A_760 = tpu.vector_load_idx %arg9[%add3A_759] : memref<3672xf32, #tpu.memory_space<vmem>>[vector<16xi32>], vector<16xf32>,
      %get3A_761 = arith.index_cast %scan3A_634 : i32 to index
      %get3A_762 = arith.constant 752 : index
      %get3A_763 = tpu.vector_load %arg8[%get3A_761, %get3A_762] {strides = array<i32>} : memref<72x1024xf32, #tpu.memory_space<vmem>>, vector<16xf32>,
      %sub3A_764 = arith.subf %get3A_763, %gather3A_760 : vector<16xf32>
      %mul3A_765 = arith.mulf %sub3A_764, %sub3A_764 : vector<16xf32>
      %add3A_766 = arith.addf %add3A_734, %mul3A_765 : vector<16xf32>
      %add3A_767 = arith.constant 51 : i32
      %add3A_768 = vector.broadcast %add3A_767 : i32 to vector<16xi32>
      %add3A_769 = arith.addi %scan3A_635, %add3A_768 : vector<16xi32>
      scf.yield %add3A_769, %add3A_742, %add3A_750, %add3A_758, %add3A_766 : vector<16xi32>, vector<16xf32>, vector<16xf32>, vector<16xf32>, vector<16xf32>
    }
    %scan3A_387 = arith.constant 32 : i32
    %get3A_388 = arith.constant 768 : index
    %get3A_389 = tpu.vector_load %arg7[%get3A_388] {strides = array<i32>} : memref<1024xi32, #tpu.memory_space<vmem>>, vector<16xi32>,
    %get3A_390 = arith.constant 784 : index
    %get3A_391 = tpu.vector_load %arg7[%get3A_390] {strides = array<i32>} : memref<1024xi32, #tpu.memory_space<vmem>>, vector<16xi32>,
    %get3A_392 = arith.constant 800 : index
    %get3A_393 = tpu.vector_load %arg7[%get3A_392] {strides = array<i32>} : memref<1024xi32, #tpu.memory_space<vmem>>, vector<16xi32>,
    %get3A_394 = arith.constant 816 : index
    %get3A_395 = tpu.vector_load %arg7[%get3A_394] {strides = array<i32>} : memref<1024xi32, #tpu.memory_space<vmem>>, vector<16xi32>,
    %get3A_396 = arith.constant 832 : index
    %get3A_397 = tpu.vector_load %arg7[%get3A_396] {strides = array<i32>} : memref<1024xi32, #tpu.memory_space<vmem>>, vector<16xi32>,
    %get3A_398 = arith.constant 848 : index
    %get3A_399 = tpu.vector_load %arg7[%get3A_398] {strides = array<i32>} : memref<1024xi32, #tpu.memory_space<vmem>>, vector<16xi32>,
    %get3A_400 = arith.constant 864 : index
    %get3A_401 = tpu.vector_load %arg7[%get3A_400] {strides = array<i32>} : memref<1024xi32, #tpu.memory_space<vmem>>, vector<16xi32>,
    %get3A_402 = arith.constant 880 : index
    %get3A_403 = tpu.vector_load %arg7[%get3A_402] {strides = array<i32>} : memref<1024xi32, #tpu.memory_space<vmem>>, vector<16xi32>,
    %get3A_404 = arith.constant 896 : index
    %get3A_405 = tpu.vector_load %arg7[%get3A_404] {strides = array<i32>} : memref<1024xi32, #tpu.memory_space<vmem>>, vector<16xi32>,
    %get3A_406 = arith.constant 912 : index
    %get3A_407 = tpu.vector_load %arg7[%get3A_406] {strides = array<i32>} : memref<1024xi32, #tpu.memory_space<vmem>>, vector<16xi32>,
    %get3A_408 = arith.constant 928 : index
    %get3A_409 = tpu.vector_load %arg7[%get3A_408] {strides = array<i32>} : memref<1024xi32, #tpu.memory_space<vmem>>, vector<16xi32>,
    %get3A_410 = arith.constant 944 : index
    %get3A_411 = tpu.vector_load %arg7[%get3A_410] {strides = array<i32>} : memref<1024xi32, #tpu.memory_space<vmem>>, vector<16xi32>,
    %get3A_412 = arith.constant 960 : index
    %get3A_413 = tpu.vector_load %arg7[%get3A_412] {strides = array<i32>} : memref<1024xi32, #tpu.memory_space<vmem>>, vector<16xi32>,
    %get3A_414 = arith.constant 976 : index
    %get3A_415 = tpu.vector_load %arg7[%get3A_414] {strides = array<i32>} : memref<1024xi32, #tpu.memory_space<vmem>>, vector<16xi32>,
    %get3A_416 = arith.constant 992 : index
    %get3A_417 = tpu.vector_load %arg7[%get3A_416] {strides = array<i32>} : memref<1024xi32, #tpu.memory_space<vmem>>, vector<16xi32>,
    %get3A_418 = arith.constant 1008 : index
    %get3A_419 = tpu.vector_load %arg7[%get3A_418] {strides = array<i32>} : memref<1024xi32, #tpu.memory_space<vmem>>, vector<16xi32>,
    %broadcast_in_dim3A_420 = arith.constant 408 : i32
    %broadcast_in_dim3A_421 = vector.broadcast %broadcast_in_dim3A_420 : i32 to vector<16xi32>
    %scan3A_422 = arith.constant 8 : i32
    %scan3A_423 = arith.constant 32 : i32
    %scan3A_424 = arith.addi %scan3A_422, %scan3A_423 : i32
    %scan3A_425 = arith.constant 1 : i32
    %scan3A_426:5 = scf.for %scan3A_634 = %scan3A_422 to %scan3A_424 step %scan3A_425 iter_args(%scan3A_635 = %broadcast_in_dim3A_421, %scan3A_636 = %scan3A_386#1, %scan3A_637 = %scan3A_386#2, %scan3A_638 = %scan3A_386#3, %scan3A_639 = %scan3A_386#4) -> (vector<16xi32>, vector<16xf32>, vector<16xf32>, vector<16xf32>, vector<16xf32>)  : i32 {
      %add3A_640 = arith.addi %scan3A_635, %get3A_389 : vector<16xi32>
      %gather3A = tpu.vector_load_idx %arg9[%add3A_640] : memref<3672xf32, #tpu.memory_space<vmem>>[vector<16xi32>], vector<16xf32>,
      %get3A_641 = arith.index_cast %scan3A_634 : i32 to index
      %get3A_642 = arith.constant 768 : index
      %get3A_643 = tpu.vector_load %arg8[%get3A_641, %get3A_642] {strides = array<i32>} : memref<72x1024xf32, #tpu.memory_space<vmem>>, vector<16xf32>,
      %sub3A_644 = arith.subf %get3A_643, %gather3A : vector<16xf32>
      %mul3A_645 = arith.mulf %sub3A_644, %sub3A_644 : vector<16xf32>
      %add3A_646 = arith.addf %scan3A_636, %mul3A_645 : vector<16xf32>
      %add3A_647 = arith.addi %scan3A_635, %get3A_391 : vector<16xi32>
      %gather3A_648 = tpu.vector_load_idx %arg9[%add3A_647] : memref<3672xf32, #tpu.memory_space<vmem>>[vector<16xi32>], vector<16xf32>,
      %get3A_649 = arith.index_cast %scan3A_634 : i32 to index
      %get3A_650 = arith.constant 784 : index
      %get3A_651 = tpu.vector_load %arg8[%get3A_649, %get3A_650] {strides = array<i32>} : memref<72x1024xf32, #tpu.memory_space<vmem>>, vector<16xf32>,
      %sub3A_652 = arith.subf %get3A_651, %gather3A_648 : vector<16xf32>
      %mul3A_653 = arith.mulf %sub3A_652, %sub3A_652 : vector<16xf32>
      %add3A_654 = arith.addf %scan3A_637, %mul3A_653 : vector<16xf32>
      %add3A_655 = arith.addi %scan3A_635, %get3A_393 : vector<16xi32>
      %gather3A_656 = tpu.vector_load_idx %arg9[%add3A_655] : memref<3672xf32, #tpu.memory_space<vmem>>[vector<16xi32>], vector<16xf32>,
      %get3A_657 = arith.index_cast %scan3A_634 : i32 to index
      %get3A_658 = arith.constant 800 : index
      %get3A_659 = tpu.vector_load %arg8[%get3A_657, %get3A_658] {strides = array<i32>} : memref<72x1024xf32, #tpu.memory_space<vmem>>, vector<16xf32>,
      %sub3A_660 = arith.subf %get3A_659, %gather3A_656 : vector<16xf32>
      %mul3A_661 = arith.mulf %sub3A_660, %sub3A_660 : vector<16xf32>
      %add3A_662 = arith.addf %scan3A_638, %mul3A_661 : vector<16xf32>
      %add3A_663 = arith.addi %scan3A_635, %get3A_395 : vector<16xi32>
      %gather3A_664 = tpu.vector_load_idx %arg9[%add3A_663] : memref<3672xf32, #tpu.memory_space<vmem>>[vector<16xi32>], vector<16xf32>,
      %get3A_665 = arith.index_cast %scan3A_634 : i32 to index
      %get3A_666 = arith.constant 816 : index
      %get3A_667 = tpu.vector_load %arg8[%get3A_665, %get3A_666] {strides = array<i32>} : memref<72x1024xf32, #tpu.memory_space<vmem>>, vector<16xf32>,
      %sub3A_668 = arith.subf %get3A_667, %gather3A_664 : vector<16xf32>
      %mul3A_669 = arith.mulf %sub3A_668, %sub3A_668 : vector<16xf32>
      %add3A_670 = arith.addf %scan3A_639, %mul3A_669 : vector<16xf32>
      %add3A_671 = arith.addi %scan3A_635, %get3A_397 : vector<16xi32>
      %gather3A_672 = tpu.vector_load_idx %arg9[%add3A_671] : memref<3672xf32, #tpu.memory_space<vmem>>[vector<16xi32>], vector<16xf32>,
      %get3A_673 = arith.index_cast %scan3A_634 : i32 to index
      %get3A_674 = arith.constant 832 : index
      %get3A_675 = tpu.vector_load %arg8[%get3A_673, %get3A_674] {strides = array<i32>} : memref<72x1024xf32, #tpu.memory_space<vmem>>, vector<16xf32>,
      %sub3A_676 = arith.subf %get3A_675, %gather3A_672 : vector<16xf32>
      %mul3A_677 = arith.mulf %sub3A_676, %sub3A_676 : vector<16xf32>
      %add3A_678 = arith.addf %add3A_646, %mul3A_677 : vector<16xf32>
      %add3A_679 = arith.addi %scan3A_635, %get3A_399 : vector<16xi32>
      %gather3A_680 = tpu.vector_load_idx %arg9[%add3A_679] : memref<3672xf32, #tpu.memory_space<vmem>>[vector<16xi32>], vector<16xf32>,
      %get3A_681 = arith.index_cast %scan3A_634 : i32 to index
      %get3A_682 = arith.constant 848 : index
      %get3A_683 = tpu.vector_load %arg8[%get3A_681, %get3A_682] {strides = array<i32>} : memref<72x1024xf32, #tpu.memory_space<vmem>>, vector<16xf32>,
      %sub3A_684 = arith.subf %get3A_683, %gather3A_680 : vector<16xf32>
      %mul3A_685 = arith.mulf %sub3A_684, %sub3A_684 : vector<16xf32>
      %add3A_686 = arith.addf %add3A_654, %mul3A_685 : vector<16xf32>
      %add3A_687 = arith.addi %scan3A_635, %get3A_401 : vector<16xi32>
      %gather3A_688 = tpu.vector_load_idx %arg9[%add3A_687] : memref<3672xf32, #tpu.memory_space<vmem>>[vector<16xi32>], vector<16xf32>,
      %get3A_689 = arith.index_cast %scan3A_634 : i32 to index
      %get3A_690 = arith.constant 864 : index
      %get3A_691 = tpu.vector_load %arg8[%get3A_689, %get3A_690] {strides = array<i32>} : memref<72x1024xf32, #tpu.memory_space<vmem>>, vector<16xf32>,
      %sub3A_692 = arith.subf %get3A_691, %gather3A_688 : vector<16xf32>
      %mul3A_693 = arith.mulf %sub3A_692, %sub3A_692 : vector<16xf32>
      %add3A_694 = arith.addf %add3A_662, %mul3A_693 : vector<16xf32>
      %add3A_695 = arith.addi %scan3A_635, %get3A_403 : vector<16xi32>
      %gather3A_696 = tpu.vector_load_idx %arg9[%add3A_695] : memref<3672xf32, #tpu.memory_space<vmem>>[vector<16xi32>], vector<16xf32>,
      %get3A_697 = arith.index_cast %scan3A_634 : i32 to index
      %get3A_698 = arith.constant 880 : index
      %get3A_699 = tpu.vector_load %arg8[%get3A_697, %get3A_698] {strides = array<i32>} : memref<72x1024xf32, #tpu.memory_space<vmem>>, vector<16xf32>,
      %sub3A_700 = arith.subf %get3A_699, %gather3A_696 : vector<16xf32>
      %mul3A_701 = arith.mulf %sub3A_700, %sub3A_700 : vector<16xf32>
      %add3A_702 = arith.addf %add3A_670, %mul3A_701 : vector<16xf32>
      %add3A_703 = arith.addi %scan3A_635, %get3A_405 : vector<16xi32>
      %gather3A_704 = tpu.vector_load_idx %arg9[%add3A_703] : memref<3672xf32, #tpu.memory_space<vmem>>[vector<16xi32>], vector<16xf32>,
      %get3A_705 = arith.index_cast %scan3A_634 : i32 to index
      %get3A_706 = arith.constant 896 : index
      %get3A_707 = tpu.vector_load %arg8[%get3A_705, %get3A_706] {strides = array<i32>} : memref<72x1024xf32, #tpu.memory_space<vmem>>, vector<16xf32>,
      %sub3A_708 = arith.subf %get3A_707, %gather3A_704 : vector<16xf32>
      %mul3A_709 = arith.mulf %sub3A_708, %sub3A_708 : vector<16xf32>
      %add3A_710 = arith.addf %add3A_678, %mul3A_709 : vector<16xf32>
      %add3A_711 = arith.addi %scan3A_635, %get3A_407 : vector<16xi32>
      %gather3A_712 = tpu.vector_load_idx %arg9[%add3A_711] : memref<3672xf32, #tpu.memory_space<vmem>>[vector<16xi32>], vector<16xf32>,
      %get3A_713 = arith.index_cast %scan3A_634 : i32 to index
      %get3A_714 = arith.constant 912 : index
      %get3A_715 = tpu.vector_load %arg8[%get3A_713, %get3A_714] {strides = array<i32>} : memref<72x1024xf32, #tpu.memory_space<vmem>>, vector<16xf32>,
      %sub3A_716 = arith.subf %get3A_715, %gather3A_712 : vector<16xf32>
      %mul3A_717 = arith.mulf %sub3A_716, %sub3A_716 : vector<16xf32>
      %add3A_718 = arith.addf %add3A_686, %mul3A_717 : vector<16xf32>
      %add3A_719 = arith.addi %scan3A_635, %get3A_409 : vector<16xi32>
      %gather3A_720 = tpu.vector_load_idx %arg9[%add3A_719] : memref<3672xf32, #tpu.memory_space<vmem>>[vector<16xi32>], vector<16xf32>,
      %get3A_721 = arith.index_cast %scan3A_634 : i32 to index
      %get3A_722 = arith.constant 928 : index
      %get3A_723 = tpu.vector_load %arg8[%get3A_721, %get3A_722] {strides = array<i32>} : memref<72x1024xf32, #tpu.memory_space<vmem>>, vector<16xf32>,
      %sub3A_724 = arith.subf %get3A_723, %gather3A_720 : vector<16xf32>
      %mul3A_725 = arith.mulf %sub3A_724, %sub3A_724 : vector<16xf32>
      %add3A_726 = arith.addf %add3A_694, %mul3A_725 : vector<16xf32>
      %add3A_727 = arith.addi %scan3A_635, %get3A_411 : vector<16xi32>
      %gather3A_728 = tpu.vector_load_idx %arg9[%add3A_727] : memref<3672xf32, #tpu.memory_space<vmem>>[vector<16xi32>], vector<16xf32>,
      %get3A_729 = arith.index_cast %scan3A_634 : i32 to index
      %get3A_730 = arith.constant 944 : index
      %get3A_731 = tpu.vector_load %arg8[%get3A_729, %get3A_730] {strides = array<i32>} : memref<72x1024xf32, #tpu.memory_space<vmem>>, vector<16xf32>,
      %sub3A_732 = arith.subf %get3A_731, %gather3A_728 : vector<16xf32>
      %mul3A_733 = arith.mulf %sub3A_732, %sub3A_732 : vector<16xf32>
      %add3A_734 = arith.addf %add3A_702, %mul3A_733 : vector<16xf32>
      %add3A_735 = arith.addi %scan3A_635, %get3A_413 : vector<16xi32>
      %gather3A_736 = tpu.vector_load_idx %arg9[%add3A_735] : memref<3672xf32, #tpu.memory_space<vmem>>[vector<16xi32>], vector<16xf32>,
      %get3A_737 = arith.index_cast %scan3A_634 : i32 to index
      %get3A_738 = arith.constant 960 : index
      %get3A_739 = tpu.vector_load %arg8[%get3A_737, %get3A_738] {strides = array<i32>} : memref<72x1024xf32, #tpu.memory_space<vmem>>, vector<16xf32>,
      %sub3A_740 = arith.subf %get3A_739, %gather3A_736 : vector<16xf32>
      %mul3A_741 = arith.mulf %sub3A_740, %sub3A_740 : vector<16xf32>
      %add3A_742 = arith.addf %add3A_710, %mul3A_741 : vector<16xf32>
      %add3A_743 = arith.addi %scan3A_635, %get3A_415 : vector<16xi32>
      %gather3A_744 = tpu.vector_load_idx %arg9[%add3A_743] : memref<3672xf32, #tpu.memory_space<vmem>>[vector<16xi32>], vector<16xf32>,
      %get3A_745 = arith.index_cast %scan3A_634 : i32 to index
      %get3A_746 = arith.constant 976 : index
      %get3A_747 = tpu.vector_load %arg8[%get3A_745, %get3A_746] {strides = array<i32>} : memref<72x1024xf32, #tpu.memory_space<vmem>>, vector<16xf32>,
      %sub3A_748 = arith.subf %get3A_747, %gather3A_744 : vector<16xf32>
      %mul3A_749 = arith.mulf %sub3A_748, %sub3A_748 : vector<16xf32>
      %add3A_750 = arith.addf %add3A_718, %mul3A_749 : vector<16xf32>
      %add3A_751 = arith.addi %scan3A_635, %get3A_417 : vector<16xi32>
      %gather3A_752 = tpu.vector_load_idx %arg9[%add3A_751] : memref<3672xf32, #tpu.memory_space<vmem>>[vector<16xi32>], vector<16xf32>,
      %get3A_753 = arith.index_cast %scan3A_634 : i32 to index
      %get3A_754 = arith.constant 992 : index
      %get3A_755 = tpu.vector_load %arg8[%get3A_753, %get3A_754] {strides = array<i32>} : memref<72x1024xf32, #tpu.memory_space<vmem>>, vector<16xf32>,
      %sub3A_756 = arith.subf %get3A_755, %gather3A_752 : vector<16xf32>
      %mul3A_757 = arith.mulf %sub3A_756, %sub3A_756 : vector<16xf32>
      %add3A_758 = arith.addf %add3A_726, %mul3A_757 : vector<16xf32>
      %add3A_759 = arith.addi %scan3A_635, %get3A_419 : vector<16xi32>
      %gather3A_760 = tpu.vector_load_idx %arg9[%add3A_759] : memref<3672xf32, #tpu.memory_space<vmem>>[vector<16xi32>], vector<16xf32>,
      %get3A_761 = arith.index_cast %scan3A_634 : i32 to index
      %get3A_762 = arith.constant 1008 : index
      %get3A_763 = tpu.vector_load %arg8[%get3A_761, %get3A_762] {strides = array<i32>} : memref<72x1024xf32, #tpu.memory_space<vmem>>, vector<16xf32>,
      %sub3A_764 = arith.subf %get3A_763, %gather3A_760 : vector<16xf32>
      %mul3A_765 = arith.mulf %sub3A_764, %sub3A_764 : vector<16xf32>
      %add3A_766 = arith.addf %add3A_734, %mul3A_765 : vector<16xf32>
      %add3A_767 = arith.constant 51 : i32
      %add3A_768 = vector.broadcast %add3A_767 : i32 to vector<16xi32>
      %add3A_769 = arith.addi %scan3A_635, %add3A_768 : vector<16xi32>
      scf.yield %add3A_769, %add3A_742, %add3A_750, %add3A_758, %add3A_766 : vector<16xi32>, vector<16xf32>, vector<16xf32>, vector<16xf32>, vector<16xf32>
    }
    %scan3A_427 = arith.constant 32 : i32
    %dma_wait3A_428 = arith.constant 40 : i32
    %dma_wait3A_429 = arith.constant 0 : i32
    %dma_wait3A_430 = tpu.memref_slice %arg8[%dma_wait3A_428, %dma_wait3A_429] : memref<72x1024xf32, #tpu.memory_space<vmem>> -> memref<32x1024xf32, #tpu.memory_space<vmem>>
    %dma_wait3A_431 = tpu.memref_slice %arg2[%add3A_61, %mul3A_34] : memref<576x4096xf32, #tpu.memory_space<hbm>> -> memref<32x1024xf32, #tpu.memory_space<hbm>>
    %dma_wait3A_432 = arith.constant 40 : i32
    %dma_wait3A_433 = arith.constant 0 : i32
    %dma_wait3A_434 = tpu.memref_slice %arg8[%dma_wait3A_432, %dma_wait3A_433] : memref<72x1024xf32, #tpu.memory_space<vmem>> -> memref<32x1024xf32, #tpu.memory_space<vmem>>
    %dma_wait3A_435 = tpu.memref_slice %arg2[%add3A_61, %mul3A_34] : memref<576x4096xf32, #tpu.memory_space<hbm>> -> memref<32x1024xf32, #tpu.memory_space<hbm>>
    tpu.wait_dma2 semaphore(%arg13 : memref<!tpu.dma_semaphore, #tpu.memory_space<semaphore_mem>>) src(%dma_wait3A_435 : memref<32x1024xf32, #tpu.memory_space<hbm>>) dst(%dma_wait3A_434 : memref<32x1024xf32, #tpu.memory_space<vmem>>)
    %add3A_436 = arith.constant 40 : i32
    %add3A_437 = arith.addi %mul3A_32, %add3A_436 : i32
    %dma_start3A_438 = arith.constant 40 : i32
    %dma_start3A_439 = arith.constant 0 : i32
    %dma_start3A_440 = tpu.memref_slice %arg8[%dma_start3A_438, %dma_start3A_439] : memref<72x1024xf32, #tpu.memory_space<vmem>> -> memref<32x1024xf32, #tpu.memory_space<vmem>>
    %dma_start3A_441 = tpu.memref_slice %arg6[%add3A_437, %mul3A_34] : memref<576x4096xf32, #tpu.memory_space<hbm>> -> memref<32x1024xf32, #tpu.memory_space<hbm>>
    %dma_start3A_442 = tpu.memref_slice %arg6[%add3A_437, %mul3A_34] : memref<576x4096xf32, #tpu.memory_space<hbm>> -> memref<32x1024xf32, #tpu.memory_space<hbm>>
    %dma_start3A_443 = arith.constant 40 : i32
    %dma_start3A_444 = arith.constant 0 : i32
    %dma_start3A_445 = tpu.memref_slice %arg8[%dma_start3A_443, %dma_start3A_444] : memref<72x1024xf32, #tpu.memory_space<vmem>> -> memref<32x1024xf32, #tpu.memory_space<vmem>>
    tpu.enqueue_dma source(%dma_start3A_445 : memref<32x1024xf32, #tpu.memory_space<vmem>>) target(%dma_start3A_442 : memref<32x1024xf32, #tpu.memory_space<hbm>>) target_semaphore(%arg16 : memref<!tpu.dma_semaphore, #tpu.memory_space<semaphore_mem>>)
    %get3A_446 = arith.constant 0 : index
    %get3A_447 = tpu.vector_load %arg7[%get3A_446] {strides = array<i32>} : memref<1024xi32, #tpu.memory_space<vmem>>, vector<16xi32>,
    %get3A_448 = arith.constant 16 : index
    %get3A_449 = tpu.vector_load %arg7[%get3A_448] {strides = array<i32>} : memref<1024xi32, #tpu.memory_space<vmem>>, vector<16xi32>,
    %get3A_450 = arith.constant 32 : index
    %get3A_451 = tpu.vector_load %arg7[%get3A_450] {strides = array<i32>} : memref<1024xi32, #tpu.memory_space<vmem>>, vector<16xi32>,
    %get3A_452 = arith.constant 48 : index
    %get3A_453 = tpu.vector_load %arg7[%get3A_452] {strides = array<i32>} : memref<1024xi32, #tpu.memory_space<vmem>>, vector<16xi32>,
    %get3A_454 = arith.constant 64 : index
    %get3A_455 = tpu.vector_load %arg7[%get3A_454] {strides = array<i32>} : memref<1024xi32, #tpu.memory_space<vmem>>, vector<16xi32>,
    %get3A_456 = arith.constant 80 : index
    %get3A_457 = tpu.vector_load %arg7[%get3A_456] {strides = array<i32>} : memref<1024xi32, #tpu.memory_space<vmem>>, vector<16xi32>,
    %get3A_458 = arith.constant 96 : index
    %get3A_459 = tpu.vector_load %arg7[%get3A_458] {strides = array<i32>} : memref<1024xi32, #tpu.memory_space<vmem>>, vector<16xi32>,
    %get3A_460 = arith.constant 112 : index
    %get3A_461 = tpu.vector_load %arg7[%get3A_460] {strides = array<i32>} : memref<1024xi32, #tpu.memory_space<vmem>>, vector<16xi32>,
    %get3A_462 = arith.constant 128 : index
    %get3A_463 = tpu.vector_load %arg7[%get3A_462] {strides = array<i32>} : memref<1024xi32, #tpu.memory_space<vmem>>, vector<16xi32>,
    %get3A_464 = arith.constant 144 : index
    %get3A_465 = tpu.vector_load %arg7[%get3A_464] {strides = array<i32>} : memref<1024xi32, #tpu.memory_space<vmem>>, vector<16xi32>,
    %get3A_466 = arith.constant 160 : index
    %get3A_467 = tpu.vector_load %arg7[%get3A_466] {strides = array<i32>} : memref<1024xi32, #tpu.memory_space<vmem>>, vector<16xi32>,
    %get3A_468 = arith.constant 176 : index
    %get3A_469 = tpu.vector_load %arg7[%get3A_468] {strides = array<i32>} : memref<1024xi32, #tpu.memory_space<vmem>>, vector<16xi32>,
    %get3A_470 = arith.constant 192 : index
    %get3A_471 = tpu.vector_load %arg7[%get3A_470] {strides = array<i32>} : memref<1024xi32, #tpu.memory_space<vmem>>, vector<16xi32>,
    %get3A_472 = arith.constant 208 : index
    %get3A_473 = tpu.vector_load %arg7[%get3A_472] {strides = array<i32>} : memref<1024xi32, #tpu.memory_space<vmem>>, vector<16xi32>,
    %get3A_474 = arith.constant 224 : index
    %get3A_475 = tpu.vector_load %arg7[%get3A_474] {strides = array<i32>} : memref<1024xi32, #tpu.memory_space<vmem>>, vector<16xi32>,
    %get3A_476 = arith.constant 240 : index
    %get3A_477 = tpu.vector_load %arg7[%get3A_476] {strides = array<i32>} : memref<1024xi32, #tpu.memory_space<vmem>>, vector<16xi32>,
    %broadcast_in_dim3A_478 = arith.constant 2040 : i32
    %broadcast_in_dim3A_479 = vector.broadcast %broadcast_in_dim3A_478 : i32 to vector<16xi32>
    %scan3A_480 = arith.constant 40 : i32
    %scan3A_481 = arith.constant 32 : i32
    %scan3A_482 = arith.addi %scan3A_480, %scan3A_481 : i32
    %scan3A_483 = arith.constant 1 : i32
    %scan3A_484:5 = scf.for %scan3A_634 = %scan3A_480 to %scan3A_482 step %scan3A_483 iter_args(%scan3A_635 = %broadcast_in_dim3A_479, %scan3A_636 = %scan3A_426#1, %scan3A_637 = %scan3A_426#2, %scan3A_638 = %scan3A_426#3, %scan3A_639 = %scan3A_426#4) -> (vector<16xi32>, vector<16xf32>, vector<16xf32>, vector<16xf32>, vector<16xf32>)  : i32 {
      %add3A_640 = arith.addi %scan3A_635, %get3A_447 : vector<16xi32>
      %gather3A = tpu.vector_load_idx %arg9[%add3A_640] : memref<3672xf32, #tpu.memory_space<vmem>>[vector<16xi32>], vector<16xf32>,
      %get3A_641 = arith.index_cast %scan3A_634 : i32 to index
      %get3A_642 = arith.constant 0 : index
      %get3A_643 = tpu.vector_load %arg8[%get3A_641, %get3A_642] {strides = array<i32>} : memref<72x1024xf32, #tpu.memory_space<vmem>>, vector<16xf32>,
      %sub3A_644 = arith.subf %get3A_643, %gather3A : vector<16xf32>
      %mul3A_645 = arith.mulf %sub3A_644, %sub3A_644 : vector<16xf32>
      %add3A_646 = arith.addf %scan3A_636, %mul3A_645 : vector<16xf32>
      %add3A_647 = arith.addi %scan3A_635, %get3A_449 : vector<16xi32>
      %gather3A_648 = tpu.vector_load_idx %arg9[%add3A_647] : memref<3672xf32, #tpu.memory_space<vmem>>[vector<16xi32>], vector<16xf32>,
      %get3A_649 = arith.index_cast %scan3A_634 : i32 to index
      %get3A_650 = arith.constant 16 : index
      %get3A_651 = tpu.vector_load %arg8[%get3A_649, %get3A_650] {strides = array<i32>} : memref<72x1024xf32, #tpu.memory_space<vmem>>, vector<16xf32>,
      %sub3A_652 = arith.subf %get3A_651, %gather3A_648 : vector<16xf32>
      %mul3A_653 = arith.mulf %sub3A_652, %sub3A_652 : vector<16xf32>
      %add3A_654 = arith.addf %scan3A_637, %mul3A_653 : vector<16xf32>
      %add3A_655 = arith.addi %scan3A_635, %get3A_451 : vector<16xi32>
      %gather3A_656 = tpu.vector_load_idx %arg9[%add3A_655] : memref<3672xf32, #tpu.memory_space<vmem>>[vector<16xi32>], vector<16xf32>,
      %get3A_657 = arith.index_cast %scan3A_634 : i32 to index
      %get3A_658 = arith.constant 32 : index
      %get3A_659 = tpu.vector_load %arg8[%get3A_657, %get3A_658] {strides = array<i32>} : memref<72x1024xf32, #tpu.memory_space<vmem>>, vector<16xf32>,
      %sub3A_660 = arith.subf %get3A_659, %gather3A_656 : vector<16xf32>
      %mul3A_661 = arith.mulf %sub3A_660, %sub3A_660 : vector<16xf32>
      %add3A_662 = arith.addf %scan3A_638, %mul3A_661 : vector<16xf32>
      %add3A_663 = arith.addi %scan3A_635, %get3A_453 : vector<16xi32>
      %gather3A_664 = tpu.vector_load_idx %arg9[%add3A_663] : memref<3672xf32, #tpu.memory_space<vmem>>[vector<16xi32>], vector<16xf32>,
      %get3A_665 = arith.index_cast %scan3A_634 : i32 to index
      %get3A_666 = arith.constant 48 : index
      %get3A_667 = tpu.vector_load %arg8[%get3A_665, %get3A_666] {strides = array<i32>} : memref<72x1024xf32, #tpu.memory_space<vmem>>, vector<16xf32>,
      %sub3A_668 = arith.subf %get3A_667, %gather3A_664 : vector<16xf32>
      %mul3A_669 = arith.mulf %sub3A_668, %sub3A_668 : vector<16xf32>
      %add3A_670 = arith.addf %scan3A_639, %mul3A_669 : vector<16xf32>
      %add3A_671 = arith.addi %scan3A_635, %get3A_455 : vector<16xi32>
      %gather3A_672 = tpu.vector_load_idx %arg9[%add3A_671] : memref<3672xf32, #tpu.memory_space<vmem>>[vector<16xi32>], vector<16xf32>,
      %get3A_673 = arith.index_cast %scan3A_634 : i32 to index
      %get3A_674 = arith.constant 64 : index
      %get3A_675 = tpu.vector_load %arg8[%get3A_673, %get3A_674] {strides = array<i32>} : memref<72x1024xf32, #tpu.memory_space<vmem>>, vector<16xf32>,
      %sub3A_676 = arith.subf %get3A_675, %gather3A_672 : vector<16xf32>
      %mul3A_677 = arith.mulf %sub3A_676, %sub3A_676 : vector<16xf32>
      %add3A_678 = arith.addf %add3A_646, %mul3A_677 : vector<16xf32>
      %add3A_679 = arith.addi %scan3A_635, %get3A_457 : vector<16xi32>
      %gather3A_680 = tpu.vector_load_idx %arg9[%add3A_679] : memref<3672xf32, #tpu.memory_space<vmem>>[vector<16xi32>], vector<16xf32>,
      %get3A_681 = arith.index_cast %scan3A_634 : i32 to index
      %get3A_682 = arith.constant 80 : index
      %get3A_683 = tpu.vector_load %arg8[%get3A_681, %get3A_682] {strides = array<i32>} : memref<72x1024xf32, #tpu.memory_space<vmem>>, vector<16xf32>,
      %sub3A_684 = arith.subf %get3A_683, %gather3A_680 : vector<16xf32>
      %mul3A_685 = arith.mulf %sub3A_684, %sub3A_684 : vector<16xf32>
      %add3A_686 = arith.addf %add3A_654, %mul3A_685 : vector<16xf32>
      %add3A_687 = arith.addi %scan3A_635, %get3A_459 : vector<16xi32>
      %gather3A_688 = tpu.vector_load_idx %arg9[%add3A_687] : memref<3672xf32, #tpu.memory_space<vmem>>[vector<16xi32>], vector<16xf32>,
      %get3A_689 = arith.index_cast %scan3A_634 : i32 to index
      %get3A_690 = arith.constant 96 : index
      %get3A_691 = tpu.vector_load %arg8[%get3A_689, %get3A_690] {strides = array<i32>} : memref<72x1024xf32, #tpu.memory_space<vmem>>, vector<16xf32>,
      %sub3A_692 = arith.subf %get3A_691, %gather3A_688 : vector<16xf32>
      %mul3A_693 = arith.mulf %sub3A_692, %sub3A_692 : vector<16xf32>
      %add3A_694 = arith.addf %add3A_662, %mul3A_693 : vector<16xf32>
      %add3A_695 = arith.addi %scan3A_635, %get3A_461 : vector<16xi32>
      %gather3A_696 = tpu.vector_load_idx %arg9[%add3A_695] : memref<3672xf32, #tpu.memory_space<vmem>>[vector<16xi32>], vector<16xf32>,
      %get3A_697 = arith.index_cast %scan3A_634 : i32 to index
      %get3A_698 = arith.constant 112 : index
      %get3A_699 = tpu.vector_load %arg8[%get3A_697, %get3A_698] {strides = array<i32>} : memref<72x1024xf32, #tpu.memory_space<vmem>>, vector<16xf32>,
      %sub3A_700 = arith.subf %get3A_699, %gather3A_696 : vector<16xf32>
      %mul3A_701 = arith.mulf %sub3A_700, %sub3A_700 : vector<16xf32>
      %add3A_702 = arith.addf %add3A_670, %mul3A_701 : vector<16xf32>
      %add3A_703 = arith.addi %scan3A_635, %get3A_463 : vector<16xi32>
      %gather3A_704 = tpu.vector_load_idx %arg9[%add3A_703] : memref<3672xf32, #tpu.memory_space<vmem>>[vector<16xi32>], vector<16xf32>,
      %get3A_705 = arith.index_cast %scan3A_634 : i32 to index
      %get3A_706 = arith.constant 128 : index
      %get3A_707 = tpu.vector_load %arg8[%get3A_705, %get3A_706] {strides = array<i32>} : memref<72x1024xf32, #tpu.memory_space<vmem>>, vector<16xf32>,
      %sub3A_708 = arith.subf %get3A_707, %gather3A_704 : vector<16xf32>
      %mul3A_709 = arith.mulf %sub3A_708, %sub3A_708 : vector<16xf32>
      %add3A_710 = arith.addf %add3A_678, %mul3A_709 : vector<16xf32>
      %add3A_711 = arith.addi %scan3A_635, %get3A_465 : vector<16xi32>
      %gather3A_712 = tpu.vector_load_idx %arg9[%add3A_711] : memref<3672xf32, #tpu.memory_space<vmem>>[vector<16xi32>], vector<16xf32>,
      %get3A_713 = arith.index_cast %scan3A_634 : i32 to index
      %get3A_714 = arith.constant 144 : index
      %get3A_715 = tpu.vector_load %arg8[%get3A_713, %get3A_714] {strides = array<i32>} : memref<72x1024xf32, #tpu.memory_space<vmem>>, vector<16xf32>,
      %sub3A_716 = arith.subf %get3A_715, %gather3A_712 : vector<16xf32>
      %mul3A_717 = arith.mulf %sub3A_716, %sub3A_716 : vector<16xf32>
      %add3A_718 = arith.addf %add3A_686, %mul3A_717 : vector<16xf32>
      %add3A_719 = arith.addi %scan3A_635, %get3A_467 : vector<16xi32>
      %gather3A_720 = tpu.vector_load_idx %arg9[%add3A_719] : memref<3672xf32, #tpu.memory_space<vmem>>[vector<16xi32>], vector<16xf32>,
      %get3A_721 = arith.index_cast %scan3A_634 : i32 to index
      %get3A_722 = arith.constant 160 : index
      %get3A_723 = tpu.vector_load %arg8[%get3A_721, %get3A_722] {strides = array<i32>} : memref<72x1024xf32, #tpu.memory_space<vmem>>, vector<16xf32>,
      %sub3A_724 = arith.subf %get3A_723, %gather3A_720 : vector<16xf32>
      %mul3A_725 = arith.mulf %sub3A_724, %sub3A_724 : vector<16xf32>
      %add3A_726 = arith.addf %add3A_694, %mul3A_725 : vector<16xf32>
      %add3A_727 = arith.addi %scan3A_635, %get3A_469 : vector<16xi32>
      %gather3A_728 = tpu.vector_load_idx %arg9[%add3A_727] : memref<3672xf32, #tpu.memory_space<vmem>>[vector<16xi32>], vector<16xf32>,
      %get3A_729 = arith.index_cast %scan3A_634 : i32 to index
      %get3A_730 = arith.constant 176 : index
      %get3A_731 = tpu.vector_load %arg8[%get3A_729, %get3A_730] {strides = array<i32>} : memref<72x1024xf32, #tpu.memory_space<vmem>>, vector<16xf32>,
      %sub3A_732 = arith.subf %get3A_731, %gather3A_728 : vector<16xf32>
      %mul3A_733 = arith.mulf %sub3A_732, %sub3A_732 : vector<16xf32>
      %add3A_734 = arith.addf %add3A_702, %mul3A_733 : vector<16xf32>
      %add3A_735 = arith.addi %scan3A_635, %get3A_471 : vector<16xi32>
      %gather3A_736 = tpu.vector_load_idx %arg9[%add3A_735] : memref<3672xf32, #tpu.memory_space<vmem>>[vector<16xi32>], vector<16xf32>,
      %get3A_737 = arith.index_cast %scan3A_634 : i32 to index
      %get3A_738 = arith.constant 192 : index
      %get3A_739 = tpu.vector_load %arg8[%get3A_737, %get3A_738] {strides = array<i32>} : memref<72x1024xf32, #tpu.memory_space<vmem>>, vector<16xf32>,
      %sub3A_740 = arith.subf %get3A_739, %gather3A_736 : vector<16xf32>
      %mul3A_741 = arith.mulf %sub3A_740, %sub3A_740 : vector<16xf32>
      %add3A_742 = arith.addf %add3A_710, %mul3A_741 : vector<16xf32>
      %add3A_743 = arith.addi %scan3A_635, %get3A_473 : vector<16xi32>
      %gather3A_744 = tpu.vector_load_idx %arg9[%add3A_743] : memref<3672xf32, #tpu.memory_space<vmem>>[vector<16xi32>], vector<16xf32>,
      %get3A_745 = arith.index_cast %scan3A_634 : i32 to index
      %get3A_746 = arith.constant 208 : index
      %get3A_747 = tpu.vector_load %arg8[%get3A_745, %get3A_746] {strides = array<i32>} : memref<72x1024xf32, #tpu.memory_space<vmem>>, vector<16xf32>,
      %sub3A_748 = arith.subf %get3A_747, %gather3A_744 : vector<16xf32>
      %mul3A_749 = arith.mulf %sub3A_748, %sub3A_748 : vector<16xf32>
      %add3A_750 = arith.addf %add3A_718, %mul3A_749 : vector<16xf32>
      %add3A_751 = arith.addi %scan3A_635, %get3A_475 : vector<16xi32>
      %gather3A_752 = tpu.vector_load_idx %arg9[%add3A_751] : memref<3672xf32, #tpu.memory_space<vmem>>[vector<16xi32>], vector<16xf32>,
      %get3A_753 = arith.index_cast %scan3A_634 : i32 to index
      %get3A_754 = arith.constant 224 : index
      %get3A_755 = tpu.vector_load %arg8[%get3A_753, %get3A_754] {strides = array<i32>} : memref<72x1024xf32, #tpu.memory_space<vmem>>, vector<16xf32>,
      %sub3A_756 = arith.subf %get3A_755, %gather3A_752 : vector<16xf32>
      %mul3A_757 = arith.mulf %sub3A_756, %sub3A_756 : vector<16xf32>
      %add3A_758 = arith.addf %add3A_726, %mul3A_757 : vector<16xf32>
      %add3A_759 = arith.addi %scan3A_635, %get3A_477 : vector<16xi32>
      %gather3A_760 = tpu.vector_load_idx %arg9[%add3A_759] : memref<3672xf32, #tpu.memory_space<vmem>>[vector<16xi32>], vector<16xf32>,
      %get3A_761 = arith.index_cast %scan3A_634 : i32 to index
      %get3A_762 = arith.constant 240 : index
      %get3A_763 = tpu.vector_load %arg8[%get3A_761, %get3A_762] {strides = array<i32>} : memref<72x1024xf32, #tpu.memory_space<vmem>>, vector<16xf32>,
      %sub3A_764 = arith.subf %get3A_763, %gather3A_760 : vector<16xf32>
      %mul3A_765 = arith.mulf %sub3A_764, %sub3A_764 : vector<16xf32>
      %add3A_766 = arith.addf %add3A_734, %mul3A_765 : vector<16xf32>
      %add3A_767 = arith.constant 51 : i32
      %add3A_768 = vector.broadcast %add3A_767 : i32 to vector<16xi32>
      %add3A_769 = arith.addi %scan3A_635, %add3A_768 : vector<16xi32>
      scf.yield %add3A_769, %add3A_742, %add3A_750, %add3A_758, %add3A_766 : vector<16xi32>, vector<16xf32>, vector<16xf32>, vector<16xf32>, vector<16xf32>
    }
    %scan3A_485 = arith.constant 32 : i32
    %get3A_486 = arith.constant 256 : index
    %get3A_487 = tpu.vector_load %arg7[%get3A_486] {strides = array<i32>} : memref<1024xi32, #tpu.memory_space<vmem>>, vector<16xi32>,
    %get3A_488 = arith.constant 272 : index
    %get3A_489 = tpu.vector_load %arg7[%get3A_488] {strides = array<i32>} : memref<1024xi32, #tpu.memory_space<vmem>>, vector<16xi32>,
    %get3A_490 = arith.constant 288 : index
    %get3A_491 = tpu.vector_load %arg7[%get3A_490] {strides = array<i32>} : memref<1024xi32, #tpu.memory_space<vmem>>, vector<16xi32>,
    %get3A_492 = arith.constant 304 : index
    %get3A_493 = tpu.vector_load %arg7[%get3A_492] {strides = array<i32>} : memref<1024xi32, #tpu.memory_space<vmem>>, vector<16xi32>,
    %get3A_494 = arith.constant 320 : index
    %get3A_495 = tpu.vector_load %arg7[%get3A_494] {strides = array<i32>} : memref<1024xi32, #tpu.memory_space<vmem>>, vector<16xi32>,
    %get3A_496 = arith.constant 336 : index
    %get3A_497 = tpu.vector_load %arg7[%get3A_496] {strides = array<i32>} : memref<1024xi32, #tpu.memory_space<vmem>>, vector<16xi32>,
    %get3A_498 = arith.constant 352 : index
    %get3A_499 = tpu.vector_load %arg7[%get3A_498] {strides = array<i32>} : memref<1024xi32, #tpu.memory_space<vmem>>, vector<16xi32>,
    %get3A_500 = arith.constant 368 : index
    %get3A_501 = tpu.vector_load %arg7[%get3A_500] {strides = array<i32>} : memref<1024xi32, #tpu.memory_space<vmem>>, vector<16xi32>,
    %get3A_502 = arith.constant 384 : index
    %get3A_503 = tpu.vector_load %arg7[%get3A_502] {strides = array<i32>} : memref<1024xi32, #tpu.memory_space<vmem>>, vector<16xi32>,
    %get3A_504 = arith.constant 400 : index
    %get3A_505 = tpu.vector_load %arg7[%get3A_504] {strides = array<i32>} : memref<1024xi32, #tpu.memory_space<vmem>>, vector<16xi32>,
    %get3A_506 = arith.constant 416 : index
    %get3A_507 = tpu.vector_load %arg7[%get3A_506] {strides = array<i32>} : memref<1024xi32, #tpu.memory_space<vmem>>, vector<16xi32>,
    %get3A_508 = arith.constant 432 : index
    %get3A_509 = tpu.vector_load %arg7[%get3A_508] {strides = array<i32>} : memref<1024xi32, #tpu.memory_space<vmem>>, vector<16xi32>,
    %get3A_510 = arith.constant 448 : index
    %get3A_511 = tpu.vector_load %arg7[%get3A_510] {strides = array<i32>} : memref<1024xi32, #tpu.memory_space<vmem>>, vector<16xi32>,
    %get3A_512 = arith.constant 464 : index
    %get3A_513 = tpu.vector_load %arg7[%get3A_512] {strides = array<i32>} : memref<1024xi32, #tpu.memory_space<vmem>>, vector<16xi32>,
    %get3A_514 = arith.constant 480 : index
    %get3A_515 = tpu.vector_load %arg7[%get3A_514] {strides = array<i32>} : memref<1024xi32, #tpu.memory_space<vmem>>, vector<16xi32>,
    %get3A_516 = arith.constant 496 : index
    %get3A_517 = tpu.vector_load %arg7[%get3A_516] {strides = array<i32>} : memref<1024xi32, #tpu.memory_space<vmem>>, vector<16xi32>,
    %broadcast_in_dim3A_518 = arith.constant 2040 : i32
    %broadcast_in_dim3A_519 = vector.broadcast %broadcast_in_dim3A_518 : i32 to vector<16xi32>
    %scan3A_520 = arith.constant 40 : i32
    %scan3A_521 = arith.constant 32 : i32
    %scan3A_522 = arith.addi %scan3A_520, %scan3A_521 : i32
    %scan3A_523 = arith.constant 1 : i32
    %scan3A_524:5 = scf.for %scan3A_634 = %scan3A_520 to %scan3A_522 step %scan3A_523 iter_args(%scan3A_635 = %broadcast_in_dim3A_519, %scan3A_636 = %scan3A_484#1, %scan3A_637 = %scan3A_484#2, %scan3A_638 = %scan3A_484#3, %scan3A_639 = %scan3A_484#4) -> (vector<16xi32>, vector<16xf32>, vector<16xf32>, vector<16xf32>, vector<16xf32>)  : i32 {
      %add3A_640 = arith.addi %scan3A_635, %get3A_487 : vector<16xi32>
      %gather3A = tpu.vector_load_idx %arg9[%add3A_640] : memref<3672xf32, #tpu.memory_space<vmem>>[vector<16xi32>], vector<16xf32>,
      %get3A_641 = arith.index_cast %scan3A_634 : i32 to index
      %get3A_642 = arith.constant 256 : index
      %get3A_643 = tpu.vector_load %arg8[%get3A_641, %get3A_642] {strides = array<i32>} : memref<72x1024xf32, #tpu.memory_space<vmem>>, vector<16xf32>,
      %sub3A_644 = arith.subf %get3A_643, %gather3A : vector<16xf32>
      %mul3A_645 = arith.mulf %sub3A_644, %sub3A_644 : vector<16xf32>
      %add3A_646 = arith.addf %scan3A_636, %mul3A_645 : vector<16xf32>
      %add3A_647 = arith.addi %scan3A_635, %get3A_489 : vector<16xi32>
      %gather3A_648 = tpu.vector_load_idx %arg9[%add3A_647] : memref<3672xf32, #tpu.memory_space<vmem>>[vector<16xi32>], vector<16xf32>,
      %get3A_649 = arith.index_cast %scan3A_634 : i32 to index
      %get3A_650 = arith.constant 272 : index
      %get3A_651 = tpu.vector_load %arg8[%get3A_649, %get3A_650] {strides = array<i32>} : memref<72x1024xf32, #tpu.memory_space<vmem>>, vector<16xf32>,
      %sub3A_652 = arith.subf %get3A_651, %gather3A_648 : vector<16xf32>
      %mul3A_653 = arith.mulf %sub3A_652, %sub3A_652 : vector<16xf32>
      %add3A_654 = arith.addf %scan3A_637, %mul3A_653 : vector<16xf32>
      %add3A_655 = arith.addi %scan3A_635, %get3A_491 : vector<16xi32>
      %gather3A_656 = tpu.vector_load_idx %arg9[%add3A_655] : memref<3672xf32, #tpu.memory_space<vmem>>[vector<16xi32>], vector<16xf32>,
      %get3A_657 = arith.index_cast %scan3A_634 : i32 to index
      %get3A_658 = arith.constant 288 : index
      %get3A_659 = tpu.vector_load %arg8[%get3A_657, %get3A_658] {strides = array<i32>} : memref<72x1024xf32, #tpu.memory_space<vmem>>, vector<16xf32>,
      %sub3A_660 = arith.subf %get3A_659, %gather3A_656 : vector<16xf32>
      %mul3A_661 = arith.mulf %sub3A_660, %sub3A_660 : vector<16xf32>
      %add3A_662 = arith.addf %scan3A_638, %mul3A_661 : vector<16xf32>
      %add3A_663 = arith.addi %scan3A_635, %get3A_493 : vector<16xi32>
      %gather3A_664 = tpu.vector_load_idx %arg9[%add3A_663] : memref<3672xf32, #tpu.memory_space<vmem>>[vector<16xi32>], vector<16xf32>,
      %get3A_665 = arith.index_cast %scan3A_634 : i32 to index
      %get3A_666 = arith.constant 304 : index
      %get3A_667 = tpu.vector_load %arg8[%get3A_665, %get3A_666] {strides = array<i32>} : memref<72x1024xf32, #tpu.memory_space<vmem>>, vector<16xf32>,
      %sub3A_668 = arith.subf %get3A_667, %gather3A_664 : vector<16xf32>
      %mul3A_669 = arith.mulf %sub3A_668, %sub3A_668 : vector<16xf32>
      %add3A_670 = arith.addf %scan3A_639, %mul3A_669 : vector<16xf32>
      %add3A_671 = arith.addi %scan3A_635, %get3A_495 : vector<16xi32>
      %gather3A_672 = tpu.vector_load_idx %arg9[%add3A_671] : memref<3672xf32, #tpu.memory_space<vmem>>[vector<16xi32>], vector<16xf32>,
      %get3A_673 = arith.index_cast %scan3A_634 : i32 to index
      %get3A_674 = arith.constant 320 : index
      %get3A_675 = tpu.vector_load %arg8[%get3A_673, %get3A_674] {strides = array<i32>} : memref<72x1024xf32, #tpu.memory_space<vmem>>, vector<16xf32>,
      %sub3A_676 = arith.subf %get3A_675, %gather3A_672 : vector<16xf32>
      %mul3A_677 = arith.mulf %sub3A_676, %sub3A_676 : vector<16xf32>
      %add3A_678 = arith.addf %add3A_646, %mul3A_677 : vector<16xf32>
      %add3A_679 = arith.addi %scan3A_635, %get3A_497 : vector<16xi32>
      %gather3A_680 = tpu.vector_load_idx %arg9[%add3A_679] : memref<3672xf32, #tpu.memory_space<vmem>>[vector<16xi32>], vector<16xf32>,
      %get3A_681 = arith.index_cast %scan3A_634 : i32 to index
      %get3A_682 = arith.constant 336 : index
      %get3A_683 = tpu.vector_load %arg8[%get3A_681, %get3A_682] {strides = array<i32>} : memref<72x1024xf32, #tpu.memory_space<vmem>>, vector<16xf32>,
      %sub3A_684 = arith.subf %get3A_683, %gather3A_680 : vector<16xf32>
      %mul3A_685 = arith.mulf %sub3A_684, %sub3A_684 : vector<16xf32>
      %add3A_686 = arith.addf %add3A_654, %mul3A_685 : vector<16xf32>
      %add3A_687 = arith.addi %scan3A_635, %get3A_499 : vector<16xi32>
      %gather3A_688 = tpu.vector_load_idx %arg9[%add3A_687] : memref<3672xf32, #tpu.memory_space<vmem>>[vector<16xi32>], vector<16xf32>,
      %get3A_689 = arith.index_cast %scan3A_634 : i32 to index
      %get3A_690 = arith.constant 352 : index
      %get3A_691 = tpu.vector_load %arg8[%get3A_689, %get3A_690] {strides = array<i32>} : memref<72x1024xf32, #tpu.memory_space<vmem>>, vector<16xf32>,
      %sub3A_692 = arith.subf %get3A_691, %gather3A_688 : vector<16xf32>
      %mul3A_693 = arith.mulf %sub3A_692, %sub3A_692 : vector<16xf32>
      %add3A_694 = arith.addf %add3A_662, %mul3A_693 : vector<16xf32>
      %add3A_695 = arith.addi %scan3A_635, %get3A_501 : vector<16xi32>
      %gather3A_696 = tpu.vector_load_idx %arg9[%add3A_695] : memref<3672xf32, #tpu.memory_space<vmem>>[vector<16xi32>], vector<16xf32>,
      %get3A_697 = arith.index_cast %scan3A_634 : i32 to index
      %get3A_698 = arith.constant 368 : index
      %get3A_699 = tpu.vector_load %arg8[%get3A_697, %get3A_698] {strides = array<i32>} : memref<72x1024xf32, #tpu.memory_space<vmem>>, vector<16xf32>,
      %sub3A_700 = arith.subf %get3A_699, %gather3A_696 : vector<16xf32>
      %mul3A_701 = arith.mulf %sub3A_700, %sub3A_700 : vector<16xf32>
      %add3A_702 = arith.addf %add3A_670, %mul3A_701 : vector<16xf32>
      %add3A_703 = arith.addi %scan3A_635, %get3A_503 : vector<16xi32>
      %gather3A_704 = tpu.vector_load_idx %arg9[%add3A_703] : memref<3672xf32, #tpu.memory_space<vmem>>[vector<16xi32>], vector<16xf32>,
      %get3A_705 = arith.index_cast %scan3A_634 : i32 to index
      %get3A_706 = arith.constant 384 : index
      %get3A_707 = tpu.vector_load %arg8[%get3A_705, %get3A_706] {strides = array<i32>} : memref<72x1024xf32, #tpu.memory_space<vmem>>, vector<16xf32>,
      %sub3A_708 = arith.subf %get3A_707, %gather3A_704 : vector<16xf32>
      %mul3A_709 = arith.mulf %sub3A_708, %sub3A_708 : vector<16xf32>
      %add3A_710 = arith.addf %add3A_678, %mul3A_709 : vector<16xf32>
      %add3A_711 = arith.addi %scan3A_635, %get3A_505 : vector<16xi32>
      %gather3A_712 = tpu.vector_load_idx %arg9[%add3A_711] : memref<3672xf32, #tpu.memory_space<vmem>>[vector<16xi32>], vector<16xf32>,
      %get3A_713 = arith.index_cast %scan3A_634 : i32 to index
      %get3A_714 = arith.constant 400 : index
      %get3A_715 = tpu.vector_load %arg8[%get3A_713, %get3A_714] {strides = array<i32>} : memref<72x1024xf32, #tpu.memory_space<vmem>>, vector<16xf32>,
      %sub3A_716 = arith.subf %get3A_715, %gather3A_712 : vector<16xf32>
      %mul3A_717 = arith.mulf %sub3A_716, %sub3A_716 : vector<16xf32>
      %add3A_718 = arith.addf %add3A_686, %mul3A_717 : vector<16xf32>
      %add3A_719 = arith.addi %scan3A_635, %get3A_507 : vector<16xi32>
      %gather3A_720 = tpu.vector_load_idx %arg9[%add3A_719] : memref<3672xf32, #tpu.memory_space<vmem>>[vector<16xi32>], vector<16xf32>,
      %get3A_721 = arith.index_cast %scan3A_634 : i32 to index
      %get3A_722 = arith.constant 416 : index
      %get3A_723 = tpu.vector_load %arg8[%get3A_721, %get3A_722] {strides = array<i32>} : memref<72x1024xf32, #tpu.memory_space<vmem>>, vector<16xf32>,
      %sub3A_724 = arith.subf %get3A_723, %gather3A_720 : vector<16xf32>
      %mul3A_725 = arith.mulf %sub3A_724, %sub3A_724 : vector<16xf32>
      %add3A_726 = arith.addf %add3A_694, %mul3A_725 : vector<16xf32>
      %add3A_727 = arith.addi %scan3A_635, %get3A_509 : vector<16xi32>
      %gather3A_728 = tpu.vector_load_idx %arg9[%add3A_727] : memref<3672xf32, #tpu.memory_space<vmem>>[vector<16xi32>], vector<16xf32>,
      %get3A_729 = arith.index_cast %scan3A_634 : i32 to index
      %get3A_730 = arith.constant 432 : index
      %get3A_731 = tpu.vector_load %arg8[%get3A_729, %get3A_730] {strides = array<i32>} : memref<72x1024xf32, #tpu.memory_space<vmem>>, vector<16xf32>,
      %sub3A_732 = arith.subf %get3A_731, %gather3A_728 : vector<16xf32>
      %mul3A_733 = arith.mulf %sub3A_732, %sub3A_732 : vector<16xf32>
      %add3A_734 = arith.addf %add3A_702, %mul3A_733 : vector<16xf32>
      %add3A_735 = arith.addi %scan3A_635, %get3A_511 : vector<16xi32>
      %gather3A_736 = tpu.vector_load_idx %arg9[%add3A_735] : memref<3672xf32, #tpu.memory_space<vmem>>[vector<16xi32>], vector<16xf32>,
      %get3A_737 = arith.index_cast %scan3A_634 : i32 to index
      %get3A_738 = arith.constant 448 : index
      %get3A_739 = tpu.vector_load %arg8[%get3A_737, %get3A_738] {strides = array<i32>} : memref<72x1024xf32, #tpu.memory_space<vmem>>, vector<16xf32>,
      %sub3A_740 = arith.subf %get3A_739, %gather3A_736 : vector<16xf32>
      %mul3A_741 = arith.mulf %sub3A_740, %sub3A_740 : vector<16xf32>
      %add3A_742 = arith.addf %add3A_710, %mul3A_741 : vector<16xf32>
      %add3A_743 = arith.addi %scan3A_635, %get3A_513 : vector<16xi32>
      %gather3A_744 = tpu.vector_load_idx %arg9[%add3A_743] : memref<3672xf32, #tpu.memory_space<vmem>>[vector<16xi32>], vector<16xf32>,
      %get3A_745 = arith.index_cast %scan3A_634 : i32 to index
      %get3A_746 = arith.constant 464 : index
      %get3A_747 = tpu.vector_load %arg8[%get3A_745, %get3A_746] {strides = array<i32>} : memref<72x1024xf32, #tpu.memory_space<vmem>>, vector<16xf32>,
      %sub3A_748 = arith.subf %get3A_747, %gather3A_744 : vector<16xf32>
      %mul3A_749 = arith.mulf %sub3A_748, %sub3A_748 : vector<16xf32>
      %add3A_750 = arith.addf %add3A_718, %mul3A_749 : vector<16xf32>
      %add3A_751 = arith.addi %scan3A_635, %get3A_515 : vector<16xi32>
      %gather3A_752 = tpu.vector_load_idx %arg9[%add3A_751] : memref<3672xf32, #tpu.memory_space<vmem>>[vector<16xi32>], vector<16xf32>,
      %get3A_753 = arith.index_cast %scan3A_634 : i32 to index
      %get3A_754 = arith.constant 480 : index
      %get3A_755 = tpu.vector_load %arg8[%get3A_753, %get3A_754] {strides = array<i32>} : memref<72x1024xf32, #tpu.memory_space<vmem>>, vector<16xf32>,
      %sub3A_756 = arith.subf %get3A_755, %gather3A_752 : vector<16xf32>
      %mul3A_757 = arith.mulf %sub3A_756, %sub3A_756 : vector<16xf32>
      %add3A_758 = arith.addf %add3A_726, %mul3A_757 : vector<16xf32>
      %add3A_759 = arith.addi %scan3A_635, %get3A_517 : vector<16xi32>
      %gather3A_760 = tpu.vector_load_idx %arg9[%add3A_759] : memref<3672xf32, #tpu.memory_space<vmem>>[vector<16xi32>], vector<16xf32>,
      %get3A_761 = arith.index_cast %scan3A_634 : i32 to index
      %get3A_762 = arith.constant 496 : index
      %get3A_763 = tpu.vector_load %arg8[%get3A_761, %get3A_762] {strides = array<i32>} : memref<72x1024xf32, #tpu.memory_space<vmem>>, vector<16xf32>,
      %sub3A_764 = arith.subf %get3A_763, %gather3A_760 : vector<16xf32>
      %mul3A_765 = arith.mulf %sub3A_764, %sub3A_764 : vector<16xf32>
      %add3A_766 = arith.addf %add3A_734, %mul3A_765 : vector<16xf32>
      %add3A_767 = arith.constant 51 : i32
      %add3A_768 = vector.broadcast %add3A_767 : i32 to vector<16xi32>
      %add3A_769 = arith.addi %scan3A_635, %add3A_768 : vector<16xi32>
      scf.yield %add3A_769, %add3A_742, %add3A_750, %add3A_758, %add3A_766 : vector<16xi32>, vector<16xf32>, vector<16xf32>, vector<16xf32>, vector<16xf32>
    }
    %scan3A_525 = arith.constant 32 : i32
    %get3A_526 = arith.constant 512 : index
    %get3A_527 = tpu.vector_load %arg7[%get3A_526] {strides = array<i32>} : memref<1024xi32, #tpu.memory_space<vmem>>, vector<16xi32>,
    %get3A_528 = arith.constant 528 : index
    %get3A_529 = tpu.vector_load %arg7[%get3A_528] {strides = array<i32>} : memref<1024xi32, #tpu.memory_space<vmem>>, vector<16xi32>,
    %get3A_530 = arith.constant 544 : index
    %get3A_531 = tpu.vector_load %arg7[%get3A_530] {strides = array<i32>} : memref<1024xi32, #tpu.memory_space<vmem>>, vector<16xi32>,
    %get3A_532 = arith.constant 560 : index
    %get3A_533 = tpu.vector_load %arg7[%get3A_532] {strides = array<i32>} : memref<1024xi32, #tpu.memory_space<vmem>>, vector<16xi32>,
    %get3A_534 = arith.constant 576 : index
    %get3A_535 = tpu.vector_load %arg7[%get3A_534] {strides = array<i32>} : memref<1024xi32, #tpu.memory_space<vmem>>, vector<16xi32>,
    %get3A_536 = arith.constant 592 : index
    %get3A_537 = tpu.vector_load %arg7[%get3A_536] {strides = array<i32>} : memref<1024xi32, #tpu.memory_space<vmem>>, vector<16xi32>,
    %get3A_538 = arith.constant 608 : index
    %get3A_539 = tpu.vector_load %arg7[%get3A_538] {strides = array<i32>} : memref<1024xi32, #tpu.memory_space<vmem>>, vector<16xi32>,
    %get3A_540 = arith.constant 624 : index
    %get3A_541 = tpu.vector_load %arg7[%get3A_540] {strides = array<i32>} : memref<1024xi32, #tpu.memory_space<vmem>>, vector<16xi32>,
    %get3A_542 = arith.constant 640 : index
    %get3A_543 = tpu.vector_load %arg7[%get3A_542] {strides = array<i32>} : memref<1024xi32, #tpu.memory_space<vmem>>, vector<16xi32>,
    %get3A_544 = arith.constant 656 : index
    %get3A_545 = tpu.vector_load %arg7[%get3A_544] {strides = array<i32>} : memref<1024xi32, #tpu.memory_space<vmem>>, vector<16xi32>,
    %get3A_546 = arith.constant 672 : index
    %get3A_547 = tpu.vector_load %arg7[%get3A_546] {strides = array<i32>} : memref<1024xi32, #tpu.memory_space<vmem>>, vector<16xi32>,
    %get3A_548 = arith.constant 688 : index
    %get3A_549 = tpu.vector_load %arg7[%get3A_548] {strides = array<i32>} : memref<1024xi32, #tpu.memory_space<vmem>>, vector<16xi32>,
    %get3A_550 = arith.constant 704 : index
    %get3A_551 = tpu.vector_load %arg7[%get3A_550] {strides = array<i32>} : memref<1024xi32, #tpu.memory_space<vmem>>, vector<16xi32>,
    %get3A_552 = arith.constant 720 : index
    %get3A_553 = tpu.vector_load %arg7[%get3A_552] {strides = array<i32>} : memref<1024xi32, #tpu.memory_space<vmem>>, vector<16xi32>,
    %get3A_554 = arith.constant 736 : index
    %get3A_555 = tpu.vector_load %arg7[%get3A_554] {strides = array<i32>} : memref<1024xi32, #tpu.memory_space<vmem>>, vector<16xi32>,
    %get3A_556 = arith.constant 752 : index
    %get3A_557 = tpu.vector_load %arg7[%get3A_556] {strides = array<i32>} : memref<1024xi32, #tpu.memory_space<vmem>>, vector<16xi32>,
    %broadcast_in_dim3A_558 = arith.constant 2040 : i32
    %broadcast_in_dim3A_559 = vector.broadcast %broadcast_in_dim3A_558 : i32 to vector<16xi32>
    %scan3A_560 = arith.constant 40 : i32
    %scan3A_561 = arith.constant 32 : i32
    %scan3A_562 = arith.addi %scan3A_560, %scan3A_561 : i32
    %scan3A_563 = arith.constant 1 : i32
    %scan3A_564:5 = scf.for %scan3A_634 = %scan3A_560 to %scan3A_562 step %scan3A_563 iter_args(%scan3A_635 = %broadcast_in_dim3A_559, %scan3A_636 = %scan3A_524#1, %scan3A_637 = %scan3A_524#2, %scan3A_638 = %scan3A_524#3, %scan3A_639 = %scan3A_524#4) -> (vector<16xi32>, vector<16xf32>, vector<16xf32>, vector<16xf32>, vector<16xf32>)  : i32 {
      %add3A_640 = arith.addi %scan3A_635, %get3A_527 : vector<16xi32>
      %gather3A = tpu.vector_load_idx %arg9[%add3A_640] : memref<3672xf32, #tpu.memory_space<vmem>>[vector<16xi32>], vector<16xf32>,
      %get3A_641 = arith.index_cast %scan3A_634 : i32 to index
      %get3A_642 = arith.constant 512 : index
      %get3A_643 = tpu.vector_load %arg8[%get3A_641, %get3A_642] {strides = array<i32>} : memref<72x1024xf32, #tpu.memory_space<vmem>>, vector<16xf32>,
      %sub3A_644 = arith.subf %get3A_643, %gather3A : vector<16xf32>
      %mul3A_645 = arith.mulf %sub3A_644, %sub3A_644 : vector<16xf32>
      %add3A_646 = arith.addf %scan3A_636, %mul3A_645 : vector<16xf32>
      %add3A_647 = arith.addi %scan3A_635, %get3A_529 : vector<16xi32>
      %gather3A_648 = tpu.vector_load_idx %arg9[%add3A_647] : memref<3672xf32, #tpu.memory_space<vmem>>[vector<16xi32>], vector<16xf32>,
      %get3A_649 = arith.index_cast %scan3A_634 : i32 to index
      %get3A_650 = arith.constant 528 : index
      %get3A_651 = tpu.vector_load %arg8[%get3A_649, %get3A_650] {strides = array<i32>} : memref<72x1024xf32, #tpu.memory_space<vmem>>, vector<16xf32>,
      %sub3A_652 = arith.subf %get3A_651, %gather3A_648 : vector<16xf32>
      %mul3A_653 = arith.mulf %sub3A_652, %sub3A_652 : vector<16xf32>
      %add3A_654 = arith.addf %scan3A_637, %mul3A_653 : vector<16xf32>
      %add3A_655 = arith.addi %scan3A_635, %get3A_531 : vector<16xi32>
      %gather3A_656 = tpu.vector_load_idx %arg9[%add3A_655] : memref<3672xf32, #tpu.memory_space<vmem>>[vector<16xi32>], vector<16xf32>,
      %get3A_657 = arith.index_cast %scan3A_634 : i32 to index
      %get3A_658 = arith.constant 544 : index
      %get3A_659 = tpu.vector_load %arg8[%get3A_657, %get3A_658] {strides = array<i32>} : memref<72x1024xf32, #tpu.memory_space<vmem>>, vector<16xf32>,
      %sub3A_660 = arith.subf %get3A_659, %gather3A_656 : vector<16xf32>
      %mul3A_661 = arith.mulf %sub3A_660, %sub3A_660 : vector<16xf32>
      %add3A_662 = arith.addf %scan3A_638, %mul3A_661 : vector<16xf32>
      %add3A_663 = arith.addi %scan3A_635, %get3A_533 : vector<16xi32>
      %gather3A_664 = tpu.vector_load_idx %arg9[%add3A_663] : memref<3672xf32, #tpu.memory_space<vmem>>[vector<16xi32>], vector<16xf32>,
      %get3A_665 = arith.index_cast %scan3A_634 : i32 to index
      %get3A_666 = arith.constant 560 : index
      %get3A_667 = tpu.vector_load %arg8[%get3A_665, %get3A_666] {strides = array<i32>} : memref<72x1024xf32, #tpu.memory_space<vmem>>, vector<16xf32>,
      %sub3A_668 = arith.subf %get3A_667, %gather3A_664 : vector<16xf32>
      %mul3A_669 = arith.mulf %sub3A_668, %sub3A_668 : vector<16xf32>
      %add3A_670 = arith.addf %scan3A_639, %mul3A_669 : vector<16xf32>
      %add3A_671 = arith.addi %scan3A_635, %get3A_535 : vector<16xi32>
      %gather3A_672 = tpu.vector_load_idx %arg9[%add3A_671] : memref<3672xf32, #tpu.memory_space<vmem>>[vector<16xi32>], vector<16xf32>,
      %get3A_673 = arith.index_cast %scan3A_634 : i32 to index
      %get3A_674 = arith.constant 576 : index
      %get3A_675 = tpu.vector_load %arg8[%get3A_673, %get3A_674] {strides = array<i32>} : memref<72x1024xf32, #tpu.memory_space<vmem>>, vector<16xf32>,
      %sub3A_676 = arith.subf %get3A_675, %gather3A_672 : vector<16xf32>
      %mul3A_677 = arith.mulf %sub3A_676, %sub3A_676 : vector<16xf32>
      %add3A_678 = arith.addf %add3A_646, %mul3A_677 : vector<16xf32>
      %add3A_679 = arith.addi %scan3A_635, %get3A_537 : vector<16xi32>
      %gather3A_680 = tpu.vector_load_idx %arg9[%add3A_679] : memref<3672xf32, #tpu.memory_space<vmem>>[vector<16xi32>], vector<16xf32>,
      %get3A_681 = arith.index_cast %scan3A_634 : i32 to index
      %get3A_682 = arith.constant 592 : index
      %get3A_683 = tpu.vector_load %arg8[%get3A_681, %get3A_682] {strides = array<i32>} : memref<72x1024xf32, #tpu.memory_space<vmem>>, vector<16xf32>,
      %sub3A_684 = arith.subf %get3A_683, %gather3A_680 : vector<16xf32>
      %mul3A_685 = arith.mulf %sub3A_684, %sub3A_684 : vector<16xf32>
      %add3A_686 = arith.addf %add3A_654, %mul3A_685 : vector<16xf32>
      %add3A_687 = arith.addi %scan3A_635, %get3A_539 : vector<16xi32>
      %gather3A_688 = tpu.vector_load_idx %arg9[%add3A_687] : memref<3672xf32, #tpu.memory_space<vmem>>[vector<16xi32>], vector<16xf32>,
      %get3A_689 = arith.index_cast %scan3A_634 : i32 to index
      %get3A_690 = arith.constant 608 : index
      %get3A_691 = tpu.vector_load %arg8[%get3A_689, %get3A_690] {strides = array<i32>} : memref<72x1024xf32, #tpu.memory_space<vmem>>, vector<16xf32>,
      %sub3A_692 = arith.subf %get3A_691, %gather3A_688 : vector<16xf32>
      %mul3A_693 = arith.mulf %sub3A_692, %sub3A_692 : vector<16xf32>
      %add3A_694 = arith.addf %add3A_662, %mul3A_693 : vector<16xf32>
      %add3A_695 = arith.addi %scan3A_635, %get3A_541 : vector<16xi32>
      %gather3A_696 = tpu.vector_load_idx %arg9[%add3A_695] : memref<3672xf32, #tpu.memory_space<vmem>>[vector<16xi32>], vector<16xf32>,
      %get3A_697 = arith.index_cast %scan3A_634 : i32 to index
      %get3A_698 = arith.constant 624 : index
      %get3A_699 = tpu.vector_load %arg8[%get3A_697, %get3A_698] {strides = array<i32>} : memref<72x1024xf32, #tpu.memory_space<vmem>>, vector<16xf32>,
      %sub3A_700 = arith.subf %get3A_699, %gather3A_696 : vector<16xf32>
      %mul3A_701 = arith.mulf %sub3A_700, %sub3A_700 : vector<16xf32>
      %add3A_702 = arith.addf %add3A_670, %mul3A_701 : vector<16xf32>
      %add3A_703 = arith.addi %scan3A_635, %get3A_543 : vector<16xi32>
      %gather3A_704 = tpu.vector_load_idx %arg9[%add3A_703] : memref<3672xf32, #tpu.memory_space<vmem>>[vector<16xi32>], vector<16xf32>,
      %get3A_705 = arith.index_cast %scan3A_634 : i32 to index
      %get3A_706 = arith.constant 640 : index
      %get3A_707 = tpu.vector_load %arg8[%get3A_705, %get3A_706] {strides = array<i32>} : memref<72x1024xf32, #tpu.memory_space<vmem>>, vector<16xf32>,
      %sub3A_708 = arith.subf %get3A_707, %gather3A_704 : vector<16xf32>
      %mul3A_709 = arith.mulf %sub3A_708, %sub3A_708 : vector<16xf32>
      %add3A_710 = arith.addf %add3A_678, %mul3A_709 : vector<16xf32>
      %add3A_711 = arith.addi %scan3A_635, %get3A_545 : vector<16xi32>
      %gather3A_712 = tpu.vector_load_idx %arg9[%add3A_711] : memref<3672xf32, #tpu.memory_space<vmem>>[vector<16xi32>], vector<16xf32>,
      %get3A_713 = arith.index_cast %scan3A_634 : i32 to index
      %get3A_714 = arith.constant 656 : index
      %get3A_715 = tpu.vector_load %arg8[%get3A_713, %get3A_714] {strides = array<i32>} : memref<72x1024xf32, #tpu.memory_space<vmem>>, vector<16xf32>,
      %sub3A_716 = arith.subf %get3A_715, %gather3A_712 : vector<16xf32>
      %mul3A_717 = arith.mulf %sub3A_716, %sub3A_716 : vector<16xf32>
      %add3A_718 = arith.addf %add3A_686, %mul3A_717 : vector<16xf32>
      %add3A_719 = arith.addi %scan3A_635, %get3A_547 : vector<16xi32>
      %gather3A_720 = tpu.vector_load_idx %arg9[%add3A_719] : memref<3672xf32, #tpu.memory_space<vmem>>[vector<16xi32>], vector<16xf32>,
      %get3A_721 = arith.index_cast %scan3A_634 : i32 to index
      %get3A_722 = arith.constant 672 : index
      %get3A_723 = tpu.vector_load %arg8[%get3A_721, %get3A_722] {strides = array<i32>} : memref<72x1024xf32, #tpu.memory_space<vmem>>, vector<16xf32>,
      %sub3A_724 = arith.subf %get3A_723, %gather3A_720 : vector<16xf32>
      %mul3A_725 = arith.mulf %sub3A_724, %sub3A_724 : vector<16xf32>
      %add3A_726 = arith.addf %add3A_694, %mul3A_725 : vector<16xf32>
      %add3A_727 = arith.addi %scan3A_635, %get3A_549 : vector<16xi32>
      %gather3A_728 = tpu.vector_load_idx %arg9[%add3A_727] : memref<3672xf32, #tpu.memory_space<vmem>>[vector<16xi32>], vector<16xf32>,
      %get3A_729 = arith.index_cast %scan3A_634 : i32 to index
      %get3A_730 = arith.constant 688 : index
      %get3A_731 = tpu.vector_load %arg8[%get3A_729, %get3A_730] {strides = array<i32>} : memref<72x1024xf32, #tpu.memory_space<vmem>>, vector<16xf32>,
      %sub3A_732 = arith.subf %get3A_731, %gather3A_728 : vector<16xf32>
      %mul3A_733 = arith.mulf %sub3A_732, %sub3A_732 : vector<16xf32>
      %add3A_734 = arith.addf %add3A_702, %mul3A_733 : vector<16xf32>
      %add3A_735 = arith.addi %scan3A_635, %get3A_551 : vector<16xi32>
      %gather3A_736 = tpu.vector_load_idx %arg9[%add3A_735] : memref<3672xf32, #tpu.memory_space<vmem>>[vector<16xi32>], vector<16xf32>,
      %get3A_737 = arith.index_cast %scan3A_634 : i32 to index
      %get3A_738 = arith.constant 704 : index
      %get3A_739 = tpu.vector_load %arg8[%get3A_737, %get3A_738] {strides = array<i32>} : memref<72x1024xf32, #tpu.memory_space<vmem>>, vector<16xf32>,
      %sub3A_740 = arith.subf %get3A_739, %gather3A_736 : vector<16xf32>
      %mul3A_741 = arith.mulf %sub3A_740, %sub3A_740 : vector<16xf32>
      %add3A_742 = arith.addf %add3A_710, %mul3A_741 : vector<16xf32>
      %add3A_743 = arith.addi %scan3A_635, %get3A_553 : vector<16xi32>
      %gather3A_744 = tpu.vector_load_idx %arg9[%add3A_743] : memref<3672xf32, #tpu.memory_space<vmem>>[vector<16xi32>], vector<16xf32>,
      %get3A_745 = arith.index_cast %scan3A_634 : i32 to index
      %get3A_746 = arith.constant 720 : index
      %get3A_747 = tpu.vector_load %arg8[%get3A_745, %get3A_746] {strides = array<i32>} : memref<72x1024xf32, #tpu.memory_space<vmem>>, vector<16xf32>,
      %sub3A_748 = arith.subf %get3A_747, %gather3A_744 : vector<16xf32>
      %mul3A_749 = arith.mulf %sub3A_748, %sub3A_748 : vector<16xf32>
      %add3A_750 = arith.addf %add3A_718, %mul3A_749 : vector<16xf32>
      %add3A_751 = arith.addi %scan3A_635, %get3A_555 : vector<16xi32>
      %gather3A_752 = tpu.vector_load_idx %arg9[%add3A_751] : memref<3672xf32, #tpu.memory_space<vmem>>[vector<16xi32>], vector<16xf32>,
      %get3A_753 = arith.index_cast %scan3A_634 : i32 to index
      %get3A_754 = arith.constant 736 : index
      %get3A_755 = tpu.vector_load %arg8[%get3A_753, %get3A_754] {strides = array<i32>} : memref<72x1024xf32, #tpu.memory_space<vmem>>, vector<16xf32>,
      %sub3A_756 = arith.subf %get3A_755, %gather3A_752 : vector<16xf32>
      %mul3A_757 = arith.mulf %sub3A_756, %sub3A_756 : vector<16xf32>
      %add3A_758 = arith.addf %add3A_726, %mul3A_757 : vector<16xf32>
      %add3A_759 = arith.addi %scan3A_635, %get3A_557 : vector<16xi32>
      %gather3A_760 = tpu.vector_load_idx %arg9[%add3A_759] : memref<3672xf32, #tpu.memory_space<vmem>>[vector<16xi32>], vector<16xf32>,
      %get3A_761 = arith.index_cast %scan3A_634 : i32 to index
      %get3A_762 = arith.constant 752 : index
      %get3A_763 = tpu.vector_load %arg8[%get3A_761, %get3A_762] {strides = array<i32>} : memref<72x1024xf32, #tpu.memory_space<vmem>>, vector<16xf32>,
      %sub3A_764 = arith.subf %get3A_763, %gather3A_760 : vector<16xf32>
      %mul3A_765 = arith.mulf %sub3A_764, %sub3A_764 : vector<16xf32>
      %add3A_766 = arith.addf %add3A_734, %mul3A_765 : vector<16xf32>
      %add3A_767 = arith.constant 51 : i32
      %add3A_768 = vector.broadcast %add3A_767 : i32 to vector<16xi32>
      %add3A_769 = arith.addi %scan3A_635, %add3A_768 : vector<16xi32>
      scf.yield %add3A_769, %add3A_742, %add3A_750, %add3A_758, %add3A_766 : vector<16xi32>, vector<16xf32>, vector<16xf32>, vector<16xf32>, vector<16xf32>
    }
    %scan3A_565 = arith.constant 32 : i32
    %get3A_566 = arith.constant 768 : index
    %get3A_567 = tpu.vector_load %arg7[%get3A_566] {strides = array<i32>} : memref<1024xi32, #tpu.memory_space<vmem>>, vector<16xi32>,
    %get3A_568 = arith.constant 784 : index
    %get3A_569 = tpu.vector_load %arg7[%get3A_568] {strides = array<i32>} : memref<1024xi32, #tpu.memory_space<vmem>>, vector<16xi32>,
    %get3A_570 = arith.constant 800 : index
    %get3A_571 = tpu.vector_load %arg7[%get3A_570] {strides = array<i32>} : memref<1024xi32, #tpu.memory_space<vmem>>, vector<16xi32>,
    %get3A_572 = arith.constant 816 : index
    %get3A_573 = tpu.vector_load %arg7[%get3A_572] {strides = array<i32>} : memref<1024xi32, #tpu.memory_space<vmem>>, vector<16xi32>,
    %get3A_574 = arith.constant 832 : index
    %get3A_575 = tpu.vector_load %arg7[%get3A_574] {strides = array<i32>} : memref<1024xi32, #tpu.memory_space<vmem>>, vector<16xi32>,
    %get3A_576 = arith.constant 848 : index
    %get3A_577 = tpu.vector_load %arg7[%get3A_576] {strides = array<i32>} : memref<1024xi32, #tpu.memory_space<vmem>>, vector<16xi32>,
    %get3A_578 = arith.constant 864 : index
    %get3A_579 = tpu.vector_load %arg7[%get3A_578] {strides = array<i32>} : memref<1024xi32, #tpu.memory_space<vmem>>, vector<16xi32>,
    %get3A_580 = arith.constant 880 : index
    %get3A_581 = tpu.vector_load %arg7[%get3A_580] {strides = array<i32>} : memref<1024xi32, #tpu.memory_space<vmem>>, vector<16xi32>,
    %get3A_582 = arith.constant 896 : index
    %get3A_583 = tpu.vector_load %arg7[%get3A_582] {strides = array<i32>} : memref<1024xi32, #tpu.memory_space<vmem>>, vector<16xi32>,
    %get3A_584 = arith.constant 912 : index
    %get3A_585 = tpu.vector_load %arg7[%get3A_584] {strides = array<i32>} : memref<1024xi32, #tpu.memory_space<vmem>>, vector<16xi32>,
    %get3A_586 = arith.constant 928 : index
    %get3A_587 = tpu.vector_load %arg7[%get3A_586] {strides = array<i32>} : memref<1024xi32, #tpu.memory_space<vmem>>, vector<16xi32>,
    %get3A_588 = arith.constant 944 : index
    %get3A_589 = tpu.vector_load %arg7[%get3A_588] {strides = array<i32>} : memref<1024xi32, #tpu.memory_space<vmem>>, vector<16xi32>,
    %get3A_590 = arith.constant 960 : index
    %get3A_591 = tpu.vector_load %arg7[%get3A_590] {strides = array<i32>} : memref<1024xi32, #tpu.memory_space<vmem>>, vector<16xi32>,
    %get3A_592 = arith.constant 976 : index
    %get3A_593 = tpu.vector_load %arg7[%get3A_592] {strides = array<i32>} : memref<1024xi32, #tpu.memory_space<vmem>>, vector<16xi32>,
    %get3A_594 = arith.constant 992 : index
    %get3A_595 = tpu.vector_load %arg7[%get3A_594] {strides = array<i32>} : memref<1024xi32, #tpu.memory_space<vmem>>, vector<16xi32>,
    %get3A_596 = arith.constant 1008 : index
    %get3A_597 = tpu.vector_load %arg7[%get3A_596] {strides = array<i32>} : memref<1024xi32, #tpu.memory_space<vmem>>, vector<16xi32>,
    %broadcast_in_dim3A_598 = arith.constant 2040 : i32
    %broadcast_in_dim3A_599 = vector.broadcast %broadcast_in_dim3A_598 : i32 to vector<16xi32>
    %scan3A_600 = arith.constant 40 : i32
    %scan3A_601 = arith.constant 32 : i32
    %scan3A_602 = arith.addi %scan3A_600, %scan3A_601 : i32
    %scan3A_603 = arith.constant 1 : i32
    %scan3A_604:5 = scf.for %scan3A_634 = %scan3A_600 to %scan3A_602 step %scan3A_603 iter_args(%scan3A_635 = %broadcast_in_dim3A_599, %scan3A_636 = %scan3A_564#1, %scan3A_637 = %scan3A_564#2, %scan3A_638 = %scan3A_564#3, %scan3A_639 = %scan3A_564#4) -> (vector<16xi32>, vector<16xf32>, vector<16xf32>, vector<16xf32>, vector<16xf32>)  : i32 {
      %add3A_640 = arith.addi %scan3A_635, %get3A_567 : vector<16xi32>
      %gather3A = tpu.vector_load_idx %arg9[%add3A_640] : memref<3672xf32, #tpu.memory_space<vmem>>[vector<16xi32>], vector<16xf32>,
      %get3A_641 = arith.index_cast %scan3A_634 : i32 to index
      %get3A_642 = arith.constant 768 : index
      %get3A_643 = tpu.vector_load %arg8[%get3A_641, %get3A_642] {strides = array<i32>} : memref<72x1024xf32, #tpu.memory_space<vmem>>, vector<16xf32>,
      %sub3A_644 = arith.subf %get3A_643, %gather3A : vector<16xf32>
      %mul3A_645 = arith.mulf %sub3A_644, %sub3A_644 : vector<16xf32>
      %add3A_646 = arith.addf %scan3A_636, %mul3A_645 : vector<16xf32>
      %add3A_647 = arith.addi %scan3A_635, %get3A_569 : vector<16xi32>
      %gather3A_648 = tpu.vector_load_idx %arg9[%add3A_647] : memref<3672xf32, #tpu.memory_space<vmem>>[vector<16xi32>], vector<16xf32>,
      %get3A_649 = arith.index_cast %scan3A_634 : i32 to index
      %get3A_650 = arith.constant 784 : index
      %get3A_651 = tpu.vector_load %arg8[%get3A_649, %get3A_650] {strides = array<i32>} : memref<72x1024xf32, #tpu.memory_space<vmem>>, vector<16xf32>,
      %sub3A_652 = arith.subf %get3A_651, %gather3A_648 : vector<16xf32>
      %mul3A_653 = arith.mulf %sub3A_652, %sub3A_652 : vector<16xf32>
      %add3A_654 = arith.addf %scan3A_637, %mul3A_653 : vector<16xf32>
      %add3A_655 = arith.addi %scan3A_635, %get3A_571 : vector<16xi32>
      %gather3A_656 = tpu.vector_load_idx %arg9[%add3A_655] : memref<3672xf32, #tpu.memory_space<vmem>>[vector<16xi32>], vector<16xf32>,
      %get3A_657 = arith.index_cast %scan3A_634 : i32 to index
      %get3A_658 = arith.constant 800 : index
      %get3A_659 = tpu.vector_load %arg8[%get3A_657, %get3A_658] {strides = array<i32>} : memref<72x1024xf32, #tpu.memory_space<vmem>>, vector<16xf32>,
      %sub3A_660 = arith.subf %get3A_659, %gather3A_656 : vector<16xf32>
      %mul3A_661 = arith.mulf %sub3A_660, %sub3A_660 : vector<16xf32>
      %add3A_662 = arith.addf %scan3A_638, %mul3A_661 : vector<16xf32>
      %add3A_663 = arith.addi %scan3A_635, %get3A_573 : vector<16xi32>
      %gather3A_664 = tpu.vector_load_idx %arg9[%add3A_663] : memref<3672xf32, #tpu.memory_space<vmem>>[vector<16xi32>], vector<16xf32>,
      %get3A_665 = arith.index_cast %scan3A_634 : i32 to index
      %get3A_666 = arith.constant 816 : index
      %get3A_667 = tpu.vector_load %arg8[%get3A_665, %get3A_666] {strides = array<i32>} : memref<72x1024xf32, #tpu.memory_space<vmem>>, vector<16xf32>,
      %sub3A_668 = arith.subf %get3A_667, %gather3A_664 : vector<16xf32>
      %mul3A_669 = arith.mulf %sub3A_668, %sub3A_668 : vector<16xf32>
      %add3A_670 = arith.addf %scan3A_639, %mul3A_669 : vector<16xf32>
      %add3A_671 = arith.addi %scan3A_635, %get3A_575 : vector<16xi32>
      %gather3A_672 = tpu.vector_load_idx %arg9[%add3A_671] : memref<3672xf32, #tpu.memory_space<vmem>>[vector<16xi32>], vector<16xf32>,
      %get3A_673 = arith.index_cast %scan3A_634 : i32 to index
      %get3A_674 = arith.constant 832 : index
      %get3A_675 = tpu.vector_load %arg8[%get3A_673, %get3A_674] {strides = array<i32>} : memref<72x1024xf32, #tpu.memory_space<vmem>>, vector<16xf32>,
      %sub3A_676 = arith.subf %get3A_675, %gather3A_672 : vector<16xf32>
      %mul3A_677 = arith.mulf %sub3A_676, %sub3A_676 : vector<16xf32>
      %add3A_678 = arith.addf %add3A_646, %mul3A_677 : vector<16xf32>
      %add3A_679 = arith.addi %scan3A_635, %get3A_577 : vector<16xi32>
      %gather3A_680 = tpu.vector_load_idx %arg9[%add3A_679] : memref<3672xf32, #tpu.memory_space<vmem>>[vector<16xi32>], vector<16xf32>,
      %get3A_681 = arith.index_cast %scan3A_634 : i32 to index
      %get3A_682 = arith.constant 848 : index
      %get3A_683 = tpu.vector_load %arg8[%get3A_681, %get3A_682] {strides = array<i32>} : memref<72x1024xf32, #tpu.memory_space<vmem>>, vector<16xf32>,
      %sub3A_684 = arith.subf %get3A_683, %gather3A_680 : vector<16xf32>
      %mul3A_685 = arith.mulf %sub3A_684, %sub3A_684 : vector<16xf32>
      %add3A_686 = arith.addf %add3A_654, %mul3A_685 : vector<16xf32>
      %add3A_687 = arith.addi %scan3A_635, %get3A_579 : vector<16xi32>
      %gather3A_688 = tpu.vector_load_idx %arg9[%add3A_687] : memref<3672xf32, #tpu.memory_space<vmem>>[vector<16xi32>], vector<16xf32>,
      %get3A_689 = arith.index_cast %scan3A_634 : i32 to index
      %get3A_690 = arith.constant 864 : index
      %get3A_691 = tpu.vector_load %arg8[%get3A_689, %get3A_690] {strides = array<i32>} : memref<72x1024xf32, #tpu.memory_space<vmem>>, vector<16xf32>,
      %sub3A_692 = arith.subf %get3A_691, %gather3A_688 : vector<16xf32>
      %mul3A_693 = arith.mulf %sub3A_692, %sub3A_692 : vector<16xf32>
      %add3A_694 = arith.addf %add3A_662, %mul3A_693 : vector<16xf32>
      %add3A_695 = arith.addi %scan3A_635, %get3A_581 : vector<16xi32>
      %gather3A_696 = tpu.vector_load_idx %arg9[%add3A_695] : memref<3672xf32, #tpu.memory_space<vmem>>[vector<16xi32>], vector<16xf32>,
      %get3A_697 = arith.index_cast %scan3A_634 : i32 to index
      %get3A_698 = arith.constant 880 : index
      %get3A_699 = tpu.vector_load %arg8[%get3A_697, %get3A_698] {strides = array<i32>} : memref<72x1024xf32, #tpu.memory_space<vmem>>, vector<16xf32>,
      %sub3A_700 = arith.subf %get3A_699, %gather3A_696 : vector<16xf32>
      %mul3A_701 = arith.mulf %sub3A_700, %sub3A_700 : vector<16xf32>
      %add3A_702 = arith.addf %add3A_670, %mul3A_701 : vector<16xf32>
      %add3A_703 = arith.addi %scan3A_635, %get3A_583 : vector<16xi32>
      %gather3A_704 = tpu.vector_load_idx %arg9[%add3A_703] : memref<3672xf32, #tpu.memory_space<vmem>>[vector<16xi32>], vector<16xf32>,
      %get3A_705 = arith.index_cast %scan3A_634 : i32 to index
      %get3A_706 = arith.constant 896 : index
      %get3A_707 = tpu.vector_load %arg8[%get3A_705, %get3A_706] {strides = array<i32>} : memref<72x1024xf32, #tpu.memory_space<vmem>>, vector<16xf32>,
      %sub3A_708 = arith.subf %get3A_707, %gather3A_704 : vector<16xf32>
      %mul3A_709 = arith.mulf %sub3A_708, %sub3A_708 : vector<16xf32>
      %add3A_710 = arith.addf %add3A_678, %mul3A_709 : vector<16xf32>
      %add3A_711 = arith.addi %scan3A_635, %get3A_585 : vector<16xi32>
      %gather3A_712 = tpu.vector_load_idx %arg9[%add3A_711] : memref<3672xf32, #tpu.memory_space<vmem>>[vector<16xi32>], vector<16xf32>,
      %get3A_713 = arith.index_cast %scan3A_634 : i32 to index
      %get3A_714 = arith.constant 912 : index
      %get3A_715 = tpu.vector_load %arg8[%get3A_713, %get3A_714] {strides = array<i32>} : memref<72x1024xf32, #tpu.memory_space<vmem>>, vector<16xf32>,
      %sub3A_716 = arith.subf %get3A_715, %gather3A_712 : vector<16xf32>
      %mul3A_717 = arith.mulf %sub3A_716, %sub3A_716 : vector<16xf32>
      %add3A_718 = arith.addf %add3A_686, %mul3A_717 : vector<16xf32>
      %add3A_719 = arith.addi %scan3A_635, %get3A_587 : vector<16xi32>
      %gather3A_720 = tpu.vector_load_idx %arg9[%add3A_719] : memref<3672xf32, #tpu.memory_space<vmem>>[vector<16xi32>], vector<16xf32>,
      %get3A_721 = arith.index_cast %scan3A_634 : i32 to index
      %get3A_722 = arith.constant 928 : index
      %get3A_723 = tpu.vector_load %arg8[%get3A_721, %get3A_722] {strides = array<i32>} : memref<72x1024xf32, #tpu.memory_space<vmem>>, vector<16xf32>,
      %sub3A_724 = arith.subf %get3A_723, %gather3A_720 : vector<16xf32>
      %mul3A_725 = arith.mulf %sub3A_724, %sub3A_724 : vector<16xf32>
      %add3A_726 = arith.addf %add3A_694, %mul3A_725 : vector<16xf32>
      %add3A_727 = arith.addi %scan3A_635, %get3A_589 : vector<16xi32>
      %gather3A_728 = tpu.vector_load_idx %arg9[%add3A_727] : memref<3672xf32, #tpu.memory_space<vmem>>[vector<16xi32>], vector<16xf32>,
      %get3A_729 = arith.index_cast %scan3A_634 : i32 to index
      %get3A_730 = arith.constant 944 : index
      %get3A_731 = tpu.vector_load %arg8[%get3A_729, %get3A_730] {strides = array<i32>} : memref<72x1024xf32, #tpu.memory_space<vmem>>, vector<16xf32>,
      %sub3A_732 = arith.subf %get3A_731, %gather3A_728 : vector<16xf32>
      %mul3A_733 = arith.mulf %sub3A_732, %sub3A_732 : vector<16xf32>
      %add3A_734 = arith.addf %add3A_702, %mul3A_733 : vector<16xf32>
      %add3A_735 = arith.addi %scan3A_635, %get3A_591 : vector<16xi32>
      %gather3A_736 = tpu.vector_load_idx %arg9[%add3A_735] : memref<3672xf32, #tpu.memory_space<vmem>>[vector<16xi32>], vector<16xf32>,
      %get3A_737 = arith.index_cast %scan3A_634 : i32 to index
      %get3A_738 = arith.constant 960 : index
      %get3A_739 = tpu.vector_load %arg8[%get3A_737, %get3A_738] {strides = array<i32>} : memref<72x1024xf32, #tpu.memory_space<vmem>>, vector<16xf32>,
      %sub3A_740 = arith.subf %get3A_739, %gather3A_736 : vector<16xf32>
      %mul3A_741 = arith.mulf %sub3A_740, %sub3A_740 : vector<16xf32>
      %add3A_742 = arith.addf %add3A_710, %mul3A_741 : vector<16xf32>
      %add3A_743 = arith.addi %scan3A_635, %get3A_593 : vector<16xi32>
      %gather3A_744 = tpu.vector_load_idx %arg9[%add3A_743] : memref<3672xf32, #tpu.memory_space<vmem>>[vector<16xi32>], vector<16xf32>,
      %get3A_745 = arith.index_cast %scan3A_634 : i32 to index
      %get3A_746 = arith.constant 976 : index
      %get3A_747 = tpu.vector_load %arg8[%get3A_745, %get3A_746] {strides = array<i32>} : memref<72x1024xf32, #tpu.memory_space<vmem>>, vector<16xf32>,
      %sub3A_748 = arith.subf %get3A_747, %gather3A_744 : vector<16xf32>
      %mul3A_749 = arith.mulf %sub3A_748, %sub3A_748 : vector<16xf32>
      %add3A_750 = arith.addf %add3A_718, %mul3A_749 : vector<16xf32>
      %add3A_751 = arith.addi %scan3A_635, %get3A_595 : vector<16xi32>
      %gather3A_752 = tpu.vector_load_idx %arg9[%add3A_751] : memref<3672xf32, #tpu.memory_space<vmem>>[vector<16xi32>], vector<16xf32>,
      %get3A_753 = arith.index_cast %scan3A_634 : i32 to index
      %get3A_754 = arith.constant 992 : index
      %get3A_755 = tpu.vector_load %arg8[%get3A_753, %get3A_754] {strides = array<i32>} : memref<72x1024xf32, #tpu.memory_space<vmem>>, vector<16xf32>,
      %sub3A_756 = arith.subf %get3A_755, %gather3A_752 : vector<16xf32>
      %mul3A_757 = arith.mulf %sub3A_756, %sub3A_756 : vector<16xf32>
      %add3A_758 = arith.addf %add3A_726, %mul3A_757 : vector<16xf32>
      %add3A_759 = arith.addi %scan3A_635, %get3A_597 : vector<16xi32>
      %gather3A_760 = tpu.vector_load_idx %arg9[%add3A_759] : memref<3672xf32, #tpu.memory_space<vmem>>[vector<16xi32>], vector<16xf32>,
      %get3A_761 = arith.index_cast %scan3A_634 : i32 to index
      %get3A_762 = arith.constant 1008 : index
      %get3A_763 = tpu.vector_load %arg8[%get3A_761, %get3A_762] {strides = array<i32>} : memref<72x1024xf32, #tpu.memory_space<vmem>>, vector<16xf32>,
      %sub3A_764 = arith.subf %get3A_763, %gather3A_760 : vector<16xf32>
      %mul3A_765 = arith.mulf %sub3A_764, %sub3A_764 : vector<16xf32>
      %add3A_766 = arith.addf %add3A_734, %mul3A_765 : vector<16xf32>
      %add3A_767 = arith.constant 51 : i32
      %add3A_768 = vector.broadcast %add3A_767 : i32 to vector<16xi32>
      %add3A_769 = arith.addi %scan3A_635, %add3A_768 : vector<16xi32>
      scf.yield %add3A_769, %add3A_742, %add3A_750, %add3A_758, %add3A_766 : vector<16xi32>, vector<16xf32>, vector<16xf32>, vector<16xf32>, vector<16xf32>
    }
    %scan3A_605 = arith.constant 32 : i32
    %add3A_606 = arith.addf %scan3A_604#1, %scan3A_604#2 : vector<16xf32>
    %add3A_607 = arith.addf %scan3A_604#3, %scan3A_604#4 : vector<16xf32>
    %add3A_608 = arith.addf %add3A_606, %add3A_607 : vector<16xf32>
    %swap3A = arith.constant 0 : index
    %swap3A_609 = tpu.vector_load %arg10[%swap3A] {strides = array<i32>} : memref<16xf32, #tpu.memory_space<vmem>>, vector<16xf32>,
    tpu.vector_store %arg10[%swap3A], %add3A_608 {strides = array<i32>} : memref<16xf32, #tpu.memory_space<vmem>>, vector<16xf32>,
    "tpu.region"() ({
      %run_scoped3A = tpu.sem_alloc : memref<!tpu.dma_semaphore, #tpu.memory_space<semaphore_mem>>
      %dma_start3A_634 = arith.constant 0 : i32
      %dma_start3A_635 = tpu.memref_slice %arg5[%add3A, %dma_start3A_634] : memref<32x16xf32, #tpu.memory_space<hbm>> -> memref<1x16xf32, #tpu.memory_space<hbm>>
      %dma_start3A_636 = tpu.memref_squeeze %dma_start3A_635 : memref<1x16xf32, #tpu.memory_space<hbm>> -> memref<16xf32, #tpu.memory_space<hbm>>
      %dma_start3A_637 = arith.constant 0 : i32
      %dma_start3A_638 = tpu.memref_slice %arg5[%add3A, %dma_start3A_637] : memref<32x16xf32, #tpu.memory_space<hbm>> -> memref<1x16xf32, #tpu.memory_space<hbm>>
      %dma_start3A_639 = tpu.memref_squeeze %dma_start3A_638 : memref<1x16xf32, #tpu.memory_space<hbm>> -> memref<16xf32, #tpu.memory_space<hbm>>
      tpu.enqueue_dma source(%arg10 : memref<16xf32, #tpu.memory_space<vmem>>) target(%dma_start3A_639 : memref<16xf32, #tpu.memory_space<hbm>>) target_semaphore(%run_scoped3A : memref<!tpu.dma_semaphore, #tpu.memory_space<semaphore_mem>>)
      %dma_wait3A_640 = arith.constant 0 : i32
      %dma_wait3A_641 = tpu.memref_slice %arg5[%add3A, %dma_wait3A_640] : memref<32x16xf32, #tpu.memory_space<hbm>> -> memref<1x16xf32, #tpu.memory_space<hbm>>
      %dma_wait3A_642 = tpu.memref_squeeze %dma_wait3A_641 : memref<1x16xf32, #tpu.memory_space<hbm>> -> memref<16xf32, #tpu.memory_space<hbm>>
      %dma_wait3A_643 = arith.constant 0 : i32
      %dma_wait3A_644 = tpu.memref_slice %arg5[%add3A, %dma_wait3A_643] : memref<32x16xf32, #tpu.memory_space<hbm>> -> memref<1x16xf32, #tpu.memory_space<hbm>>
      %dma_wait3A_645 = tpu.memref_squeeze %dma_wait3A_644 : memref<1x16xf32, #tpu.memory_space<hbm>> -> memref<16xf32, #tpu.memory_space<hbm>>
      tpu.wait_dma2 semaphore(%run_scoped3A : memref<!tpu.dma_semaphore, #tpu.memory_space<semaphore_mem>>) src(%arg10 : memref<16xf32, #tpu.memory_space<vmem>>) dst(%dma_wait3A_645 : memref<16xf32, #tpu.memory_space<hbm>>)
      tpu.yield
    }) : () -> ()
    %dma_wait3A_610 = arith.constant 0 : i32
    %dma_wait3A_611 = arith.constant 0 : i32
    %dma_wait3A_612 = tpu.memref_slice %arg8[%dma_wait3A_610, %dma_wait3A_611] : memref<72x1024xf32, #tpu.memory_space<vmem>> -> memref<8x1024xf32, #tpu.memory_space<vmem>>
    %dma_wait3A_613 = tpu.memref_slice %arg6[%add3A_83, %mul3A_34] : memref<576x4096xf32, #tpu.memory_space<hbm>> -> memref<8x1024xf32, #tpu.memory_space<hbm>>
    %dma_wait3A_614 = tpu.memref_slice %arg6[%add3A_83, %mul3A_34] : memref<576x4096xf32, #tpu.memory_space<hbm>> -> memref<8x1024xf32, #tpu.memory_space<hbm>>
    %dma_wait3A_615 = arith.constant 0 : i32
    %dma_wait3A_616 = arith.constant 0 : i32
    %dma_wait3A_617 = tpu.memref_slice %arg8[%dma_wait3A_615, %dma_wait3A_616] : memref<72x1024xf32, #tpu.memory_space<vmem>> -> memref<8x1024xf32, #tpu.memory_space<vmem>>
    tpu.wait_dma2 semaphore(%arg14 : memref<!tpu.dma_semaphore, #tpu.memory_space<semaphore_mem>>) src(%dma_wait3A_617 : memref<8x1024xf32, #tpu.memory_space<vmem>>) dst(%dma_wait3A_614 : memref<8x1024xf32, #tpu.memory_space<hbm>>)
    %dma_wait3A_618 = arith.constant 8 : i32
    %dma_wait3A_619 = arith.constant 0 : i32
    %dma_wait3A_620 = tpu.memref_slice %arg8[%dma_wait3A_618, %dma_wait3A_619] : memref<72x1024xf32, #tpu.memory_space<vmem>> -> memref<32x1024xf32, #tpu.memory_space<vmem>>
    %dma_wait3A_621 = tpu.memref_slice %arg6[%add3A_259, %mul3A_34] : memref<576x4096xf32, #tpu.memory_space<hbm>> -> memref<32x1024xf32, #tpu.memory_space<hbm>>
    %dma_wait3A_622 = tpu.memref_slice %arg6[%add3A_259, %mul3A_34] : memref<576x4096xf32, #tpu.memory_space<hbm>> -> memref<32x1024xf32, #tpu.memory_space<hbm>>
    %dma_wait3A_623 = arith.constant 8 : i32
    %dma_wait3A_624 = arith.constant 0 : i32
    %dma_wait3A_625 = tpu.memref_slice %arg8[%dma_wait3A_623, %dma_wait3A_624] : memref<72x1024xf32, #tpu.memory_space<vmem>> -> memref<32x1024xf32, #tpu.memory_space<vmem>>
    tpu.wait_dma2 semaphore(%arg15 : memref<!tpu.dma_semaphore, #tpu.memory_space<semaphore_mem>>) src(%dma_wait3A_625 : memref<32x1024xf32, #tpu.memory_space<vmem>>) dst(%dma_wait3A_622 : memref<32x1024xf32, #tpu.memory_space<hbm>>)
    %dma_wait3A_626 = arith.constant 40 : i32
    %dma_wait3A_627 = arith.constant 0 : i32
    %dma_wait3A_628 = tpu.memref_slice %arg8[%dma_wait3A_626, %dma_wait3A_627] : memref<72x1024xf32, #tpu.memory_space<vmem>> -> memref<32x1024xf32, #tpu.memory_space<vmem>>
    %dma_wait3A_629 = tpu.memref_slice %arg6[%add3A_437, %mul3A_34] : memref<576x4096xf32, #tpu.memory_space<hbm>> -> memref<32x1024xf32, #tpu.memory_space<hbm>>
    %dma_wait3A_630 = tpu.memref_slice %arg6[%add3A_437, %mul3A_34] : memref<576x4096xf32, #tpu.memory_space<hbm>> -> memref<32x1024xf32, #tpu.memory_space<hbm>>
    %dma_wait3A_631 = arith.constant 40 : i32
    %dma_wait3A_632 = arith.constant 0 : i32
    %dma_wait3A_633 = tpu.memref_slice %arg8[%dma_wait3A_631, %dma_wait3A_632] : memref<72x1024xf32, #tpu.memory_space<vmem>> -> memref<32x1024xf32, #tpu.memory_space<vmem>>
    tpu.wait_dma2 semaphore(%arg16 : memref<!tpu.dma_semaphore, #tpu.memory_space<semaphore_mem>>) src(%dma_wait3A_633 : memref<32x1024xf32, #tpu.memory_space<vmem>>) dst(%dma_wait3A_630 : memref<32x1024xf32, #tpu.memory_space<hbm>>)
    return
  }
}

module attributes {stable_mosaic.version = 14 : i64} {
  func.func @_tc_pair_body(%arg0: memref<51x576xf32, #tpu.memory_space<vmem>>, %arg1: memref<51xf32, #tpu.memory_space<vmem>>) attributes {dimension_semantics = [], scalar_prefetch = 0 : i64, scratch_operands = 0 : i64, tpu.core_type = #tpu.core_type<tc>} {
    %get3A = arith.constant 0 : index
    %get3A_0 = arith.constant 0 : index
    %get3A_1 = vector.load %arg0[%get3A, %get3A_0] : memref<51x576xf32, #tpu.memory_space<vmem>>, vector<51x576xf32>
    %mul3A = arith.mulf %get3A_1, %get3A_1 : vector<51x576xf32>
    %reduce_sum3A = arith.constant dense<0.000000e+00> : vector<51xf32>
    %reduce_sum3A_2 = vector.multi_reduction <add>, %mul3A, %reduce_sum3A [1] : vector<51x576xf32> to vector<51xf32>
    %dot_general3A = arith.constant dense<0.000000e+00> : vector<51x51xf32>
    %dot_general3A_3 = tpu.matmul %get3A_1, %get3A_1, %dot_general3A {dimension_numbers = #tpu.dot_dimension_numbers<[1], [1], [0], [0], [0, 0, 1, 0], [], []>, precision = #tpu.contract_precision<fp32>, transpose_lhs_hint = false} : vector<51x576xf32>, vector<51x576xf32>, vector<51x51xf32> -> vector<51x51xf32>
    %broadcast_in_dim3A = vector.shape_cast %reduce_sum3A_2 : vector<51xf32> to vector<51x1xf32>
    %broadcast_in_dim3A_4 = vector.shape_cast %reduce_sum3A_2 : vector<51xf32> to vector<1x51xf32>
    %add3A = vector.broadcast %broadcast_in_dim3A : vector<51x1xf32> to vector<51x51xf32>
    %add3A_5 = vector.broadcast %broadcast_in_dim3A_4 : vector<1x51xf32> to vector<51x51xf32>
    %add3A_6 = arith.addf %add3A, %add3A_5 : vector<51x51xf32>
    %mul3A_7 = arith.constant 2.000000e+00 : f32
    %mul3A_8 = vector.broadcast %mul3A_7 : f32 to vector<51x51xf32>
    %mul3A_9 = arith.mulf %mul3A_8, %dot_general3A_3 : vector<51x51xf32>
    %sub3A = arith.subf %add3A_6, %mul3A_9 : vector<51x51xf32>
    %max3A = arith.constant 0.000000e+00 : f32
    %max3A_10 = vector.broadcast %max3A : f32 to vector<51x51xf32>
    %max3A_11 = arith.maximumf %sub3A, %max3A_10 : vector<51x51xf32>
    %sqrt3A = math.sqrt %max3A_11 : vector<51x51xf32>
    %reduce_sum3A_12 = arith.constant dense<0.000000e+00> : vector<51xf32>
    %reduce_sum3A_13 = vector.multi_reduction <add>, %sqrt3A, %reduce_sum3A_12 [1] : vector<51x51xf32> to vector<51xf32>
    %mul3A_14 = arith.constant 0.0196078438 : f32
    %mul3A_15 = vector.broadcast %mul3A_14 : f32 to vector<51xf32>
    %mul3A_16 = arith.mulf %reduce_sum3A_13, %mul3A_15 : vector<51xf32>
    %reduce_max3A = vector.shape_cast %mul3A_16 : vector<51xf32> to vector<1x51xf32>
    %reduce_max3A_17 = arith.constant dense<0xFF800000> : vector<1xf32>
    %reduce_max3A_18 = vector.multi_reduction <maximumf>, %reduce_max3A, %reduce_max3A_17 [1] : vector<1x51xf32> to vector<1xf32>
    %reduce_max3A_19 = vector.shape_cast %reduce_max3A_18 : vector<1xf32> to vector<1x1xf32>
    %reduce_max3A_20 = vector.extract %reduce_max3A_19[0, 0] : f32 from vector<1x1xf32>
    %reduce_min3A = vector.shape_cast %mul3A_16 : vector<51xf32> to vector<1x51xf32>
    %reduce_min3A_21 = arith.constant dense<0x7F800000> : vector<1xf32>
    %reduce_min3A_22 = vector.multi_reduction <minimumf>, %reduce_min3A, %reduce_min3A_21 [1] : vector<1x51xf32> to vector<1xf32>
    %reduce_min3A_23 = vector.shape_cast %reduce_min3A_22 : vector<1xf32> to vector<1x1xf32>
    %reduce_min3A_24 = vector.extract %reduce_min3A_23[0, 0] : f32 from vector<1x1xf32>
    %sub3A_25 = vector.broadcast %reduce_min3A_24 : f32 to vector<51xf32>
    %sub3A_26 = arith.subf %mul3A_16, %sub3A_25 : vector<51xf32>
    %add3A_27 = arith.constant 9.000000e-02 : f32
    %add3A_28 = vector.broadcast %add3A_27 : f32 to vector<51xf32>
    %add3A_29 = arith.addf %sub3A_26, %add3A_28 : vector<51xf32>
    %sub3A_30 = arith.subf %reduce_max3A_20, %reduce_min3A_24 : f32
    %div3A = vector.broadcast %sub3A_30 : f32 to vector<51xf32>
    %div3A_31 = arith.divf %add3A_29, %div3A : vector<51xf32>
    %swap3A = arith.constant 0 : index
    %swap3A_32 = vector.load %arg1[%swap3A] : memref<51xf32, #tpu.memory_space<vmem>>, vector<51xf32>
    tpu.vector_store %arg1[%swap3A], %div3A_31 {strides = array<i32>} : memref<51xf32, #tpu.memory_space<vmem>>, vector<51xf32>,
    return
  }
}

module attributes {stable_mosaic.version = 14 : i64} {
  func.func @_tc_loss_body(%arg0: memref<32x16xf32, #tpu.memory_space<vmem>>, %arg1: memref<1x1xf32, #tpu.memory_space<vmem>>) attributes {dimension_semantics = [], scalar_prefetch = 0 : i64, scratch_operands = 0 : i64, tpu.core_type = #tpu.core_type<tc>} {
    %get3A = arith.constant 0 : index
    %get3A_0 = arith.constant 0 : index
    %get3A_1 = vector.load %arg0[%get3A, %get3A_0] : memref<32x16xf32, #tpu.memory_space<vmem>>, vector<32x16xf32>
    %reduce_sum3A = vector.shape_cast %get3A_1 : vector<32x16xf32> to vector<1x32x16xf32>
    %reduce_sum3A_2 = arith.constant dense<0.000000e+00> : vector<1xf32>
    %reduce_sum3A_3 = vector.multi_reduction <add>, %reduce_sum3A, %reduce_sum3A_2 [1, 2] : vector<1x32x16xf32> to vector<1xf32>
    %reduce_sum3A_4 = vector.shape_cast %reduce_sum3A_3 : vector<1xf32> to vector<1x1x1xf32>
    %reduce_sum3A_5 = vector.extract %reduce_sum3A_4[0, 0, 0] : f32 from vector<1x1x1xf32>
    %mul3A = arith.constant 1.27156579E-8 : f32
    %mul3A_6 = arith.mulf %reduce_sum3A_5, %mul3A : f32
    %reshape3A = vector.broadcast %mul3A_6 : f32 to vector<1x1xf32>
    %swap3A = arith.constant 0 : index
    %swap3A_7 = arith.constant 0 : index
    %swap3A_8 = vector.load %arg1[%swap3A, %swap3A_7] : memref<1x1xf32, #tpu.memory_space<vmem>>, vector<1x1xf32>
    tpu.vector_store %arg1[%swap3A, %swap3A_7], %reshape3A {strides = array<i32>} : memref<1x1xf32, #tpu.memory_space<vmem>>, vector<1x1xf32>,
    return
  }
}

</mosaic_0001>

<sc_bundles>
// kernel: kernel.5.cloned.1.call-start
scs
__scs_entry_jumppad:
0x0: {  	(pc) =	sbr.rel $0x88, $3  }
0x1: {  	(tag) =	ssettag $0x0;
	lr =	simm.s32 $0x1  }
0x2: {  	[smem:$0x3F9E] =	sst lr;
	_ =	strace $0xD0000000  }
0x3: {  	_ = 	snop  }
0x4: {  	_ = 	snop  }
0x5: {  	_ = 	snop  }
0x6: {  	_ = 	snop  }
0x7: {  	_ = 	snop  }
__scs_overlays_trampoline_lowered:
0x8: {  	[smem:$0x3FAD] =	sst s0  }
0x9: {  	[smem:$0x3FAE] =	sst s1  }
0xa: {  	[smem:$0x3FAF] =	sst s2  }
0xb: {  	[smem:$0x3FB0] =	sst s3  }
0xc: {  	[smem:$0x3FB1] =	sst s4  }
0xd: {  	[smem:$0x3FB2] =	sst s5  }
0xe: {  	[smem:$0x3FB3] =	sst s6  }
0xf: {  	[smem:$0x3FB4] =	sst s7  }
0x10: {  	[smem:$0x3FB5] =	sst s8  }
0x11: {  	[smem:$0x3FB6] =	sst s9;
	s0 =	simm.s32 @!p0 $0x0  }
0x12: {  	s1 =	sld [smem:$0x3F9C];
	s0 =	simm.s32 @p0 $0x1  }
0x13: {  	[smem:$0x3FB7] =	sst s0;
	s0 =	simm.s32 @!p1 $0x0  }
0x14: {  	s2 =	sld [smem:$0x3F9B];
	s0 =	simm.s32 @p1 $0x1  }
0x15: {  	[smem:$0x3FB8] =	sst s0;
	s0 =	simm.s32 @!p2 $0x0  }
0x16: {  	s3 =	sld [smem:$0x3FDB];
	s0 =	simm.s32 @p2 $0x1  }
0x17: {  	s4 =	simm.s32 $0x1BF5;
	[smem:$0x3FBA] =	sst s0  }
0x18: {  	s0 =	sld [smem:$0x3F9D];
	_ =	swait.ge [sflag:s4], $0x0  }
0x19: {  	s7 =	sld [smem:$0x3F9E]  }
0x1a: {  	s8 =	sadd.s32 $0xFFFFE003, lr  }
0x1b: {  	s9 =	sadd.s32 $0xFFFFFEF7, lr;
	s5 =	simm.s32 $0xFFFFFFFF;
	p2 =	slt.u32 s8, $0xFFFFF086  }
0x1c: {  	p1 =	slt.u32 s9, $0xF7A;
	s5 =	simm.s32 @!p2 $0x0  }
0x1d: {  	s5 =	simm.s32 @p1 $0x1;
	p0 =	seq.s32 s7, s2  }
0x1e: {  	s7 =	smul.u32 @!p0 $0xF7A, s2;
	p2 =	seq.s32 @!p0 s5, $0x0  }
0x1f: {  	s9 =	smul.u32 $0xF7A, s1;
	s8 =	simm.s32 @!p0 $0x1BF5;
	p2 =	por !p2, p0  }
0x20: {  	[sflag:s8] =	ssyncset.s32 @!p0 $0xFFFFF086;
	s6 =	sadd.s32 @!p0 s3, s7;
	s7 =	simm.s32 @!p0 $0x108  }
0x21: {  	s3 =	sadd.s32 s3, s9;
	s6 =	sadd.s32 @!p0 $0x88, s6;
	s7 =	simm.s32 @p2 $0x1082  }
0x22: {  	[simem:s7], [sflag:s8] =	dma.local @!p0 [hbm:s6], $0xF7A  }
0x23: {  	s9 =	sor.u32 $0xD0000000, s2;
	s6 =	simm.s32 $0x108;
	_ =	swait.ge @!p0 [sflag:s8], $0x0  }
0x24: {  	s3 =	sadd.s32 $0x88, s3;
	s6 =	simm.s32 @!p1 $0x1082;
	[sflag:s4] =	ssyncset.s32 $0xFFFFF086  }
0x25: {  	[simem:s6], [sflag:s4] =	dma.local [hbm:s3], $0xF7A  }
0x26: {  	[smem:$0x3F9E] =	sst s1;
	(tag) =	ssettag s2;
	_ =	strace s9  }
0x27: {  	s1 =	sld [smem:$0x3FAE]  }
0x28: {  	s2 =	sld [smem:$0x3FAF]  }
0x29: {  	s4 =	sld [smem:$0x3FB1]  }
0x2a: {  	p0 =	seq.s32 s5, $0x0;
	s5 =	sld [smem:$0x3FB2]  }
0x2b: {  	s6 =	sld [smem:$0x3FB3]  }
0x2c: {  	s7 =	sld [smem:$0x3FB4]  }
0x2d: {  	s3 =	simm.s32 $0x108;
	s8 =	sld [smem:$0x3FB5]  }
0x2e: {  	s3 =	simm.s32 @!p0 $0x1082;
	s9 =	sld [smem:$0x3FB6]  }
0x2f: {  	lr =	sadd.s32 s0, s3;
	s0 =	sld [smem:$0x3FAD]  }
0x30: {  	s3 =	sld [smem:$0x3FB0]  }
0x31: {  	[smem:$0x3FB9] =	sst s10  }
0x32: {  	s10 =	sld [smem:$0x3FB7];
	_ =	sdelay $0x3  }
0x33: {  	p0 =	seq.s32 s10, $0x1;
	s10 =	sld [smem:$0x3FB9];
	_ =	sdelay $0x3  }
0x34: {  	[smem:$0x3FB9] =	sst s10  }
0x35: {  	s10 =	sld [smem:$0x3FB8];
	_ =	sdelay $0x3  }
0x36: {  	p1 =	seq.s32 s10, $0x1;
	s10 =	sld [smem:$0x3FB9];
	_ =	sdelay $0x3  }
0x37: {  	[smem:$0x3FB9] =	sst s10  }
0x38: {  	s10 =	sld [smem:$0x3FBA]  }
0x39: {  	_ = 	snop;
	(pc) =	sbr.ind lr, $3  }
0x3a: {  	_ = 	snop  }
0x3b: {  	_ = 	snop  }
0x3c: {  	p2 =	seq.s32 s10, $0x1;
	s10 =	sld [smem:$0x3FB9]  }
0x3d: {  	_ =	shalt  }
0x3e: {  	_ =	shalt  }
0x3f: {  	_ =	shalt  }
0x40: {  	_ =	shalt  }
0x41: {  	_ =	shalt  }
0x42: {  	_ =	shalt  }
0x43: {  	_ =	shalt  }
0x44: {  	_ =	shalt  }
0x45: {  	_ =	shalt  }
0x46: {  	_ =	shalt  }
0x47: {  	_ =	shalt  }
0x48: {  	_ =	shalt  }
0x49: {  	_ =	shalt  }
0x4a: {  	_ =	shalt  }
0x4b: {  	_ =	shalt  }
0x4c: {  	_ =	shalt  }
0x4d: {  	_ =	shalt  }
0x4e: {  	_ =	shalt  }
0x4f: {  	_ =	shalt  }
0x50: {  	_ =	shalt  }
0x51: {  	_ =	shalt  }
0x52: {  	_ =	shalt  }
0x53: {  	_ =	shalt  }
0x54: {  	_ =	shalt  }
0x55: {  	_ =	shalt  }
0x56: {  	_ =	shalt  }
0x57: {  	_ =	shalt  }
0x58: {  	_ =	shalt  }
0x59: {  	_ =	shalt  }
0x5a: {  	_ =	shalt  }
0x5b: {  	_ =	shalt  }
0x5c: {  	_ =	shalt  }
0x5d: {  	_ =	shalt  }
0x5e: {  	_ =	shalt  }
0x5f: {  	_ =	shalt  }
0x60: {  	_ =	shalt  }
0x61: {  	_ =	shalt  }
0x62: {  	_ =	shalt  }
0x63: {  	_ =	shalt  }
0x64: {  	_ =	shalt  }
0x65: {  	_ =	shalt  }
0x66: {  	_ =	shalt  }
0x67: {  	_ =	shalt  }
0x68: {  	_ =	shalt  }
0x69: {  	_ =	shalt  }
0x6a: {  	_ =	shalt  }
0x6b: {  	_ =	shalt  }
0x6c: {  	_ =	shalt  }
0x6d: {  	_ =	shalt  }
0x6e: {  	_ =	shalt  }
0x6f: {  	_ =	shalt  }
0x70: {  	_ =	shalt  }
0x71: {  	_ =	shalt  }
0x72: {  	_ =	shalt  }
0x73: {  	_ =	shalt  }
0x74: {  	_ =	shalt  }
0x75: {  	_ =	shalt  }
0x76: {  	_ =	shalt  }
0x77: {  	_ =	shalt  }
0x78: {  	_ =	shalt  }
0x79: {  	_ =	shalt  }
0x7a: {  	_ =	shalt  }
0x7b: {  	_ =	shalt  }
0x7c: {  	_ =	shalt  }
0x7d: {  	_ =	shalt  }
0x7e: {  	_ =	shalt  }
0x7f: {  	_ =	shalt  }
0x80: {  	_ =	shalt  }
0x81: {  	_ =	shalt  }
0x82: {  	_ =	shalt  }
0x83: {  	_ =	shalt  }
0x84: {  	_ =	shalt  }
0x85: {  	_ =	shalt  }
0x86: {  	_ =	shalt  }
0x87: {  	_ =	shalt  }
.Lfunc_end0:
.L_simem_size_0:
called_computation_lowered:
.L_overlay_start_0:
0x88: {  	s2 =	sld [smem:$0x3FD9]  }
0x89: {  	s3 =	sld [smem:$0x3FFE];
	_ =	sdelay $0x1  }
0x8a: {  	s1 =	srdreg.scid  }
0x8b: {  	s0 =	sand.u32 $0x1, s1  }
0x8c: {  	s14 =	sshll.u32 s0, $0xA;
	s2 =	sadd.s32 s3, s2  }
0x8d: {  	s2 =	sadd.s32 s2, s14  }
0x8e: {  	[smem:$0x3FC5] =	sst s2  }
0x8f: {  	_ = 	snop  }
0x90: {  	s2 =	sld [smem:$0x3FD0];
	_ =	sdelay $0x1  }
0x91: {  	s15 =	sld [smem:$0x3FC9]  }
0x92: {  	s5 =	simm.s32 $0xA;
	s6 =	simm.s32 $0x10;
	s4 =	sld [smem:$0x3FC8]  }
0x93: {  	[smem:s6], [sflag:s5] =	dma.local [hbm:s2], $0x1  }
0x94: {  	_ =	swait.eq [sflag:s5], $0x1  }
0x95: {  	[sflag:s5] =	ssyncset.done $0x0  }
0x96: {  	[sflag:s5] =	ssyncadd.s32 $0xFFFFFFFF  }
0x97: {  	s16 =	sld [smem:$0x12];
	(tm) =	ssettm $0x1  }
0x98: {  	s17 =	sld [smem:$0x3FFB];
	_ =	sdelay $0x3  }
0x99: {  	_ =	strace s17  }
0x9a: {  	s5 =	sld [smem:$0x3FFC];
	_ =	sdelay $0x3  }
0x9b: {  	_ =	strace s5  }
0x9c: {  	s5 =	sld [smem:$0x3FFD];
	_ =	sdelay $0x3  }
0x9d: {  	_ =	strace s5  }
0x9e: {  	_ =	strace $0x8FFFFFFF  }
0x9f: {  	s18 =	sld [smem:$0x3FDB];
	_ =	sdelay $0x1  }
0xa0: {  	s19 =	simm.s32 $_scs_section_size  }
0xa1: {  	s7 =	simm.s32 $_size__tile_overlayer_lowered;
	s8 =	simm.s32 $_tile_overlayer_lowered  }
0xa2: {  	s22 =	simm.s32 $0x1BFF;
	s21 =	sshll.u32 s8, $0x1;
	s5 =	sadd.s32 s19, s18  }
0xa3: {  	s9 =	simm.s32 $0x0;
	s20 =	sshll.u32 s7, $0x1;
	s7 =	sadd.s32 s21, s5  }
0xa4: {  	[timem:s9], [sflag:s22] =	dma.local [hbm:s7], s20  }
0xa5: {  	_ =	swait.ge [sflag:s22], s20  }
0xa6: {  	s6 =	ssub.s32 $0x0, s20;
	[sflag:s22] =	ssyncset.done $0x0  }
0xa7: {  	[sflag:s22] =	ssyncadd.s32 s6;
	_ =	sdelay $0x1  }
0xa8: {  	s23 =	simm.s32 $0x1B8B  }
0xa9: {  	_ =	swait.ge [sflag:s23], $0x1  }
0xaa: {  	[sflag:s23] =	ssyncset.done $0x0  }
0xab: {  	s25 =	simm.s32 $0x1B8E;
	s24 =	sld [smem:$0x3FFE];
	[sflag:s23] =	ssyncadd.s32 $0xFFFFFFFF  }
0xac: {  	s26 =	simm.s32 $execute0_lowered;
	[smem:$0x3FD2] =	sst s25  }
0xad: {  	s7 =	sshll.u32 s26, $0x1;
	_ =	strace $0x80000046;
	[dreg:$0x1] =	wrdreg $0xFFFFFFFF  }
0xae: {  	s28 =	simm.s32 $_size_execute0_lowered;
	s5 =	sadd.s32 s5, s7;
	[dreg:$0x0] =	wrdreg $0x0  }
0xaf: {  	s7 =	sshll.u32 s28, $0x1;
	[dreg:$0x2] =	wrdreg s5  }
0xb0: {  	[dreg:$0x3] =	wrdreg s7  }
0xb1: {  	[dreg:$0x4] =	wrdreg $0xC0  }
0xb2: {  	_ =	task [dreg:s9], $0x5FFFF  }
0xb3: {  	[dreg:$0x1] =	wrdreg $0xFFFFFFFF  }
0xb4: {  	[dreg:$0x0] =	wrdreg $0x60  }
0xb5: {  	[dreg:$0x2] =	wrdreg s15  }
0xb6: {  	[dreg:$0x3] =	wrdreg s4  }
0xb7: {  	[dreg:$0x4] =	wrdreg s24  }
0xb8: {  	[dreg:$0x5] =	wrdreg s16  }
0xb9: {  	[dreg:$0x6] =	wrdreg $0x9  }
0xba: {  	_ =	task.clear_ibuf [dreg:s9], $0x7FFFF;
	_ =	strace $0x90000046  }
0xbb: {  	s29 =	simm.s32 $0x9;
	_ =	strace $0x80000048  }
0xbc: {  	_ =	swait.ge [sflag:s29], $0x1  }
0xbd: {  	[sflag:s29] =	ssyncadd.s32 $0xFFFFFFFF  }
0xbe: {  	_ =	strace $0x90000048  }
0xbf: {  	_ =	sfence  }
0xc0: {  	s30 =	sld [smem:$0x0];
	_ =	sdelay $0x2  }
0xc1: {  	s31 =	sshll.u32 s1, $0xD;
	s1 =	sshrl.u32 s1, $0x2  }
0xc2: {  	s3 =	sand.u32 $0x4000, s31;
	s1 =	sadd.s32 s1, s30  }
0xc3: {  	s0 =	sor.u32 s3, s0;
	s1 =	sshll.u32 s1, $0x11  }
0xc4: {  	s0 =	sor.u32 s1, s0  }
0xc5: {  	s0 =	sadd.s32 $0x8F2B, s0  }
0xc6: {  	[sflag:s0] =	ssyncadd.remote.s32 $0x1  }
0xc7: {  	_ =	sfence.sel $0xFFFF  }
0xc8: {  	[dreg:$0x0] =	wrdreg $0xFFFFFFFF;
	(pc) =	sbr.abs _section_cstart, $3  }
0xc9: {  	[dreg:$0x1] =	wrdreg $0xFFFFFFFF  }
0xca: {  	_ =	task.clear_ibuf [dreg:s9], $0x2FFFF;
	_ =	strace $0x9FFFFFFF  }
0xcb: {  	(tm) =	ssettm $0x7FFFFFFF  }
tec
execute0_lowered:
.L_overlay_start_1:
0x0: {  	(tag) =	ssettag $0x1  }
0x1: {  	s0 =	rddreg [dreg:$0x0]  }
0x2: {  	s1 =	rddreg [dreg:$0x1]  }
0x3: {  	s2 =	srdreg.scid;
	s3 =	rddreg [dreg:$0x2]  }
0x4: {  	s5 =	stileid.u32;
	s10 =	rddreg [dreg:$0x3];
	s13 =	simm.s32 $0x12400  }
0x5: {  	s15 =	simm.s32 $0x2000;
	s16 =	simm.s32 $0x8000;
	s19 =	simm.s32 $0x7  }
0x6: {  	s20 =	simm.s32 $0x8;
	s21 =	simm.s32 $0x1;
	s22 =	simm.s32 $0x2  }
0x7: {  	s28 =	simm.s32 $0x5;
	s29 =	simm.s32 $0x6;
	s30 =	simm.s32 $0x0  }
0x8: {  	s4 =	sand.u32 $0x1, s2;
	s5 =	sshll.u32 s5, $0x1;
	s2 =	simm.s32 $0x0  }
0x9: {  	s6 =	sor.u32 s4, s5;
	[smem:$0x7FF] =	sst s2;
	s23 =	ssub.s32 $0x2, s4  }
0xa: {  	s5 =	sand.u32 $0x18, s5;
	s7 =	sand.u32 $0x7, s6;
	_ =	strace $0x80000047  }
0xb: {  	s6 =	sshll.u32 s6, $0x4;
	s4 =	sshrl.u32 s23, $0x1;
	s25 =	sshll.u32 s5, $0x4  }
0xc: {  	s5 =	sshll.u32 s5, $0xA;
	s8 =	smul.u32 $0x1CB, s7;
	s11 =	sadd.s32 s6, s3  }
0xd: {  	s24 =	smul.u32 $0x48000, s7;
	s12 =	ssub.s32 s23, s4;
	s1 =	sadd.s32 s1, s25  }
0xe: {  	s23 =	simm.s32 $0x3;
	s25 =	simm.s32 $0x9;
	[dreg:$0x5] =	wrdreg s1  }
0xf: {  	s11 =	sadd.s32 $0x1C00, s11;
	s12 =	smax.u32 s12, $0x1;
	s8 =	sadd.s32 s8, s3  }
0x10: {  	s26 =	sor.u32 s5, s24;
	s3 =	simm.s32 $0x2400;
	s4 =	sadd.s32 $0xC00, s8  }
0x11: {  	s31 =	sshrl.u32 s26, $0x3;
	s6 =	sadd.s32 $0x8000, s26;
	s1 =	sadd.s32 $0x28000, s26  }
0x12: {  	s26 =	simm.s32 $0x4;
	s5 =	sadd.s32 s0, s31;
	s9 =	sshrl.u32 s6, $0x3  }
0x13: {  	s1 =	sshrl.u32 s1, $0x3;
	s8 =	sadd.s32 s10, s31;
	s6 =	sadd.s32 s0, s9  }
0x14: {  	s7 =	sadd.s32 s0, s1;
	s9 =	sadd.s32 s10, s9;
	s10 =	sadd.s32 s10, s1  }
.LBB2_1:
0x15: {  	s0 =	rddreg [dreg:$0x5]  }
0x16: {  	[tilespmem:s2], [sflag:$0x7] =	stream.linear.gather [hbm4b:s0+s2], $0x400, $0x38;
	[tilespmem:$0x13300] =	vst v63  }
0x17: {  	_ = 	snop  }
0x18: {  	[tilespmem:s13], [sflag:$0x8] =	stream.linear.gather [hbm4b:s4+s2], $0xE58, $0x38;
	[tilespmem:$0x13300] =	vst v63  }
0x19: {  	s31 =	simm.s32 $0x400  }
0x1a: {  	[tilespmem:s31], [sflag:$0x1] =	stream.linear.gather [hbm4b:s5+s2], $0x2000, $0x38;
	[tilespmem:$0x13300] =	vst v63  }
0x1b: {  	_ = 	snop  }
0x1c: {  	[tilespmem:s3], [sflag:$0x2] =	stream.strided.gather [hbm4b:s6+s15], $0x8000, s16, s15, $0x38;
	[tilespmem:$0x13300] =	vst v63  }
0x1d: {  	s1 =	simm.s32 $0xA400  }
0x1e: {  	[tilespmem:s1], [sflag:$0x3] =	stream.strided.gather [hbm4b:s7+s15], $0x8000, s16, s15, $0x38;
	[tilespmem:$0x13300] =	vst v63  }
0x1f: {  	_ =	swait.ge [sflag:s19], $0x400  }
0x20: {  	[sflag:s19] =	ssyncset.done $0x0  }
0x21: {  	[sflag:s19] =	ssyncadd.s32 $0xFFFFFC00  }
0x22: {  	_ =	swait.ge [sflag:s20], $0xE58  }
0x23: {  	[sflag:s20] =	ssyncset.done $0x0  }
0x24: {  	[sflag:s20] =	ssyncadd.s32 $0xFFFFF1A8  }
0x25: {  	_ =	swait.ge [sflag:s21], $0x2000  }
0x26: {  	[sflag:s21] =	ssyncset.done $0x0  }
0x27: {  	[sflag:s21] =	ssyncadd.s32 $0xFFFFE000  }
0x28: {  	[hbm4b:s8+s2] =	stream.linear.scatter [tilespmem:s31], [sflag:$0x4], $0x2000, $0x38;
	[tilespmem:$0x13300] =	vst v63  }
0x29: {  	v0 =	vld [tilespmem:$0x0]  }
0x2a: {  	v1 =	vld [tilespmem:$0x10]  }
0x2b: {  	v2 =	vld [tilespmem:$0x20]  }
0x2c: {  	v4 =	vld [tilespmem:$0x30]  }
0x2d: {  	v6 =	vld [tilespmem:$0x40]  }
0x2e: {  	v7 =	vld [tilespmem:$0x50]  }
0x2f: {  	v5 =	vld [tilespmem:$0x60]  }
0x30: {  	v3 =	vld [tilespmem:$0x70]  }
0x31: {  	v8 =	vld [tilespmem:$0x80]  }
0x32: {  	v9 =	vld [tilespmem:$0x90]  }
0x33: {  	v10 =	vld [tilespmem:$0xA0]  }
0x34: {  	v11 =	vld [tilespmem:$0xB0]  }
0x35: {  	v12 =	vld [tilespmem:$0xC0]  }
0x36: {  	v13 =	vld [tilespmem:$0xD0]  }
0x37: {  	v14 =	vld [tilespmem:$0xE0]  }
0x38: {  	s1 =	simm.s32 $0x40;
	v15 =	vld [tilespmem:$0xF0]  }
0x39: {  	v18 =	vld [tilespmem:s1+$0x800]  }
0x3a: {  	v19 =	vld [tilespmem:s1+$0x810]  }
0x3b: {  	v20 =	vld [tilespmem:s1+$0x820]  }
0x3c: {  	v21 =	vld [tilespmem:s1+$0x830]  }
0x3d: {  	v23 =	vld [tilespmem:s1+$0x7C0]  }
0x3e: {  	v22 =	vld [tilespmem:s1+$0x7D0]  }
0x3f: {  	v25 =	vld [tilespmem:s1+$0x7E0]  }
0x40: {  	v24 =	vld [tilespmem:s1+$0x7F0]  }
0x41: {  	v27 =	vld [tilespmem:s1+$0x400]  }
0x42: {  	v16 =	vimm.s32 $0x0;
	v26 =	vld [tilespmem:s1+$0x410]  }
0x43: {  	v17 =	vld [tilespmem:s1+$0x420];
	v28 =	vadd.s32 v12, v16  }
0x44: {  	v34 =	vld [tilespmem:s1+$0x3C0];
	v30 =	vadd.s32 v13, v16  }
0x45: {  	v35 =	vld [tilespmem:s1+$0x3D0];
	v31 =	vadd.s32 v14, v16  }
0x46: {  	v33 =	vld [tilespmem:s1+$0x3E0];
	v32 =	vadd.s32 v15, v16  }
0x47: {  	v29 =	vld [tilespmem:s1+$0x3F0];
	v40 =	vadd.s32 v8, v16  }
0x48: {  	v42 =	vadd.s32 v9, v16;
	v36 =	vld.idx.msk [tilespmem:v28+s13+$0x0], $0xffff  }
0x49: {  	v43 =	vadd.s32 v10, v16;
	v37 =	vld.idx.msk [tilespmem:v30+s13+$0x0], $0xffff  }
0x4a: {  	v30 =	vadd.s32 v11, v16;
	v39 =	vld.idx.msk [tilespmem:v31+s13+$0x0], $0xffff  }
0x4b: {  	v31 =	vadd.s32 v6, v16;
	v38 =	vld.idx.msk [tilespmem:v32+s13+$0x0], $0xffff  }
0x4c: {  	v49 =	vadd.s32 v7, v16;
	v41 =	vld.idx.msk [tilespmem:v40+s13+$0x0], $0xffff  }
0x4d: {  	v45 =	vadd.s32 v0, v16;
	v40 =	vld.idx.msk [tilespmem:v42+s13+$0x0], $0xffff  }
0x4e: {  	v46 =	vadd.s32 v1, v16;
	v43 =	vld.idx.msk [tilespmem:v43+s13+$0x0], $0xffff  }
0x4f: {  	v47 =	vadd.s32 v2, v16;
	v48 =	vadd.s32 v4, v16;
	v28 =	vimm.f32 $0.0e+00;
	v42 =	vld.idx.msk [tilespmem:v30+s13+$0x0], $0xffff  }
0x50: {  	s0 =	simm.s32 $0x300;
	v32 =	vimm.f32 $0.0e+00;
	v44 =	vld.idx.msk [tilespmem:v31+s13+$0x0], $0xffff;
	v31 =	vimm.f32 $0.0e+00;
	v30 =	vimm.f32 $0.0e+00  }
.LBB2_2:
0x51: {  	p0 =	sne.s32 s0, $0xF00;
	v49 =	vld.idx.msk [tilespmem:v49+s13+$0x0], $0xffff;
	v50 =	vadd.s32 v5, v16  }
0x52: {  	v51 =	vadd.s32 v3, v16;
	v45 =	vld.idx.msk [tilespmem:v45+s13+$0x0], $0xffff  }
0x53: {  	v36 =	vsub.f32 v18, v36;
	v46 =	vld.idx.msk [tilespmem:v46+s13+$0x0], $0xffff  }
0x54: {  	v19 =	vsub.f32 v19, v37;
	v37 =	vsub.f32 v20, v39;
	v47 =	vld.idx.msk [tilespmem:v47+s13+$0x0], $0xffff  }
0x55: {  	v20 =	vsub.f32 v23, v41;
	v38 =	vsub.f32 v21, v38;
	v39 =	vld.idx.msk [tilespmem:v48+s13+$0x0], $0xffff  }
0x56: {  	v21 =	vsub.f32 v22, v40;
	v40 =	vsub.f32 v25, v43;
	v23 =	vld.idx.msk [tilespmem:v50+s13+$0x0], $0xffff  }
0x57: {  	v16 =	vadd.s32 $0x33, v16;
	v41 =	vsub.f32 v24, v42;
	v22 =	vsub.f32 v27, v44;
	v25 =	vld.idx.msk [tilespmem:v51+s13+$0x0], $0xffff  }
0x58: {  	v42 =	vadd.s32 v12, v16;
	v26 =	vsub.f32 v26, v49;
	v24 =	vsub.f32 v34, v45;
	v27 =	vld [tilespmem:s1+$0x430];
	s1 =	sshra.s32 s0, $0x2  }
0x59: {  	v34 =	vsub.f32 v35, v46;
	v35 =	vmul.f32 v36, v36;
	v36 =	vmul.f32 v19, v19;
	v18 =	vld [tilespmem:s1+$0x800]  }
0x5a: {  	v43 =	vmul.f32 v20, v20;
	v44 =	vmul.f32 v21, v21;
	v33 =	vsub.f32 v33, v47;
	v19 =	vld [tilespmem:s1+$0x810]  }
0x5b: {  	v26 =	vmul.f32 v26, v26;
	v29 =	vsub.f32 v29, v39;
	v39 =	vmul.f32 v22, v22;
	v20 =	vld [tilespmem:s1+$0x820]  }
0x5c: {  	v24 =	vmul.f32 v24, v24;
	v34 =	vmul.f32 v34, v34;
	v17 =	vsub.f32 v17, v23;
	v21 =	vld [tilespmem:s1+$0x830]  }
0x5d: {  	v33 =	vmul.f32 v33, v33;
	v29 =	vmul.f32 v29, v29;
	v23 =	vld [tilespmem:s1+$0x7C0];
	v27 =	vsub.f32 v27, v25  }
0x5e: {  	v28 =	vadd.f32 v24, v28;
	v32 =	vadd.f32 v34, v32;
	v17 =	vmul.f32 v17, v17;
	v22 =	vld [tilespmem:s1+$0x7D0]  }
0x5f: {  	v31 =	vadd.f32 v33, v31;
	v29 =	vadd.f32 v29, v30;
	v25 =	vld [tilespmem:s1+$0x7E0];
	v30 =	vmul.f32 v27, v27  }
0x60: {  	v28 =	vadd.f32 v39, v28;
	v33 =	vmul.f32 v40, v40;
	v32 =	vadd.f32 v26, v32;
	v24 =	vld [tilespmem:s1+$0x7F0]  }
0x61: {  	v31 =	vadd.f32 v17, v31;
	v27 =	vld [tilespmem:s1+$0x400];
	v29 =	vadd.f32 v30, v29;
	v30 =	vmul.f32 v41, v41  }
0x62: {  	v37 =	vmul.f32 v37, v37;
	v28 =	vadd.f32 v43, v28;
	v32 =	vadd.f32 v44, v32;
	v26 =	vld [tilespmem:s1+$0x410]  }
0x63: {  	v31 =	vadd.f32 v33, v31;
	v17 =	vld [tilespmem:s1+$0x420];
	v29 =	vadd.f32 v30, v29;
	v30 =	vmul.f32 v38, v38  }
0x64: {  	v28 =	vadd.f32 v35, v28;
	v32 =	vadd.f32 v36, v32;
	v38 =	vadd.s32 v13, v16;
	v34 =	vld [tilespmem:s1+$0x3C0]  }
0x65: {  	v39 =	vadd.s32 v14, v16;
	v31 =	vadd.f32 v37, v31;
	v35 =	vld [tilespmem:s1+$0x3D0];
	v30 =	vadd.f32 v30, v29  }
0x66: {  	v40 =	vadd.s32 v15, v16;
	v33 =	vld [tilespmem:s1+$0x3E0]  }
0x67: {  	v41 =	vadd.s32 v8, v16;
	v29 =	vld [tilespmem:s1+$0x3F0]  }
0x68: {  	v43 =	vadd.s32 v9, v16;
	v36 =	vld.idx.msk [tilespmem:v42+s13+$0x0], $0xffff  }
0x69: {  	v42 =	vadd.s32 v10, v16;
	v37 =	vld.idx.msk [tilespmem:v38+s13+$0x0], $0xffff  }
0x6a: {  	v44 =	vadd.s32 v11, v16;
	v39 =	vld.idx.msk [tilespmem:v39+s13+$0x0], $0xffff  }
0x6b: {  	v50 =	vadd.s32 v6, v16;
	v38 =	vld.idx.msk [tilespmem:v40+s13+$0x0], $0xffff  }
.Ltmp0:
0x6c: {  	v49 =	vadd.s32 v7, v16;
	v41 =	vld.idx.msk [tilespmem:v41+s13+$0x0], $0xffff;
	(pc) =	sbr.rel @p0 .LBB2_2-.Ltmp0, $4  }
0x6d: {  	v45 =	vadd.s32 v0, v16;
	v40 =	vld.idx.msk [tilespmem:v43+s13+$0x0], $0xffff  }
0x6e: {  	v46 =	vadd.s32 v1, v16;
	v43 =	vld.idx.msk [tilespmem:v42+s13+$0x0], $0xffff  }
0x6f: {  	v47 =	vadd.s32 v2, v16;
	v42 =	vld.idx.msk [tilespmem:v44+s13+$0x0], $0xffff  }
0x70: {  	v48 =	vadd.s32 v4, v16;
	s0 =	sadd.s32 $0x200, s0;
	v44 =	vld.idx.msk [tilespmem:v50+s13+$0x0], $0xffff  }
0x71: {  	_ =	sdelay $0x3  }
0x72: {  	v49 =	vld.idx.msk [tilespmem:v49+s13+$0x0], $0xffff  }
0x73: {  	v45 =	vld.idx.msk [tilespmem:v45+s13+$0x0], $0xffff  }
0x74: {  	v46 =	vld.idx.msk [tilespmem:v46+s13+$0x0], $0xffff  }
0x75: {  	v47 =	vld.idx.msk [tilespmem:v47+s13+$0x0], $0xffff  }
0x76: {  	v48 =	vld.idx.msk [tilespmem:v48+s13+$0x0], $0xffff  }
0x77: {  	v52 =	vld [tilespmem:s1+$0x430]  }
0x78: {  	v2 =	vld [tilespmem:$0x120]  }
0x79: {  	v4 =	vld [tilespmem:$0x130]  }
0x7a: {  	v6 =	vld [tilespmem:$0x140]  }
0x7b: {  	v7 =	vld [tilespmem:$0x150]  }
0x7c: {  	v0 =	vadd.s32 v5, v16;
	v5 =	vld [tilespmem:$0x160]  }
0x7d: {  	v1 =	vadd.s32 v3, v16;
	v3 =	vld [tilespmem:$0x170]  }
0x7e: {  	v8 =	vld [tilespmem:$0x180]  }
0x7f: {  	v9 =	vld [tilespmem:$0x190]  }
0x80: {  	v10 =	vld [tilespmem:$0x1A0]  }
0x81: {  	v11 =	vld [tilespmem:$0x1B0]  }
0x82: {  	v12 =	vld [tilespmem:$0x1C0]  }
0x83: {  	v14 =	vld [tilespmem:$0x1D0]  }
0x84: {  	v15 =	vld [tilespmem:$0x1E0]  }
0x85: {  	v16 =	vld [tilespmem:$0x1F0];
	s1 =	simm.s32 $0xFFFFFC00  }
0x86: {  	v13 =	vld [tilespmem:s1+$0x1440]  }
0x87: {  	v36 =	vsub.f32 v18, v36;
	v18 =	vld [tilespmem:s1+$0x1450]  }
0x88: {  	v53 =	vsub.f32 v19, v37;
	v54 =	vsub.f32 v20, v39;
	v20 =	vld [tilespmem:s1+$0x1460]  }
0x89: {  	v19 =	vsub.f32 v23, v41;
	v41 =	vsub.f32 v21, v38;
	v21 =	vld [tilespmem:s1+$0x1470]  }
0x8a: {  	v23 =	vld [tilespmem:s1+$0x1400]  }
0x8b: {  	v38 =	vsub.f32 v25, v43;
	v25 =	vld [tilespmem:s1+$0x1420]  }
0x8c: {  	v39 =	vsub.f32 v24, v42;
	v24 =	vld [tilespmem:s1+$0x1410]  }
0x8d: {  	v42 =	vmul.f32 v36, v36;
	v36 =	vld [tilespmem:s1+$0x1020]  }
0x8e: {  	v37 =	vsub.f32 v22, v40;
	v50 =	vld.idx.msk [tilespmem:v0+s13+$0x0], $0xffff  }
0x8f: {  	v22 =	vsub.f32 v27, v44;
	v51 =	vld.idx.msk [tilespmem:v1+s13+$0x0], $0xffff;
	v26 =	vsub.f32 v26, v49  }
0x90: {  	v0 =	vld [tilespmem:$0x100];
	v27 =	vsub.f32 v34, v45;
	v60 =	vsub.f32 v35, v46  }
0x91: {  	v1 =	vld [tilespmem:$0x110];
	v33 =	vsub.f32 v33, v47;
	v40 =	vmul.f32 v22, v22;
	v43 =	vmul.f32 v26, v26  }
0x92: {  	v35 =	vld [tilespmem:s1+$0x1010];
	v22 =	vsub.f32 v29, v48;
	v61 =	vmul.f32 v27, v27;
	v34 =	vmul.f32 v60, v60  }
0x93: {  	v29 =	vld [tilespmem:s1+$0x1040];
	v63 =	vmul.f32 v33, v33;
	v62 =	vsub.f32 v17, v50;
	v17 =	vimm.s32 $0x0  }
0x94: {  	v26 =	vld [tilespmem:s1+$0x1430];
	v55 =	vmul.f32 v22, v22;
	v28 =	vadd.f32 v61, v28;
	v57 =	vadd.s32 v12, v17  }
0x95: {  	v27 =	vld [tilespmem:s1+$0x1050];
	v32 =	vadd.f32 v34, v32;
	v31 =	vadd.f32 v63, v31;
	v58 =	vadd.s32 v14, v17  }
0x96: {  	v33 =	vld [tilespmem:s1+$0x1000];
	v63 =	vmul.f32 v19, v19;
	v56 =	vsub.f32 v52, v51;
	v60 =	vadd.s32 v15, v17  }
0x97: {  	v22 =	vld [tilespmem:s1+$0x1060];
	v30 =	vadd.f32 v55, v30;
	v28 =	vadd.f32 v40, v28;
	v40 =	vadd.s32 v8, v17  }
0x98: {  	v34 =	vld [tilespmem:s1+$0x1030];
	v52 =	vmul.f32 v37, v37;
	v32 =	vadd.f32 v43, v32;
	v49 =	vadd.s32 v9, v17  }
0x99: {  	v55 =	vadd.s32 v10, v17;
	v46 =	vadd.s32 v0, v17;
	v59 =	vmul.f32 v62, v62;
	v19 =	vld.idx.msk [tilespmem:v57+s13+$0x0], $0xffff  }
0x9a: {  	v61 =	vmul.f32 v56, v56;
	v62 =	vadd.s32 v16, v17;
	v56 =	vmul.f32 v38, v38;
	v37 =	vld.idx.msk [tilespmem:v58+s13+$0x0], $0xffff  }
0x9b: {  	v28 =	vadd.f32 v63, v28;
	v31 =	vadd.f32 v59, v31;
	v59 =	vadd.s32 v6, v17;
	v38 =	vld.idx.msk [tilespmem:v60+s13+$0x0], $0xffff  }
0x9c: {  	v30 =	vadd.f32 v61, v30;
	v57 =	vadd.s32 v11, v17;
	v58 =	vmul.f32 v39, v39;
	v40 =	vld.idx.msk [tilespmem:v40+s13+$0x0], $0xffff  }
0x9d: {  	v63 =	vmul.f32 v41, v41;
	v60 =	vadd.f32 v56, v31;
	v41 =	vld.idx.msk [tilespmem:v49+s13+$0x0], $0xffff;
	v49 =	vadd.s32 v7, v17  }
0x9e: {  	v47 =	vadd.s32 v1, v17;
	v31 =	vadd.f32 v42, v28;
	v42 =	vld.idx.msk [tilespmem:v55+s13+$0x0], $0xffff;
	v44 =	vadd.f32 v58, v30  }
0x9f: {  	v32 =	vadd.f32 v52, v32;
	v61 =	vmul.f32 v53, v53;
	v39 =	vld.idx.msk [tilespmem:v62+s13+$0x0], $0xffff;
	v62 =	vmul.f32 v54, v54  }
0xa0: {  	v48 =	vadd.s32 v2, v17;
	v28 =	vadd.f32 v63, v44;
	v44 =	vld.idx.msk [tilespmem:v59+s13+$0x0], $0xffff  }
0xa1: {  	s0 =	simm.s32 $0xFFFFF200;
	v45 =	vadd.s32 v4, v17;
	v32 =	vadd.f32 v61, v32;
	v30 =	vadd.f32 v62, v60;
	v43 =	vld.idx.msk [tilespmem:v57+s13+$0x0], $0xffff  }
.LBB2_4:
0xa2: {  	p0 =	sne.s32 s0, $0xFFFFFE00;
	v49 =	vld.idx.msk [tilespmem:v49+s13+$0x0], $0xffff;
	v50 =	vadd.s32 v5, v17  }
0xa3: {  	v51 =	vadd.s32 v3, v17;
	v46 =	vld.idx.msk [tilespmem:v46+s13+$0x0], $0xffff  }
0xa4: {  	v19 =	vsub.f32 v13, v19;
	v47 =	vld.idx.msk [tilespmem:v47+s13+$0x0], $0xffff  }
0xa5: {  	v18 =	vsub.f32 v18, v37;
	v37 =	vsub.f32 v20, v38;
	v48 =	vld.idx.msk [tilespmem:v48+s13+$0x0], $0xffff  }
0xa6: {  	v20 =	vsub.f32 v23, v40;
	v39 =	vsub.f32 v21, v39;
	v38 =	vld.idx.msk [tilespmem:v45+s13+$0x0], $0xffff  }
0xa7: {  	v21 =	vsub.f32 v24, v41;
	v40 =	vsub.f32 v25, v42;
	v23 =	vld.idx.msk [tilespmem:v50+s13+$0x0], $0xffff  }
0xa8: {  	v17 =	vadd.s32 $0x33, v17;
	v41 =	vsub.f32 v26, v43;
	v24 =	vsub.f32 v29, v44;
	v25 =	vld.idx.msk [tilespmem:v51+s13+$0x0], $0xffff  }
0xa9: {  	v42 =	vadd.s32 v12, v17;
	v27 =	vsub.f32 v27, v49;
	v26 =	vsub.f32 v33, v46;
	v29 =	vld [tilespmem:s1+$0x1070];
	s1 =	sshra.s32 s0, $0x2  }
0xaa: {  	v19 =	vmul.f32 v19, v19;
	v33 =	vsub.f32 v35, v47;
	v35 =	vmul.f32 v18, v18;
	v13 =	vld [tilespmem:s1+$0x1440]  }
0xab: {  	v43 =	vmul.f32 v20, v20;
	v44 =	vmul.f32 v21, v21;
	v36 =	vsub.f32 v36, v48;
	v18 =	vld [tilespmem:s1+$0x1450]  }
0xac: {  	v27 =	vmul.f32 v27, v27;
	v34 =	vsub.f32 v34, v38;
	v38 =	vmul.f32 v24, v24;
	v20 =	vld [tilespmem:s1+$0x1460]  }
0xad: {  	v26 =	vmul.f32 v26, v26;
	v33 =	vmul.f32 v33, v33;
	v22 =	vsub.f32 v22, v23;
	v21 =	vld [tilespmem:s1+$0x1470]  }
0xae: {  	v36 =	vmul.f32 v36, v36;
	v34 =	vmul.f32 v34, v34;
	v23 =	vld [tilespmem:s1+$0x1400];
	v29 =	vsub.f32 v29, v25  }
0xaf: {  	v31 =	vadd.f32 v26, v31;
	v32 =	vadd.f32 v33, v32;
	v22 =	vmul.f32 v22, v22;
	v24 =	vld [tilespmem:s1+$0x1410]  }
0xb0: {  	v30 =	vadd.f32 v36, v30;
	v28 =	vadd.f32 v34, v28;
	v25 =	vld [tilespmem:s1+$0x1420];
	v33 =	vmul.f32 v29, v29  }
0xb1: {  	v31 =	vadd.f32 v38, v31;
	v32 =	vadd.f32 v27, v32;
	v34 =	vmul.f32 v40, v40;
	v26 =	vld [tilespmem:s1+$0x1430]  }
0xb2: {  	v30 =	vadd.f32 v22, v30;
	v29 =	vld [tilespmem:s1+$0x1040];
	v28 =	vadd.f32 v33, v28;
	v33 =	vmul.f32 v41, v41  }
0xb3: {  	v36 =	vmul.f32 v37, v37;
	v31 =	vadd.f32 v43, v31;
	v32 =	vadd.f32 v44, v32;
	v27 =	vld [tilespmem:s1+$0x1050]  }
0xb4: {  	v30 =	vadd.f32 v34, v30;
	v34 =	vmul.f32 v39, v39;
	v22 =	vld [tilespmem:s1+$0x1060];
	v28 =	vadd.f32 v33, v28  }
0xb5: {  	v37 =	vadd.s32 v14, v17;
	v31 =	vadd.f32 v19, v31;
	v32 =	vadd.f32 v35, v32;
	v33 =	vld [tilespmem:s1+$0x1000]  }
0xb6: {  	v38 =	vadd.s32 v15, v17;
	v30 =	vadd.f32 v36, v30;
	v35 =	vld [tilespmem:s1+$0x1010];
	v28 =	vadd.f32 v34, v28  }
0xb7: {  	v39 =	vadd.s32 v16, v17;
	v36 =	vld [tilespmem:s1+$0x1020]  }
0xb8: {  	v40 =	vadd.s32 v8, v17;
	v34 =	vld [tilespmem:s1+$0x1030]  }
0xb9: {  	v41 =	vadd.s32 v9, v17;
	v19 =	vld.idx.msk [tilespmem:v42+s13+$0x0], $0xffff  }
0xba: {  	v42 =	vadd.s32 v10, v17;
	v37 =	vld.idx.msk [tilespmem:v37+s13+$0x0], $0xffff  }
0xbb: {  	v43 =	vadd.s32 v11, v17;
	v38 =	vld.idx.msk [tilespmem:v38+s13+$0x0], $0xffff  }
0xbc: {  	v44 =	vadd.s32 v6, v17;
	v39 =	vld.idx.msk [tilespmem:v39+s13+$0x0], $0xffff  }
.Ltmp1:
0xbd: {  	v49 =	vadd.s32 v7, v17;
	v40 =	vld.idx.msk [tilespmem:v40+s13+$0x0], $0xffff;
	(pc) =	sbr.rel @p0 .LBB2_4-.Ltmp1, $4  }
0xbe: {  	v46 =	vadd.s32 v0, v17;
	v41 =	vld.idx.msk [tilespmem:v41+s13+$0x0], $0xffff  }
0xbf: {  	v47 =	vadd.s32 v1, v17;
	v42 =	vld.idx.msk [tilespmem:v42+s13+$0x0], $0xffff  }
0xc0: {  	v48 =	vadd.s32 v2, v17;
	v43 =	vld.idx.msk [tilespmem:v43+s13+$0x0], $0xffff  }
0xc1: {  	v45 =	vadd.s32 v4, v17;
	s0 =	sadd.s32 $0x200, s0;
	v44 =	vld.idx.msk [tilespmem:v44+s13+$0x0], $0xffff  }
0xc2: {  	_ =	sdelay $0x3  }
0xc3: {  	v49 =	vld.idx.msk [tilespmem:v49+s13+$0x0], $0xffff  }
0xc4: {  	v46 =	vld.idx.msk [tilespmem:v46+s13+$0x0], $0xffff  }
0xc5: {  	v47 =	vld.idx.msk [tilespmem:v47+s13+$0x0], $0xffff  }
0xc6: {  	v48 =	vld.idx.msk [tilespmem:v48+s13+$0x0], $0xffff  }
0xc7: {  	v45 =	vld.idx.msk [tilespmem:v45+s13+$0x0], $0xffff  }
0xc8: {  	v52 =	vld [tilespmem:s1+$0x1070]  }
0xc9: {  	v2 =	vld [tilespmem:$0x220]  }
0xca: {  	v4 =	vld [tilespmem:$0x230]  }
0xcb: {  	v6 =	vld [tilespmem:$0x240]  }
0xcc: {  	v7 =	vld [tilespmem:$0x250]  }
0xcd: {  	v0 =	vadd.s32 v5, v17;
	v5 =	vld [tilespmem:$0x260]  }
0xce: {  	v1 =	vadd.s32 v3, v17;
	v3 =	vld [tilespmem:$0x270]  }
0xcf: {  	v8 =	vld [tilespmem:$0x280]  }
0xd0: {  	v9 =	vld [tilespmem:$0x290]  }
0xd1: {  	v10 =	vld [tilespmem:$0x2A0]  }
0xd2: {  	v11 =	vld [tilespmem:$0x2B0]  }
0xd3: {  	v12 =	vld [tilespmem:$0x2C0]  }
0xd4: {  	v15 =	vld [tilespmem:$0x2D0]  }
0xd5: {  	v16 =	vld [tilespmem:$0x2E0]  }
0xd6: {  	v17 =	vld [tilespmem:$0x2F0];
	s1 =	simm.s32 $0xFFFFFC00  }
0xd7: {  	v14 =	vld [tilespmem:s1+$0x1C40]  }
0xd8: {  	v13 =	vsub.f32 v13, v19;
	v19 =	vld [tilespmem:s1+$0x1C50]  }
0xd9: {  	v53 =	vsub.f32 v20, v38;
	v20 =	vld [tilespmem:s1+$0x1C60]  }
0xda: {  	v54 =	vsub.f32 v21, v39;
	v21 =	vld [tilespmem:s1+$0x1C70]  }
0xdb: {  	v18 =	vsub.f32 v18, v37;
	v37 =	vsub.f32 v23, v40;
	v23 =	vld [tilespmem:s1+$0x1C00]  }
0xdc: {  	v38 =	vsub.f32 v24, v41;
	v24 =	vld [tilespmem:s1+$0x1C10]  }
0xdd: {  	v39 =	vsub.f32 v25, v42;
	v25 =	vld [tilespmem:s1+$0x1C20]  }
0xde: {  	v50 =	vld.idx.msk [tilespmem:v0+s13+$0x0], $0xffff  }
0xdf: {  	v51 =	vld.idx.msk [tilespmem:v1+s13+$0x0], $0xffff  }
0xe0: {  	v42 =	vmul.f32 v13, v13;
	v40 =	vsub.f32 v26, v43;
	v29 =	vsub.f32 v29, v44;
	v0 =	vld [tilespmem:$0x200]  }
0xe1: {  	v18 =	vmul.f32 v18, v18;
	v1 =	vld [tilespmem:$0x210];
	v26 =	vsub.f32 v27, v49;
	v27 =	vsub.f32 v33, v46  }
0xe2: {  	v62 =	vsub.f32 v35, v47;
	v13 =	vsub.f32 v36, v48;
	v35 =	vld [tilespmem:s1+$0x1810];
	v41 =	vmul.f32 v29, v29  }
0xe3: {  	v34 =	vsub.f32 v34, v45;
	v36 =	vld [tilespmem:s1+$0x1820];
	v63 =	vmul.f32 v26, v26;
	v49 =	vmul.f32 v27, v27  }
0xe4: {  	v29 =	vld [tilespmem:s1+$0x1840];
	v33 =	vmul.f32 v62, v62;
	v56 =	vmul.f32 v13, v13;
	v13 =	vimm.s32 $0x0  }
0xe5: {  	v26 =	vld [tilespmem:s1+$0x1C30];
	v34 =	vmul.f32 v34, v34;
	v58 =	vadd.s32 v12, v13;
	v59 =	vadd.s32 v15, v13  }
0xe6: {  	v27 =	vld [tilespmem:s1+$0x1850];
	v61 =	vadd.s32 v16, v13;
	v31 =	vadd.f32 v49, v31;
	v32 =	vadd.f32 v33, v32  }
0xe7: {  	v62 =	vadd.s32 v17, v13;
	v33 =	vld [tilespmem:s1+$0x1800];
	v30 =	vadd.f32 v56, v30;
	v28 =	vadd.f32 v34, v28  }
0xe8: {  	v34 =	vld [tilespmem:s1+$0x1830];
	v56 =	vmul.f32 v38, v38;
	v55 =	vsub.f32 v22, v50;
	v57 =	vsub.f32 v52, v51  }
0xe9: {  	v22 =	vld [tilespmem:s1+$0x1860];
	v52 =	vmul.f32 v37, v37;
	v32 =	vadd.f32 v63, v32;
	v63 =	vadd.s32 v8, v13  }
0xea: {  	v31 =	vadd.f32 v41, v31;
	v60 =	vmul.f32 v55, v55;
	v55 =	vadd.s32 v9, v13;
	v37 =	vld.idx.msk [tilespmem:v58+s13+$0x0], $0xffff  }
0xeb: {  	v49 =	vadd.s32 v7, v13;
	v45 =	vmul.f32 v57, v57;
	v57 =	vadd.s32 v10, v13;
	v38 =	vld.idx.msk [tilespmem:v59+s13+$0x0], $0xffff  }
0xec: {  	v58 =	vmul.f32 v39, v39;
	v31 =	vadd.f32 v52, v31;
	v59 =	vadd.s32 v11, v13;
	v39 =	vld.idx.msk [tilespmem:v61+s13+$0x0], $0xffff  }
0xed: {  	v61 =	vadd.s32 v6, v13;
	v30 =	vadd.f32 v60, v30;
	v60 =	vmul.f32 v40, v40;
	v40 =	vld.idx.msk [tilespmem:v62+s13+$0x0], $0xffff  }
0xee: {  	v46 =	vadd.s32 v0, v13;
	v47 =	vadd.s32 v1, v13;
	v28 =	vadd.f32 v45, v28;
	v41 =	vld.idx.msk [tilespmem:v63+s13+$0x0], $0xffff  }
0xef: {  	v32 =	vadd.f32 v56, v32;
	v62 =	vmul.f32 v53, v53;
	v31 =	vadd.f32 v42, v31;
	v42 =	vld.idx.msk [tilespmem:v55+s13+$0x0], $0xffff  }
0xf0: {  	v30 =	vadd.f32 v58, v30;
	v28 =	vadd.f32 v60, v28;
	v63 =	vmul.f32 v54, v54;
	v43 =	vld.idx.msk [tilespmem:v57+s13+$0x0], $0xffff  }
0xf1: {  	v48 =	vadd.s32 v2, v13;
	v32 =	vadd.f32 v18, v32;
	v44 =	vld.idx.msk [tilespmem:v59+s13+$0x0], $0xffff  }
0xf2: {  	s0 =	simm.s32 $0xFFFFF200;
	v18 =	vadd.s32 v4, v13;
	v30 =	vadd.f32 v62, v30;
	v28 =	vadd.f32 v63, v28;
	v45 =	vld.idx.msk [tilespmem:v61+s13+$0x0], $0xffff  }
.LBB2_6:
0xf3: {  	p0 =	sne.s32 s0, $0xFFFFFE00;
	v49 =	vld.idx.msk [tilespmem:v49+s13+$0x0], $0xffff;
	v50 =	vadd.s32 v5, v13  }
0xf4: {  	v51 =	vadd.s32 v3, v13;
	v46 =	vld.idx.msk [tilespmem:v46+s13+$0x0], $0xffff  }
0xf5: {  	v37 =	vsub.f32 v14, v37;
	v47 =	vld.idx.msk [tilespmem:v47+s13+$0x0], $0xffff  }
0xf6: {  	v19 =	vsub.f32 v19, v38;
	v38 =	vsub.f32 v20, v39;
	v48 =	vld.idx.msk [tilespmem:v48+s13+$0x0], $0xffff  }
0xf7: {  	v20 =	vsub.f32 v23, v41;
	v39 =	vsub.f32 v21, v40;
	v18 =	vld.idx.msk [tilespmem:v18+s13+$0x0], $0xffff  }
0xf8: {  	v21 =	vsub.f32 v24, v42;
	v40 =	vsub.f32 v25, v43;
	v23 =	vld.idx.msk [tilespmem:v50+s13+$0x0], $0xffff  }
0xf9: {  	v13 =	vadd.s32 $0x33, v13;
	v41 =	vsub.f32 v26, v44;
	v24 =	vsub.f32 v29, v45;
	v25 =	vld.idx.msk [tilespmem:v51+s13+$0x0], $0xffff  }
0xfa: {  	v42 =	vadd.s32 v12, v13;
	v27 =	vsub.f32 v27, v49;
	v26 =	vsub.f32 v33, v46;
	v29 =	vld [tilespmem:s1+$0x1870];
	s1 =	sshra.s32 s0, $0x2  }
0xfb: {  	v33 =	vsub.f32 v35, v47;
	v35 =	vmul.f32 v37, v37;
	v37 =	vmul.f32 v19, v19;
	v14 =	vld [tilespmem:s1+$0x1C40]  }
0xfc: {  	v43 =	vmul.f32 v20, v20;
	v44 =	vmul.f32 v21, v21;
	v36 =	vsub.f32 v36, v48;
	v19 =	vld [tilespmem:s1+$0x1C50]  }
0xfd: {  	v27 =	vmul.f32 v27, v27;
	v18 =	vsub.f32 v34, v18;
	v34 =	vmul.f32 v24, v24;
	v20 =	vld [tilespmem:s1+$0x1C60]  }
0xfe: {  	v26 =	vmul.f32 v26, v26;
	v33 =	vmul.f32 v33, v33;
	v22 =	vsub.f32 v22, v23;
	v21 =	vld [tilespmem:s1+$0x1C70]  }
0xff: {  	v36 =	vmul.f32 v36, v36;
	v18 =	vmul.f32 v18, v18;
	v23 =	vld [tilespmem:s1+$0x1C00];
	v29 =	vsub.f32 v29, v25  }
0x100: {  	v31 =	vadd.f32 v26, v31;
	v32 =	vadd.f32 v33, v32;
	v22 =	vmul.f32 v22, v22;
	v24 =	vld [tilespmem:s1+$0x1C10]  }
0x101: {  	v30 =	vadd.f32 v36, v30;
	v18 =	vadd.f32 v18, v28;
	v25 =	vld [tilespmem:s1+$0x1C20];
	v28 =	vmul.f32 v29, v29  }
0x102: {  	v33 =	vmul.f32 v40, v40;
	v31 =	vadd.f32 v34, v31;
	v32 =	vadd.f32 v27, v32;
	v26 =	vld [tilespmem:s1+$0x1C30]  }
0x103: {  	v30 =	vadd.f32 v22, v30;
	v29 =	vld [tilespmem:s1+$0x1840];
	v18 =	vadd.f32 v28, v18;
	v28 =	vmul.f32 v41, v41  }
0x104: {  	v34 =	vmul.f32 v38, v38;
	v31 =	vadd.f32 v43, v31;
	v32 =	vadd.f32 v44, v32;
	v27 =	vld [tilespmem:s1+$0x1850]  }
0x105: {  	v30 =	vadd.f32 v33, v30;
	v22 =	vld [tilespmem:s1+$0x1860];
	v18 =	vadd.f32 v28, v18;
	v28 =	vmul.f32 v39, v39  }
0x106: {  	v38 =	vadd.s32 v15, v13;
	v31 =	vadd.f32 v35, v31;
	v32 =	vadd.f32 v37, v32;
	v33 =	vld [tilespmem:s1+$0x1800]  }
0x107: {  	v39 =	vadd.s32 v16, v13;
	v30 =	vadd.f32 v34, v30;
	v35 =	vld [tilespmem:s1+$0x1810];
	v28 =	vadd.f32 v28, v18  }
0x108: {  	v18 =	vadd.s32 v17, v13;
	v36 =	vld [tilespmem:s1+$0x1820]  }
0x109: {  	v41 =	vadd.s32 v8, v13;
	v34 =	vld [tilespmem:s1+$0x1830]  }
0x10a: {  	v43 =	vadd.s32 v9, v13;
	v37 =	vld.idx.msk [tilespmem:v42+s13+$0x0], $0xffff  }
0x10b: {  	v44 =	vadd.s32 v10, v13;
	v38 =	vld.idx.msk [tilespmem:v38+s13+$0x0], $0xffff  }
0x10c: {  	v45 =	vadd.s32 v11, v13;
	v39 =	vld.idx.msk [tilespmem:v39+s13+$0x0], $0xffff  }
0x10d: {  	v50 =	vadd.s32 v6, v13;
	v40 =	vld.idx.msk [tilespmem:v18+s13+$0x0], $0xffff  }
.Ltmp2:
0x10e: {  	v49 =	vadd.s32 v7, v13;
	v41 =	vld.idx.msk [tilespmem:v41+s13+$0x0], $0xffff;
	(pc) =	sbr.rel @p0 .LBB2_6-.Ltmp2, $4  }
0x10f: {  	v46 =	vadd.s32 v0, v13;
	v42 =	vld.idx.msk [tilespmem:v43+s13+$0x0], $0xffff  }
0x110: {  	v47 =	vadd.s32 v1, v13;
	v43 =	vld.idx.msk [tilespmem:v44+s13+$0x0], $0xffff  }
0x111: {  	v48 =	vadd.s32 v2, v13;
	v44 =	vld.idx.msk [tilespmem:v45+s13+$0x0], $0xffff  }
0x112: {  	s0 =	sadd.s32 $0x200, s0;
	v18 =	vadd.s32 v4, v13;
	v45 =	vld.idx.msk [tilespmem:v50+s13+$0x0], $0xffff  }
0x113: {  	_ =	sdelay $0x3  }
0x114: {  	v49 =	vld.idx.msk [tilespmem:v49+s13+$0x0], $0xffff  }
0x115: {  	v46 =	vld.idx.msk [tilespmem:v46+s13+$0x0], $0xffff  }
0x116: {  	v47 =	vld.idx.msk [tilespmem:v47+s13+$0x0], $0xffff  }
0x117: {  	v48 =	vld.idx.msk [tilespmem:v48+s13+$0x0], $0xffff  }
0x118: {  	v50 =	vld.idx.msk [tilespmem:v18+s13+$0x0], $0xffff  }
0x119: {  	v53 =	vld [tilespmem:s1+$0x1870]  }
0x11a: {  	v2 =	vld [tilespmem:$0x320]  }
0x11b: {  	v4 =	vld [tilespmem:$0x330]  }
0x11c: {  	v6 =	vld [tilespmem:$0x340]  }
0x11d: {  	v7 =	vld [tilespmem:$0x350]  }
0x11e: {  	v0 =	vadd.s32 v5, v13;
	v5 =	vld [tilespmem:$0x360]  }
0x11f: {  	v1 =	vadd.s32 v3, v13;
	v3 =	vld [tilespmem:$0x370]  }
0x120: {  	v8 =	vld [tilespmem:$0x380]  }
0x121: {  	v9 =	vld [tilespmem:$0x390]  }
0x122: {  	v10 =	vld [tilespmem:$0x3A0]  }
0x123: {  	v12 =	vld [tilespmem:$0x3B0]  }
0x124: {  	v13 =	vld [tilespmem:$0x3C0]  }
0x125: {  	v16 =	vld [tilespmem:$0x3D0]  }
0x126: {  	v17 =	vld [tilespmem:$0x3E0]  }
0x127: {  	v18 =	vld [tilespmem:$0x3F0];
	s1 =	simm.s32 $0xFFFFFC00  }
0x128: {  	v11 =	vld [tilespmem:s1+$0x2440]  }
0x129: {  	v15 =	vld [tilespmem:s1+$0x2450]  }
0x12a: {  	v54 =	vsub.f32 v19, v38;
	v55 =	vsub.f32 v20, v39;
	v20 =	vld [tilespmem:s1+$0x2460]  }
0x12b: {  	v19 =	vsub.f32 v23, v41;
	v41 =	vsub.f32 v21, v40;
	v21 =	vld [tilespmem:s1+$0x2470]  }
0x12c: {  	v23 =	vld [tilespmem:s1+$0x2400]  }
0x12d: {  	v14 =	vsub.f32 v14, v37;
	v37 =	vsub.f32 v24, v42;
	v24 =	vld [tilespmem:s1+$0x2410]  }
0x12e: {  	v38 =	vsub.f32 v25, v43;
	v25 =	vld [tilespmem:s1+$0x2420]  }
0x12f: {  	v51 =	vld.idx.msk [tilespmem:v0+s13+$0x0], $0xffff  }
0x130: {  	v39 =	vsub.f32 v26, v44;
	v29 =	vsub.f32 v29, v45;
	v52 =	vld.idx.msk [tilespmem:v1+s13+$0x0], $0xffff  }
0x131: {  	v0 =	vld [tilespmem:$0x300];
	v26 =	vsub.f32 v27, v49;
	v27 =	vsub.f32 v33, v46  }
0x132: {  	v42 =	vmul.f32 v14, v14;
	v1 =	vld [tilespmem:$0x310];
	v60 =	vsub.f32 v35, v47;
	v14 =	vsub.f32 v36, v48  }
0x133: {  	v34 =	vsub.f32 v34, v50;
	v35 =	vld [tilespmem:s1+$0x2010];
	v40 =	vmul.f32 v29, v29;
	v43 =	vmul.f32 v26, v26  }
0x134: {  	v36 =	vld [tilespmem:s1+$0x2020];
	v61 =	vmul.f32 v27, v27;
	v63 =	vmul.f32 v14, v14;
	v14 =	vimm.s32 $0x0  }
0x135: {  	v29 =	vld [tilespmem:s1+$0x2040];
	v33 =	vmul.f32 v60, v60;
	v34 =	vmul.f32 v34, v34;
	v57 =	vadd.s32 v13, v14  }
0x136: {  	v26 =	vld [tilespmem:s1+$0x2430];
	v59 =	vadd.s32 v16, v14;
	v48 =	vadd.s32 v9, v14;
	v58 =	vadd.f32 v61, v31  }
0x137: {  	v27 =	vld [tilespmem:s1+$0x2050];
	v49 =	vadd.s32 v7, v14;
	v32 =	vadd.f32 v33, v32;
	v30 =	vadd.f32 v63, v30  }
0x138: {  	v31 =	vld [tilespmem:s1+$0x2000];
	v61 =	vadd.s32 v17, v14;
	v28 =	vadd.f32 v34, v28;
	v63 =	vadd.s32 v8, v14  }
0x139: {  	v34 =	vld [tilespmem:s1+$0x2030];
	v62 =	vsub.f32 v22, v51;
	v56 =	vsub.f32 v53, v52;
	v52 =	vmul.f32 v19, v19  }
0x13a: {  	v22 =	vld [tilespmem:s1+$0x2060];
	v53 =	vmul.f32 v37, v37;
	v40 =	vadd.f32 v40, v58;
	v32 =	vadd.f32 v43, v32  }
0x13b: {  	v58 =	vadd.s32 v12, v14;
	v60 =	vmul.f32 v62, v62;
	v45 =	vmul.f32 v56, v56;
	v19 =	vld.idx.msk [tilespmem:v57+s13+$0x0], $0xffff  }
0x13c: {  	v62 =	vadd.s32 v18, v14;
	v56 =	vadd.s32 v10, v14;
	v37 =	vld.idx.msk [tilespmem:v59+s13+$0x0], $0xffff;
	v57 =	vmul.f32 v38, v38  }
0x13d: {  	v47 =	vadd.f32 v52, v40;
	v59 =	vmul.f32 v39, v39;
	v46 =	vadd.f32 v53, v32;
	v38 =	vld.idx.msk [tilespmem:v61+s13+$0x0], $0xffff  }
0x13e: {  	v30 =	vadd.f32 v60, v30;
	v60 =	vadd.s32 v6, v14;
	v61 =	vmul.f32 v54, v54;
	v40 =	vld.idx.msk [tilespmem:v63+s13+$0x0], $0xffff  }
0x13f: {  	v28 =	vadd.f32 v45, v28;
	v63 =	vmul.f32 v41, v41;
	v41 =	vld.idx.msk [tilespmem:v48+s13+$0x0], $0xffff;
	v32 =	vadd.f32 v42, v47  }
0x140: {  	v47 =	vadd.s32 v1, v14;
	v33 =	vadd.f32 v61, v46;
	v46 =	vadd.s32 v0, v14;
	v43 =	vld.idx.msk [tilespmem:v58+s13+$0x0], $0xffff  }
0x141: {  	v30 =	vadd.f32 v57, v30;
	v28 =	vadd.f32 v59, v28;
	v39 =	vld.idx.msk [tilespmem:v62+s13+$0x0], $0xffff;
	v62 =	vmul.f32 v55, v55  }
0x142: {  	v48 =	vadd.s32 v2, v14;
	v42 =	vld.idx.msk [tilespmem:v56+s13+$0x0], $0xffff  }
0x143: {  	s0 =	simm.s32 $0xFFFFF200;
	v45 =	vadd.s32 v4, v14;
	v28 =	vadd.f32 v63, v28;
	v30 =	vadd.f32 v62, v30;
	v44 =	vld.idx.msk [tilespmem:v60+s13+$0x0], $0xffff  }
.LBB2_8:
0x144: {  	p0 =	sne.s32 s0, $0xFFFFFE00;
	v49 =	vld.idx.msk [tilespmem:v49+s13+$0x0], $0xffff;
	v50 =	vadd.s32 v5, v14  }
0x145: {  	v51 =	vadd.s32 v3, v14;
	v46 =	vld.idx.msk [tilespmem:v46+s13+$0x0], $0xffff  }
0x146: {  	v19 =	vsub.f32 v11, v19;
	v47 =	vld.idx.msk [tilespmem:v47+s13+$0x0], $0xffff  }
0x147: {  	v15 =	vsub.f32 v15, v37;
	v37 =	vsub.f32 v20, v38;
	v48 =	vld.idx.msk [tilespmem:v48+s13+$0x0], $0xffff  }
0x148: {  	v20 =	vsub.f32 v23, v40;
	v39 =	vsub.f32 v21, v39;
	v38 =	vld.idx.msk [tilespmem:v45+s13+$0x0], $0xffff  }
0x149: {  	v21 =	vsub.f32 v24, v41;
	v40 =	vsub.f32 v25, v42;
	v23 =	vld.idx.msk [tilespmem:v50+s13+$0x0], $0xffff  }
0x14a: {  	v14 =	vadd.s32 $0x33, v14;
	v41 =	vsub.f32 v26, v43;
	v24 =	vsub.f32 v29, v44;
	v25 =	vld.idx.msk [tilespmem:v51+s13+$0x0], $0xffff  }
0x14b: {  	v42 =	vadd.s32 v13, v14;
	v27 =	vsub.f32 v27, v49;
	v26 =	vsub.f32 v31, v46;
	v29 =	vld [tilespmem:s1+$0x2070];
	s1 =	sshra.s32 s0, $0x2  }
0x14c: {  	v19 =	vmul.f32 v19, v19;
	v31 =	vsub.f32 v35, v47;
	v35 =	vmul.f32 v15, v15;
	v11 =	vld [tilespmem:s1+$0x2440]  }
0x14d: {  	v43 =	vmul.f32 v20, v20;
	v44 =	vmul.f32 v21, v21;
	v36 =	vsub.f32 v36, v48;
	v15 =	vld [tilespmem:s1+$0x2450]  }
0x14e: {  	v27 =	vmul.f32 v27, v27;
	v34 =	vsub.f32 v34, v38;
	v38 =	vmul.f32 v24, v24;
	v20 =	vld [tilespmem:s1+$0x2460]  }
0x14f: {  	v26 =	vmul.f32 v26, v26;
	v31 =	vmul.f32 v31, v31;
	v22 =	vsub.f32 v22, v23;
	v21 =	vld [tilespmem:s1+$0x2470]  }
0x150: {  	v36 =	vmul.f32 v36, v36;
	v34 =	vmul.f32 v34, v34;
	v23 =	vld [tilespmem:s1+$0x2400];
	v29 =	vsub.f32 v29, v25  }
0x151: {  	v32 =	vadd.f32 v26, v32;
	v31 =	vadd.f32 v31, v33;
	v22 =	vmul.f32 v22, v22;
	v24 =	vld [tilespmem:s1+$0x2410]  }
0x152: {  	v30 =	vadd.f32 v36, v30;
	v28 =	vadd.f32 v34, v28;
	v25 =	vld [tilespmem:s1+$0x2420];
	v33 =	vmul.f32 v29, v29  }
0x153: {  	v32 =	vadd.f32 v38, v32;
	v31 =	vadd.f32 v27, v31;
	v34 =	vmul.f32 v40, v40;
	v26 =	vld [tilespmem:s1+$0x2430]  }
0x154: {  	v30 =	vadd.f32 v22, v30;
	v29 =	vld [tilespmem:s1+$0x2040];
	v28 =	vadd.f32 v33, v28;
	v33 =	vmul.f32 v41, v41  }
0x155: {  	v37 =	vmul.f32 v37, v37;
	v32 =	vadd.f32 v43, v32;
	v36 =	vadd.f32 v44, v31;
	v27 =	vld [tilespmem:s1+$0x2050]  }
0x156: {  	v30 =	vadd.f32 v34, v30;
	v34 =	vmul.f32 v39, v39;
	v22 =	vld [tilespmem:s1+$0x2060];
	v28 =	vadd.f32 v33, v28  }
0x157: {  	v38 =	vadd.s32 v16, v14;
	v32 =	vadd.f32 v19, v32;
	v33 =	vadd.f32 v35, v36;
	v31 =	vld [tilespmem:s1+$0x2000]  }
0x158: {  	v39 =	vadd.s32 v17, v14;
	v30 =	vadd.f32 v37, v30;
	v35 =	vld [tilespmem:s1+$0x2010];
	v28 =	vadd.f32 v34, v28  }
0x159: {  	v40 =	vadd.s32 v18, v14;
	v36 =	vld [tilespmem:s1+$0x2020]  }
0x15a: {  	v41 =	vadd.s32 v8, v14;
	v34 =	vld [tilespmem:s1+$0x2030]  }
0x15b: {  	v43 =	vadd.s32 v9, v14;
	v19 =	vld.idx.msk [tilespmem:v42+s13+$0x0], $0xffff  }
0x15c: {  	v42 =	vadd.s32 v10, v14;
	v37 =	vld.idx.msk [tilespmem:v38+s13+$0x0], $0xffff  }
0x15d: {  	v44 =	vadd.s32 v12, v14;
	v38 =	vld.idx.msk [tilespmem:v39+s13+$0x0], $0xffff  }
0x15e: {  	v50 =	vadd.s32 v6, v14;
	v39 =	vld.idx.msk [tilespmem:v40+s13+$0x0], $0xffff  }
.Ltmp3:
0x15f: {  	v49 =	vadd.s32 v7, v14;
	v40 =	vld.idx.msk [tilespmem:v41+s13+$0x0], $0xffff;
	(pc) =	sbr.rel @p0 .LBB2_8-.Ltmp3, $4  }
0x160: {  	v46 =	vadd.s32 v0, v14;
	v41 =	vld.idx.msk [tilespmem:v43+s13+$0x0], $0xffff  }
0x161: {  	v47 =	vadd.s32 v1, v14;
	v42 =	vld.idx.msk [tilespmem:v42+s13+$0x0], $0xffff  }
0x162: {  	v48 =	vadd.s32 v2, v14;
	v43 =	vld.idx.msk [tilespmem:v44+s13+$0x0], $0xffff  }
0x163: {  	v45 =	vadd.s32 v4, v14;
	s0 =	sadd.s32 $0x200, s0;
	v44 =	vld.idx.msk [tilespmem:v50+s13+$0x0], $0xffff  }
0x164: {  	_ =	sdelay $0x3  }
0x165: {  	v49 =	vld.idx.msk [tilespmem:v49+s13+$0x0], $0xffff  }
0x166: {  	v0 =	vadd.s32 v5, v14;
	v46 =	vld.idx.msk [tilespmem:v46+s13+$0x0], $0xffff  }
0x167: {  	v1 =	vadd.s32 v3, v14;
	v47 =	vld.idx.msk [tilespmem:v47+s13+$0x0], $0xffff  }
0x168: {  	v48 =	vld.idx.msk [tilespmem:v48+s13+$0x0], $0xffff  }
0x169: {  	v45 =	vld.idx.msk [tilespmem:v45+s13+$0x0], $0xffff  }
0x16a: {  	v52 =	vld [tilespmem:s1+$0x2070]  }
0x16b: {  	v50 =	vld.idx.msk [tilespmem:v0+s13+$0x0], $0xffff  }
0x16c: {  	v51 =	vld.idx.msk [tilespmem:v1+s13+$0x0], $0xffff;
	_ =	swait.ge [sflag:s22], $0x8000  }
0x16d: {  	[sflag:s22] =	ssyncset.done $0x0  }
0x16e: {  	s0 =	simm.s32 $0x2000;
	[sflag:s22] =	ssyncadd.s32 $0xFFFF8000  }
0x16f: {  	[hbm4b:s9+s0] =	stream.strided.scatter [tilespmem:s3], [sflag:$0x5], $0x8000, s16, s0, $0x38;
	[tilespmem:$0x13300] =	vst v63  }
0x170: {  	v0 =	vld [tilespmem:$0x0]  }
0x171: {  	v1 =	vld [tilespmem:$0x10]  }
0x172: {  	v2 =	vld [tilespmem:$0x20]  }
0x173: {  	v4 =	vld [tilespmem:$0x30]  }
0x174: {  	v6 =	vld [tilespmem:$0x40]  }
0x175: {  	v7 =	vld [tilespmem:$0x50]  }
0x176: {  	v5 =	vld [tilespmem:$0x60]  }
0x177: {  	v3 =	vld [tilespmem:$0x70]  }
0x178: {  	v8 =	vld [tilespmem:$0x80]  }
0x179: {  	v9 =	vld [tilespmem:$0x90]  }
0x17a: {  	v10 =	vld [tilespmem:$0xA0]  }
0x17b: {  	v12 =	vld [tilespmem:$0xB0]  }
0x17c: {  	v13 =	vld [tilespmem:$0xC0]  }
0x17d: {  	s31 =	simm.s32 $0x400;
	v14 =	vld [tilespmem:$0xD0]  }
0x17e: {  	s24 =	sand.u32 $0x380, s31;
	s0 =	sand.u32 $0xE000, s0;
	v17 =	vld [tilespmem:$0xE0]  }
0x17f: {  	v18 =	vld [tilespmem:$0xF0];
	s1 =	sor.u32 s24, s0  }
0x180: {  	v16 =	vld [tilespmem:s1+$0x840]  }
0x181: {  	v11 =	vsub.f32 v11, v19;
	v19 =	vld [tilespmem:s1+$0x850]  }
0x182: {  	v15 =	vsub.f32 v15, v37;
	v53 =	vsub.f32 v20, v38;
	v20 =	vld [tilespmem:s1+$0x860]  }
0x183: {  	v37 =	vsub.f32 v23, v40;
	v54 =	vsub.f32 v21, v39;
	v21 =	vld [tilespmem:s1+$0x870]  }
0x184: {  	v38 =	vsub.f32 v24, v41;
	v39 =	vsub.f32 v25, v42;
	v23 =	vld [tilespmem:s1+$0x800]  }
0x185: {  	v42 =	vmul.f32 v11, v11;
	v25 =	vsub.f32 v29, v44;
	v29 =	vsub.f32 v26, v43;
	v24 =	vld [tilespmem:s1+$0x810]  }
0x186: {  	v15 =	vmul.f32 v15, v15;
	v27 =	vsub.f32 v27, v49;
	v31 =	vsub.f32 v31, v46;
	v26 =	vld [tilespmem:s1+$0x820]  }
0x187: {  	v35 =	vsub.f32 v35, v47;
	v11 =	vsub.f32 v36, v48;
	v40 =	vmul.f32 v25, v25;
	v25 =	vld [tilespmem:s1+$0x830]  }
0x188: {  	v34 =	vsub.f32 v34, v45;
	v29 =	vmul.f32 v29, v29;
	v49 =	vmul.f32 v31, v31;
	v31 =	vld [tilespmem:s1+$0x440]  }
0x189: {  	v63 =	vmul.f32 v27, v27;
	v56 =	vmul.f32 v11, v11;
	v11 =	vimm.s32 $0x198;
	v27 =	vld [tilespmem:s1+$0x450]  }
0x18a: {  	v35 =	vmul.f32 v35, v35;
	v55 =	vsub.f32 v22, v50;
	v22 =	vld [tilespmem:s1+$0x460];
	v58 =	vadd.s32 v13, v11  }
0x18b: {  	v34 =	vmul.f32 v34, v34;
	v59 =	vadd.f32 v49, v32;
	v32 =	vld [tilespmem:s1+$0x400];
	v60 =	vadd.s32 v14, v11  }
0x18c: {  	v33 =	vadd.f32 v35, v33;
	v30 =	vadd.f32 v56, v30;
	v36 =	vld [tilespmem:s1+$0x410];
	v61 =	vadd.s32 v17, v11  }
0x18d: {  	v34 =	vadd.f32 v34, v28;
	v57 =	vsub.f32 v52, v51;
	v28 =	vld [tilespmem:s1+$0x420];
	v62 =	vadd.s32 v18, v11  }
0x18e: {  	v35 =	vld [tilespmem:s1+$0x430];
	v52 =	vmul.f32 v37, v37;
	v33 =	vadd.f32 v63, v33;
	v63 =	vadd.s32 v8, v11  }
0x18f: {  	v43 =	vmul.f32 v55, v55;
	v45 =	vmul.f32 v57, v57;
	v55 =	vadd.s32 v9, v11;
	v37 =	vld.idx.msk [tilespmem:v58+s13+$0x0], $0xffff  }
0x190: {  	v56 =	vmul.f32 v38, v38;
	v40 =	vadd.f32 v40, v59;
	v57 =	vadd.s32 v10, v11;
	v38 =	vld.idx.msk [tilespmem:v60+s13+$0x0], $0xffff  }
0x191: {  	v34 =	vadd.f32 v45, v34;
	v59 =	vadd.s32 v12, v11;
	v58 =	vmul.f32 v39, v39;
	v39 =	vld.idx.msk [tilespmem:v61+s13+$0x0], $0xffff  }
0x192: {  	v47 =	vadd.f32 v52, v40;
	v30 =	vadd.f32 v43, v30;
	v61 =	vadd.s32 v6, v11;
	v40 =	vld.idx.msk [tilespmem:v62+s13+$0x0], $0xffff  }
0x193: {  	v49 =	vadd.s32 v7, v11;
	v46 =	vadd.s32 v0, v11;
	v29 =	vadd.f32 v29, v34;
	v41 =	vld.idx.msk [tilespmem:v63+s13+$0x0], $0xffff  }
0x194: {  	v60 =	vadd.f32 v56, v33;
	v62 =	vmul.f32 v53, v53;
	v33 =	vadd.f32 v42, v47;
	v42 =	vld.idx.msk [tilespmem:v55+s13+$0x0], $0xffff  }
0x195: {  	v63 =	vmul.f32 v54, v54;
	v44 =	vld.idx.msk [tilespmem:v57+s13+$0x0], $0xffff;
	v47 =	vadd.s32 v1, v11;
	v30 =	vadd.f32 v58, v30  }
0x196: {  	v48 =	vadd.s32 v2, v11;
	v43 =	vld.idx.msk [tilespmem:v59+s13+$0x0], $0xffff;
	v34 =	vadd.f32 v15, v60  }
0x197: {  	s0 =	simm.s32 $0x2400;
	v29 =	vadd.f32 v63, v29;
	v15 =	vadd.s32 v4, v11;
	v30 =	vadd.f32 v62, v30;
	v45 =	vld.idx.msk [tilespmem:v61+s13+$0x0], $0xffff  }
.LBB2_10:
0x198: {  	p0 =	sne.s32 s0, $0x9C00;
	v49 =	vld.idx.msk [tilespmem:v49+s13+$0x0], $0xffff;
	v50 =	vadd.s32 v5, v11  }
0x199: {  	v51 =	vadd.s32 v3, v11;
	v46 =	vld.idx.msk [tilespmem:v46+s13+$0x0], $0xffff  }
0x19a: {  	v37 =	vsub.f32 v16, v37;
	v47 =	vld.idx.msk [tilespmem:v47+s13+$0x0], $0xffff  }
0x19b: {  	v19 =	vsub.f32 v19, v38;
	v38 =	vsub.f32 v20, v39;
	v48 =	vld.idx.msk [tilespmem:v48+s13+$0x0], $0xffff  }
0x19c: {  	v20 =	vsub.f32 v23, v41;
	v39 =	vsub.f32 v21, v40;
	v15 =	vld.idx.msk [tilespmem:v15+s13+$0x0], $0xffff  }
0x19d: {  	s31 =	sadd.s32 $0x80, s31;
	v21 =	vsub.f32 v24, v42;
	v40 =	vsub.f32 v26, v44;
	v23 =	vld.idx.msk [tilespmem:v50+s13+$0x0], $0xffff  }
0x19e: {  	s14 =	sand.u32 $0xE000, s0;
	v11 =	vadd.s32 $0x33, v11;
	s24 =	sand.u32 $0x380, s31;
	v41 =	vsub.f32 v25, v43;
	v24 =	vsub.f32 v31, v45;
	v26 =	vld.idx.msk [tilespmem:v51+s13+$0x0], $0xffff  }
0x19f: {  	v42 =	vadd.s32 v13, v11;
	v27 =	vsub.f32 v27, v49;
	v25 =	vsub.f32 v32, v46;
	v31 =	vld [tilespmem:s1+$0x470];
	s1 =	sor.u32 s24, s14  }
0x1a0: {  	v32 =	vsub.f32 v36, v47;
	v36 =	vmul.f32 v37, v37;
	v37 =	vmul.f32 v19, v19;
	v16 =	vld [tilespmem:s1+$0x840]  }
0x1a1: {  	v43 =	vmul.f32 v20, v20;
	v44 =	vmul.f32 v21, v21;
	v28 =	vsub.f32 v28, v48;
	v19 =	vld [tilespmem:s1+$0x850]  }
0x1a2: {  	v27 =	vmul.f32 v27, v27;
	v15 =	vsub.f32 v35, v15;
	v35 =	vmul.f32 v24, v24;
	v20 =	vld [tilespmem:s1+$0x860]  }
0x1a3: {  	v25 =	vmul.f32 v25, v25;
	v32 =	vmul.f32 v32, v32;
	v22 =	vsub.f32 v22, v23;
	v21 =	vld [tilespmem:s1+$0x870]  }
0x1a4: {  	v28 =	vmul.f32 v28, v28;
	v15 =	vmul.f32 v15, v15;
	v23 =	vld [tilespmem:s1+$0x800];
	v31 =	vsub.f32 v31, v26  }
0x1a5: {  	v33 =	vadd.f32 v25, v33;
	v32 =	vadd.f32 v32, v34;
	v22 =	vmul.f32 v22, v22;
	v24 =	vld [tilespmem:s1+$0x810]  }
0x1a6: {  	v28 =	vadd.f32 v28, v30;
	v15 =	vadd.f32 v15, v29;
	v26 =	vld [tilespmem:s1+$0x820];
	v29 =	vmul.f32 v31, v31  }
0x1a7: {  	v30 =	vadd.f32 v35, v33;
	v33 =	vmul.f32 v40, v40;
	v32 =	vadd.f32 v27, v32;
	v25 =	vld [tilespmem:s1+$0x830]  }
0x1a8: {  	v28 =	vadd.f32 v22, v28;
	v31 =	vld [tilespmem:s1+$0x440];
	v15 =	vadd.f32 v29, v15;
	v29 =	vmul.f32 v41, v41  }
0x1a9: {  	v35 =	vmul.f32 v38, v38;
	v30 =	vadd.f32 v43, v30;
	v34 =	vadd.f32 v44, v32;
	v27 =	vld [tilespmem:s1+$0x450]  }
0x1aa: {  	v28 =	vadd.f32 v33, v28;
	v22 =	vld [tilespmem:s1+$0x460];
	v15 =	vadd.f32 v29, v15;
	v29 =	vmul.f32 v39, v39  }
0x1ab: {  	v38 =	vadd.s32 v14, v11;
	v33 =	vadd.f32 v36, v30;
	v34 =	vadd.f32 v37, v34;
	v32 =	vld [tilespmem:s1+$0x400]  }
0x1ac: {  	v39 =	vadd.s32 v17, v11;
	v30 =	vadd.f32 v35, v28;
	v36 =	vld [tilespmem:s1+$0x410];
	v29 =	vadd.f32 v29, v15  }
0x1ad: {  	v15 =	vadd.s32 v18, v11;
	v28 =	vld [tilespmem:s1+$0x420]  }
0x1ae: {  	v41 =	vadd.s32 v8, v11;
	v35 =	vld [tilespmem:s1+$0x430]  }
0x1af: {  	v43 =	vadd.s32 v9, v11;
	v37 =	vld.idx.msk [tilespmem:v42+s13+$0x0], $0xffff  }
0x1b0: {  	v44 =	vadd.s32 v10, v11;
	v38 =	vld.idx.msk [tilespmem:v38+s13+$0x0], $0xffff  }
0x1b1: {  	v45 =	vadd.s32 v12, v11;
	v39 =	vld.idx.msk [tilespmem:v39+s13+$0x0], $0xffff  }
0x1b2: {  	v50 =	vadd.s32 v6, v11;
	v40 =	vld.idx.msk [tilespmem:v15+s13+$0x0], $0xffff  }
.Ltmp4:
0x1b3: {  	v49 =	vadd.s32 v7, v11;
	v41 =	vld.idx.msk [tilespmem:v41+s13+$0x0], $0xffff;
	(pc) =	sbr.rel @p0 .LBB2_10-.Ltmp4, $4  }
0x1b4: {  	v46 =	vadd.s32 v0, v11;
	v42 =	vld.idx.msk [tilespmem:v43+s13+$0x0], $0xffff  }
0x1b5: {  	v47 =	vadd.s32 v1, v11;
	v44 =	vld.idx.msk [tilespmem:v44+s13+$0x0], $0xffff  }
0x1b6: {  	v48 =	vadd.s32 v2, v11;
	v43 =	vld.idx.msk [tilespmem:v45+s13+$0x0], $0xffff  }
0x1b7: {  	s0 =	sadd.s32 $0x400, s0;
	v15 =	vadd.s32 v4, v11;
	v45 =	vld.idx.msk [tilespmem:v50+s13+$0x0], $0xffff  }
0x1b8: {  	_ =	sdelay $0x3  }
0x1b9: {  	v49 =	vld.idx.msk [tilespmem:v49+s13+$0x0], $0xffff  }
0x1ba: {  	v46 =	vld.idx.msk [tilespmem:v46+s13+$0x0], $0xffff  }
0x1bb: {  	v47 =	vld.idx.msk [tilespmem:v47+s13+$0x0], $0xffff  }
0x1bc: {  	v48 =	vld.idx.msk [tilespmem:v48+s13+$0x0], $0xffff  }
0x1bd: {  	v50 =	vld.idx.msk [tilespmem:v15+s13+$0x0], $0xffff  }
0x1be: {  	v53 =	vld [tilespmem:s1+$0x470]  }
0x1bf: {  	v2 =	vld [tilespmem:$0x120]  }
0x1c0: {  	v4 =	vld [tilespmem:$0x130]  }
0x1c1: {  	v6 =	vld [tilespmem:$0x140]  }
0x1c2: {  	v7 =	vld [tilespmem:$0x150]  }
0x1c3: {  	v0 =	vadd.s32 v5, v11;
	v5 =	vld [tilespmem:$0x160]  }
0x1c4: {  	v1 =	vadd.s32 v3, v11;
	v3 =	vld [tilespmem:$0x170]  }
0x1c5: {  	v8 =	vld [tilespmem:$0x180]  }
0x1c6: {  	v9 =	vld [tilespmem:$0x190]  }
0x1c7: {  	v10 =	vld [tilespmem:$0x1A0]  }
0x1c8: {  	v11 =	vld [tilespmem:$0x1B0]  }
0x1c9: {  	v12 =	vld [tilespmem:$0x1C0]  }
0x1ca: {  	v13 =	vld [tilespmem:$0x1D0];
	s0 =	simm.s32 $0x2000;
	s31 =	simm.s32 $0x400  }
0x1cb: {  	v15 =	vld [tilespmem:$0x1E0];
	s0 =	sand.u32 $0xE000, s0;
	s24 =	sand.u32 $0x380, s31  }
0x1cc: {  	v17 =	vld [tilespmem:$0x1F0];
	s1 =	sor.u32 s24, s0  }
0x1cd: {  	v14 =	vld [tilespmem:s1+$0x1040]  }
0x1ce: {  	v18 =	vld [tilespmem:s1+$0x1050]  }
0x1cf: {  	v16 =	vsub.f32 v16, v37;
	v37 =	vsub.f32 v19, v38;
	v19 =	vld [tilespmem:s1+$0x1060]  }
0x1d0: {  	v54 =	vsub.f32 v20, v39;
	v20 =	vld [tilespmem:s1+$0x1070]  }
0x1d1: {  	v38 =	vsub.f32 v24, v42;
	v24 =	vld [tilespmem:s1+$0x1000]  }
0x1d2: {  	v39 =	vsub.f32 v26, v44;
	v26 =	vld [tilespmem:s1+$0x1010]  }
0x1d3: {  	v51 =	vld.idx.msk [tilespmem:v0+s13+$0x0], $0xffff  }
0x1d4: {  	v52 =	vld.idx.msk [tilespmem:v1+s13+$0x0], $0xffff  }
0x1d5: {  	v23 =	vsub.f32 v23, v41;
	v55 =	vsub.f32 v21, v40;
	v0 =	vld [tilespmem:$0x100]  }
0x1d6: {  	v42 =	vmul.f32 v16, v16;
	v21 =	vsub.f32 v31, v45;
	v31 =	vsub.f32 v25, v43;
	v1 =	vld [tilespmem:$0x110]  }
0x1d7: {  	v23 =	vmul.f32 v23, v23;
	v25 =	vsub.f32 v27, v49;
	v32 =	vsub.f32 v32, v46;
	v27 =	vld [tilespmem:s1+$0x1020]  }
0x1d8: {  	v36 =	vsub.f32 v36, v47;
	v16 =	vsub.f32 v28, v48;
	v28 =	vld [tilespmem:s1+$0x1030];
	v63 =	vmul.f32 v21, v21  }
0x1d9: {  	v21 =	vsub.f32 v35, v50;
	v35 =	vld [tilespmem:s1+$0xC00];
	v31 =	vmul.f32 v31, v31;
	v25 =	vmul.f32 v25, v25  }
0x1da: {  	v50 =	vmul.f32 v32, v32;
	v32 =	vld [tilespmem:s1+$0xC40];
	v56 =	vmul.f32 v16, v16;
	v16 =	vimm.s32 $0x198  }
0x1db: {  	v36 =	vmul.f32 v36, v36;
	v57 =	vmul.f32 v21, v21;
	v59 =	vadd.s32 v12, v16;
	v21 =	vld [tilespmem:s1+$0xC60]  }
0x1dc: {  	v61 =	vadd.s32 v15, v16;
	v33 =	vadd.f32 v50, v33;
	v43 =	vadd.f32 v56, v30;
	v30 =	vld [tilespmem:s1+$0xC10]  }
0x1dd: {  	v60 =	vadd.s32 v13, v16;
	v34 =	vadd.f32 v36, v34;
	v36 =	vld [tilespmem:s1+$0xC30];
	v51 =	vsub.f32 v22, v51  }
0x1de: {  	v62 =	vadd.s32 v17, v16;
	v22 =	vld [tilespmem:s1+$0xC50];
	v58 =	vsub.f32 v53, v52;
	v44 =	vadd.f32 v57, v29  }
0x1df: {  	v29 =	vld [tilespmem:s1+$0xC20];
	v33 =	vadd.f32 v63, v33;
	v63 =	vadd.s32 v8, v16;
	v41 =	vmul.f32 v51, v51  }
0x1e0: {  	v57 =	vadd.s32 v10, v16;
	v34 =	vadd.f32 v25, v34;
	v45 =	vmul.f32 v58, v58;
	v25 =	vld.idx.msk [tilespmem:v59+s13+$0x0], $0xffff  }
0x1e1: {  	v58 =	vmul.f32 v39, v39;
	v39 =	vld.idx.msk [tilespmem:v61+s13+$0x0], $0xffff;
	v61 =	vadd.s32 v6, v16;
	v41 =	vadd.f32 v41, v43  }
0x1e2: {  	v56 =	vmul.f32 v38, v38;
	v38 =	vld.idx.msk [tilespmem:v60+s13+$0x0], $0xffff;
	v59 =	vadd.s32 v11, v16;
	v43 =	vadd.s32 v9, v16  }
0x1e3: {  	v40 =	vld.idx.msk [tilespmem:v62+s13+$0x0], $0xffff;
	v62 =	vmul.f32 v54, v54;
	v44 =	vadd.f32 v45, v44;
	v46 =	vadd.f32 v58, v41  }
0x1e4: {  	v37 =	vmul.f32 v37, v37;
	v49 =	vadd.s32 v7, v16;
	v23 =	vadd.f32 v23, v33;
	v41 =	vld.idx.msk [tilespmem:v63+s13+$0x0], $0xffff  }
0x1e5: {  	v31 =	vadd.f32 v31, v44;
	v44 =	vld.idx.msk [tilespmem:v57+s13+$0x0], $0xffff;
	v33 =	vadd.f32 v62, v46;
	v46 =	vadd.s32 v0, v16  }
0x1e6: {  	v47 =	vadd.s32 v1, v16;
	v60 =	vadd.f32 v56, v34;
	v63 =	vmul.f32 v55, v55;
	v45 =	vld.idx.msk [tilespmem:v61+s13+$0x0], $0xffff  }
0x1e7: {  	v48 =	vadd.s32 v2, v16;
	v34 =	vadd.f32 v42, v23;
	v42 =	vld.idx.msk [tilespmem:v43+s13+$0x0], $0xffff  }
0x1e8: {  	s0 =	simm.s32 $0x2400;
	v37 =	vadd.f32 v37, v60;
	v23 =	vadd.s32 v4, v16;
	v31 =	vadd.f32 v63, v31;
	v43 =	vld.idx.msk [tilespmem:v59+s13+$0x0], $0xffff  }
.LBB2_12:
0x1e9: {  	p0 =	sne.s32 s0, $0x9C00;
	v49 =	vld.idx.msk [tilespmem:v49+s13+$0x0], $0xffff;
	v50 =	vadd.s32 v5, v16  }
0x1ea: {  	v51 =	vadd.s32 v3, v16;
	v46 =	vld.idx.msk [tilespmem:v46+s13+$0x0], $0xffff  }
0x1eb: {  	v25 =	vsub.f32 v14, v25;
	v47 =	vld.idx.msk [tilespmem:v47+s13+$0x0], $0xffff  }
0x1ec: {  	v18 =	vsub.f32 v18, v38;
	v38 =	vsub.f32 v19, v39;
	v48 =	vld.idx.msk [tilespmem:v48+s13+$0x0], $0xffff  }
0x1ed: {  	v19 =	vsub.f32 v24, v41;
	v39 =	vsub.f32 v20, v40;
	v23 =	vld.idx.msk [tilespmem:v23+s13+$0x0], $0xffff  }
0x1ee: {  	s31 =	sadd.s32 $0x80, s31;
	v20 =	vsub.f32 v26, v42;
	v40 =	vsub.f32 v27, v44;
	v24 =	vld.idx.msk [tilespmem:v50+s13+$0x0], $0xffff  }
0x1ef: {  	s14 =	sand.u32 $0xE000, s0;
	v16 =	vadd.s32 $0x33, v16;
	s24 =	sand.u32 $0x380, s31;
	v41 =	vsub.f32 v28, v43;
	v26 =	vsub.f32 v32, v45;
	v27 =	vld.idx.msk [tilespmem:v51+s13+$0x0], $0xffff  }
0x1f0: {  	v42 =	vadd.s32 v12, v16;
	v22 =	vsub.f32 v22, v49;
	v28 =	vsub.f32 v35, v46;
	v32 =	vld [tilespmem:s1+$0xC70];
	s1 =	sor.u32 s24, s14  }
0x1f1: {  	v25 =	vmul.f32 v25, v25;
	v43 =	vmul.f32 v18, v18;
	v30 =	vsub.f32 v30, v47;
	v14 =	vld [tilespmem:s1+$0x1040]  }
0x1f2: {  	v44 =	vmul.f32 v20, v20;
	v35 =	vmul.f32 v19, v19;
	v29 =	vsub.f32 v29, v48;
	v18 =	vld [tilespmem:s1+$0x1050]  }
0x1f3: {  	v22 =	vmul.f32 v22, v22;
	v23 =	vsub.f32 v36, v23;
	v36 =	vmul.f32 v26, v26;
	v19 =	vld [tilespmem:s1+$0x1060]  }
0x1f4: {  	v28 =	vmul.f32 v28, v28;
	v30 =	vmul.f32 v30, v30;
	v21 =	vsub.f32 v21, v24;
	v20 =	vld [tilespmem:s1+$0x1070]  }
0x1f5: {  	v29 =	vmul.f32 v29, v29;
	v23 =	vmul.f32 v23, v23;
	v24 =	vld [tilespmem:s1+$0x1000];
	v32 =	vsub.f32 v32, v27  }
0x1f6: {  	v34 =	vadd.f32 v28, v34;
	v30 =	vadd.f32 v30, v37;
	v21 =	vmul.f32 v21, v21;
	v26 =	vld [tilespmem:s1+$0x1010]  }
0x1f7: {  	v29 =	vadd.f32 v29, v33;
	v23 =	vadd.f32 v23, v31;
	v27 =	vld [tilespmem:s1+$0x1020];
	v31 =	vmul.f32 v32, v32  }
0x1f8: {  	v33 =	vadd.f32 v36, v34;
	v34 =	vmul.f32 v40, v40;
	v30 =	vadd.f32 v22, v30;
	v28 =	vld [tilespmem:s1+$0x1030]  }
0x1f9: {  	v29 =	vadd.f32 v21, v29;
	v32 =	vld [tilespmem:s1+$0xC40];
	v23 =	vadd.f32 v31, v23;
	v31 =	vmul.f32 v41, v41  }
0x1fa: {  	v36 =	vmul.f32 v38, v38;
	v33 =	vadd.f32 v35, v33;
	v30 =	vadd.f32 v44, v30;
	v22 =	vld [tilespmem:s1+$0xC50]  }
0x1fb: {  	v29 =	vadd.f32 v34, v29;
	v21 =	vld [tilespmem:s1+$0xC60];
	v23 =	vadd.f32 v31, v23;
	v31 =	vmul.f32 v39, v39  }
0x1fc: {  	v38 =	vadd.s32 v13, v16;
	v34 =	vadd.f32 v25, v33;
	v37 =	vadd.f32 v43, v30;
	v35 =	vld [tilespmem:s1+$0xC00]  }
0x1fd: {  	v39 =	vadd.s32 v15, v16;
	v33 =	vadd.f32 v36, v29;
	v30 =	vld [tilespmem:s1+$0xC10];
	v31 =	vadd.f32 v31, v23  }
0x1fe: {  	v23 =	vadd.s32 v17, v16;
	v29 =	vld [tilespmem:s1+$0xC20]  }
0x1ff: {  	v41 =	vadd.s32 v8, v16;
	v36 =	vld [tilespmem:s1+$0xC30]  }
0x200: {  	v43 =	vadd.s32 v9, v16;
	v25 =	vld.idx.msk [tilespmem:v42+s13+$0x0], $0xffff  }
0x201: {  	v44 =	vadd.s32 v10, v16;
	v38 =	vld.idx.msk [tilespmem:v38+s13+$0x0], $0xffff  }
0x202: {  	v45 =	vadd.s32 v11, v16;
	v39 =	vld.idx.msk [tilespmem:v39+s13+$0x0], $0xffff  }
0x203: {  	v50 =	vadd.s32 v6, v16;
	v40 =	vld.idx.msk [tilespmem:v23+s13+$0x0], $0xffff  }
.Ltmp5:
0x204: {  	v49 =	vadd.s32 v7, v16;
	v41 =	vld.idx.msk [tilespmem:v41+s13+$0x0], $0xffff;
	(pc) =	sbr.rel @p0 .LBB2_12-.Ltmp5, $4  }
0x205: {  	v46 =	vadd.s32 v0, v16;
	v42 =	vld.idx.msk [tilespmem:v43+s13+$0x0], $0xffff  }
0x206: {  	v47 =	vadd.s32 v1, v16;
	v44 =	vld.idx.msk [tilespmem:v44+s13+$0x0], $0xffff  }
0x207: {  	v48 =	vadd.s32 v2, v16;
	v43 =	vld.idx.msk [tilespmem:v45+s13+$0x0], $0xffff  }
0x208: {  	s0 =	sadd.s32 $0x400, s0;
	v23 =	vadd.s32 v4, v16;
	v45 =	vld.idx.msk [tilespmem:v50+s13+$0x0], $0xffff  }
0x209: {  	_ =	sdelay $0x3  }
0x20a: {  	v17 =	vld.idx.msk [tilespmem:v49+s13+$0x0], $0xffff  }
0x20b: {  	v46 =	vld.idx.msk [tilespmem:v46+s13+$0x0], $0xffff  }
0x20c: {  	v47 =	vld.idx.msk [tilespmem:v47+s13+$0x0], $0xffff  }
0x20d: {  	v48 =	vld.idx.msk [tilespmem:v48+s13+$0x0], $0xffff  }
0x20e: {  	v62 =	vld.idx.msk [tilespmem:v23+s13+$0x0], $0xffff  }
0x20f: {  	v52 =	vld [tilespmem:s1+$0xC70]  }
0x210: {  	v2 =	vld [tilespmem:$0x220]  }
0x211: {  	v4 =	vld [tilespmem:$0x230]  }
0x212: {  	v6 =	vld [tilespmem:$0x240]  }
0x213: {  	v7 =	vld [tilespmem:$0x250]  }
0x214: {  	v0 =	vadd.s32 v5, v16;
	v5 =	vld [tilespmem:$0x260]  }
0x215: {  	v1 =	vadd.s32 v3, v16;
	v3 =	vld [tilespmem:$0x270]  }
0x216: {  	v8 =	vld [tilespmem:$0x280]  }
0x217: {  	v9 =	vld [tilespmem:$0x290]  }
0x218: {  	v10 =	vld [tilespmem:$0x2A0]  }
0x219: {  	v11 =	vld [tilespmem:$0x2B0]  }
0x21a: {  	v12 =	vld [tilespmem:$0x2C0]  }
0x21b: {  	v13 =	vld [tilespmem:$0x2D0];
	s0 =	simm.s32 $0x2000;
	s31 =	simm.s32 $0x400  }
0x21c: {  	v15 =	vld [tilespmem:$0x2E0];
	s0 =	sand.u32 $0xE000, s0;
	s24 =	sand.u32 $0x380, s31  }
0x21d: {  	v16 =	vld [tilespmem:$0x2F0];
	s1 =	sor.u32 s24, s0  }
0x21e: {  	v23 =	vld [tilespmem:s1+$0x1840]  }
0x21f: {  	v53 =	vsub.f32 v14, v25;
	v14 =	vld [tilespmem:s1+$0x1850]  }
0x220: {  	v25 =	vld [tilespmem:s1+$0x1860]  }
0x221: {  	v42 =	vsub.f32 v26, v42;
	v26 =	vld [tilespmem:s1+$0x1870]  }
0x222: {  	v44 =	vsub.f32 v27, v44;
	v27 =	vld [tilespmem:s1+$0x1800]  }
0x223: {  	v18 =	vsub.f32 v18, v38;
	v38 =	vld [tilespmem:s1+$0x1400]  }
0x224: {  	v19 =	vsub.f32 v19, v39;
	v39 =	vld [tilespmem:s1+$0x1410]  }
0x225: {  	v41 =	vsub.f32 v24, v41;
	v20 =	vsub.f32 v20, v40;
	v40 =	vld [tilespmem:s1+$0x1420]  }
0x226: {  	v19 =	vmul.f32 v19, v19;
	v24 =	vsub.f32 v32, v45;
	v32 =	vsub.f32 v28, v43;
	v28 =	vld [tilespmem:s1+$0x1810]  }
0x227: {  	v45 =	vmul.f32 v53, v53;
	v50 =	vld.idx.msk [tilespmem:v0+s13+$0x0], $0xffff;
	v17 =	vsub.f32 v22, v17;
	v22 =	vsub.f32 v35, v46  }
0x228: {  	v51 =	vld.idx.msk [tilespmem:v1+s13+$0x0], $0xffff;
	v63 =	vsub.f32 v30, v47;
	v53 =	vsub.f32 v29, v48;
	v54 =	vmul.f32 v24, v24  }
0x229: {  	v0 =	vld [tilespmem:$0x200];
	v24 =	vsub.f32 v36, v62;
	v32 =	vmul.f32 v32, v32;
	v55 =	vmul.f32 v17, v17  }
0x22a: {  	v1 =	vld [tilespmem:$0x210];
	v22 =	vmul.f32 v22, v22;
	v56 =	vmul.f32 v63, v63  }
0x22b: {  	v30 =	vld [tilespmem:s1+$0x1820];
	v57 =	vmul.f32 v53, v53;
	v17 =	vimm.s32 $0x198;
	v58 =	vmul.f32 v24, v24  }
0x22c: {  	v29 =	vld [tilespmem:s1+$0x1830];
	v60 =	vadd.s32 v12, v17;
	v62 =	vadd.s32 v13, v17;
	v22 =	vadd.f32 v22, v34  }
0x22d: {  	v35 =	vld [tilespmem:s1+$0x1450];
	v48 =	vadd.s32 v16, v17;
	v61 =	vadd.f32 v56, v37;
	v33 =	vadd.f32 v57, v33  }
0x22e: {  	v36 =	vld [tilespmem:s1+$0x1440];
	v56 =	vadd.s32 v8, v17;
	v57 =	vmul.f32 v41, v41;
	v21 =	vsub.f32 v21, v50  }
0x22f: {  	v24 =	vld [tilespmem:s1+$0x1460];
	v59 =	vsub.f32 v52, v51;
	v51 =	vadd.s32 v15, v17;
	v31 =	vadd.f32 v58, v31  }
0x230: {  	v37 =	vld [tilespmem:s1+$0x1430];
	v58 =	vadd.s32 v9, v17;
	v22 =	vadd.f32 v54, v22;
	v21 =	vmul.f32 v21, v21  }
0x231: {  	v34 =	vadd.f32 v55, v61;
	v61 =	vmul.f32 v44, v44;
	v63 =	vmul.f32 v59, v59;
	v41 =	vld.idx.msk [tilespmem:v60+s13+$0x0], $0xffff  }
0x232: {  	v59 =	vmul.f32 v42, v42;
	v60 =	vadd.s32 v10, v17;
	v42 =	vld.idx.msk [tilespmem:v62+s13+$0x0], $0xffff;
	v21 =	vadd.f32 v21, v33  }
0x233: {  	v22 =	vadd.f32 v57, v22;
	v62 =	vadd.s32 v11, v17;
	v43 =	vld.idx.msk [tilespmem:v48+s13+$0x0], $0xffff;
	v31 =	vadd.f32 v63, v31  }
0x234: {  	v20 =	vmul.f32 v20, v20;
	v63 =	vadd.s32 v6, v17;
	v47 =	vld.idx.msk [tilespmem:v56+s13+$0x0], $0xffff;
	v21 =	vadd.f32 v61, v21  }
0x235: {  	v44 =	vld.idx.msk [tilespmem:v51+s13+$0x0], $0xffff;
	v33 =	vadd.f32 v45, v22;
	v22 =	vadd.s32 v7, v17;
	v31 =	vadd.f32 v32, v31  }
0x236: {  	v18 =	vmul.f32 v18, v18;
	v46 =	vld.idx.msk [tilespmem:v58+s13+$0x0], $0xffff;
	v32 =	vadd.f32 v19, v21;
	v19 =	vadd.s32 v0, v17  }
0x237: {  	v34 =	vadd.f32 v59, v34;
	v48 =	vld.idx.msk [tilespmem:v60+s13+$0x0], $0xffff;
	v31 =	vadd.f32 v20, v31;
	v20 =	vadd.s32 v1, v17  }
0x238: {  	v45 =	vld.idx.msk [tilespmem:v62+s13+$0x0], $0xffff;
	v21 =	vadd.s32 v2, v17  }
0x239: {  	s0 =	simm.s32 $0x2400;
	v34 =	vadd.f32 v18, v34;
	v18 =	vadd.s32 v4, v17;
	v49 =	vld.idx.msk [tilespmem:v63+s13+$0x0], $0xffff  }
.LBB2_14:
0x23a: {  	p0 =	sne.s32 s0, $0x9C00;
	v22 =	vld.idx.msk [tilespmem:v22+s13+$0x0], $0xffff;
	v50 =	vadd.s32 v5, v17  }
0x23b: {  	v51 =	vadd.s32 v3, v17;
	v19 =	vld.idx.msk [tilespmem:v19+s13+$0x0], $0xffff  }
0x23c: {  	v41 =	vsub.f32 v23, v41;
	v20 =	vld.idx.msk [tilespmem:v20+s13+$0x0], $0xffff  }
0x23d: {  	v14 =	vsub.f32 v14, v42;
	v42 =	vsub.f32 v25, v44;
	v21 =	vld.idx.msk [tilespmem:v21+s13+$0x0], $0xffff  }
0x23e: {  	v25 =	vsub.f32 v27, v47;
	v43 =	vsub.f32 v26, v43;
	v18 =	vld.idx.msk [tilespmem:v18+s13+$0x0], $0xffff  }
0x23f: {  	s31 =	sadd.s32 $0x80, s31;
	v26 =	vsub.f32 v28, v46;
	v44 =	vsub.f32 v30, v48;
	v27 =	vld.idx.msk [tilespmem:v50+s13+$0x0], $0xffff  }
0x240: {  	s14 =	sand.u32 $0xE000, s0;
	v17 =	vadd.s32 $0x33, v17;
	s24 =	sand.u32 $0x380, s31;
	v45 =	vsub.f32 v29, v45;
	v28 =	vsub.f32 v36, v49;
	v30 =	vld.idx.msk [tilespmem:v51+s13+$0x0], $0xffff  }
0x241: {  	v46 =	vadd.s32 v12, v17;
	v22 =	vsub.f32 v35, v22;
	v19 =	vsub.f32 v38, v19;
	v29 =	vld [tilespmem:s1+$0x1470];
	s1 =	sor.u32 s24, s14  }
0x242: {  	v20 =	vsub.f32 v39, v20;
	v39 =	vmul.f32 v41, v41;
	v41 =	vmul.f32 v14, v14;
	v23 =	vld [tilespmem:s1+$0x1840]  }
0x243: {  	v38 =	vmul.f32 v25, v25;
	v21 =	vsub.f32 v40, v21;
	v40 =	vmul.f32 v26, v26;
	v14 =	vld [tilespmem:s1+$0x1850]  }
0x244: {  	v35 =	vmul.f32 v28, v28;
	v22 =	vmul.f32 v22, v22;
	v18 =	vsub.f32 v37, v18;
	v25 =	vld [tilespmem:s1+$0x1860]  }
0x245: {  	v19 =	vmul.f32 v19, v19;
	v20 =	vmul.f32 v20, v20;
	v24 =	vsub.f32 v24, v27;
	v26 =	vld [tilespmem:s1+$0x1870]  }
0x246: {  	v21 =	vmul.f32 v21, v21;
	v18 =	vmul.f32 v18, v18;
	v27 =	vld [tilespmem:s1+$0x1800];
	v29 =	vsub.f32 v29, v30  }
0x247: {  	v19 =	vadd.f32 v19, v33;
	v20 =	vadd.f32 v20, v34;
	v24 =	vmul.f32 v24, v24;
	v28 =	vld [tilespmem:s1+$0x1810]  }
0x248: {  	v21 =	vadd.f32 v21, v32;
	v18 =	vadd.f32 v18, v31;
	v30 =	vld [tilespmem:s1+$0x1820];
	v31 =	vmul.f32 v29, v29  }
0x249: {  	v19 =	vadd.f32 v35, v19;
	v20 =	vadd.f32 v22, v20;
	v22 =	vmul.f32 v44, v44;
	v29 =	vld [tilespmem:s1+$0x1830]  }
0x24a: {  	v21 =	vadd.f32 v24, v21;
	v36 =	vld [tilespmem:s1+$0x1440];
	v18 =	vadd.f32 v31, v18;
	v31 =	vmul.f32 v45, v45  }
0x24b: {  	v32 =	vmul.f32 v42, v42;
	v19 =	vadd.f32 v38, v19;
	v20 =	vadd.f32 v40, v20;
	v35 =	vld [tilespmem:s1+$0x1450]  }
0x24c: {  	v21 =	vadd.f32 v22, v21;
	v22 =	vmul.f32 v43, v43;
	v24 =	vld [tilespmem:s1+$0x1460];
	v18 =	vadd.f32 v31, v18  }
0x24d: {  	v42 =	vadd.s32 v13, v17;
	v33 =	vadd.f32 v39, v19;
	v34 =	vadd.f32 v41, v20;
	v38 =	vld [tilespmem:s1+$0x1400]  }
0x24e: {  	v19 =	vadd.s32 v15, v17;
	v32 =	vadd.f32 v32, v21;
	v39 =	vld [tilespmem:s1+$0x1410];
	v31 =	vadd.f32 v22, v18  }
0x24f: {  	v18 =	vadd.s32 v16, v17;
	v40 =	vld [tilespmem:s1+$0x1420]  }
0x250: {  	v20 =	vadd.s32 v8, v17;
	v37 =	vld [tilespmem:s1+$0x1430]  }
0x251: {  	v21 =	vadd.s32 v9, v17;
	v41 =	vld.idx.msk [tilespmem:v46+s13+$0x0], $0xffff  }
0x252: {  	v45 =	vadd.s32 v10, v17;
	v42 =	vld.idx.msk [tilespmem:v42+s13+$0x0], $0xffff  }
0x253: {  	v49 =	vadd.s32 v11, v17;
	v44 =	vld.idx.msk [tilespmem:v19+s13+$0x0], $0xffff  }
0x254: {  	v50 =	vadd.s32 v6, v17;
	v43 =	vld.idx.msk [tilespmem:v18+s13+$0x0], $0xffff  }
.Ltmp6:
0x255: {  	v22 =	vadd.s32 v7, v17;
	v47 =	vld.idx.msk [tilespmem:v20+s13+$0x0], $0xffff;
	(pc) =	sbr.rel @p0 .LBB2_14-.Ltmp6, $4  }
0x256: {  	v19 =	vadd.s32 v0, v17;
	v46 =	vld.idx.msk [tilespmem:v21+s13+$0x0], $0xffff  }
0x257: {  	v20 =	vadd.s32 v1, v17;
	v48 =	vld.idx.msk [tilespmem:v45+s13+$0x0], $0xffff  }
0x258: {  	v21 =	vadd.s32 v2, v17;
	v45 =	vld.idx.msk [tilespmem:v49+s13+$0x0], $0xffff  }
0x259: {  	s0 =	sadd.s32 $0x400, s0;
	v18 =	vadd.s32 v4, v17;
	v49 =	vld.idx.msk [tilespmem:v50+s13+$0x0], $0xffff  }
0x25a: {  	_ =	sdelay $0x3  }
0x25b: {  	v13 =	vld.idx.msk [tilespmem:v22+s13+$0x0], $0xffff  }
0x25c: {  	v50 =	vld.idx.msk [tilespmem:v19+s13+$0x0], $0xffff  }
0x25d: {  	v51 =	vld.idx.msk [tilespmem:v20+s13+$0x0], $0xffff  }
0x25e: {  	v52 =	vld.idx.msk [tilespmem:v21+s13+$0x0], $0xffff  }
0x25f: {  	v53 =	vld.idx.msk [tilespmem:v18+s13+$0x0], $0xffff  }
0x260: {  	v56 =	vld [tilespmem:s1+$0x1470]  }
0x261: {  	v1 =	vadd.s32 v3, v17;
	v3 =	vld [tilespmem:$0x300]  }
0x262: {  	v4 =	vld [tilespmem:$0x310]  }
0x263: {  	v6 =	vld [tilespmem:$0x320]  }
0x264: {  	v8 =	vld [tilespmem:$0x330]  }
0x265: {  	v10 =	vld [tilespmem:$0x340]  }
0x266: {  	v12 =	vld [tilespmem:$0x350]  }
0x267: {  	v9 =	vld [tilespmem:$0x360]  }
0x268: {  	v7 =	vld [tilespmem:$0x370]  }
0x269: {  	v15 =	vld [tilespmem:$0x380]  }
0x26a: {  	v16 =	vld [tilespmem:$0x390]  }
0x26b: {  	v0 =	vadd.s32 v5, v17;
	v17 =	vld [tilespmem:$0x3A0]  }
0x26c: {  	v18 =	vld [tilespmem:$0x3B0]  }
0x26d: {  	v19 =	vld [tilespmem:$0x3C0]  }
0x26e: {  	v20 =	vld [tilespmem:$0x3D0];
	s0 =	simm.s32 $0x400;
	s17 =	simm.s32 $0x2000  }
0x26f: {  	v21 =	vld [tilespmem:$0x3E0];
	s1 =	sand.u32 $0xE000, s17;
	s0 =	sand.u32 $0x380, s0  }
0x270: {  	v22 =	vld [tilespmem:$0x3F0];
	s31 =	sor.u32 s0, s1  }
0x271: {  	v2 =	vld [tilespmem:s31+$0x1C60]  }
0x272: {  	v5 =	vld [tilespmem:s31+$0x1C00]  }
0x273: {  	v23 =	vsub.f32 v23, v41;
	v41 =	vsub.f32 v14, v42;
	v11 =	vld [tilespmem:s31+$0x1C10]  }
0x274: {  	v42 =	vsub.f32 v25, v44;
	v44 =	vsub.f32 v27, v47;
	v14 =	vld [tilespmem:s31+$0x1C30]  }
0x275: {  	v43 =	vsub.f32 v26, v43;
	v46 =	vsub.f32 v28, v46;
	s1 =	simm.s32 $0x0;
	v54 =	vld.idx.msk [tilespmem:v0+s13+$0x0], $0xffff  }
0x276: {  	v30 =	vsub.f32 v30, v48;
	s18 =	sand.u32 $0x7, s1;
	v45 =	vsub.f32 v29, v45;
	v55 =	vld.idx.msk [tilespmem:v1+s13+$0x0], $0xffff  }
0x277: {  	v46 =	vmul.f32 v46, v46;
	v25 =	vsub.f32 v36, v49;
	s0 =	sshll.u32 s18, $0x7;
	v1 =	vld [tilespmem:s31+$0x1C40];
	v26 =	vsub.f32 v35, v13  }
0x278: {  	v30 =	vmul.f32 v30, v30;
	v0 =	vld [tilespmem:s31+$0x1C50];
	s0 =	sadd.s32 $0x2000, s0;
	v27 =	vsub.f32 v38, v50;
	v28 =	vsub.f32 v39, v51  }
0x279: {  	v13 =	vld [tilespmem:s31+$0x1C20];
	v35 =	vmul.f32 v23, v23;
	v23 =	vsub.f32 v40, v52;
	v45 =	vmul.f32 v45, v45;
	s14 =	sor.u32 $0x1C40, s0  }
0x27a: {  	v29 =	vsub.f32 v37, v53;
	v36 =	vmul.f32 v25, v25;
	s24 =	sor.u32 $0x1C50, s0;
	v52 =	vmul.f32 v26, v26;
	v25 =	vld [tilespmem:s14+$0x400]  }
0x27b: {  	s3 =	sor.u32 $0x1C60, s0;
	v53 =	vmul.f32 v27, v27;
	v39 =	vmul.f32 v28, v28;
	v26 =	vld [tilespmem:s24+$0x400]  }
0x27c: {  	s17 =	sor.u32 $0x1C70, s0;
	v40 =	vmul.f32 v23, v23;
	v23 =	vimm.s32 $0x198;
	v27 =	vld [tilespmem:s3+$0x400];
	v57 =	vmul.f32 v29, v29  }
0x27d: {  	s24 =	sor.u32 $0x1C00, s0;
	v28 =	vld [tilespmem:s17+$0x400];
	v49 =	vadd.s32 v19, v23;
	v60 =	vadd.s32 v20, v23;
	v33 =	vadd.f32 v53, v33  }
0x27e: {  	s18 =	sor.u32 $0x1C10, s0;
	v29 =	vld [tilespmem:s24+$0x400];
	v50 =	vadd.s32 v21, v23;
	v59 =	vadd.f32 v39, v34;
	v40 =	vadd.f32 v40, v32  }
0x27f: {  	s24 =	sor.u32 $0x1C20, s0;
	v62 =	vadd.s32 v22, v23;
	v32 =	vld [tilespmem:s18+$0x400];
	v24 =	vsub.f32 v24, v54;
	v58 =	vsub.f32 v56, v55  }
0x280: {  	s0 =	sor.u32 $0x1C30, s0;
	v31 =	vadd.f32 v57, v31;
	v34 =	vld [tilespmem:s24+$0x400];
	v57 =	vmul.f32 v44, v44;
	v56 =	vadd.s32 v15, v23  }
0x281: {  	v33 =	vadd.f32 v36, v33;
	v36 =	vld [tilespmem:s0+$0x400];
	v24 =	vmul.f32 v24, v24;
	v61 =	vmul.f32 v58, v58  }
0x282: {  	v63 =	vadd.f32 v52, v59;
	v59 =	vadd.s32 v17, v23;
	v58 =	vadd.s32 v16, v23;
	v37 =	vld.idx.msk [tilespmem:v60+s13+$0x0], $0xffff  }
0x283: {  	v60 =	vadd.s32 v18, v23;
	v38 =	vld.idx.msk [tilespmem:v50+s13+$0x0], $0xffff;
	v40 =	vadd.f32 v24, v40;
	v31 =	vadd.f32 v61, v31  }
0x284: {  	v46 =	vadd.f32 v46, v63;
	v39 =	vld.idx.msk [tilespmem:v62+s13+$0x0], $0xffff;
	v62 =	vmul.f32 v42, v42;
	v63 =	vmul.f32 v43, v43  }
0x285: {  	v24 =	vld.idx.msk [tilespmem:v49+s13+$0x0], $0xffff;
	v61 =	vadd.s32 v10, v23;
	v30 =	vadd.f32 v30, v40;
	v45 =	vadd.f32 v45, v31  }
0x286: {  	v41 =	vmul.f32 v41, v41;
	v47 =	vadd.s32 v12, v23;
	v33 =	vadd.f32 v57, v33;
	v42 =	vld.idx.msk [tilespmem:v56+s13+$0x0], $0xffff  }
0x287: {  	v43 =	vld.idx.msk [tilespmem:v59+s13+$0x0], $0xffff;
	v31 =	vadd.f32 v62, v30;
	v30 =	vadd.f32 v63, v45;
	v45 =	vadd.s32 v3, v23  }
0x288: {  	v48 =	vadd.s32 v4, v23;
	v40 =	vld.idx.msk [tilespmem:v58+s13+$0x0], $0xffff  }
0x289: {  	v49 =	vadd.s32 v6, v23;
	v33 =	vadd.f32 v35, v33;
	v35 =	vadd.f32 v41, v46;
	v41 =	vld.idx.msk [tilespmem:v60+s13+$0x0], $0xffff  }
0x28a: {  	s14 =	simm.s32 $0x0;
	s24 =	simm.s32 $0x480;
	s0 =	simm.s32 $0x2000;
	v46 =	vadd.s32 v8, v23;
	v44 =	vld.idx.msk [tilespmem:v61+s13+$0x0], $0xffff  }
.LBB2_16:
0x28b: {  	p0 =	sne.s32 s24, $0x1380;
	v47 =	vld.idx.msk [tilespmem:v47+s13+$0x0], $0xffff;
	v50 =	vadd.s32 v9, v23  }
0x28c: {  	v51 =	vadd.s32 v7, v23;
	v45 =	vld.idx.msk [tilespmem:v45+s13+$0x0], $0xffff  }
0x28d: {  	v24 =	vsub.f32 v25, v24;
	v48 =	vld.idx.msk [tilespmem:v48+s13+$0x0], $0xffff  }
0x28e: {  	v26 =	vsub.f32 v26, v37;
	v37 =	vsub.f32 v27, v38;
	v25 =	vld.idx.msk [tilespmem:v49+s13+$0x0], $0xffff  }
0x28f: {  	v29 =	vsub.f32 v29, v42;
	v38 =	vsub.f32 v28, v39;
	s1 =	sadd.s32 $0x400, s1;
	v27 =	vld.idx.msk [tilespmem:v46+s13+$0x0], $0xffff  }
0x290: {  	s17 =	sadd.s32 $0x2000, s1;
	v32 =	vsub.f32 v32, v40;
	v34 =	vsub.f32 v34, v43;
	v28 =	vld.idx.msk [tilespmem:v50+s13+$0x0], $0xffff  }
0x291: {  	s18 =	sand.u32 $0x380, s24;
	v23 =	vadd.s32 $0x33, v23;
	s17 =	sand.u32 $0xE000, s17;
	v36 =	vsub.f32 v36, v41;
	v39 =	vsub.f32 v1, v44;
	v40 =	vld.idx.msk [tilespmem:v51+s13+$0x0], $0xffff  }
0x292: {  	v41 =	vadd.s32 v19, v23;
	v42 =	vsub.f32 v5, v45;
	v5 =	vsub.f32 v0, v47;
	v43 =	vld [tilespmem:s31+$0x1C70];
	s31 =	sor.u32 s18, s17  }
0x293: {  	v24 =	vmul.f32 v24, v24;
	v44 =	vmul.f32 v26, v26;
	v11 =	vsub.f32 v11, v48;
	v1 =	vld [tilespmem:s31+$0x1C40]  }
0x294: {  	v29 =	vmul.f32 v29, v29;
	v32 =	vmul.f32 v32, v32;
	v13 =	vsub.f32 v13, v25;
	v0 =	vld [tilespmem:s31+$0x1C50]  }
0x295: {  	s14 =	sadd.s32 $0x1, s14;
	v14 =	vsub.f32 v14, v27;
	v27 =	vmul.f32 v39, v39;
	v39 =	vmul.f32 v5, v5;
	v26 =	vld [tilespmem:s31+$0x1C60]  }
0x296: {  	s17 =	sand.u32 $0x7, s14;
	v25 =	vmul.f32 v42, v42;
	v42 =	vmul.f32 v11, v11;
	v2 =	vsub.f32 v2, v28;
	v5 =	vld [tilespmem:s31+$0x1C00]  }
0x297: {  	s0 =	sadd.s32 $0x400, s0;
	s17 =	sshll.u32 s17, $0x7;
	v28 =	vmul.f32 v13, v13;
	v45 =	vmul.f32 v14, v14;
	v11 =	vld [tilespmem:s31+$0x1C10];
	v40 =	vsub.f32 v43, v40  }
0x298: {  	s17 =	sadd.s32 s17, s0;
	v33 =	vadd.f32 v25, v33;
	v35 =	vadd.f32 v42, v35;
	v42 =	vmul.f32 v2, v2;
	v13 =	vld [tilespmem:s31+$0x1C20]  }
0x299: {  	s18 =	sor.u32 $0x1C40, s17;
	v28 =	vadd.f32 v28, v31;
	v30 =	vadd.f32 v45, v30;
	v14 =	vld [tilespmem:s31+$0x1C30];
	v31 =	vmul.f32 v40, v40  }
0x29a: {  	v34 =	vmul.f32 v34, v34;
	v33 =	vadd.f32 v27, v33;
	v35 =	vadd.f32 v39, v35;
	v25 =	vld [tilespmem:s18+$0x400];
	s18 =	sor.u32 $0x1C50, s17;
	v2 =	vmovc v26  }
0x29b: {  	v39 =	vadd.f32 v42, v28;
	v26 =	vld [tilespmem:s18+$0x400];
	s18 =	sor.u32 $0x1C60, s17;
	v30 =	vadd.f32 v31, v30;
	v31 =	vmul.f32 v36, v36  }
0x29c: {  	v33 =	vadd.f32 v29, v33;
	v32 =	vadd.f32 v32, v35;
	v36 =	vmul.f32 v37, v37;
	v27 =	vld [tilespmem:s18+$0x400];
	s18 =	sor.u32 $0x1C70, s17  }
0x29d: {  	s3 =	sor.u32 $0x1C00, s17;
	v34 =	vadd.f32 v34, v39;
	v37 =	vmul.f32 v38, v38;
	v28 =	vld [tilespmem:s18+$0x400];
	v30 =	vadd.f32 v31, v30  }
0x29e: {  	v38 =	vadd.s32 v20, v23;
	v33 =	vadd.f32 v24, v33;
	v35 =	vadd.f32 v44, v32;
	v29 =	vld [tilespmem:s3+$0x400];
	s3 =	sor.u32 $0x1C10, s17  }
0x29f: {  	v39 =	vadd.s32 v21, v23;
	v31 =	vadd.f32 v36, v34;
	v32 =	vld [tilespmem:s3+$0x400];
	s3 =	sor.u32 $0x1C20, s17;
	v30 =	vadd.f32 v37, v30  }
0x2a0: {  	v40 =	vadd.s32 v22, v23;
	v34 =	vld [tilespmem:s3+$0x400];
	s3 =	sor.u32 $0x1C30, s17  }
0x2a1: {  	v42 =	vadd.s32 v15, v23;
	v36 =	vld [tilespmem:s3+$0x400]  }
0x2a2: {  	v43 =	vadd.s32 v16, v23;
	v24 =	vld.idx.msk [tilespmem:v41+s13+$0x0], $0xffff  }
0x2a3: {  	v41 =	vadd.s32 v17, v23;
	v37 =	vld.idx.msk [tilespmem:v38+s13+$0x0], $0xffff  }
0x2a4: {  	v44 =	vadd.s32 v18, v23;
	v38 =	vld.idx.msk [tilespmem:v39+s13+$0x0], $0xffff  }
0x2a5: {  	v50 =	vadd.s32 v10, v23;
	v39 =	vld.idx.msk [tilespmem:v40+s13+$0x0], $0xffff  }
.Ltmp7:
0x2a6: {  	v47 =	vadd.s32 v12, v23;
	v42 =	vld.idx.msk [tilespmem:v42+s13+$0x0], $0xffff;
	(pc) =	sbr.rel @p0 .LBB2_16-.Ltmp7, $4  }
0x2a7: {  	v45 =	vadd.s32 v3, v23;
	v40 =	vld.idx.msk [tilespmem:v43+s13+$0x0], $0xffff  }
0x2a8: {  	v48 =	vadd.s32 v4, v23;
	v43 =	vld.idx.msk [tilespmem:v41+s13+$0x0], $0xffff  }
0x2a9: {  	v49 =	vadd.s32 v6, v23;
	v41 =	vld.idx.msk [tilespmem:v44+s13+$0x0], $0xffff  }
0x2aa: {  	s24 =	sadd.s32 $0x80, s24;
	v46 =	vadd.s32 v8, v23;
	v44 =	vld.idx.msk [tilespmem:v50+s13+$0x0], $0xffff  }
0x2ab: {  	_ =	sdelay $0x3  }
0x2ac: {  	v47 =	vld.idx.msk [tilespmem:v47+s13+$0x0], $0xffff  }
0x2ad: {  	v3 =	vadd.s32 v9, v23;
	v45 =	vld.idx.msk [tilespmem:v45+s13+$0x0], $0xffff  }
0x2ae: {  	v4 =	vadd.s32 v7, v23;
	v48 =	vld.idx.msk [tilespmem:v48+s13+$0x0], $0xffff  }
0x2af: {  	v49 =	vld.idx.msk [tilespmem:v49+s13+$0x0], $0xffff  }
0x2b0: {  	v46 =	vld.idx.msk [tilespmem:v46+s13+$0x0], $0xffff  }
0x2b1: {  	v52 =	vld [tilespmem:s31+$0x1C70]  }
0x2b2: {  	v50 =	vld.idx.msk [tilespmem:v3+s13+$0x0], $0xffff  }
0x2b3: {  	v51 =	vld.idx.msk [tilespmem:v4+s13+$0x0], $0xffff;
	_ =	swait.ge [sflag:s23], $0x8000  }
0x2b4: {  	[sflag:s23] =	ssyncset.done $0x0  }
0x2b5: {  	s0 =	simm.s32 $0xA400;
	[sflag:s23] =	ssyncadd.s32 $0xFFFF8000  }
0x2b6: {  	[hbm4b:s10+s15] =	stream.strided.scatter [tilespmem:s0], [sflag:$0x6], $0x8000, s16, s15, $0x38;
	[tilespmem:$0x13300] =	vst v63  }
0x2b7: {  	v3 =	vld [tilespmem:$0x0]  }
0x2b8: {  	v4 =	vld [tilespmem:$0x10]  }
0x2b9: {  	v6 =	vld [tilespmem:$0x20]  }
0x2ba: {  	v8 =	vld [tilespmem:$0x30]  }
0x2bb: {  	v10 =	vld [tilespmem:$0x40]  }
0x2bc: {  	v12 =	vld [tilespmem:$0x50]  }
0x2bd: {  	v9 =	vld [tilespmem:$0x60]  }
0x2be: {  	v7 =	vld [tilespmem:$0x70]  }
0x2bf: {  	v15 =	vld [tilespmem:$0x80]  }
0x2c0: {  	v16 =	vld [tilespmem:$0x90]  }
0x2c1: {  	v17 =	vld [tilespmem:$0xA0]  }
0x2c2: {  	v18 =	vld [tilespmem:$0xB0]  }
0x2c3: {  	v19 =	vld [tilespmem:$0xC0]  }
0x2c4: {  	s24 =	simm.s32 $0xA000;
	s31 =	simm.s32 $0x1400;
	v20 =	vld [tilespmem:$0xD0]  }
0x2c5: {  	s1 =	sand.u32 $0x380, s31;
	s0 =	sand.u32 $0x1E000, s24;
	v22 =	vld [tilespmem:$0xE0]  }
0x2c6: {  	v23 =	vld [tilespmem:$0xF0];
	s1 =	sor.u32 s1, s0  }
0x2c7: {  	v53 =	vsub.f32 v25, v24;
	v21 =	vld [tilespmem:s1+$0x840]  }
0x2c8: {  	v54 =	vsub.f32 v26, v37;
	v55 =	vsub.f32 v27, v38;
	v24 =	vld [tilespmem:s1+$0x850]  }
0x2c9: {  	v42 =	vsub.f32 v29, v42;
	v56 =	vsub.f32 v28, v39;
	v25 =	vld [tilespmem:s1+$0x860]  }
0x2ca: {  	v57 =	vsub.f32 v32, v40;
	v58 =	vsub.f32 v34, v43;
	v26 =	vld [tilespmem:s1+$0x870]  }
0x2cb: {  	v62 =	vmul.f32 v54, v54;
	v63 =	vmul.f32 v55, v55;
	v1 =	vsub.f32 v1, v44;
	v28 =	vld [tilespmem:s1+$0x800]  }
0x2cc: {  	v57 =	vmul.f32 v57, v57;
	v0 =	vsub.f32 v0, v47;
	v5 =	vsub.f32 v5, v45;
	v29 =	vld [tilespmem:s1+$0x810]  }
0x2cd: {  	v11 =	vsub.f32 v11, v48;
	v13 =	vsub.f32 v13, v49;
	v1 =	vmul.f32 v1, v1;
	v34 =	vld [tilespmem:s1+$0x820]  }
0x2ce: {  	v14 =	vsub.f32 v14, v46;
	v48 =	vmul.f32 v0, v0;
	v5 =	vmul.f32 v5, v5;
	v32 =	vld [tilespmem:s1+$0x830]  }
0x2cf: {  	v59 =	vsub.f32 v36, v41;
	v11 =	vmul.f32 v11, v11;
	v13 =	vmul.f32 v13, v13;
	v37 =	vld [tilespmem:s1+$0x440]  }
0x2d0: {  	v0 =	vimm.s32 $0x7F8;
	v14 =	vmul.f32 v14, v14;
	v5 =	vadd.f32 v5, v33;
	v36 =	vld [tilespmem:s1+$0x450]  }
0x2d1: {  	v11 =	vadd.f32 v11, v35;
	v2 =	vsub.f32 v2, v50;
	v27 =	vld [tilespmem:s1+$0x460];
	v50 =	vadd.s32 v19, v0  }
0x2d2: {  	v13 =	vadd.f32 v13, v31;
	v49 =	vsub.f32 v52, v51;
	v38 =	vld [tilespmem:s1+$0x400];
	v51 =	vadd.s32 v20, v0  }
0x2d3: {  	v14 =	vadd.f32 v14, v30;
	v40 =	vld [tilespmem:s1+$0x410];
	v2 =	vmul.f32 v2, v2;
	v31 =	vadd.s32 v22, v0  }
0x2d4: {  	v41 =	vld [tilespmem:s1+$0x420];
	v1 =	vadd.f32 v1, v5;
	v5 =	vadd.f32 v48, v11;
	v11 =	vadd.s32 v15, v0  }
0x2d5: {  	v39 =	vld [tilespmem:s1+$0x430];
	v30 =	vmul.f32 v49, v49;
	v2 =	vadd.f32 v2, v13;
	v13 =	vadd.s32 v16, v0  }
0x2d6: {  	v47 =	vmul.f32 v53, v53;
	v53 =	vmul.f32 v42, v42;
	v52 =	vadd.s32 v23, v0;
	v42 =	vld.idx.msk [tilespmem:v50+s13+$0x0], $0xffff  }
0x2d7: {  	v58 =	vmul.f32 v58, v58;
	v14 =	vadd.f32 v30, v14;
	v30 =	vadd.s32 v17, v0;
	v43 =	vld.idx.msk [tilespmem:v51+s13+$0x0], $0xffff  }
0x2d8: {  	v1 =	vadd.f32 v53, v1;
	v60 =	vadd.s32 v18, v0;
	v44 =	vld.idx.msk [tilespmem:v31+s13+$0x0], $0xffff;
	v31 =	vmul.f32 v59, v59  }
0x2d9: {  	v5 =	vadd.f32 v57, v5;
	v61 =	vadd.s32 v10, v0;
	v2 =	vadd.f32 v58, v2;
	v46 =	vld.idx.msk [tilespmem:v11+s13+$0x0], $0xffff  }
0x2da: {  	v33 =	vadd.f32 v47, v1;
	v47 =	vld.idx.msk [tilespmem:v13+s13+$0x0], $0xffff;
	v13 =	vadd.s32 v12, v0;
	v11 =	vadd.f32 v31, v14  }
0x2db: {  	v45 =	vld.idx.msk [tilespmem:v52+s13+$0x0], $0xffff;
	v14 =	vmul.f32 v56, v56;
	v31 =	vadd.f32 v63, v2;
	v2 =	vadd.s32 v3, v0  }
0x2dc: {  	v35 =	vadd.f32 v62, v5;
	v5 =	vadd.s32 v4, v0;
	v49 =	vld.idx.msk [tilespmem:v30+s13+$0x0], $0xffff  }
0x2dd: {  	v48 =	vld.idx.msk [tilespmem:v60+s13+$0x0], $0xffff;
	v30 =	vadd.f32 v14, v11;
	v11 =	vadd.s32 v6, v0  }
0x2de: {  	s0 =	simm.s32 $0xA400;
	v1 =	vadd.s32 v8, v0;
	v50 =	vld.idx.msk [tilespmem:v61+s13+$0x0], $0xffff  }
.LBB2_18:
0x2df: {  	p0 =	sne.s32 s0, $0x11C00;
	v13 =	vld.idx.msk [tilespmem:v13+s13+$0x0], $0xffff;
	v14 =	vadd.s32 v9, v0  }
0x2e0: {  	v51 =	vadd.s32 v7, v0;
	v2 =	vld.idx.msk [tilespmem:v2+s13+$0x0], $0xffff  }
0x2e1: {  	v42 =	vsub.f32 v21, v42;
	v5 =	vld.idx.msk [tilespmem:v5+s13+$0x0], $0xffff  }
0x2e2: {  	v24 =	vsub.f32 v24, v43;
	v43 =	vsub.f32 v25, v44;
	v11 =	vld.idx.msk [tilespmem:v11+s13+$0x0], $0xffff  }
0x2e3: {  	v25 =	vsub.f32 v28, v46;
	v44 =	vsub.f32 v26, v45;
	v1 =	vld.idx.msk [tilespmem:v1+s13+$0x0], $0xffff  }
0x2e4: {  	s31 =	sadd.s32 $0x80, s31;
	v26 =	vsub.f32 v29, v47;
	v45 =	vsub.f32 v34, v49;
	v14 =	vld.idx.msk [tilespmem:v14+s13+$0x0], $0xffff  }
0x2e5: {  	s3 =	sand.u32 $0x1E000, s0;
	v0 =	vadd.s32 $0x33, v0;
	s14 =	sand.u32 $0x380, s31;
	v46 =	vsub.f32 v32, v48;
	v28 =	vsub.f32 v37, v50;
	v29 =	vld.idx.msk [tilespmem:v51+s13+$0x0], $0xffff  }
0x2e6: {  	v47 =	vadd.s32 v19, v0;
	v13 =	vsub.f32 v36, v13;
	v2 =	vsub.f32 v38, v2;
	v32 =	vld [tilespmem:s1+$0x470];
	s1 =	sor.u32 s14, s3  }
0x2e7: {  	v5 =	vsub.f32 v40, v5;
	v40 =	vmul.f32 v42, v42;
	v42 =	vmul.f32 v24, v24;
	v21 =	vld [tilespmem:s1+$0x840]  }
0x2e8: {  	v38 =	vmul.f32 v25, v25;
	v11 =	vsub.f32 v41, v11;
	v41 =	vmul.f32 v26, v26;
	v24 =	vld [tilespmem:s1+$0x850]  }
0x2e9: {  	v36 =	vmul.f32 v28, v28;
	v13 =	vmul.f32 v13, v13;
	v1 =	vsub.f32 v39, v1;
	v25 =	vld [tilespmem:s1+$0x860]  }
0x2ea: {  	v2 =	vmul.f32 v2, v2;
	v5 =	vmul.f32 v5, v5;
	v14 =	vsub.f32 v27, v14;
	v26 =	vld [tilespmem:s1+$0x870]  }
0x2eb: {  	v11 =	vmul.f32 v11, v11;
	v1 =	vmul.f32 v1, v1;
	v28 =	vld [tilespmem:s1+$0x800];
	v27 =	vsub.f32 v32, v29  }
0x2ec: {  	v2 =	vadd.f32 v2, v33;
	v5 =	vadd.f32 v5, v35;
	v14 =	vmul.f32 v14, v14;
	v29 =	vld [tilespmem:s1+$0x810]  }
0x2ed: {  	v11 =	vadd.f32 v11, v31;
	v1 =	vadd.f32 v1, v30;
	v34 =	vld [tilespmem:s1+$0x820];
	v27 =	vmul.f32 v27, v27  }
0x2ee: {  	v2 =	vadd.f32 v36, v2;
	v5 =	vadd.f32 v13, v5;
	v13 =	vmul.f32 v45, v45;
	v32 =	vld [tilespmem:s1+$0x830]  }
0x2ef: {  	v11 =	vadd.f32 v14, v11;
	v14 =	vmul.f32 v46, v46;
	v37 =	vld [tilespmem:s1+$0x440];
	v1 =	vadd.f32 v27, v1  }
0x2f0: {  	v30 =	vmul.f32 v43, v43;
	v2 =	vadd.f32 v38, v2;
	v5 =	vadd.f32 v41, v5;
	v36 =	vld [tilespmem:s1+$0x450]  }
0x2f1: {  	v11 =	vadd.f32 v13, v11;
	v13 =	vmul.f32 v44, v44;
	v27 =	vld [tilespmem:s1+$0x460];
	v1 =	vadd.f32 v14, v1  }
0x2f2: {  	v33 =	vadd.f32 v40, v2;
	v35 =	vadd.f32 v42, v5;
	v14 =	vadd.s32 v20, v0;
	v38 =	vld [tilespmem:s1+$0x400]  }
0x2f3: {  	v2 =	vadd.s32 v22, v0;
	v31 =	vadd.f32 v30, v11;
	v40 =	vld [tilespmem:s1+$0x410];
	v30 =	vadd.f32 v13, v1  }
0x2f4: {  	v1 =	vadd.s32 v23, v0;
	v41 =	vld [tilespmem:s1+$0x420]  }
0x2f5: {  	v5 =	vadd.s32 v15, v0;
	v39 =	vld [tilespmem:s1+$0x430]  }
0x2f6: {  	v11 =	vadd.s32 v16, v0;
	v42 =	vld.idx.msk [tilespmem:v47+s13+$0x0], $0xffff  }
0x2f7: {  	v48 =	vadd.s32 v17, v0;
	v43 =	vld.idx.msk [tilespmem:v14+s13+$0x0], $0xffff  }
0x2f8: {  	v14 =	vadd.s32 v18, v0;
	v44 =	vld.idx.msk [tilespmem:v2+s13+$0x0], $0xffff  }
0x2f9: {  	v50 =	vadd.s32 v10, v0;
	v45 =	vld.idx.msk [tilespmem:v1+s13+$0x0], $0xffff  }
.Ltmp8:
0x2fa: {  	v13 =	vadd.s32 v12, v0;
	v46 =	vld.idx.msk [tilespmem:v5+s13+$0x0], $0xffff;
	(pc) =	sbr.rel @p0 .LBB2_18-.Ltmp8, $4  }
0x2fb: {  	v2 =	vadd.s32 v3, v0;
	v47 =	vld.idx.msk [tilespmem:v11+s13+$0x0], $0xffff  }
0x2fc: {  	v5 =	vadd.s32 v4, v0;
	v49 =	vld.idx.msk [tilespmem:v48+s13+$0x0], $0xffff  }
0x2fd: {  	v11 =	vadd.s32 v6, v0;
	v48 =	vld.idx.msk [tilespmem:v14+s13+$0x0], $0xffff  }
0x2fe: {  	s0 =	sadd.s32 $0x400, s0;
	v1 =	vadd.s32 v8, v0;
	v50 =	vld.idx.msk [tilespmem:v50+s13+$0x0], $0xffff  }
0x2ff: {  	_ =	sdelay $0x3  }
0x300: {  	v18 =	vld.idx.msk [tilespmem:v13+s13+$0x0], $0xffff  }
0x301: {  	v19 =	vld.idx.msk [tilespmem:v2+s13+$0x0], $0xffff  }
0x302: {  	v22 =	vld.idx.msk [tilespmem:v5+s13+$0x0], $0xffff  }
0x303: {  	v51 =	vld.idx.msk [tilespmem:v11+s13+$0x0], $0xffff  }
0x304: {  	v52 =	vld.idx.msk [tilespmem:v1+s13+$0x0], $0xffff  }
0x305: {  	v55 =	vld [tilespmem:s1+$0x470]  }
0x306: {  	v1 =	vld [tilespmem:$0x110]  }
0x307: {  	v2 =	vld [tilespmem:$0x120]  }
0x308: {  	v4 =	vld [tilespmem:$0x130]  }
0x309: {  	v6 =	vld [tilespmem:$0x140]  }
0x30a: {  	v3 =	vadd.s32 v9, v0;
	v0 =	vadd.s32 v7, v0;
	v7 =	vld [tilespmem:$0x150]  }
0x30b: {  	v5 =	vld [tilespmem:$0x160]  }
0x30c: {  	v8 =	vld [tilespmem:$0x180]  }
0x30d: {  	v9 =	vld [tilespmem:$0x190]  }
0x30e: {  	v10 =	vld [tilespmem:$0x1A0]  }
0x30f: {  	v11 =	vld [tilespmem:$0x1B0]  }
0x310: {  	v12 =	vld [tilespmem:$0x1C0]  }
0x311: {  	v13 =	vld [tilespmem:$0x1D0];
	s0 =	simm.s32 $0xA000;
	s31 =	simm.s32 $0x1400  }
0x312: {  	v15 =	vld [tilespmem:$0x1E0];
	s0 =	sand.u32 $0x1E000, s0;
	s24 =	sand.u32 $0x380, s31  }
0x313: {  	v16 =	vld [tilespmem:$0x1F0];
	s1 =	sor.u32 s24, s0  }
0x314: {  	v14 =	vld [tilespmem:s1+$0x1040]  }
0x315: {  	v17 =	vld [tilespmem:s1+$0x1050]  }
0x316: {  	v20 =	vld [tilespmem:s1+$0x1060]  }
0x317: {  	v42 =	vsub.f32 v21, v42;
	v21 =	vld [tilespmem:s1+$0x1070]  }
0x318: {  	v23 =	vld [tilespmem:s1+$0x1000]  }
0x319: {  	v43 =	vsub.f32 v24, v43;
	v24 =	vld [tilespmem:s1+$0x1010]  }
0x31a: {  	v45 =	vsub.f32 v26, v45;
	v26 =	vld [tilespmem:s1+$0x1020]  }
0x31b: {  	v28 =	vsub.f32 v28, v46;
	v46 =	vsub.f32 v29, v47;
	v29 =	vld [tilespmem:s1+$0xC40]  }
0x31c: {  	v44 =	vsub.f32 v25, v44;
	v48 =	vsub.f32 v32, v48;
	v32 =	vld [tilespmem:s1+$0xC00]  }
0x31d: {  	v47 =	vsub.f32 v34, v49;
	v42 =	vmul.f32 v42, v42;
	v28 =	vmul.f32 v28, v28;
	v34 =	vld [tilespmem:s1+$0xC30]  }
0x31e: {  	v43 =	vmul.f32 v43, v43;
	v25 =	vsub.f32 v37, v50;
	v53 =	vld.idx.msk [tilespmem:v3+s13+$0x0], $0xffff;
	v18 =	vsub.f32 v36, v18  }
0x31f: {  	v44 =	vmul.f32 v44, v44;
	v54 =	vld.idx.msk [tilespmem:v0+s13+$0x0], $0xffff;
	v19 =	vsub.f32 v38, v19;
	v22 =	vsub.f32 v40, v22  }
0x320: {  	v45 =	vmul.f32 v45, v45;
	v0 =	vld [tilespmem:$0x100];
	v62 =	vsub.f32 v41, v51;
	v51 =	vsub.f32 v39, v52  }
0x321: {  	v3 =	vld [tilespmem:$0x170];
	v63 =	vmul.f32 v25, v25;
	v37 =	vmul.f32 v18, v18;
	v18 =	vimm.s32 $0x7F8  }
0x322: {  	v25 =	vld [tilespmem:s1+$0x1030];
	v19 =	vmul.f32 v19, v19;
	v52 =	vmul.f32 v22, v22;
	v59 =	vadd.s32 v12, v18  }
0x323: {  	v57 =	vmul.f32 v62, v62;
	v36 =	vmul.f32 v51, v51;
	v22 =	vld [tilespmem:s1+$0xC60];
	v61 =	vadd.s32 v13, v18  }
0x324: {  	v62 =	vadd.s32 v15, v18;
	v19 =	vadd.f32 v19, v33;
	v60 =	vadd.f32 v52, v35;
	v35 =	vld [tilespmem:s1+$0xC10]  }
0x325: {  	v50 =	vadd.s32 v16, v18;
	v30 =	vadd.f32 v36, v30;
	v36 =	vld [tilespmem:s1+$0xC20];
	v56 =	vsub.f32 v27, v53  }
0x326: {  	v31 =	vadd.f32 v57, v31;
	v57 =	vadd.s32 v9, v18;
	v27 =	vld [tilespmem:s1+$0xC50];
	v58 =	vsub.f32 v55, v54  }
0x327: {  	v63 =	vadd.f32 v63, v19;
	v39 =	vmul.f32 v56, v56;
	v56 =	vadd.s32 v8, v18;
	v19 =	vld.idx.msk [tilespmem:v59+s13+$0x0], $0xffff  }
0x328: {  	v33 =	vadd.f32 v37, v60;
	v41 =	vmul.f32 v58, v58;
	v59 =	vadd.s32 v10, v18;
	v37 =	vld.idx.msk [tilespmem:v61+s13+$0x0], $0xffff  }
0x329: {  	v48 =	vmul.f32 v48, v48;
	v58 =	vmul.f32 v46, v46;
	v61 =	vadd.s32 v11, v18;
	v38 =	vld.idx.msk [tilespmem:v62+s13+$0x0], $0xffff  }
0x32a: {  	v62 =	vadd.s32 v6, v18;
	v31 =	vadd.f32 v39, v31;
	v30 =	vadd.f32 v41, v30;
	v39 =	vld.idx.msk [tilespmem:v50+s13+$0x0], $0xffff  }
0x32b: {  	v49 =	vadd.s32 v7, v18;
	v60 =	vmul.f32 v47, v47;
	v33 =	vadd.f32 v58, v33;
	v41 =	vld.idx.msk [tilespmem:v57+s13+$0x0], $0xffff  }
0x32c: {  	v46 =	vadd.s32 v0, v18;
	v28 =	vadd.f32 v28, v63;
	v48 =	vadd.f32 v48, v30;
	v40 =	vld.idx.msk [tilespmem:v56+s13+$0x0], $0xffff  }
0x32d: {  	v47 =	vadd.s32 v1, v18;
	v63 =	vadd.f32 v60, v31;
	v33 =	vadd.f32 v43, v33;
	v43 =	vld.idx.msk [tilespmem:v59+s13+$0x0], $0xffff  }
0x32e: {  	v31 =	vadd.f32 v42, v28;
	v28 =	vadd.f32 v45, v48;
	v42 =	vld.idx.msk [tilespmem:v61+s13+$0x0], $0xffff;
	v48 =	vadd.s32 v2, v18  }
0x32f: {  	s0 =	simm.s32 $0xA400;
	v30 =	vadd.f32 v44, v63;
	v45 =	vadd.s32 v4, v18;
	v44 =	vld.idx.msk [tilespmem:v62+s13+$0x0], $0xffff  }
.LBB2_20:
0x330: {  	p0 =	sne.s32 s0, $0x11C00;
	v49 =	vld.idx.msk [tilespmem:v49+s13+$0x0], $0xffff;
	v50 =	vadd.s32 v5, v18  }
0x331: {  	v51 =	vadd.s32 v3, v18;
	v46 =	vld.idx.msk [tilespmem:v46+s13+$0x0], $0xffff  }
0x332: {  	v19 =	vsub.f32 v14, v19;
	v47 =	vld.idx.msk [tilespmem:v47+s13+$0x0], $0xffff  }
0x333: {  	v17 =	vsub.f32 v17, v37;
	v37 =	vsub.f32 v20, v38;
	v48 =	vld.idx.msk [tilespmem:v48+s13+$0x0], $0xffff  }
0x334: {  	v20 =	vsub.f32 v23, v40;
	v39 =	vsub.f32 v21, v39;
	v38 =	vld.idx.msk [tilespmem:v45+s13+$0x0], $0xffff  }
0x335: {  	s31 =	sadd.s32 $0x80, s31;
	v21 =	vsub.f32 v24, v41;
	v40 =	vsub.f32 v26, v43;
	v23 =	vld.idx.msk [tilespmem:v50+s13+$0x0], $0xffff  }
0x336: {  	s3 =	sand.u32 $0x1E000, s0;
	v18 =	vadd.s32 $0x33, v18;
	s14 =	sand.u32 $0x380, s31;
	v41 =	vsub.f32 v25, v42;
	v24 =	vsub.f32 v29, v44;
	v26 =	vld.idx.msk [tilespmem:v51+s13+$0x0], $0xffff  }
0x337: {  	v42 =	vadd.s32 v12, v18;
	v27 =	vsub.f32 v27, v49;
	v25 =	vsub.f32 v32, v46;
	v29 =	vld [tilespmem:s1+$0xC70];
	s1 =	sor.u32 s14, s3  }
0x338: {  	v19 =	vmul.f32 v19, v19;
	v32 =	vsub.f32 v35, v47;
	v35 =	vmul.f32 v17, v17;
	v14 =	vld [tilespmem:s1+$0x1040]  }
0x339: {  	v43 =	vmul.f32 v20, v20;
	v44 =	vmul.f32 v21, v21;
	v36 =	vsub.f32 v36, v48;
	v17 =	vld [tilespmem:s1+$0x1050]  }
0x33a: {  	v27 =	vmul.f32 v27, v27;
	v34 =	vsub.f32 v34, v38;
	v38 =	vmul.f32 v24, v24;
	v20 =	vld [tilespmem:s1+$0x1060]  }
0x33b: {  	v25 =	vmul.f32 v25, v25;
	v32 =	vmul.f32 v32, v32;
	v22 =	vsub.f32 v22, v23;
	v21 =	vld [tilespmem:s1+$0x1070]  }
0x33c: {  	v36 =	vmul.f32 v36, v36;
	v34 =	vmul.f32 v34, v34;
	v23 =	vld [tilespmem:s1+$0x1000];
	v29 =	vsub.f32 v29, v26  }
0x33d: {  	v31 =	vadd.f32 v25, v31;
	v32 =	vadd.f32 v32, v33;
	v22 =	vmul.f32 v22, v22;
	v24 =	vld [tilespmem:s1+$0x1010]  }
0x33e: {  	v30 =	vadd.f32 v36, v30;
	v28 =	vadd.f32 v34, v28;
	v26 =	vld [tilespmem:s1+$0x1020];
	v33 =	vmul.f32 v29, v29  }
0x33f: {  	v31 =	vadd.f32 v38, v31;
	v32 =	vadd.f32 v27, v32;
	v34 =	vmul.f32 v40, v40;
	v25 =	vld [tilespmem:s1+$0x1030]  }
0x340: {  	v30 =	vadd.f32 v22, v30;
	v29 =	vld [tilespmem:s1+$0xC40];
	v28 =	vadd.f32 v33, v28;
	v33 =	vmul.f32 v41, v41  }
0x341: {  	v37 =	vmul.f32 v37, v37;
	v31 =	vadd.f32 v43, v31;
	v36 =	vadd.f32 v44, v32;
	v27 =	vld [tilespmem:s1+$0xC50]  }
0x342: {  	v30 =	vadd.f32 v34, v30;
	v34 =	vmul.f32 v39, v39;
	v22 =	vld [tilespmem:s1+$0xC60];
	v28 =	vadd.f32 v33, v28  }
0x343: {  	v38 =	vadd.s32 v13, v18;
	v31 =	vadd.f32 v19, v31;
	v33 =	vadd.f32 v35, v36;
	v32 =	vld [tilespmem:s1+$0xC00]  }
0x344: {  	v39 =	vadd.s32 v15, v18;
	v30 =	vadd.f32 v37, v30;
	v35 =	vld [tilespmem:s1+$0xC10];
	v28 =	vadd.f32 v34, v28  }
0x345: {  	v40 =	vadd.s32 v16, v18;
	v36 =	vld [tilespmem:s1+$0xC20]  }
0x346: {  	v41 =	vadd.s32 v8, v18;
	v34 =	vld [tilespmem:s1+$0xC30]  }
0x347: {  	v43 =	vadd.s32 v9, v18;
	v19 =	vld.idx.msk [tilespmem:v42+s13+$0x0], $0xffff  }
0x348: {  	v42 =	vadd.s32 v10, v18;
	v37 =	vld.idx.msk [tilespmem:v38+s13+$0x0], $0xffff  }
0x349: {  	v44 =	vadd.s32 v11, v18;
	v38 =	vld.idx.msk [tilespmem:v39+s13+$0x0], $0xffff  }
0x34a: {  	v50 =	vadd.s32 v6, v18;
	v39 =	vld.idx.msk [tilespmem:v40+s13+$0x0], $0xffff  }
.Ltmp9:
0x34b: {  	v49 =	vadd.s32 v7, v18;
	v40 =	vld.idx.msk [tilespmem:v41+s13+$0x0], $0xffff;
	(pc) =	sbr.rel @p0 .LBB2_20-.Ltmp9, $4  }
0x34c: {  	v46 =	vadd.s32 v0, v18;
	v41 =	vld.idx.msk [tilespmem:v43+s13+$0x0], $0xffff  }
0x34d: {  	v47 =	vadd.s32 v1, v18;
	v43 =	vld.idx.msk [tilespmem:v42+s13+$0x0], $0xffff  }
0x34e: {  	v48 =	vadd.s32 v2, v18;
	v42 =	vld.idx.msk [tilespmem:v44+s13+$0x0], $0xffff  }
0x34f: {  	s0 =	sadd.s32 $0x400, s0;
	v45 =	vadd.s32 v4, v18;
	v44 =	vld.idx.msk [tilespmem:v50+s13+$0x0], $0xffff  }
0x350: {  	_ =	sdelay $0x3  }
0x351: {  	v49 =	vld.idx.msk [tilespmem:v49+s13+$0x0], $0xffff  }
0x352: {  	v46 =	vld.idx.msk [tilespmem:v46+s13+$0x0], $0xffff  }
0x353: {  	v47 =	vld.idx.msk [tilespmem:v47+s13+$0x0], $0xffff  }
0x354: {  	v48 =	vld.idx.msk [tilespmem:v48+s13+$0x0], $0xffff  }
0x355: {  	v45 =	vld.idx.msk [tilespmem:v45+s13+$0x0], $0xffff  }
0x356: {  	v52 =	vld [tilespmem:s1+$0xC70]  }
0x357: {  	v2 =	vld [tilespmem:$0x220]  }
0x358: {  	v4 =	vld [tilespmem:$0x230]  }
0x359: {  	v6 =	vld [tilespmem:$0x240]  }
0x35a: {  	v7 =	vld [tilespmem:$0x250]  }
0x35b: {  	v0 =	vadd.s32 v5, v18;
	v5 =	vld [tilespmem:$0x260]  }
0x35c: {  	v1 =	vadd.s32 v3, v18;
	v3 =	vld [tilespmem:$0x270]  }
0x35d: {  	v8 =	vld [tilespmem:$0x280]  }
0x35e: {  	v9 =	vld [tilespmem:$0x290]  }
0x35f: {  	v10 =	vld [tilespmem:$0x2A0]  }
0x360: {  	v11 =	vld [tilespmem:$0x2B0]  }
0x361: {  	v12 =	vld [tilespmem:$0x2C0]  }
0x362: {  	v13 =	vld [tilespmem:$0x2D0];
	s0 =	simm.s32 $0xA000;
	s31 =	simm.s32 $0x1400  }
0x363: {  	v15 =	vld [tilespmem:$0x2E0];
	s0 =	sand.u32 $0x1E000, s0;
	s24 =	sand.u32 $0x380, s31  }
0x364: {  	v16 =	vld [tilespmem:$0x2F0];
	s1 =	sor.u32 s24, s0  }
0x365: {  	v18 =	vld [tilespmem:s1+$0x1840]  }
0x366: {  	v14 =	vsub.f32 v14, v19;
	v19 =	vld [tilespmem:s1+$0x1850]  }
0x367: {  	v53 =	vsub.f32 v20, v38;
	v20 =	vld [tilespmem:s1+$0x1860]  }
0x368: {  	v17 =	vsub.f32 v17, v37;
	v54 =	vsub.f32 v21, v39;
	v21 =	vld [tilespmem:s1+$0x1870]  }
0x369: {  	v37 =	vsub.f32 v23, v40;
	v38 =	vsub.f32 v24, v41;
	v24 =	vld [tilespmem:s1+$0x1800]  }
0x36a: {  	v23 =	vsub.f32 v29, v44;
	v29 =	vsub.f32 v25, v42;
	v25 =	vld [tilespmem:s1+$0x1810]  }
0x36b: {  	v50 =	vld.idx.msk [tilespmem:v0+s13+$0x0], $0xffff  }
0x36c: {  	v51 =	vld.idx.msk [tilespmem:v1+s13+$0x0], $0xffff  }
0x36d: {  	v0 =	vld [tilespmem:$0x200]  }
0x36e: {  	v39 =	vsub.f32 v26, v43;
	v41 =	vmul.f32 v14, v14;
	v1 =	vld [tilespmem:$0x210];
	v26 =	vsub.f32 v27, v49  }
0x36f: {  	v17 =	vmul.f32 v17, v17;
	v32 =	vsub.f32 v32, v46;
	v35 =	vsub.f32 v35, v47;
	v27 =	vld [tilespmem:s1+$0x1820]  }
0x370: {  	v14 =	vsub.f32 v36, v48;
	v36 =	vld [tilespmem:s1+$0x1420];
	v40 =	vmul.f32 v23, v23;
	v29 =	vmul.f32 v29, v29  }
0x371: {  	v23 =	vsub.f32 v34, v45;
	v34 =	vld [tilespmem:s1+$0x1400];
	v42 =	vmul.f32 v26, v26;
	v61 =	vmul.f32 v32, v32  }
0x372: {  	v26 =	vld [tilespmem:s1+$0x1830];
	v35 =	vmul.f32 v35, v35;
	v63 =	vmul.f32 v14, v14;
	v14 =	vimm.s32 $0x7F8  }
0x373: {  	v32 =	vld [tilespmem:s1+$0x1440];
	v55 =	vmul.f32 v23, v23;
	v57 =	vadd.s32 v12, v14;
	v58 =	vadd.s32 v13, v14  }
0x374: {  	v23 =	vld [tilespmem:s1+$0x1460];
	v60 =	vadd.s32 v15, v14;
	v31 =	vadd.f32 v61, v31;
	v33 =	vadd.f32 v35, v33  }
0x375: {  	v49 =	vadd.s32 v7, v14;
	v30 =	vadd.f32 v63, v30;
	v35 =	vld [tilespmem:s1+$0x1410];
	v62 =	vsub.f32 v22, v50  }
0x376: {  	v63 =	vadd.s32 v8, v14;
	v22 =	vld [tilespmem:s1+$0x1450];
	v56 =	vsub.f32 v52, v51;
	v28 =	vadd.f32 v55, v28  }
0x377: {  	v52 =	vmul.f32 v37, v37;
	v55 =	vadd.s32 v9, v14;
	v42 =	vadd.f32 v42, v33;
	v33 =	vld [tilespmem:s1+$0x1430]  }
0x378: {  	v31 =	vadd.f32 v40, v31;
	v59 =	vmul.f32 v62, v62;
	v62 =	vadd.s32 v16, v14;
	v37 =	vld.idx.msk [tilespmem:v57+s13+$0x0], $0xffff  }
0x379: {  	v61 =	vmul.f32 v56, v56;
	v56 =	vmul.f32 v38, v38;
	v57 =	vadd.s32 v10, v14;
	v38 =	vld.idx.msk [tilespmem:v58+s13+$0x0], $0xffff  }
0x37a: {  	v58 =	vmul.f32 v39, v39;
	v40 =	vld.idx.msk [tilespmem:v60+s13+$0x0], $0xffff;
	v60 =	vadd.s32 v6, v14;
	v30 =	vadd.f32 v59, v30  }
0x37b: {  	v31 =	vadd.f32 v52, v31;
	v59 =	vadd.s32 v11, v14;
	v46 =	vadd.f32 v56, v42;
	v43 =	vld.idx.msk [tilespmem:v63+s13+$0x0], $0xffff  }
0x37c: {  	v47 =	vadd.s32 v1, v14;
	v28 =	vadd.f32 v61, v28;
	v42 =	vld.idx.msk [tilespmem:v55+s13+$0x0], $0xffff;
	v61 =	vadd.f32 v58, v30  }
0x37d: {  	v30 =	vadd.f32 v41, v31;
	v31 =	vadd.f32 v17, v46;
	v46 =	vadd.s32 v0, v14;
	v39 =	vld.idx.msk [tilespmem:v62+s13+$0x0], $0xffff  }
0x37e: {  	v63 =	vmul.f32 v54, v54;
	v28 =	vadd.f32 v29, v28;
	v62 =	vmul.f32 v53, v53;
	v44 =	vld.idx.msk [tilespmem:v57+s13+$0x0], $0xffff  }
0x37f: {  	v48 =	vadd.s32 v2, v14;
	v45 =	vld.idx.msk [tilespmem:v60+s13+$0x0], $0xffff  }
0x380: {  	s0 =	simm.s32 $0xA400;
	v17 =	vadd.s32 v4, v14;
	v28 =	vadd.f32 v63, v28;
	v29 =	vadd.f32 v62, v61;
	v41 =	vld.idx.msk [tilespmem:v59+s13+$0x0], $0xffff  }
.LBB2_22:
0x381: {  	p0 =	sne.s32 s0, $0x11C00;
	v49 =	vld.idx.msk [tilespmem:v49+s13+$0x0], $0xffff;
	v50 =	vadd.s32 v5, v14  }
0x382: {  	v51 =	vadd.s32 v3, v14;
	v46 =	vld.idx.msk [tilespmem:v46+s13+$0x0], $0xffff  }
0x383: {  	v37 =	vsub.f32 v18, v37;
	v47 =	vld.idx.msk [tilespmem:v47+s13+$0x0], $0xffff  }
0x384: {  	v19 =	vsub.f32 v19, v38;
	v38 =	vsub.f32 v20, v40;
	v48 =	vld.idx.msk [tilespmem:v48+s13+$0x0], $0xffff  }
0x385: {  	v20 =	vsub.f32 v24, v43;
	v39 =	vsub.f32 v21, v39;
	v17 =	vld.idx.msk [tilespmem:v17+s13+$0x0], $0xffff  }
0x386: {  	s31 =	sadd.s32 $0x80, s31;
	v21 =	vsub.f32 v25, v42;
	v40 =	vsub.f32 v27, v44;
	v24 =	vld.idx.msk [tilespmem:v50+s13+$0x0], $0xffff  }
0x387: {  	s3 =	sand.u32 $0x1E000, s0;
	v14 =	vadd.s32 $0x33, v14;
	s14 =	sand.u32 $0x380, s31;
	v41 =	vsub.f32 v26, v41;
	v25 =	vsub.f32 v32, v45;
	v27 =	vld.idx.msk [tilespmem:v51+s13+$0x0], $0xffff  }
0x388: {  	v42 =	vadd.s32 v12, v14;
	v22 =	vsub.f32 v22, v49;
	v26 =	vsub.f32 v34, v46;
	v32 =	vld [tilespmem:s1+$0x1470];
	s1 =	sor.u32 s14, s3  }
0x389: {  	v34 =	vsub.f32 v35, v47;
	v35 =	vmul.f32 v37, v37;
	v37 =	vmul.f32 v19, v19;
	v18 =	vld [tilespmem:s1+$0x1840]  }
0x38a: {  	v43 =	vmul.f32 v20, v20;
	v44 =	vmul.f32 v21, v21;
	v36 =	vsub.f32 v36, v48;
	v19 =	vld [tilespmem:s1+$0x1850]  }
0x38b: {  	v22 =	vmul.f32 v22, v22;
	v17 =	vsub.f32 v33, v17;
	v33 =	vmul.f32 v25, v25;
	v20 =	vld [tilespmem:s1+$0x1860]  }
0x38c: {  	v26 =	vmul.f32 v26, v26;
	v34 =	vmul.f32 v34, v34;
	v23 =	vsub.f32 v23, v24;
	v21 =	vld [tilespmem:s1+$0x1870]  }
0x38d: {  	v36 =	vmul.f32 v36, v36;
	v17 =	vmul.f32 v17, v17;
	v24 =	vld [tilespmem:s1+$0x1800];
	v32 =	vsub.f32 v32, v27  }
0x38e: {  	v30 =	vadd.f32 v26, v30;
	v31 =	vadd.f32 v34, v31;
	v23 =	vmul.f32 v23, v23;
	v25 =	vld [tilespmem:s1+$0x1810]  }
0x38f: {  	v29 =	vadd.f32 v36, v29;
	v17 =	vadd.f32 v17, v28;
	v27 =	vld [tilespmem:s1+$0x1820];
	v28 =	vmul.f32 v32, v32  }
0x390: {  	v30 =	vadd.f32 v33, v30;
	v33 =	vmul.f32 v40, v40;
	v31 =	vadd.f32 v22, v31;
	v26 =	vld [tilespmem:s1+$0x1830]  }
0x391: {  	v29 =	vadd.f32 v23, v29;
	v32 =	vld [tilespmem:s1+$0x1440];
	v17 =	vadd.f32 v28, v17;
	v28 =	vmul.f32 v41, v41  }
0x392: {  	v36 =	vmul.f32 v38, v38;
	v30 =	vadd.f32 v43, v30;
	v31 =	vadd.f32 v44, v31;
	v22 =	vld [tilespmem:s1+$0x1450]  }
0x393: {  	v29 =	vadd.f32 v33, v29;
	v23 =	vld [tilespmem:s1+$0x1460];
	v17 =	vadd.f32 v28, v17;
	v28 =	vmul.f32 v39, v39  }
0x394: {  	v38 =	vadd.s32 v13, v14;
	v30 =	vadd.f32 v35, v30;
	v31 =	vadd.f32 v37, v31;
	v34 =	vld [tilespmem:s1+$0x1400]  }
0x395: {  	v39 =	vadd.s32 v15, v14;
	v29 =	vadd.f32 v36, v29;
	v35 =	vld [tilespmem:s1+$0x1410];
	v28 =	vadd.f32 v28, v17  }
0x396: {  	v17 =	vadd.s32 v16, v14;
	v36 =	vld [tilespmem:s1+$0x1420]  }
0x397: {  	v41 =	vadd.s32 v8, v14;
	v33 =	vld [tilespmem:s1+$0x1430]  }
0x398: {  	v44 =	vadd.s32 v9, v14;
	v37 =	vld.idx.msk [tilespmem:v42+s13+$0x0], $0xffff  }
0x399: {  	v45 =	vadd.s32 v10, v14;
	v38 =	vld.idx.msk [tilespmem:v38+s13+$0x0], $0xffff  }
0x39a: {  	v50 =	vadd.s32 v11, v14;
	v40 =	vld.idx.msk [tilespmem:v39+s13+$0x0], $0xffff  }
0x39b: {  	v51 =	vadd.s32 v6, v14;
	v39 =	vld.idx.msk [tilespmem:v17+s13+$0x0], $0xffff  }
.Ltmp10:
0x39c: {  	v49 =	vadd.s32 v7, v14;
	v43 =	vld.idx.msk [tilespmem:v41+s13+$0x0], $0xffff;
	(pc) =	sbr.rel @p0 .LBB2_22-.Ltmp10, $4  }
0x39d: {  	v46 =	vadd.s32 v0, v14;
	v42 =	vld.idx.msk [tilespmem:v44+s13+$0x0], $0xffff  }
0x39e: {  	v47 =	vadd.s32 v1, v14;
	v44 =	vld.idx.msk [tilespmem:v45+s13+$0x0], $0xffff  }
0x39f: {  	v48 =	vadd.s32 v2, v14;
	v41 =	vld.idx.msk [tilespmem:v50+s13+$0x0], $0xffff  }
0x3a0: {  	s0 =	sadd.s32 $0x400, s0;
	v17 =	vadd.s32 v4, v14;
	v45 =	vld.idx.msk [tilespmem:v51+s13+$0x0], $0xffff  }
0x3a1: {  	_ =	sdelay $0x3  }
0x3a2: {  	v49 =	vld.idx.msk [tilespmem:v49+s13+$0x0], $0xffff  }
0x3a3: {  	v46 =	vld.idx.msk [tilespmem:v46+s13+$0x0], $0xffff  }
0x3a4: {  	v47 =	vld.idx.msk [tilespmem:v47+s13+$0x0], $0xffff  }
0x3a5: {  	v48 =	vld.idx.msk [tilespmem:v48+s13+$0x0], $0xffff  }
0x3a6: {  	v50 =	vld.idx.msk [tilespmem:v17+s13+$0x0], $0xffff  }
0x3a7: {  	v53 =	vld [tilespmem:s1+$0x1470]  }
0x3a8: {  	v2 =	vld [tilespmem:$0x320]  }
0x3a9: {  	v4 =	vld [tilespmem:$0x330]  }
0x3aa: {  	v6 =	vld [tilespmem:$0x340]  }
0x3ab: {  	v7 =	vld [tilespmem:$0x350]  }
0x3ac: {  	v0 =	vadd.s32 v5, v14;
	v5 =	vld [tilespmem:$0x360]  }
0x3ad: {  	v1 =	vadd.s32 v3, v14;
	v3 =	vld [tilespmem:$0x370]  }
0x3ae: {  	v8 =	vld [tilespmem:$0x380]  }
0x3af: {  	v9 =	vld [tilespmem:$0x390]  }
0x3b0: {  	v10 =	vld [tilespmem:$0x3A0]  }
0x3b1: {  	v11 =	vld [tilespmem:$0x3B0]  }
0x3b2: {  	v12 =	vld [tilespmem:$0x3C0]  }
0x3b3: {  	v14 =	vld [tilespmem:$0x3D0];
	s0 =	simm.s32 $0x1400;
	s17 =	simm.s32 $0xA000  }
0x3b4: {  	v16 =	vld [tilespmem:$0x3E0];
	s1 =	sand.u32 $0x1E000, s17;
	s0 =	sand.u32 $0x380, s0  }
0x3b5: {  	v17 =	vld [tilespmem:$0x3F0];
	s31 =	sor.u32 s0, s1  }
0x3b6: {  	v15 =	vld [tilespmem:s31+$0x1C40]  }
0x3b7: {  	v13 =	vld [tilespmem:s31+$0x1C50]  }
0x3b8: {  	v37 =	vsub.f32 v18, v37;
	v18 =	vld [tilespmem:s31+$0x1C60]  }
0x3b9: {  	v54 =	vsub.f32 v19, v38;
	v19 =	vld [tilespmem:s31+$0x1C00]  }
0x3ba: {  	v40 =	vsub.f32 v20, v40;
	v20 =	vld [tilespmem:s31+$0x1C10]  }
0x3bb: {  	v24 =	vsub.f32 v24, v43;
	v43 =	vsub.f32 v21, v39;
	v21 =	vld [tilespmem:s31+$0x1C20]  }
0x3bc: {  	v25 =	vsub.f32 v25, v42;
	s1 =	simm.s32 $0x0;
	v51 =	vld.idx.msk [tilespmem:v0+s13+$0x0], $0xffff  }
0x3bd: {  	v27 =	vsub.f32 v27, v44;
	v42 =	vmul.f32 v37, v37;
	s18 =	sand.u32 $0x7, s1;
	v52 =	vld.idx.msk [tilespmem:v1+s13+$0x0], $0xffff  }
0x3be: {  	v24 =	vmul.f32 v24, v24;
	v26 =	vsub.f32 v26, v41;
	v25 =	vmul.f32 v25, v25;
	s0 =	sshll.u32 s18, $0x7;
	v0 =	vld [tilespmem:$0x300]  }
0x3bf: {  	v32 =	vsub.f32 v32, v45;
	v27 =	vmul.f32 v27, v27;
	v1 =	vld [tilespmem:$0x310];
	v62 =	vsub.f32 v22, v49;
	s0 =	sadd.s32 $0xA000, s0  }
0x3c0: {  	v34 =	vsub.f32 v34, v46;
	v35 =	vsub.f32 v35, v47;
	v22 =	vld [tilespmem:s31+$0x1C30];
	v26 =	vmul.f32 v26, v26;
	s3 =	sor.u32 $0x1C40, s0  }
0x3c1: {  	v36 =	vsub.f32 v36, v48;
	v63 =	vmul.f32 v32, v32;
	s24 =	sor.u32 $0x1C50, s0;
	v38 =	vmul.f32 v62, v62;
	v32 =	vld [tilespmem:s3+$0x400]  }
0x3c2: {  	v50 =	vsub.f32 v33, v50;
	s14 =	sor.u32 $0x1C60, s0;
	v55 =	vmul.f32 v34, v34;
	v56 =	vmul.f32 v35, v35;
	v33 =	vld [tilespmem:s24+$0x400]  }
0x3c3: {  	s17 =	sor.u32 $0x1C70, s0;
	v36 =	vmul.f32 v36, v36;
	v34 =	vld [tilespmem:s14+$0x400];
	v57 =	vsub.f32 v23, v51;
	v23 =	vimm.s32 $0x7F8  }
0x3c4: {  	v39 =	vmul.f32 v50, v50;
	s14 =	sor.u32 $0x1C00, s0;
	v35 =	vld [tilespmem:s17+$0x400];
	v41 =	vadd.f32 v55, v30;
	v59 =	vadd.s32 v12, v23  }
0x3c5: {  	s18 =	sor.u32 $0x1C10, s0;
	v31 =	vadd.f32 v56, v31;
	v30 =	vld [tilespmem:s14+$0x400];
	v36 =	vadd.f32 v36, v29;
	v60 =	vadd.s32 v14, v23  }
0x3c6: {  	s24 =	sor.u32 $0x1C20, s0;
	v29 =	vld [tilespmem:s18+$0x400];
	v39 =	vadd.f32 v39, v28;
	v58 =	vsub.f32 v53, v52;
	v61 =	vadd.s32 v16, v23  }
0x3c7: {  	s0 =	sor.u32 $0x1C30, s0;
	v28 =	vld [tilespmem:s24+$0x400];
	v62 =	vadd.s32 v17, v23;
	v41 =	vadd.f32 v63, v41;
	v45 =	vmul.f32 v57, v57  }
0x3c8: {  	v63 =	vadd.f32 v38, v31;
	v56 =	vadd.s32 v8, v23;
	v31 =	vld [tilespmem:s0+$0x400];
	v46 =	vmul.f32 v58, v58  }
0x3c9: {  	v57 =	vadd.s32 v9, v23;
	v58 =	vadd.s32 v10, v23;
	v45 =	vadd.f32 v45, v36;
	v36 =	vld.idx.msk [tilespmem:v59+s13+$0x0], $0xffff  }
0x3ca: {  	v25 =	vadd.f32 v25, v63;
	v63 =	vmul.f32 v43, v43;
	v46 =	vadd.f32 v46, v39;
	v37 =	vld.idx.msk [tilespmem:v60+s13+$0x0], $0xffff  }
0x3cb: {  	v59 =	vadd.s32 v11, v23;
	v38 =	vld.idx.msk [tilespmem:v61+s13+$0x0], $0xffff;
	v60 =	vadd.s32 v6, v23;
	v61 =	vmul.f32 v54, v54  }
0x3cc: {  	v39 =	vld.idx.msk [tilespmem:v62+s13+$0x0], $0xffff;
	v27 =	vadd.f32 v27, v45;
	v62 =	vmul.f32 v40, v40;
	v46 =	vadd.f32 v26, v46  }
0x3cd: {  	v48 =	vadd.s32 v7, v23;
	v24 =	vadd.f32 v24, v41;
	v41 =	vld.idx.msk [tilespmem:v56+s13+$0x0], $0xffff;
	v26 =	vadd.f32 v61, v25  }
0x3ce: {  	v40 =	vld.idx.msk [tilespmem:v57+s13+$0x0], $0xffff;
	v25 =	vadd.f32 v62, v27;
	v27 =	vadd.f32 v63, v46;
	v46 =	vadd.s32 v0, v23  }
0x3cf: {  	v49 =	vadd.s32 v1, v23;
	v43 =	vld.idx.msk [tilespmem:v58+s13+$0x0], $0xffff  }
0x3d0: {  	v47 =	vadd.s32 v2, v23;
	v24 =	vadd.f32 v42, v24;
	v42 =	vld.idx.msk [tilespmem:v59+s13+$0x0], $0xffff  }
0x3d1: {  	s24 =	simm.s32 $0x1480;
	s14 =	simm.s32 $0x0;
	s0 =	simm.s32 $0xA000;
	v45 =	vadd.s32 v4, v23;
	v44 =	vld.idx.msk [tilespmem:v60+s13+$0x0], $0xffff  }
.LBB2_24:
0x3d2: {  	p0 =	sne.s32 s24, $0x2380;
	v48 =	vld.idx.msk [tilespmem:v48+s13+$0x0], $0xffff;
	v50 =	vadd.s32 v5, v23  }
0x3d3: {  	v51 =	vadd.s32 v3, v23;
	v46 =	vld.idx.msk [tilespmem:v46+s13+$0x0], $0xffff  }
0x3d4: {  	v32 =	vsub.f32 v32, v36;
	v49 =	vld.idx.msk [tilespmem:v49+s13+$0x0], $0xffff  }
0x3d5: {  	v33 =	vsub.f32 v33, v37;
	v37 =	vsub.f32 v34, v38;
	v36 =	vld.idx.msk [tilespmem:v47+s13+$0x0], $0xffff  }
0x3d6: {  	v30 =	vsub.f32 v30, v41;
	v38 =	vsub.f32 v35, v39;
	s1 =	sadd.s32 $0x400, s1;
	v34 =	vld.idx.msk [tilespmem:v45+s13+$0x0], $0xffff  }
0x3d7: {  	s3 =	sadd.s32 $0xA000, s1;
	v29 =	vsub.f32 v29, v40;
	v28 =	vsub.f32 v28, v43;
	v35 =	vld.idx.msk [tilespmem:v50+s13+$0x0], $0xffff  }
0x3d8: {  	s17 =	sand.u32 $0x380, s24;
	v23 =	vadd.s32 $0x33, v23;
	s3 =	sand.u32 $0x1E000, s3;
	v31 =	vsub.f32 v31, v42;
	v39 =	vsub.f32 v15, v44;
	v40 =	vld.idx.msk [tilespmem:v51+s13+$0x0], $0xffff  }
0x3d9: {  	v41 =	vadd.s32 v12, v23;
	v42 =	vsub.f32 v19, v46;
	v19 =	vsub.f32 v13, v48;
	v43 =	vld [tilespmem:s31+$0x1C70];
	s31 =	sor.u32 s17, s3  }
0x3da: {  	v44 =	vmul.f32 v32, v32;
	v45 =	vmul.f32 v33, v33;
	v20 =	vsub.f32 v20, v49;
	v15 =	vld [tilespmem:s31+$0x1C40]  }
0x3db: {  	v30 =	vmul.f32 v30, v30;
	v29 =	vmul.f32 v29, v29;
	v21 =	vsub.f32 v21, v36;
	v13 =	vld [tilespmem:s31+$0x1C50]  }
0x3dc: {  	s14 =	sadd.s32 $0x1, s14;
	v36 =	vmul.f32 v19, v19;
	v22 =	vsub.f32 v22, v34;
	v34 =	vmul.f32 v39, v39;
	v33 =	vld [tilespmem:s31+$0x1C60]  }
0x3dd: {  	s3 =	sand.u32 $0x7, s14;
	v32 =	vmul.f32 v42, v42;
	v39 =	vmul.f32 v20, v20;
	v18 =	vsub.f32 v18, v35;
	v19 =	vld [tilespmem:s31+$0x1C00]  }
0x3de: {  	s0 =	sadd.s32 $0x400, s0;
	s3 =	sshll.u32 s3, $0x7;
	v35 =	vmul.f32 v21, v21;
	v42 =	vmul.f32 v22, v22;
	v20 =	vld [tilespmem:s31+$0x1C10];
	v40 =	vsub.f32 v43, v40  }
0x3df: {  	s3 =	sadd.s32 s3, s0;
	v24 =	vadd.f32 v32, v24;
	v26 =	vadd.f32 v39, v26;
	v39 =	vmul.f32 v18, v18;
	v21 =	vld [tilespmem:s31+$0x1C20]  }
0x3e0: {  	s17 =	sor.u32 $0x1C40, s3;
	v25 =	vadd.f32 v35, v25;
	v27 =	vadd.f32 v42, v27;
	v22 =	vld [tilespmem:s31+$0x1C30];
	v35 =	vmul.f32 v40, v40  }
0x3e1: {  	v28 =	vmul.f32 v28, v28;
	v24 =	vadd.f32 v34, v24;
	v26 =	vadd.f32 v36, v26;
	v32 =	vld [tilespmem:s17+$0x400];
	s17 =	sor.u32 $0x1C50, s3;
	v18 =	vmovc v33  }
0x3e2: {  	v31 =	vmul.f32 v31, v31;
	v25 =	vadd.f32 v39, v25;
	v33 =	vld [tilespmem:s17+$0x400];
	s17 =	sor.u32 $0x1C60, s3;
	v27 =	vadd.f32 v35, v27  }
0x3e3: {  	v36 =	vmul.f32 v37, v37;
	v24 =	vadd.f32 v30, v24;
	v26 =	vadd.f32 v29, v26;
	v34 =	vld [tilespmem:s17+$0x400];
	s17 =	sor.u32 $0x1C70, s3  }
0x3e4: {  	s18 =	sor.u32 $0x1C00, s3;
	v25 =	vadd.f32 v28, v25;
	v28 =	vmul.f32 v38, v38;
	v35 =	vld [tilespmem:s17+$0x400];
	v27 =	vadd.f32 v31, v27  }
0x3e5: {  	v37 =	vadd.s32 v14, v23;
	v24 =	vadd.f32 v44, v24;
	v26 =	vadd.f32 v45, v26;
	s17 =	sor.u32 $0x1C10, s3;
	v30 =	vld [tilespmem:s18+$0x400]  }
0x3e6: {  	v38 =	vadd.s32 v16, v23;
	v25 =	vadd.f32 v36, v25;
	v29 =	vld [tilespmem:s17+$0x400];
	s17 =	sor.u32 $0x1C20, s3;
	v27 =	vadd.f32 v28, v27  }
0x3e7: {  	v39 =	vadd.s32 v17, v23;
	s3 =	sor.u32 $0x1C30, s3;
	v28 =	vld [tilespmem:s17+$0x400]  }
0x3e8: {  	v40 =	vadd.s32 v8, v23;
	v31 =	vld [tilespmem:s3+$0x400]  }
0x3e9: {  	v42 =	vadd.s32 v9, v23;
	v36 =	vld.idx.msk [tilespmem:v41+s13+$0x0], $0xffff  }
0x3ea: {  	v43 =	vadd.s32 v10, v23;
	v37 =	vld.idx.msk [tilespmem:v37+s13+$0x0], $0xffff  }
0x3eb: {  	v44 =	vadd.s32 v11, v23;
	v38 =	vld.idx.msk [tilespmem:v38+s13+$0x0], $0xffff  }
0x3ec: {  	v50 =	vadd.s32 v6, v23;
	v39 =	vld.idx.msk [tilespmem:v39+s13+$0x0], $0xffff  }
.Ltmp11:
0x3ed: {  	v48 =	vadd.s32 v7, v23;
	v41 =	vld.idx.msk [tilespmem:v40+s13+$0x0], $0xffff;
	(pc) =	sbr.rel @p0 .LBB2_24-.Ltmp11, $4  }
0x3ee: {  	v46 =	vadd.s32 v0, v23;
	v40 =	vld.idx.msk [tilespmem:v42+s13+$0x0], $0xffff  }
0x3ef: {  	v49 =	vadd.s32 v1, v23;
	v43 =	vld.idx.msk [tilespmem:v43+s13+$0x0], $0xffff  }
0x3f0: {  	v47 =	vadd.s32 v2, v23;
	v42 =	vld.idx.msk [tilespmem:v44+s13+$0x0], $0xffff  }
0x3f1: {  	s24 =	sadd.s32 $0x80, s24;
	v45 =	vadd.s32 v4, v23;
	v44 =	vld.idx.msk [tilespmem:v50+s13+$0x0], $0xffff  }
0x3f2: {  	_ =	sdelay $0x3  }
0x3f3: {  	v0 =	vld.idx.msk [tilespmem:v48+s13+$0x0], $0xffff  }
0x3f4: {  	v1 =	vadd.s32 v5, v23;
	v2 =	vld.idx.msk [tilespmem:v46+s13+$0x0], $0xffff  }
0x3f5: {  	v3 =	vadd.s32 v3, v23;
	v4 =	vld.idx.msk [tilespmem:v49+s13+$0x0], $0xffff  }
0x3f6: {  	v59 =	vsub.f32 v32, v36;
	v6 =	vld.idx.msk [tilespmem:v47+s13+$0x0], $0xffff  }
0x3f7: {  	v7 =	vsub.f32 v33, v37;
	v8 =	vsub.f32 v34, v38;
	v9 =	vld.idx.msk [tilespmem:v45+s13+$0x0], $0xffff  }
0x3f8: {  	v10 =	vsub.f32 v30, v41;
	v11 =	vsub.f32 v35, v39;
	v60 =	vld [tilespmem:s31+$0x1C70]  }
0x3f9: {  	v12 =	vsub.f32 v29, v40;
	v14 =	vsub.f32 v28, v43;
	v5 =	vmul.f32 v59, v59;
	v1 =	vld.idx.msk [tilespmem:v1+s13+$0x0], $0xffff  }
0x3fa: {  	v7 =	vmul.f32 v7, v7;
	v10 =	vmul.f32 v10, v10;
	v3 =	vld.idx.msk [tilespmem:v3+s13+$0x0], $0xffff;
	v2 =	vsub.f32 v19, v2  }
0x3fb: {  	v16 =	vsub.f32 v31, v42;
	v12 =	vmul.f32 v12, v12;
	v15 =	vsub.f32 v15, v44  }
0x3fc: {  	v4 =	vsub.f32 v20, v4;
	v6 =	vsub.f32 v21, v6;
	v2 =	vmul.f32 v2, v2  }
0x3fd: {  	v0 =	vsub.f32 v13, v0;
	v9 =	vsub.f32 v22, v9;
	v15 =	vmul.f32 v15, v15  }
0x3fe: {  	v4 =	vmul.f32 v4, v4;
	v6 =	vmul.f32 v6, v6;
	v2 =	vadd.f32 v2, v24  }
0x3ff: {  	v9 =	vmul.f32 v9, v9;
	v1 =	vsub.f32 v18, v1;
	v3 =	vsub.f32 v60, v3  }
0x400: {  	v0 =	vmul.f32 v0, v0;
	v4 =	vadd.f32 v4, v26;
	v6 =	vadd.f32 v6, v25  }
0x401: {  	v9 =	vadd.f32 v9, v27;
	v1 =	vmul.f32 v1, v1;
	v3 =	vmul.f32 v3, v3  }
0x402: {  	v61 =	vmul.f32 v14, v14;
	v2 =	vadd.f32 v15, v2;
	v0 =	vadd.f32 v0, v4  }
0x403: {  	v62 =	vmul.f32 v16, v16;
	v1 =	vadd.f32 v1, v6;
	v3 =	vadd.f32 v3, v9  }
0x404: {  	v8 =	vmul.f32 v8, v8;
	v2 =	vadd.f32 v10, v2;
	v0 =	vadd.f32 v12, v0  }
0x405: {  	v63 =	vmul.f32 v11, v11;
	v1 =	vadd.f32 v61, v1;
	v3 =	vadd.f32 v62, v3  }
0x406: {  	v2 =	vadd.f32 v5, v2;
	v0 =	vadd.f32 v7, v0  }
0x407: {  	v1 =	vadd.f32 v8, v1;
	v3 =	vadd.f32 v63, v3;
	_ =	sdelay $0x1  }
0x408: {  	v0 =	vadd.f32 v0, v2;
	v1 =	vadd.f32 v3, v1;
	_ =	sdelay $0x1  }
0x409: {  	v0 =	vadd.f32 v1, v0;
	_ =	sdelay $0x1  }
0x40a: {  	s0 =	simm.s32 $0x13280;
	[tilespmem:$0x13280] =	vst v0  }
0x40b: {  	[hbm4b:s11+s2] =	stream.linear.scatter [tilespmem:s0], [sflag:$0x9], $0x80, $0x38;
	[tilespmem:$0x13300] =	vst v63  }
0x40c: {  	_ =	swait.ge [sflag:s25], $0x80  }
0x40d: {  	[sflag:s25] =	ssyncset.done $0x0  }
0x40e: {  	[sflag:s25] =	ssyncadd.s32 $0xFFFFFF80  }
0x40f: {  	_ =	swait.ge [sflag:s26], $0x2000  }
0x410: {  	[sflag:s26] =	ssyncset.done $0x0  }
0x411: {  	s30 =	sadd.s32 $0x1, s30;
	[sflag:s26] =	ssyncadd.s32 $0xFFFFE000  }
0x412: {  	p0 =	sne.s32 s30, s12;
	_ =	swait.ge [sflag:s28], $0x8000  }
.Ltmp12:
0x413: {  	[sflag:s28] =	ssyncset.done $0x0;
	(pc) =	sbr.rel @p0 .LBB2_1-.Ltmp12, $4  }
0x414: {  	[sflag:s28] =	ssyncadd.s32 $0xFFFF8000  }
0x415: {  	_ =	swait.ge [sflag:s29], $0x8000  }
0x416: {  	[sflag:s29] =	ssyncset.done $0x0  }
0x417: {  	s3 =	simm.s32 $0x2400;
	[sflag:s29] =	ssyncadd.s32 $0xFFFF8000  }
0x418: {  	_ =	sfence.sel $0x180000  }
0x419: {  	[bflag:$0x0] =	sbarrier.arrive $0xFFFF  }
0x41a: {  	_ =	strace $0x90000047  }
0x41b: {  	s0 =	stileid.u32;
	[bflag:$0x2] =	sbarrier.arrive $0xFFFF  }
0x41c: {  	p0 =	sne.s32 s0, $0x0;
	s0 =	rddreg [dreg:$0x4]  }
0x41d: {  	s0 =	sadd.s32 @!p0 $0x100000, s0  }
0x41e: {  	[sflag:s0] =	ssyncadd.tile.s32 @!p0 $0x1;
	_ =	shalt  }
.Lfunc_end2:
_tile_overlayer_lowered:
.L_overlay_start_2:
0x41f: {  	(tag) =	ssettag $0x2  }
0x420: {  	s0 =	rddreg [dreg:$0x0];
	s2 =	stileid.u32  }
0x421: {  	s1 =	rddreg [dreg:$0x1];
	p0 =	sne.s32 s2, $0x0  }
0x422: {  	s3 =	rddreg [dreg:$0x2];
	[bflag:$0x3] =	sbarrier.arrive $0xFFFF;
	s2 =	simm.s32 @!p0 $0x1C09  }
0x423: {  	[timem:s3], [sflag:s2] =	dma.local @!p0 [hbm:s0], s1  }
0x424: {  	s0 =	simm.s32 @!p0 $0x9  }
0x425: {  	_ =	swait.ge @!p0 [sflag:s0], s1  }
0x426: {  	s1 =	ssub.s32 @!p0 $0x0, s1;
	[sflag:s0] =	ssyncset.done @!p0 $0x0  }
0x427: {  	[sflag:s0] =	ssyncadd.s32 @!p0 s1  }
0x428: {  	[bflag:$0x3] =	sbarrier.arrive $0xFFFF  }
0x429: {  	_ =	shalt  }

</sc_bundles>
